<compile_context>
chip_gen: v7x
topology: tpu7x:2x2x1
jax: 0.10.2.dev20260603
libtpu: 0.0.44.dev20260713+nightly
codegen_flags: <defaults>
</compile_context>

<pallas_src>
import functools

import jax
import jax.numpy as jnp
import numpy as np
from jax import lax
from jax.experimental import pallas as pl
from jax.experimental.pallas import tpu as pltpu
from jax.experimental.pallas import tpu_sc as plsc

N, E, DIM, HEADS = 512, 8192, 256, 4
EXP_HEADS = 4
HEAD_DIM = DIM // HEADS
SCALE = HEAD_DIM ** (-0.5)
MASK_VALUE = -np.finfo(np.float32).max
EBLK = 512
NBLK = E // EBLK
NW = 32
ROWS_PER_W = N // NW


def _dg0(a, b):
    return lax.dot_general(a, b, (((0,), (0,)), ((), ())),
                           preferred_element_type=jnp.float32)


def _split(a):
    hi = a.astype(jnp.bfloat16)
    lo = (a - hi.astype(jnp.float32)).astype(jnp.bfloat16)
    return hi, lo


def _gather0(h_bf16, data_f32):
    dh, dl = _split(data_f32)
    return _dg0(h_bf16, dh) + _dg0(h_bf16, dl)


def _mm3(a, b):
    ah, al = _split(a)
    bh, bl = _split(b)
    d = lambda x, y: jnp.dot(x, y, preferred_element_type=jnp.float32)
    return d(ah, bh) + (d(ah, bl) + d(al, bh))


def _edge_body(x_ref, e_ref, wq_ref, wk_ref, wek_ref,
               wae_ref, src_ref, dst_ref, lg_ref, qk_scr):
    j = pl.program_id(0)

    @pl.when(j == 0)
    def _():
        qk_scr[...] = jnp.concatenate(
            [_mm3(x_ref[...], wq_ref[...]),
             _mm3(x_ref[...], wk_ref[...])], axis=1)

    ek = _mm3(e_ref[...], wek_ref[...])
    qk = qk_scr[...]
    srcl = src_ref[0]
    dstl = dst_ref[0]
    ncol = lax.broadcasted_iota(jnp.int32, (N, EBLK), 0)
    hs = (ncol == srcl).astype(jnp.bfloat16)
    hd = (ncol == dstl).astype(jnp.bfloat16)
    qg = _gather0(hs, qk[:, 0:DIM])
    keg = _gather0(hd, qk[:, DIM:2 * DIM]) + ek
    t = qg * keg
    ones_h = (lax.broadcasted_iota(jnp.int32, (DIM, 8), 0) // HEAD_DIM
              == lax.broadcasted_iota(jnp.int32, (DIM, 8), 1)
              ).astype(jnp.bfloat16)
    th, tl = _split(t)
    d1 = lambda x, y: lax.dot_general(x, y, (((1,), (0,)), ((), ())),
                                      preferred_element_type=jnp.float32)
    ewa = SCALE * (d1(th, ones_h) + d1(tl, ones_h))
    lg8 = _mm3(ewa, wae_ref[...])
    lg_ref[...] = lg8[:, 0:EXP_HEADS]


def _v2_body(x_ref, e_ref, wv_ref, wev_ref, dst_ref, v2_ref, v_scr):
    j = pl.program_id(0)

    @pl.when(j == 0)
    def _():
        v_scr[...] = _mm3(x_ref[...], wv_ref[...])

    ev = _mm3(e_ref[...], wev_ref[...])
    dstl = dst_ref[0]
    ncol = lax.broadcasted_iota(jnp.int32, (N, EBLK), 0)
    hd = (ncol == dstl).astype(jnp.bfloat16)
    v2_ref[...] = _gather0(hd, v_scr[...]) + ev


def _v2_kernel(x, edges, wv, wev, dst3):
    return pl.pallas_call(
        _v2_body,
        grid=(NBLK,),
        in_specs=[
            pl.BlockSpec((N, DIM), lambda j: (0, 0)),
            pl.BlockSpec((EBLK, DIM), lambda j: (j, 0)),
            pl.BlockSpec((DIM, DIM), lambda j: (0, 0)),
            pl.BlockSpec((DIM, DIM), lambda j: (0, 0)),
            pl.BlockSpec((1, 1, EBLK), lambda j: (j, 0, 0)),
        ],
        out_specs=pl.BlockSpec((EBLK, DIM), lambda j: (j, 0)),
        out_shape=jax.ShapeDtypeStruct((E, DIM), jnp.float32),
        scratch_shapes=[pltpu.VMEM((N, DIM), jnp.float32)],
    )(x, edges, wv, wev, dst3)


def _edge_kernel(x, edges, wq, wk, wek, wae8, src3, dst3):
    return pl.pallas_call(
        _edge_body,
        grid=(NBLK,),
        in_specs=[
            pl.BlockSpec((N, DIM), lambda j: (0, 0)),
            pl.BlockSpec((EBLK, DIM), lambda j: (j, 0)),
            pl.BlockSpec((DIM, DIM), lambda j: (0, 0)),
            pl.BlockSpec((DIM, DIM), lambda j: (0, 0)),
            pl.BlockSpec((DIM, DIM), lambda j: (0, 0)),
            pl.BlockSpec((8, 8), lambda j: (0, 0)),
            pl.BlockSpec((1, 1, EBLK), lambda j: (j, 0, 0)),
            pl.BlockSpec((1, 1, EBLK), lambda j: (j, 0, 0)),
        ],
        out_specs=pl.BlockSpec((EBLK, EXP_HEADS), lambda j: (j, 0)),
        out_shape=jax.ShapeDtypeStruct((E, EXP_HEADS), jnp.float32),
        scratch_shapes=[pltpu.VMEM((N, 2 * DIM), jnp.float32)],
    )(x, edges, wq, wk, wek, wae8, src3, dst3)


def _sc_body(src_hbm, dst_hbm, lg_hbm, wpart_hbm,
             srcv, dstv, lg, eidl, eslab, slab, rowstat, scr16):
    nc = 2
    wid = lax.axis_index("s") * nc + lax.axis_index("c")
    r0 = wid * ROWS_PER_W
    iota16 = lax.iota(jnp.int32, 16)
    zf16 = jnp.zeros((16,), jnp.float32)
    mf16 = jnp.full((16,), MASK_VALUE, jnp.float32)

    pltpu.sync_copy(src_hbm, srcv)
    pltpu.sync_copy(dst_hbm, dstv)
    pltpu.sync_copy(lg_hbm, lg)

    def _fill(i, _):
        for u in range(8):
            slab[pl.ds(i * 128 + u * 16, 16)] = mf16
        return 0
    lax.fori_loop(0, (EXP_HEADS * E) // 128, _fill, 0, unroll=2)

    def _scan(i, off):
        s = srcv[pl.ds(i * 16, 16)]
        own = (s >= r0) & (s < r0 + ROWS_PER_W)
        cs = jnp.cumsum(jnp.where(own, 1, 0).astype(jnp.int32))
        plsc.store_scatter(eidl, [off + cs - 1], iota16 + i * 16, mask=own)
        scr16[...] = off + cs
        return plsc.load_gather(scr16, [jnp.full((16,), 15, jnp.int32)])
    offv = lax.fori_loop(0, E // 16, _scan, jnp.zeros((16,), jnp.int32))
    scr16[...] = offv
    cnt = scr16[pl.ds(0, 16)][0]
    nvec = (cnt + 15) // 16

    def _p2(j, _):
        lanes = iota16 + j * 16
        mval = lanes < cnt
        eid = jnp.where(mval, eidl[pl.ds(j * 16, 16)], 0)
        sv = plsc.load_gather(srcv, [eid])
        dv = plsc.load_gather(dstv, [eid])
        keyc = ((sv * N + dv) << 4) | iota16
        keyc = jnp.where(mval, keyc, jnp.int32(0x7FFFFFFF))
        skey, _ = plsc.sort_key_val(keyc, keyc)
        scr16[...] = skey
        nxt = plsc.load_gather(scr16, [jnp.minimum(iota16 + 1, 15)])
        loser = ((skey >> 4) == (nxt >> 4)) & (iota16 < 15)
        valid = skey != jnp.int32(0x7FFFFFFF)
        oln = skey & 15
        scr16[...] = jnp.zeros((16,), jnp.int32)
        plsc.store_scatter(scr16, [oln],
                           jnp.where(loser, 0, 1).astype(jnp.int32),
                           mask=valid)
        win = (scr16[...] == 1) & mval
        flat = jnp.clip((sv - r0) * N + dv, 0, ROWS_PER_W * N - 1)
        plsc.store_scatter(eslab, [flat], eid, mask=win)
        for h in range(EXP_HEADS):
            lgh = plsc.load_gather(lg, [eid * EXP_HEADS + h])
            plsc.store_scatter(slab, [flat + h * (ROWS_PER_W * N)], lgh,
                               mask=win)
        return 0
    lax.fori_loop(0, nvec, _p2, 0)

    for h in range(EXP_HEADS):
        def _row(r, _, h=h):
            base = (h * ROWS_PER_W + r) * N

            def _mx(i, m):
                return jnp.maximum(m, slab[pl.ds(base + i * 16, 16)])
            m = lax.fori_loop(0, N // 16, _mx, mf16, unroll=8)
            rm = jnp.max(m)

            def _sm(i, s):
                return s + jnp.exp(slab[pl.ds(base + i * 16, 16)] - rm)
            s = lax.fori_loop(0, N // 16, _sm, zf16, unroll=8)
            dsum = jnp.sum(s)
            plsc.store_scatter(rowstat,
                               [jnp.full((16,), h * ROWS_PER_W, jnp.int32) + r],
                               jnp.full((16,), rm, jnp.float32),
                               mask=iota16 == 0)
            plsc.store_scatter(rowstat,
                               [jnp.full((16,), 64 + h * ROWS_PER_W,
                                         jnp.int32) + r],
                               jnp.full((16,), dsum, jnp.float32),
                               mask=iota16 == 0)
            return 0
        lax.fori_loop(0, ROWS_PER_W, _row, 0)

    def _zero(i, _):
        for u in range(8):
            slab[pl.ds(i * 128 + u * 16, 16)] = zf16
        return 0
    lax.fori_loop(0, (EXP_HEADS * E) // 128, _zero, 0, unroll=2)

    def _p3(j, _):
        lanes = iota16 + j * 16
        mval = lanes < cnt
        eid = jnp.where(mval, eidl[pl.ds(j * 16, 16)], 0)
        sv = plsc.load_gather(srcv, [eid])
        dv = plsc.load_gather(dstv, [eid])
        flat = jnp.clip((sv - r0) * N + dv, 0, ROWS_PER_W * N - 1)
        win = (plsc.load_gather(eslab, [flat]) == eid) & mval
        rr = jnp.clip(sv - r0, 0, ROWS_PER_W - 1)
        selfv = jnp.where(sv == dv, 1.0, 0.0).astype(jnp.float32)
        for h in range(EXP_HEADS):
            idxs = h * ROWS_PER_W + rr
            rm = plsc.load_gather(rowstat, [idxs])
            dsum = plsc.load_gather(rowstat, [idxs + 64])
            lgh = plsc.load_gather(lg, [eid * EXP_HEADS + h])
            p = jnp.exp(lgh - rm) / dsum
            plsc.store_scatter(slab, [h * E + eid],
                               selfv - p, mask=win)
        return 0
    lax.fori_loop(0, nvec, _p3, 0)

    pltpu.sync_copy(slab, wpart_hbm.at[wid])


def _sc_kernel(src, dst, logits):
    mesh = plsc.VectorSubcoreMesh(core_axis_name="c", subcore_axis_name="s")
    f = functools.partial(
        pl.kernel,
        mesh=mesh,
        out_type=jax.ShapeDtypeStruct((NW, EXP_HEADS * E), jnp.float32),
        compiler_params=pltpu.CompilerParams(needs_layout_passes=False),
        scratch_types=[
            pltpu.VMEM((E,), jnp.int32),
            pltpu.VMEM((E,), jnp.int32),
            pltpu.VMEM((E * EXP_HEADS,), jnp.float32),
            pltpu.VMEM((E,), jnp.int32),
            pltpu.VMEM((ROWS_PER_W * N,), jnp.int32),
            pltpu.VMEM((EXP_HEADS * ROWS_PER_W * N,), jnp.float32),
            pltpu.VMEM((128,), jnp.float32),
            pltpu.VMEM((16,), jnp.int32),
        ],
    )(_sc_body)
    return f(src, dst, logits)


def _out_body(wp_ref, v2_ref, src_ref, wo_ref, bo_ref, out_ref, acc_scr):
    j = pl.program_id(0)

    @pl.when(j == 0)
    def _():
        acc_scr[...] = jnp.zeros_like(acc_scr)

    wsum = jnp.sum(wp_ref[...].reshape(NW, EXP_HEADS, EBLK), axis=0)
    rep = (lax.broadcasted_iota(jnp.int32, (EXP_HEADS, DIM), 0)
           == lax.broadcasted_iota(jnp.int32, (EXP_HEADS, DIM), 1) // HEAD_DIM
           ).astype(jnp.bfloat16)
    wh, wl = _split(wsum)
    wfull = _dg0(wh, rep) + _dg0(wl, rep)
    m = wfull * v2_ref[...]
    srcl = src_ref[0]
    ncol = lax.broadcasted_iota(jnp.int32, (N, EBLK), 0)
    ht = (ncol == srcl).astype(jnp.bfloat16)
    mh, ml = _split(m)
    d1 = lambda x, y: lax.dot_general(x, y, (((1,), (0,)), ((), ())),
                                      preferred_element_type=jnp.float32)
    acc_scr[...] += d1(ht, mh) + d1(ht, ml)

    @pl.when(j == pl.num_programs(0) - 1)
    def _():
        out_ref[...] = _mm3(acc_scr[...], wo_ref[...]) + bo_ref[...]


def _out_kernel(wpart2, v2, src3, wo, bo2):
    return pl.pallas_call(
        _out_body,
        grid=(NBLK,),
        in_specs=[
            pl.BlockSpec((NW * EXP_HEADS, EBLK), lambda j: (0, j)),
            pl.BlockSpec((EBLK, DIM), lambda j: (j, 0)),
            pl.BlockSpec((1, 1, EBLK), lambda j: (j, 0, 0)),
            pl.BlockSpec((DIM, DIM), lambda j: (0, 0)),
            pl.BlockSpec((1, DIM), lambda j: (0, 0)),
        ],
        out_specs=pl.BlockSpec((N, DIM), lambda j: (0, 0)),
        out_shape=jax.ShapeDtypeStruct((N, DIM), jnp.float32),
        scratch_shapes=[pltpu.VMEM((N, DIM), jnp.float32)],
    )(wpart2, v2, src3, wo, bo2)


def kernel(x, edges, edge_index, Wq, Wk, Wv, Wek, Wev, Wae, Wo, bo):
    src = edge_index[0].astype(jnp.int32)
    dst = edge_index[1].astype(jnp.int32)
    wae8 = jnp.zeros((8, 8), jnp.float32).at[:HEADS, :EXP_HEADS].set(Wae)
    src3 = src.reshape(NBLK, 1, EBLK)
    dst3 = dst.reshape(NBLK, 1, EBLK)
    logits = _edge_kernel(x, edges, Wq, Wk, Wek, wae8, src3, dst3)
    wpart = _sc_kernel(src, dst, logits.reshape(E * EXP_HEADS))
    v2 = _v2_kernel(x, edges, Wv, Wev, dst3)
    wpart2 = wpart.reshape(NW * EXP_HEADS, E)
    return _out_kernel(wpart2, v2, src3, Wo, bo.reshape(1, DIM))

# --- scband reference (transcript-rebuilt; emitter-appended) ---
"""Pipeline reference for scband-graph-laplacian-attention-90752658965008 (READ-ONLY COPY).

The authoritative reference and input builder live on the scoring server;
editing this copy changes nothing except your own understanding.
"""

import jax, jax.numpy as jnp
import numpy as np

N, E, DIM, HEADS = 512, 8192, 256, 4
EXP_HEADS = 4
HEAD_DIM = DIM // HEADS
SCALE = HEAD_DIM ** (-0.5)
MASK_VALUE = -np.finfo(np.float32).max


def setup_inputs(seed: int = 0) -> dict:
    key = jax.random.key(seed)
    ks = jax.random.split(key, 12)
    s = 0.05
    inp = {
        "x": jax.random.normal(ks[0], (N, DIM), dtype=jnp.float32),
        "edges": jax.random.normal(ks[1], (E, DIM), dtype=jnp.float32),
        "edge_index": jax.random.randint(ks[2], (2, E), 0, N, dtype=jnp.int32),
        "Wq": jax.random.normal(ks[3], (DIM, DIM), dtype=jnp.float32) * s,
        "Wk": jax.random.normal(ks[4], (DIM, DIM), dtype=jnp.float32) * s,
        "Wv": jax.random.normal(ks[5], (DIM, EXP_HEADS * HEAD_DIM), dtype=jnp.float32) * s,
        "Wek": jax.random.normal(ks[6], (DIM, DIM), dtype=jnp.float32) * s,
        "Wev": jax.random.normal(ks[7], (DIM, EXP_HEADS * HEAD_DIM), dtype=jnp.float32) * s,
        "Wae": jax.random.normal(ks[8], (HEADS, EXP_HEADS), dtype=jnp.float32) * s,
        "Wo": jax.random.normal(ks[9], (EXP_HEADS * HEAD_DIM, DIM), dtype=jnp.float32) * s,
        "bo": jnp.zeros((DIM,), dtype=jnp.float32),
    }
    return inp


def reference(x, edges, edge_index, Wq, Wk, Wv, Wek, Wev, Wae, Wo, bo):
    n = x.shape[0]
    src = edge_index[0]
    dst = edge_index[1]
    q = (x @ Wq).reshape(n, HEADS, HEAD_DIM).transpose(1, 0, 2)
    k = (x @ Wk).reshape(n, HEADS, HEAD_DIM).transpose(1, 0, 2) * SCALE
    v = (x @ Wv).reshape(n, EXP_HEADS, HEAD_DIM).transpose(1, 0, 2)
    q = jnp.take(q, src, axis=1)
    k = jnp.take(k, dst, axis=1)
    v = jnp.take(v, dst, axis=1)
    edge_k = (edges @ Wek).reshape(-1, HEADS, HEAD_DIM).transpose(1, 0, 2) * SCALE
    edge_v = (edges @ Wev).reshape(-1, EXP_HEADS, HEAD_DIM).transpose(1, 0, 2)
    element_wise_attn = jnp.einsum('hed,hed->he', q, k + edge_k)
    element_wise_attn = element_wise_attn.T @ Wae  # [e, exp_heads]
    element_wise_attn = element_wise_attn.T  # [exp_heads, e]
    attention = jnp.full((EXP_HEADS, n, n), MASK_VALUE, dtype=x.dtype)
    attention = attention.at[:, src, dst].set(element_wise_attn)
    attention = jax.nn.softmax(attention, axis=-1)
    deg = attention.sum(axis=-1)  # [exp_heads, n]
    attention_degree = deg[:, :, None] * jnp.eye(n, dtype=x.dtype)  # diag_embed
    attention = attention_degree - attention
    v2 = v + edge_v
    v_square = jnp.zeros((EXP_HEADS, n, n, HEAD_DIM), dtype=x.dtype)
    v_square = v_square.at[:, src, dst, :].set(v2)
    out = jnp.einsum('hnm,hnmd->hnd', attention, v_square)
    out = out.transpose(1, 0, 2).reshape(n, EXP_HEADS * HEAD_DIM)
    out = out @ Wo + bo
    return out

if __name__ == "__main__":
    import jax
    _d = setup_inputs()
    print(jax.jit(kernel)(*tuple(_d.values())))

</pallas_src>

<mosaic_0001>
#map = affine_map<(d0, d1) -> (0)>
#map1 = affine_map<(d0, d1) -> (0, 0)>
module attributes {stable_mosaic.version = 14 : i64} {
  func.func @_sc_body(%arg0: i32, %arg1: i32, %arg2: memref<8192xi32, #tpu.memory_space<hbm>>, %arg3: memref<8192xi32, #tpu.memory_space<hbm>>, %arg4: memref<32768xf32, #tpu.memory_space<hbm>>, %arg5: memref<32x32768xf32, #tpu.memory_space<hbm>>, %arg6: memref<8192xi32, #tpu.memory_space<vmem>>, %arg7: memref<8192xi32, #tpu.memory_space<vmem>>, %arg8: memref<32768xf32, #tpu.memory_space<vmem>>, %arg9: memref<8192xi32, #tpu.memory_space<vmem>>, %arg10: memref<8192xi32, #tpu.memory_space<vmem>>, %arg11: memref<32768xf32, #tpu.memory_space<vmem>>, %arg12: memref<128xf32, #tpu.memory_space<vmem>>, %arg13: memref<16xi32, #tpu.memory_space<vmem>>) attributes {dimension_semantics = [#tpu.dimension_semantics<core_parallel>, #tpu.dimension_semantics<subcore_parallel>], iteration_bounds = array<i64: 2, 16>, scalar_prefetch = 0 : i64, scratch_operands = 8 : i64, tpu.core_type = #tpu.core_type<sc_vector_subcore>, window_params = [{transform_indices = #map}, {transform_indices = #map}, {transform_indices = #map}, {transform_indices = #map1}]} {
    %mul3A = arith.constant 2 : i32
    %mul3A_0 = arith.muli %arg1, %mul3A : i32
    %add3A = arith.addi %mul3A_0, %arg0 : i32
    %mul3A_1 = arith.constant 16 : i32
    %mul3A_2 = arith.muli %add3A, %mul3A_1 : i32
    %iota3A = tpu.iota {dimensions = array<i32: 0>} : vector<16xi32>
    %broadcast_in_dim3A = arith.constant 0.000000e+00 : f32
    %broadcast_in_dim3A_3 = vector.broadcast %broadcast_in_dim3A : f32 to vector<16xf32>
    %broadcast_in_dim3A_4 = arith.constant -3.40282347E+38 : f32
    %broadcast_in_dim3A_5 = vector.broadcast %broadcast_in_dim3A_4 : f32 to vector<16xf32>
    "tpu.region"() ({
      %run_scoped3A = tpu.sem_alloc : memref<!tpu.dma_semaphore, #tpu.memory_space<semaphore_mem>>
      tpu.enqueue_dma source(%arg2 : memref<8192xi32, #tpu.memory_space<hbm>>) target(%arg6 : memref<8192xi32, #tpu.memory_space<vmem>>) target_semaphore(%run_scoped3A : memref<!tpu.dma_semaphore, #tpu.memory_space<semaphore_mem>>)
      tpu.wait_dma2 semaphore(%run_scoped3A : memref<!tpu.dma_semaphore, #tpu.memory_space<semaphore_mem>>) src(%arg2 : memref<8192xi32, #tpu.memory_space<hbm>>) dst(%arg6 : memref<8192xi32, #tpu.memory_space<vmem>>)
      tpu.yield
    }) : () -> ()
    "tpu.region"() ({
      %run_scoped3A = tpu.sem_alloc : memref<!tpu.dma_semaphore, #tpu.memory_space<semaphore_mem>>
      tpu.enqueue_dma source(%arg3 : memref<8192xi32, #tpu.memory_space<hbm>>) target(%arg7 : memref<8192xi32, #tpu.memory_space<vmem>>) target_semaphore(%run_scoped3A : memref<!tpu.dma_semaphore, #tpu.memory_space<semaphore_mem>>)
      tpu.wait_dma2 semaphore(%run_scoped3A : memref<!tpu.dma_semaphore, #tpu.memory_space<semaphore_mem>>) src(%arg3 : memref<8192xi32, #tpu.memory_space<hbm>>) dst(%arg7 : memref<8192xi32, #tpu.memory_space<vmem>>)
      tpu.yield
    }) : () -> ()
    "tpu.region"() ({
      %run_scoped3A = tpu.sem_alloc : memref<!tpu.dma_semaphore, #tpu.memory_space<semaphore_mem>>
      tpu.enqueue_dma source(%arg4 : memref<32768xf32, #tpu.memory_space<hbm>>) target(%arg8 : memref<32768xf32, #tpu.memory_space<vmem>>) target_semaphore(%run_scoped3A : memref<!tpu.dma_semaphore, #tpu.memory_space<semaphore_mem>>)
      tpu.wait_dma2 semaphore(%run_scoped3A : memref<!tpu.dma_semaphore, #tpu.memory_space<semaphore_mem>>) src(%arg4 : memref<32768xf32, #tpu.memory_space<hbm>>) dst(%arg8 : memref<32768xf32, #tpu.memory_space<vmem>>)
      tpu.yield
    }) : () -> ()
    %scan3A = arith.constant 0 : i32
    %scan3A_6 = arith.constant 0 : i32
    %scan3A_7 = arith.constant 256 : i32
    %scan3A_8 = arith.addi %scan3A_6, %scan3A_7 : i32
    %scan3A_9 = arith.constant 2 : i32
    %scan3A_10 = scf.for %scan3A_98 = %scan3A_6 to %scan3A_8 step %scan3A_9 iter_args(%scan3A_99 = %scan3A) -> (i32)  : i32 {
      %mul3A_100 = arith.constant 128 : i32
      %mul3A_101 = arith.muli %scan3A_98, %mul3A_100 : i32
      %add3A_102 = arith.constant 0 : i32
      %add3A_103 = arith.addi %mul3A_101, %add3A_102 : i32
      %swap3A_104 = arith.index_cast %add3A_103 : i32 to index
      %swap3A_105 = tpu.vector_load %arg11[%swap3A_104] {strides = array<i32>} : memref<32768xf32, #tpu.memory_space<vmem>>, vector<16xf32>,
      tpu.vector_store %arg11[%swap3A_104], %broadcast_in_dim3A_5 {strides = array<i32>} : memref<32768xf32, #tpu.memory_space<vmem>>, vector<16xf32>,
      %mul3A_106 = arith.constant 128 : i32
      %mul3A_107 = arith.muli %scan3A_98, %mul3A_106 : i32
      %add3A_108 = arith.constant 16 : i32
      %add3A_109 = arith.addi %mul3A_107, %add3A_108 : i32
      %swap3A_110 = arith.index_cast %add3A_109 : i32 to index
      %swap3A_111 = tpu.vector_load %arg11[%swap3A_110] {strides = array<i32>} : memref<32768xf32, #tpu.memory_space<vmem>>, vector<16xf32>,
      tpu.vector_store %arg11[%swap3A_110], %broadcast_in_dim3A_5 {strides = array<i32>} : memref<32768xf32, #tpu.memory_space<vmem>>, vector<16xf32>,
      %mul3A_112 = arith.constant 128 : i32
      %mul3A_113 = arith.muli %scan3A_98, %mul3A_112 : i32
      %add3A_114 = arith.constant 32 : i32
      %add3A_115 = arith.addi %mul3A_113, %add3A_114 : i32
      %swap3A_116 = arith.index_cast %add3A_115 : i32 to index
      %swap3A_117 = tpu.vector_load %arg11[%swap3A_116] {strides = array<i32>} : memref<32768xf32, #tpu.memory_space<vmem>>, vector<16xf32>,
      tpu.vector_store %arg11[%swap3A_116], %broadcast_in_dim3A_5 {strides = array<i32>} : memref<32768xf32, #tpu.memory_space<vmem>>, vector<16xf32>,
      %mul3A_118 = arith.constant 128 : i32
      %mul3A_119 = arith.muli %scan3A_98, %mul3A_118 : i32
      %add3A_120 = arith.constant 48 : i32
      %add3A_121 = arith.addi %mul3A_119, %add3A_120 : i32
      %swap3A_122 = arith.index_cast %add3A_121 : i32 to index
      %swap3A_123 = tpu.vector_load %arg11[%swap3A_122] {strides = array<i32>} : memref<32768xf32, #tpu.memory_space<vmem>>, vector<16xf32>,
      tpu.vector_store %arg11[%swap3A_122], %broadcast_in_dim3A_5 {strides = array<i32>} : memref<32768xf32, #tpu.memory_space<vmem>>, vector<16xf32>,
      %mul3A_124 = arith.constant 128 : i32
      %mul3A_125 = arith.muli %scan3A_98, %mul3A_124 : i32
      %add3A_126 = arith.constant 64 : i32
      %add3A_127 = arith.addi %mul3A_125, %add3A_126 : i32
      %swap3A_128 = arith.index_cast %add3A_127 : i32 to index
      %swap3A_129 = tpu.vector_load %arg11[%swap3A_128] {strides = array<i32>} : memref<32768xf32, #tpu.memory_space<vmem>>, vector<16xf32>,
      tpu.vector_store %arg11[%swap3A_128], %broadcast_in_dim3A_5 {strides = array<i32>} : memref<32768xf32, #tpu.memory_space<vmem>>, vector<16xf32>,
      %mul3A_130 = arith.constant 128 : i32
      %mul3A_131 = arith.muli %scan3A_98, %mul3A_130 : i32
      %add3A_132 = arith.constant 80 : i32
      %add3A_133 = arith.addi %mul3A_131, %add3A_132 : i32
      %swap3A_134 = arith.index_cast %add3A_133 : i32 to index
      %swap3A_135 = tpu.vector_load %arg11[%swap3A_134] {strides = array<i32>} : memref<32768xf32, #tpu.memory_space<vmem>>, vector<16xf32>,
      tpu.vector_store %arg11[%swap3A_134], %broadcast_in_dim3A_5 {strides = array<i32>} : memref<32768xf32, #tpu.memory_space<vmem>>, vector<16xf32>,
      %mul3A_136 = arith.constant 128 : i32
      %mul3A_137 = arith.muli %scan3A_98, %mul3A_136 : i32
      %add3A_138 = arith.constant 96 : i32
      %add3A_139 = arith.addi %mul3A_137, %add3A_138 : i32
      %swap3A_140 = arith.index_cast %add3A_139 : i32 to index
      %swap3A_141 = tpu.vector_load %arg11[%swap3A_140] {strides = array<i32>} : memref<32768xf32, #tpu.memory_space<vmem>>, vector<16xf32>,
      tpu.vector_store %arg11[%swap3A_140], %broadcast_in_dim3A_5 {strides = array<i32>} : memref<32768xf32, #tpu.memory_space<vmem>>, vector<16xf32>,
      %mul3A_142 = arith.constant 128 : i32
      %mul3A_143 = arith.muli %scan3A_98, %mul3A_142 : i32
      %add3A_144 = arith.constant 112 : i32
      %add3A_145 = arith.addi %mul3A_143, %add3A_144 : i32
      %swap3A_146 = arith.index_cast %add3A_145 : i32 to index
      %swap3A_147 = tpu.vector_load %arg11[%swap3A_146] {strides = array<i32>} : memref<32768xf32, #tpu.memory_space<vmem>>, vector<16xf32>,
      tpu.vector_store %arg11[%swap3A_146], %broadcast_in_dim3A_5 {strides = array<i32>} : memref<32768xf32, #tpu.memory_space<vmem>>, vector<16xf32>,
      %scan3A_148 = arith.constant 0 : i32
      %scan3A_149 = arith.constant 1 : i32
      %scan3A_150 = arith.addi %scan3A_98, %scan3A_149 : i32
      %mul3A_151 = arith.constant 128 : i32
      %mul3A_152 = arith.muli %scan3A_150, %mul3A_151 : i32
      %add3A_153 = arith.constant 0 : i32
      %add3A_154 = arith.addi %mul3A_152, %add3A_153 : i32
      %swap3A_155 = arith.index_cast %add3A_154 : i32 to index
      %swap3A_156 = tpu.vector_load %arg11[%swap3A_155] {strides = array<i32>} : memref<32768xf32, #tpu.memory_space<vmem>>, vector<16xf32>,
      tpu.vector_store %arg11[%swap3A_155], %broadcast_in_dim3A_5 {strides = array<i32>} : memref<32768xf32, #tpu.memory_space<vmem>>, vector<16xf32>,
      %mul3A_157 = arith.constant 128 : i32
      %mul3A_158 = arith.muli %scan3A_150, %mul3A_157 : i32
      %add3A_159 = arith.constant 16 : i32
      %add3A_160 = arith.addi %mul3A_158, %add3A_159 : i32
      %swap3A_161 = arith.index_cast %add3A_160 : i32 to index
      %swap3A_162 = tpu.vector_load %arg11[%swap3A_161] {strides = array<i32>} : memref<32768xf32, #tpu.memory_space<vmem>>, vector<16xf32>,
      tpu.vector_store %arg11[%swap3A_161], %broadcast_in_dim3A_5 {strides = array<i32>} : memref<32768xf32, #tpu.memory_space<vmem>>, vector<16xf32>,
      %mul3A_163 = arith.constant 128 : i32
      %mul3A_164 = arith.muli %scan3A_150, %mul3A_163 : i32
      %add3A_165 = arith.constant 32 : i32
      %add3A_166 = arith.addi %mul3A_164, %add3A_165 : i32
      %swap3A_167 = arith.index_cast %add3A_166 : i32 to index
      %swap3A_168 = tpu.vector_load %arg11[%swap3A_167] {strides = array<i32>} : memref<32768xf32, #tpu.memory_space<vmem>>, vector<16xf32>,
      tpu.vector_store %arg11[%swap3A_167], %broadcast_in_dim3A_5 {strides = array<i32>} : memref<32768xf32, #tpu.memory_space<vmem>>, vector<16xf32>,
      %mul3A_169 = arith.constant 128 : i32
      %mul3A_170 = arith.muli %scan3A_150, %mul3A_169 : i32
      %add3A_171 = arith.constant 48 : i32
      %add3A_172 = arith.addi %mul3A_170, %add3A_171 : i32
      %swap3A_173 = arith.index_cast %add3A_172 : i32 to index
      %swap3A_174 = tpu.vector_load %arg11[%swap3A_173] {strides = array<i32>} : memref<32768xf32, #tpu.memory_space<vmem>>, vector<16xf32>,
      tpu.vector_store %arg11[%swap3A_173], %broadcast_in_dim3A_5 {strides = array<i32>} : memref<32768xf32, #tpu.memory_space<vmem>>, vector<16xf32>,
      %mul3A_175 = arith.constant 128 : i32
      %mul3A_176 = arith.muli %scan3A_150, %mul3A_175 : i32
      %add3A_177 = arith.constant 64 : i32
      %add3A_178 = arith.addi %mul3A_176, %add3A_177 : i32
      %swap3A_179 = arith.index_cast %add3A_178 : i32 to index
      %swap3A_180 = tpu.vector_load %arg11[%swap3A_179] {strides = array<i32>} : memref<32768xf32, #tpu.memory_space<vmem>>, vector<16xf32>,
      tpu.vector_store %arg11[%swap3A_179], %broadcast_in_dim3A_5 {strides = array<i32>} : memref<32768xf32, #tpu.memory_space<vmem>>, vector<16xf32>,
      %mul3A_181 = arith.constant 128 : i32
      %mul3A_182 = arith.muli %scan3A_150, %mul3A_181 : i32
      %add3A_183 = arith.constant 80 : i32
      %add3A_184 = arith.addi %mul3A_182, %add3A_183 : i32
      %swap3A_185 = arith.index_cast %add3A_184 : i32 to index
      %swap3A_186 = tpu.vector_load %arg11[%swap3A_185] {strides = array<i32>} : memref<32768xf32, #tpu.memory_space<vmem>>, vector<16xf32>,
      tpu.vector_store %arg11[%swap3A_185], %broadcast_in_dim3A_5 {strides = array<i32>} : memref<32768xf32, #tpu.memory_space<vmem>>, vector<16xf32>,
      %mul3A_187 = arith.constant 128 : i32
      %mul3A_188 = arith.muli %scan3A_150, %mul3A_187 : i32
      %add3A_189 = arith.constant 96 : i32
      %add3A_190 = arith.addi %mul3A_188, %add3A_189 : i32
      %swap3A_191 = arith.index_cast %add3A_190 : i32 to index
      %swap3A_192 = tpu.vector_load %arg11[%swap3A_191] {strides = array<i32>} : memref<32768xf32, #tpu.memory_space<vmem>>, vector<16xf32>,
      tpu.vector_store %arg11[%swap3A_191], %broadcast_in_dim3A_5 {strides = array<i32>} : memref<32768xf32, #tpu.memory_space<vmem>>, vector<16xf32>,
      %mul3A_193 = arith.constant 128 : i32
      %mul3A_194 = arith.muli %scan3A_150, %mul3A_193 : i32
      %add3A_195 = arith.constant 112 : i32
      %add3A_196 = arith.addi %mul3A_194, %add3A_195 : i32
      %swap3A_197 = arith.index_cast %add3A_196 : i32 to index
      %swap3A_198 = tpu.vector_load %arg11[%swap3A_197] {strides = array<i32>} : memref<32768xf32, #tpu.memory_space<vmem>>, vector<16xf32>,
      tpu.vector_store %arg11[%swap3A_197], %broadcast_in_dim3A_5 {strides = array<i32>} : memref<32768xf32, #tpu.memory_space<vmem>>, vector<16xf32>,
      %scan3A_199 = arith.constant 0 : i32
      scf.yield %scan3A_199 : i32
    }
    %scan3A_11 = arith.constant 256 : i32
    %broadcast_in_dim3A_12 = arith.constant 0 : i32
    %broadcast_in_dim3A_13 = vector.broadcast %broadcast_in_dim3A_12 : i32 to vector<16xi32>
    %scan3A_14 = arith.constant 0 : i32
    %scan3A_15 = arith.constant 512 : i32
    %scan3A_16 = arith.addi %scan3A_14, %scan3A_15 : i32
    %scan3A_17 = arith.constant 1 : i32
    %scan3A_18 = scf.for %scan3A_98 = %scan3A_14 to %scan3A_16 step %scan3A_17 iter_args(%scan3A_99 = %broadcast_in_dim3A_13) -> (vector<16xi32>)  : i32 {
      %mul3A_100 = arith.constant 16 : i32
      %mul3A_101 = arith.muli %scan3A_98, %mul3A_100 : i32
      %get3A_102 = arith.index_cast %mul3A_101 : i32 to index
      %get3A_103 = tpu.vector_load %arg6[%get3A_102] {strides = array<i32>} : memref<8192xi32, #tpu.memory_space<vmem>>, vector<16xi32>,
      %ge3A = vector.broadcast %mul3A_2 : i32 to vector<16xi32>
      %ge3A_104 = arith.cmpi sge, %get3A_103, %ge3A : vector<16xi32>
      %add3A_105 = arith.constant 16 : i32
      %add3A_106 = arith.addi %mul3A_2, %add3A_105 : i32
      %lt3A = vector.broadcast %add3A_106 : i32 to vector<16xi32>
      %lt3A_107 = arith.cmpi slt, %get3A_103, %lt3A : vector<16xi32>
      %and3A_108 = arith.andi %ge3A_104, %lt3A_107 : vector<16xi1>
      %jit3A_109 = arith.constant 1 : i32
      %jit3A_110 = arith.constant 0 : i32
      %broadcast_in_dim3A_111 = vector.broadcast %jit3A_109 : i32 to vector<16xi32>
      %broadcast_in_dim3A_112 = vector.broadcast %jit3A_110 : i32 to vector<16xi32>
      %select_n3A_113 = arith.select %and3A_108, %broadcast_in_dim3A_111, %broadcast_in_dim3A_112 : vector<16xi1>, vector<16xi32>
      %cumsum3A = arith.constant true
      %cumsum3A_114 = vector.broadcast %cumsum3A : i1 to vector<16xi1>
      %cumsum3A_115 = tpu.scan <sum>, %select_n3A_113 masked %cumsum3A_114 : vector<16xi32>, vector<16xi1> -> vector<16xi32>
      %add3A_116 = arith.addi %scan3A_99, %cumsum3A_115 : vector<16xi32>
      %sub3A_117 = arith.constant 1 : i32
      %sub3A_118 = vector.broadcast %sub3A_117 : i32 to vector<16xi32>
      %sub3A_119 = arith.subi %add3A_116, %sub3A_118 : vector<16xi32>
      %mul3A_120 = arith.constant 16 : i32
      %mul3A_121 = arith.muli %scan3A_98, %mul3A_120 : i32
      %add3A_122 = vector.broadcast %mul3A_121 : i32 to vector<16xi32>
      %add3A_123 = arith.addi %iota3A, %add3A_122 : vector<16xi32>
      tpu.vector_store_idx %arg9[%sub3A_119], %add3A_123 masked %and3A_108 : memref<8192xi32, #tpu.memory_space<vmem>>[vector<16xi32>], vector<16xi32>, vector<16xi1>
      %add3A_124 = arith.addi %scan3A_99, %cumsum3A_115 : vector<16xi32>
      %swap3A_125 = arith.constant 0 : index
      %swap3A_126 = tpu.vector_load %arg13[%swap3A_125] {strides = array<i32>} : memref<16xi32, #tpu.memory_space<vmem>>, vector<16xi32>,
      tpu.vector_store %arg13[%swap3A_125], %add3A_124 {strides = array<i32>} : memref<16xi32, #tpu.memory_space<vmem>>, vector<16xi32>,
      %broadcast_in_dim3A_127 = arith.constant 15 : i32
      %broadcast_in_dim3A_128 = vector.broadcast %broadcast_in_dim3A_127 : i32 to vector<16xi32>
      %gather3A = tpu.vector_load_idx %arg13[%broadcast_in_dim3A_128] : memref<16xi32, #tpu.memory_space<vmem>>[vector<16xi32>], vector<16xi32>,
      scf.yield %gather3A : vector<16xi32>
    }
    %scan3A_19 = arith.constant 512 : i32
    %swap3A = arith.constant 0 : index
    %swap3A_20 = tpu.vector_load %arg13[%swap3A] {strides = array<i32>} : memref<16xi32, #tpu.memory_space<vmem>>, vector<16xi32>,
    tpu.vector_store %arg13[%swap3A], %scan3A_18 {strides = array<i32>} : memref<16xi32, #tpu.memory_space<vmem>>, vector<16xi32>,
    %get3A = arith.constant 0 : index
    %get3A_21 = tpu.vector_load %arg13[%get3A] {strides = array<i32>} : memref<16xi32, #tpu.memory_space<vmem>>, vector<16xi32>,
    %slice3A = vector.extract_strided_slice %get3A_21 {offsets = [0], sizes = [1], strides = [1]} : vector<16xi32> to vector<1xi32>
    %squeeze3A = vector.extract %slice3A[0] : i32 from vector<1xi32>
    %add3A_22 = arith.constant 15 : i32
    %add3A_23 = arith.addi %squeeze3A, %add3A_22 : i32
    %jit3A = arith.constant 16 : i32
    %div3A = arith.divsi %add3A_23, %jit3A : i32
    %sign3A = arith.constant 0 : i32
    %sign3A_24 = arith.cmpi sgt, %add3A_23, %sign3A : i32
    %sign3A_25 = arith.extui %sign3A_24 : i1 to i32
    %sign3A_26 = arith.constant 0 : i32
    %sign3A_27 = arith.cmpi slt, %add3A_23, %sign3A_26 : i32
    %sign3A_28 = arith.extui %sign3A_27 : i1 to i32
    %sign3A_29 = arith.subi %sign3A_25, %sign3A_28 : i32
    %sign3A_30 = arith.constant 0 : i32
    %sign3A_31 = arith.cmpi sgt, %jit3A, %sign3A_30 : i32
    %sign3A_32 = arith.extui %sign3A_31 : i1 to i32
    %sign3A_33 = arith.constant 0 : i32
    %sign3A_34 = arith.cmpi slt, %jit3A, %sign3A_33 : i32
    %sign3A_35 = arith.extui %sign3A_34 : i1 to i32
    %sign3A_36 = arith.subi %sign3A_32, %sign3A_35 : i32
    %ne3A = arith.cmpi ne, %sign3A_29, %sign3A_36 : i32
    %rem3A = arith.remsi %add3A_23, %jit3A : i32
    %ne3A_37 = arith.constant 0 : i32
    %ne3A_38 = arith.cmpi ne, %rem3A, %ne3A_37 : i32
    %and3A = arith.andi %ne3A, %ne3A_38 : i1
    %sub3A = arith.constant 1 : i32
    %sub3A_39 = arith.subi %div3A, %sub3A : i32
    %select_n3A = arith.select %and3A, %sub3A_39, %div3A : i32
    %while3A = arith.constant 0 : i32
    %while3A_40 = arith.constant 0 : i32
    %while3A_41 = arith.subi %select_n3A, %while3A : i32
    %while3A_42 = arith.addi %while3A, %while3A_41 : i32
    %while3A_43 = arith.constant 1 : i32
    %while3A_44 = arith.divsi %while3A_41, %while3A_43 : i32
    %while3A_45 = arith.muli %while3A_44, %while3A_43 : i32
    %while3A_46 = arith.addi %while3A, %while3A_45 : i32
    %while3A_47 = arith.constant 1 : i32
    %while3A_48 = scf.for %while3A_98 = %while3A to %while3A_46 step %while3A_47 iter_args(%while3A_99 = %while3A_40) -> (i32)  : i32 {
      %mul3A_100 = arith.constant 16 : i32
      %mul3A_101 = arith.muli %while3A_98, %mul3A_100 : i32
      %add3A_102 = vector.broadcast %mul3A_101 : i32 to vector<16xi32>
      %add3A_103 = arith.addi %iota3A, %add3A_102 : vector<16xi32>
      %lt3A = vector.broadcast %squeeze3A : i32 to vector<16xi32>
      %lt3A_104 = arith.cmpi slt, %add3A_103, %lt3A : vector<16xi32>
      %mul3A_105 = arith.constant 16 : i32
      %mul3A_106 = arith.muli %while3A_98, %mul3A_105 : i32
      %get3A_107 = arith.index_cast %mul3A_106 : i32 to index
      %get3A_108 = tpu.vector_load %arg9[%get3A_107] {strides = array<i32>} : memref<8192xi32, #tpu.memory_space<vmem>>, vector<16xi32>,
      %jit3A_109 = arith.constant 0 : i32
      %broadcast_in_dim3A_110 = vector.broadcast %jit3A_109 : i32 to vector<16xi32>
      %select_n3A_111 = arith.select %lt3A_104, %get3A_108, %broadcast_in_dim3A_110 : vector<16xi1>, vector<16xi32>
      %gather3A = tpu.vector_load_idx %arg6[%select_n3A_111] : memref<8192xi32, #tpu.memory_space<vmem>>[vector<16xi32>], vector<16xi32>,
      %gather3A_112 = tpu.vector_load_idx %arg7[%select_n3A_111] : memref<8192xi32, #tpu.memory_space<vmem>>[vector<16xi32>], vector<16xi32>,
      %mul3A_113 = arith.constant 512 : i32
      %mul3A_114 = vector.broadcast %mul3A_113 : i32 to vector<16xi32>
      %mul3A_115 = arith.muli %gather3A, %mul3A_114 : vector<16xi32>
      %add3A_116 = arith.addi %mul3A_115, %gather3A_112 : vector<16xi32>
      %shift_left3A = arith.constant 4 : i32
      %shift_left3A_117 = vector.broadcast %shift_left3A : i32 to vector<16xi32>
      %shift_left3A_118 = arith.shli %add3A_116, %shift_left3A_117 : vector<16xi32>
      %or3A = arith.ori %shift_left3A_118, %iota3A : vector<16xi32>
      %jit3A_119 = arith.constant 2147483647 : i32
      %broadcast_in_dim3A_120 = vector.broadcast %jit3A_119 : i32 to vector<16xi32>
      %select_n3A_121 = arith.select %lt3A_104, %or3A, %broadcast_in_dim3A_120 : vector<16xi1>, vector<16xi32>
      %masked_sort3A = arith.constant dense<true> : vector<16xi1>
      %masked_sort3A_122 = arith.constant -2147483648 : i32
      %masked_sort3A_123 = vector.broadcast %masked_sort3A_122 : i32 to vector<16xi32>
      %masked_sort3A_124 = arith.xori %select_n3A_121, %masked_sort3A_123 : vector<16xi32>
      %masked_sort3A_125, %masked_sort3A_126, %masked_sort3A_127 = tpu.sort %masked_sort3A_124, %select_n3A_121 masked %masked_sort3A : (vector<16xi32>, vector<16xi32>, vector<16xi1>) -> (vector<16xi1>, vector<16xi32>, vector<16xi32>)
      %masked_sort3A_128 = arith.xori %masked_sort3A_126, %masked_sort3A_123 : vector<16xi32>
      %swap3A_129 = arith.constant 0 : index
      %swap3A_130 = tpu.vector_load %arg13[%swap3A_129] {strides = array<i32>} : memref<16xi32, #tpu.memory_space<vmem>>, vector<16xi32>,
      tpu.vector_store %arg13[%swap3A_129], %masked_sort3A_128 {strides = array<i32>} : memref<16xi32, #tpu.memory_space<vmem>>, vector<16xi32>,
      %add3A_131 = arith.constant 1 : i32
      %add3A_132 = vector.broadcast %add3A_131 : i32 to vector<16xi32>
      %add3A_133 = arith.addi %iota3A, %add3A_132 : vector<16xi32>
      %min3A = arith.constant 15 : i32
      %min3A_134 = vector.broadcast %min3A : i32 to vector<16xi32>
      %min3A_135 = arith.minsi %add3A_133, %min3A_134 : vector<16xi32>
      %gather3A_136 = tpu.vector_load_idx %arg13[%min3A_135] : memref<16xi32, #tpu.memory_space<vmem>>[vector<16xi32>], vector<16xi32>,
      %shift_right_arithmetic3A = arith.constant 4 : i32
      %shift_right_arithmetic3A_137 = vector.broadcast %shift_right_arithmetic3A : i32 to vector<16xi32>
      %shift_right_arithmetic3A_138 = arith.shrsi %masked_sort3A_128, %shift_right_arithmetic3A_137 : vector<16xi32>
      %shift_right_arithmetic3A_139 = arith.constant 4 : i32
      %shift_right_arithmetic3A_140 = vector.broadcast %shift_right_arithmetic3A_139 : i32 to vector<16xi32>
      %shift_right_arithmetic3A_141 = arith.shrsi %gather3A_136, %shift_right_arithmetic3A_140 : vector<16xi32>
      %eq3A = arith.cmpi eq, %shift_right_arithmetic3A_138, %shift_right_arithmetic3A_141 : vector<16xi32>
      %lt3A_142 = arith.constant 15 : i32
      %lt3A_143 = vector.broadcast %lt3A_142 : i32 to vector<16xi32>
      %lt3A_144 = arith.cmpi slt, %iota3A, %lt3A_143 : vector<16xi32>
      %and3A_145 = arith.andi %eq3A, %lt3A_144 : vector<16xi1>
      %ne3A_146 = arith.constant 2147483647 : i32
      %ne3A_147 = vector.broadcast %ne3A_146 : i32 to vector<16xi32>
      %ne3A_148 = arith.cmpi ne, %masked_sort3A_128, %ne3A_147 : vector<16xi32>
      %and3A_149 = arith.constant 15 : i32
      %and3A_150 = vector.broadcast %and3A_149 : i32 to vector<16xi32>
      %and3A_151 = arith.andi %masked_sort3A_128, %and3A_150 : vector<16xi32>
      %broadcast_in_dim3A_152 = arith.constant 0 : i32
      %broadcast_in_dim3A_153 = vector.broadcast %broadcast_in_dim3A_152 : i32 to vector<16xi32>
      %swap3A_154 = arith.constant 0 : index
      %swap3A_155 = tpu.vector_load %arg13[%swap3A_154] {strides = array<i32>} : memref<16xi32, #tpu.memory_space<vmem>>, vector<16xi32>,
      tpu.vector_store %arg13[%swap3A_154], %broadcast_in_dim3A_153 {strides = array<i32>} : memref<16xi32, #tpu.memory_space<vmem>>, vector<16xi32>,
      %jit3A_156 = arith.constant 0 : i32
      %jit3A_157 = arith.constant 1 : i32
      %broadcast_in_dim3A_158 = vector.broadcast %jit3A_156 : i32 to vector<16xi32>
      %broadcast_in_dim3A_159 = vector.broadcast %jit3A_157 : i32 to vector<16xi32>
      %select_n3A_160 = arith.select %and3A_145, %broadcast_in_dim3A_158, %broadcast_in_dim3A_159 : vector<16xi1>, vector<16xi32>
      tpu.vector_store_idx %arg13[%and3A_151], %select_n3A_160 masked %ne3A_148 : memref<16xi32, #tpu.memory_space<vmem>>[vector<16xi32>], vector<16xi32>, vector<16xi1>
      %get3A_161 = arith.constant 0 : index
      %get3A_162 = tpu.vector_load %arg13[%get3A_161] {strides = array<i32>} : memref<16xi32, #tpu.memory_space<vmem>>, vector<16xi32>,
      %eq3A_163 = arith.constant 1 : i32
      %eq3A_164 = vector.broadcast %eq3A_163 : i32 to vector<16xi32>
      %eq3A_165 = arith.cmpi eq, %get3A_162, %eq3A_164 : vector<16xi32>
      %and3A_166 = arith.andi %eq3A_165, %lt3A_104 : vector<16xi1>
      %sub3A_167 = vector.broadcast %mul3A_2 : i32 to vector<16xi32>
      %sub3A_168 = arith.subi %gather3A, %sub3A_167 : vector<16xi32>
      %mul3A_169 = arith.constant 512 : i32
      %mul3A_170 = vector.broadcast %mul3A_169 : i32 to vector<16xi32>
      %mul3A_171 = arith.muli %sub3A_168, %mul3A_170 : vector<16xi32>
      %add3A_172 = arith.addi %mul3A_171, %gather3A_112 : vector<16xi32>
      %jit3A_173 = arith.constant 0 : i32
      %jit3A_174 = arith.constant 8191 : i32
      %max3A = vector.broadcast %jit3A_173 : i32 to vector<16xi32>
      %max3A_175 = arith.maxsi %max3A, %add3A_172 : vector<16xi32>
      %min3A_176 = vector.broadcast %jit3A_174 : i32 to vector<16xi32>
      %min3A_177 = arith.minsi %min3A_176, %max3A_175 : vector<16xi32>
      tpu.vector_store_idx %arg10[%min3A_177], %select_n3A_111 masked %and3A_166 : memref<8192xi32, #tpu.memory_space<vmem>>[vector<16xi32>], vector<16xi32>, vector<16xi1>
      %mul3A_178 = arith.constant 4 : i32
      %mul3A_179 = vector.broadcast %mul3A_178 : i32 to vector<16xi32>
      %mul3A_180 = arith.muli %select_n3A_111, %mul3A_179 : vector<16xi32>
      %add3A_181 = arith.constant 0 : i32
      %add3A_182 = vector.broadcast %add3A_181 : i32 to vector<16xi32>
      %add3A_183 = arith.addi %mul3A_180, %add3A_182 : vector<16xi32>
      %gather3A_184 = tpu.vector_load_idx %arg8[%add3A_183] : memref<32768xf32, #tpu.memory_space<vmem>>[vector<16xi32>], vector<16xf32>,
      %add3A_185 = arith.constant 0 : i32
      %add3A_186 = vector.broadcast %add3A_185 : i32 to vector<16xi32>
      %add3A_187 = arith.addi %min3A_177, %add3A_186 : vector<16xi32>
      tpu.vector_store_idx %arg11[%add3A_187], %gather3A_184 masked %and3A_166 : memref<32768xf32, #tpu.memory_space<vmem>>[vector<16xi32>], vector<16xf32>, vector<16xi1>
      %mul3A_188 = arith.constant 4 : i32
      %mul3A_189 = vector.broadcast %mul3A_188 : i32 to vector<16xi32>
      %mul3A_190 = arith.muli %select_n3A_111, %mul3A_189 : vector<16xi32>
      %add3A_191 = arith.constant 1 : i32
      %add3A_192 = vector.broadcast %add3A_191 : i32 to vector<16xi32>
      %add3A_193 = arith.addi %mul3A_190, %add3A_192 : vector<16xi32>
      %gather3A_194 = tpu.vector_load_idx %arg8[%add3A_193] : memref<32768xf32, #tpu.memory_space<vmem>>[vector<16xi32>], vector<16xf32>,
      %add3A_195 = arith.constant 8192 : i32
      %add3A_196 = vector.broadcast %add3A_195 : i32 to vector<16xi32>
      %add3A_197 = arith.addi %min3A_177, %add3A_196 : vector<16xi32>
      tpu.vector_store_idx %arg11[%add3A_197], %gather3A_194 masked %and3A_166 : memref<32768xf32, #tpu.memory_space<vmem>>[vector<16xi32>], vector<16xf32>, vector<16xi1>
      %mul3A_198 = arith.constant 4 : i32
      %mul3A_199 = vector.broadcast %mul3A_198 : i32 to vector<16xi32>
      %mul3A_200 = arith.muli %select_n3A_111, %mul3A_199 : vector<16xi32>
      %add3A_201 = arith.constant 2 : i32
      %add3A_202 = vector.broadcast %add3A_201 : i32 to vector<16xi32>
      %add3A_203 = arith.addi %mul3A_200, %add3A_202 : vector<16xi32>
      %gather3A_204 = tpu.vector_load_idx %arg8[%add3A_203] : memref<32768xf32, #tpu.memory_space<vmem>>[vector<16xi32>], vector<16xf32>,
      %add3A_205 = arith.constant 16384 : i32
      %add3A_206 = vector.broadcast %add3A_205 : i32 to vector<16xi32>
      %add3A_207 = arith.addi %min3A_177, %add3A_206 : vector<16xi32>
      tpu.vector_store_idx %arg11[%add3A_207], %gather3A_204 masked %and3A_166 : memref<32768xf32, #tpu.memory_space<vmem>>[vector<16xi32>], vector<16xf32>, vector<16xi1>
      %mul3A_208 = arith.constant 4 : i32
      %mul3A_209 = vector.broadcast %mul3A_208 : i32 to vector<16xi32>
      %mul3A_210 = arith.muli %select_n3A_111, %mul3A_209 : vector<16xi32>
      %add3A_211 = arith.constant 3 : i32
      %add3A_212 = vector.broadcast %add3A_211 : i32 to vector<16xi32>
      %add3A_213 = arith.addi %mul3A_210, %add3A_212 : vector<16xi32>
      %gather3A_214 = tpu.vector_load_idx %arg8[%add3A_213] : memref<32768xf32, #tpu.memory_space<vmem>>[vector<16xi32>], vector<16xf32>,
      %add3A_215 = arith.constant 24576 : i32
      %add3A_216 = vector.broadcast %add3A_215 : i32 to vector<16xi32>
      %add3A_217 = arith.addi %min3A_177, %add3A_216 : vector<16xi32>
      tpu.vector_store_idx %arg11[%add3A_217], %gather3A_214 masked %and3A_166 : memref<32768xf32, #tpu.memory_space<vmem>>[vector<16xi32>], vector<16xf32>, vector<16xi1>
      %while3A_218 = arith.constant 0 : i32
      scf.yield %while3A_218 : i32
    }
    %while3A_49 = arith.constant 1 : i32
    %while3A_50 = scf.for %while3A_98 = %while3A_46 to %while3A_42 step %while3A_49 iter_args(%while3A_99 = %while3A_48) -> (i32)  : i32 {
      %mul3A_100 = arith.constant 16 : i32
      %mul3A_101 = arith.muli %while3A_98, %mul3A_100 : i32
      %add3A_102 = vector.broadcast %mul3A_101 : i32 to vector<16xi32>
      %add3A_103 = arith.addi %iota3A, %add3A_102 : vector<16xi32>
      %lt3A = vector.broadcast %squeeze3A : i32 to vector<16xi32>
      %lt3A_104 = arith.cmpi slt, %add3A_103, %lt3A : vector<16xi32>
      %mul3A_105 = arith.constant 16 : i32
      %mul3A_106 = arith.muli %while3A_98, %mul3A_105 : i32
      %get3A_107 = arith.index_cast %mul3A_106 : i32 to index
      %get3A_108 = tpu.vector_load %arg9[%get3A_107] {strides = array<i32>} : memref<8192xi32, #tpu.memory_space<vmem>>, vector<16xi32>,
      %jit3A_109 = arith.constant 0 : i32
      %broadcast_in_dim3A_110 = vector.broadcast %jit3A_109 : i32 to vector<16xi32>
      %select_n3A_111 = arith.select %lt3A_104, %get3A_108, %broadcast_in_dim3A_110 : vector<16xi1>, vector<16xi32>
      %gather3A = tpu.vector_load_idx %arg6[%select_n3A_111] : memref<8192xi32, #tpu.memory_space<vmem>>[vector<16xi32>], vector<16xi32>,
      %gather3A_112 = tpu.vector_load_idx %arg7[%select_n3A_111] : memref<8192xi32, #tpu.memory_space<vmem>>[vector<16xi32>], vector<16xi32>,
      %mul3A_113 = arith.constant 512 : i32
      %mul3A_114 = vector.broadcast %mul3A_113 : i32 to vector<16xi32>
      %mul3A_115 = arith.muli %gather3A, %mul3A_114 : vector<16xi32>
      %add3A_116 = arith.addi %mul3A_115, %gather3A_112 : vector<16xi32>
      %shift_left3A = arith.constant 4 : i32
      %shift_left3A_117 = vector.broadcast %shift_left3A : i32 to vector<16xi32>
      %shift_left3A_118 = arith.shli %add3A_116, %shift_left3A_117 : vector<16xi32>
      %or3A = arith.ori %shift_left3A_118, %iota3A : vector<16xi32>
      %jit3A_119 = arith.constant 2147483647 : i32
      %broadcast_in_dim3A_120 = vector.broadcast %jit3A_119 : i32 to vector<16xi32>
      %select_n3A_121 = arith.select %lt3A_104, %or3A, %broadcast_in_dim3A_120 : vector<16xi1>, vector<16xi32>
      %masked_sort3A = arith.constant dense<true> : vector<16xi1>
      %masked_sort3A_122 = arith.constant -2147483648 : i32
      %masked_sort3A_123 = vector.broadcast %masked_sort3A_122 : i32 to vector<16xi32>
      %masked_sort3A_124 = arith.xori %select_n3A_121, %masked_sort3A_123 : vector<16xi32>
      %masked_sort3A_125, %masked_sort3A_126, %masked_sort3A_127 = tpu.sort %masked_sort3A_124, %select_n3A_121 masked %masked_sort3A : (vector<16xi32>, vector<16xi32>, vector<16xi1>) -> (vector<16xi1>, vector<16xi32>, vector<16xi32>)
      %masked_sort3A_128 = arith.xori %masked_sort3A_126, %masked_sort3A_123 : vector<16xi32>
      %swap3A_129 = arith.constant 0 : index
      %swap3A_130 = tpu.vector_load %arg13[%swap3A_129] {strides = array<i32>} : memref<16xi32, #tpu.memory_space<vmem>>, vector<16xi32>,
      tpu.vector_store %arg13[%swap3A_129], %masked_sort3A_128 {strides = array<i32>} : memref<16xi32, #tpu.memory_space<vmem>>, vector<16xi32>,
      %add3A_131 = arith.constant 1 : i32
      %add3A_132 = vector.broadcast %add3A_131 : i32 to vector<16xi32>
      %add3A_133 = arith.addi %iota3A, %add3A_132 : vector<16xi32>
      %min3A = arith.constant 15 : i32
      %min3A_134 = vector.broadcast %min3A : i32 to vector<16xi32>
      %min3A_135 = arith.minsi %add3A_133, %min3A_134 : vector<16xi32>
      %gather3A_136 = tpu.vector_load_idx %arg13[%min3A_135] : memref<16xi32, #tpu.memory_space<vmem>>[vector<16xi32>], vector<16xi32>,
      %shift_right_arithmetic3A = arith.constant 4 : i32
      %shift_right_arithmetic3A_137 = vector.broadcast %shift_right_arithmetic3A : i32 to vector<16xi32>
      %shift_right_arithmetic3A_138 = arith.shrsi %masked_sort3A_128, %shift_right_arithmetic3A_137 : vector<16xi32>
      %shift_right_arithmetic3A_139 = arith.constant 4 : i32
      %shift_right_arithmetic3A_140 = vector.broadcast %shift_right_arithmetic3A_139 : i32 to vector<16xi32>
      %shift_right_arithmetic3A_141 = arith.shrsi %gather3A_136, %shift_right_arithmetic3A_140 : vector<16xi32>
      %eq3A = arith.cmpi eq, %shift_right_arithmetic3A_138, %shift_right_arithmetic3A_141 : vector<16xi32>
      %lt3A_142 = arith.constant 15 : i32
      %lt3A_143 = vector.broadcast %lt3A_142 : i32 to vector<16xi32>
      %lt3A_144 = arith.cmpi slt, %iota3A, %lt3A_143 : vector<16xi32>
      %and3A_145 = arith.andi %eq3A, %lt3A_144 : vector<16xi1>
      %ne3A_146 = arith.constant 2147483647 : i32
      %ne3A_147 = vector.broadcast %ne3A_146 : i32 to vector<16xi32>
      %ne3A_148 = arith.cmpi ne, %masked_sort3A_128, %ne3A_147 : vector<16xi32>
      %and3A_149 = arith.constant 15 : i32
      %and3A_150 = vector.broadcast %and3A_149 : i32 to vector<16xi32>
      %and3A_151 = arith.andi %masked_sort3A_128, %and3A_150 : vector<16xi32>
      %broadcast_in_dim3A_152 = arith.constant 0 : i32
      %broadcast_in_dim3A_153 = vector.broadcast %broadcast_in_dim3A_152 : i32 to vector<16xi32>
      %swap3A_154 = arith.constant 0 : index
      %swap3A_155 = tpu.vector_load %arg13[%swap3A_154] {strides = array<i32>} : memref<16xi32, #tpu.memory_space<vmem>>, vector<16xi32>,
      tpu.vector_store %arg13[%swap3A_154], %broadcast_in_dim3A_153 {strides = array<i32>} : memref<16xi32, #tpu.memory_space<vmem>>, vector<16xi32>,
      %jit3A_156 = arith.constant 0 : i32
      %jit3A_157 = arith.constant 1 : i32
      %broadcast_in_dim3A_158 = vector.broadcast %jit3A_156 : i32 to vector<16xi32>
      %broadcast_in_dim3A_159 = vector.broadcast %jit3A_157 : i32 to vector<16xi32>
      %select_n3A_160 = arith.select %and3A_145, %broadcast_in_dim3A_158, %broadcast_in_dim3A_159 : vector<16xi1>, vector<16xi32>
      tpu.vector_store_idx %arg13[%and3A_151], %select_n3A_160 masked %ne3A_148 : memref<16xi32, #tpu.memory_space<vmem>>[vector<16xi32>], vector<16xi32>, vector<16xi1>
      %get3A_161 = arith.constant 0 : index
      %get3A_162 = tpu.vector_load %arg13[%get3A_161] {strides = array<i32>} : memref<16xi32, #tpu.memory_space<vmem>>, vector<16xi32>,
      %eq3A_163 = arith.constant 1 : i32
      %eq3A_164 = vector.broadcast %eq3A_163 : i32 to vector<16xi32>
      %eq3A_165 = arith.cmpi eq, %get3A_162, %eq3A_164 : vector<16xi32>
      %and3A_166 = arith.andi %eq3A_165, %lt3A_104 : vector<16xi1>
      %sub3A_167 = vector.broadcast %mul3A_2 : i32 to vector<16xi32>
      %sub3A_168 = arith.subi %gather3A, %sub3A_167 : vector<16xi32>
      %mul3A_169 = arith.constant 512 : i32
      %mul3A_170 = vector.broadcast %mul3A_169 : i32 to vector<16xi32>
      %mul3A_171 = arith.muli %sub3A_168, %mul3A_170 : vector<16xi32>
      %add3A_172 = arith.addi %mul3A_171, %gather3A_112 : vector<16xi32>
      %jit3A_173 = arith.constant 0 : i32
      %jit3A_174 = arith.constant 8191 : i32
      %max3A = vector.broadcast %jit3A_173 : i32 to vector<16xi32>
      %max3A_175 = arith.maxsi %max3A, %add3A_172 : vector<16xi32>
      %min3A_176 = vector.broadcast %jit3A_174 : i32 to vector<16xi32>
      %min3A_177 = arith.minsi %min3A_176, %max3A_175 : vector<16xi32>
      tpu.vector_store_idx %arg10[%min3A_177], %select_n3A_111 masked %and3A_166 : memref<8192xi32, #tpu.memory_space<vmem>>[vector<16xi32>], vector<16xi32>, vector<16xi1>
      %mul3A_178 = arith.constant 4 : i32
      %mul3A_179 = vector.broadcast %mul3A_178 : i32 to vector<16xi32>
      %mul3A_180 = arith.muli %select_n3A_111, %mul3A_179 : vector<16xi32>
      %add3A_181 = arith.constant 0 : i32
      %add3A_182 = vector.broadcast %add3A_181 : i32 to vector<16xi32>
      %add3A_183 = arith.addi %mul3A_180, %add3A_182 : vector<16xi32>
      %gather3A_184 = tpu.vector_load_idx %arg8[%add3A_183] : memref<32768xf32, #tpu.memory_space<vmem>>[vector<16xi32>], vector<16xf32>,
      %add3A_185 = arith.constant 0 : i32
      %add3A_186 = vector.broadcast %add3A_185 : i32 to vector<16xi32>
      %add3A_187 = arith.addi %min3A_177, %add3A_186 : vector<16xi32>
      tpu.vector_store_idx %arg11[%add3A_187], %gather3A_184 masked %and3A_166 : memref<32768xf32, #tpu.memory_space<vmem>>[vector<16xi32>], vector<16xf32>, vector<16xi1>
      %mul3A_188 = arith.constant 4 : i32
      %mul3A_189 = vector.broadcast %mul3A_188 : i32 to vector<16xi32>
      %mul3A_190 = arith.muli %select_n3A_111, %mul3A_189 : vector<16xi32>
      %add3A_191 = arith.constant 1 : i32
      %add3A_192 = vector.broadcast %add3A_191 : i32 to vector<16xi32>
      %add3A_193 = arith.addi %mul3A_190, %add3A_192 : vector<16xi32>
      %gather3A_194 = tpu.vector_load_idx %arg8[%add3A_193] : memref<32768xf32, #tpu.memory_space<vmem>>[vector<16xi32>], vector<16xf32>,
      %add3A_195 = arith.constant 8192 : i32
      %add3A_196 = vector.broadcast %add3A_195 : i32 to vector<16xi32>
      %add3A_197 = arith.addi %min3A_177, %add3A_196 : vector<16xi32>
      tpu.vector_store_idx %arg11[%add3A_197], %gather3A_194 masked %and3A_166 : memref<32768xf32, #tpu.memory_space<vmem>>[vector<16xi32>], vector<16xf32>, vector<16xi1>
      %mul3A_198 = arith.constant 4 : i32
      %mul3A_199 = vector.broadcast %mul3A_198 : i32 to vector<16xi32>
      %mul3A_200 = arith.muli %select_n3A_111, %mul3A_199 : vector<16xi32>
      %add3A_201 = arith.constant 2 : i32
      %add3A_202 = vector.broadcast %add3A_201 : i32 to vector<16xi32>
      %add3A_203 = arith.addi %mul3A_200, %add3A_202 : vector<16xi32>
      %gather3A_204 = tpu.vector_load_idx %arg8[%add3A_203] : memref<32768xf32, #tpu.memory_space<vmem>>[vector<16xi32>], vector<16xf32>,
      %add3A_205 = arith.constant 16384 : i32
      %add3A_206 = vector.broadcast %add3A_205 : i32 to vector<16xi32>
      %add3A_207 = arith.addi %min3A_177, %add3A_206 : vector<16xi32>
      tpu.vector_store_idx %arg11[%add3A_207], %gather3A_204 masked %and3A_166 : memref<32768xf32, #tpu.memory_space<vmem>>[vector<16xi32>], vector<16xf32>, vector<16xi1>
      %mul3A_208 = arith.constant 4 : i32
      %mul3A_209 = vector.broadcast %mul3A_208 : i32 to vector<16xi32>
      %mul3A_210 = arith.muli %select_n3A_111, %mul3A_209 : vector<16xi32>
      %add3A_211 = arith.constant 3 : i32
      %add3A_212 = vector.broadcast %add3A_211 : i32 to vector<16xi32>
      %add3A_213 = arith.addi %mul3A_210, %add3A_212 : vector<16xi32>
      %gather3A_214 = tpu.vector_load_idx %arg8[%add3A_213] : memref<32768xf32, #tpu.memory_space<vmem>>[vector<16xi32>], vector<16xf32>,
      %add3A_215 = arith.constant 24576 : i32
      %add3A_216 = vector.broadcast %add3A_215 : i32 to vector<16xi32>
      %add3A_217 = arith.addi %min3A_177, %add3A_216 : vector<16xi32>
      tpu.vector_store_idx %arg11[%add3A_217], %gather3A_214 masked %and3A_166 : memref<32768xf32, #tpu.memory_space<vmem>>[vector<16xi32>], vector<16xf32>, vector<16xi1>
      %while3A_218 = arith.constant 0 : i32
      scf.yield %while3A_218 : i32
    }
    %scan3A_51 = arith.constant 0 : i32
    %scan3A_52 = arith.constant 0 : i32
    %scan3A_53 = arith.constant 16 : i32
    %scan3A_54 = arith.addi %scan3A_52, %scan3A_53 : i32
    %scan3A_55 = arith.constant 1 : i32
    %scan3A_56 = scf.for %scan3A_98 = %scan3A_52 to %scan3A_54 step %scan3A_55 iter_args(%scan3A_99 = %scan3A_51) -> (i32)  : i32 {
      %add3A_100 = arith.constant 0 : i32
      %add3A_101 = arith.addi %add3A_100, %scan3A_98 : i32
      %mul3A_102 = arith.constant 512 : i32
      %mul3A_103 = arith.muli %add3A_101, %mul3A_102 : i32
      %scan3A_104 = arith.constant 0 : i32
      %scan3A_105 = arith.constant 32 : i32
      %scan3A_106 = arith.addi %scan3A_104, %scan3A_105 : i32
      %scan3A_107 = arith.constant 8 : i32
      %scan3A_108 = scf.for %scan3A_138 = %scan3A_104 to %scan3A_106 step %scan3A_107 iter_args(%scan3A_139 = %broadcast_in_dim3A_5) -> (vector<16xf32>)  : i32 {
        %mul3A_140 = arith.constant 16 : i32
        %mul3A_141 = arith.muli %scan3A_138, %mul3A_140 : i32
        %add3A_142 = arith.addi %mul3A_103, %mul3A_141 : i32
        %get3A_143 = arith.index_cast %add3A_142 : i32 to index
        %get3A_144 = tpu.vector_load %arg11[%get3A_143] {strides = array<i32>} : memref<32768xf32, #tpu.memory_space<vmem>>, vector<16xf32>,
        %max3A = arith.maximumf %scan3A_139, %get3A_144 : vector<16xf32>
        %scan3A_145 = arith.constant 1 : i32
        %scan3A_146 = arith.addi %scan3A_138, %scan3A_145 : i32
        %mul3A_147 = arith.constant 16 : i32
        %mul3A_148 = arith.muli %scan3A_146, %mul3A_147 : i32
        %add3A_149 = arith.addi %mul3A_103, %mul3A_148 : i32
        %get3A_150 = arith.index_cast %add3A_149 : i32 to index
        %get3A_151 = tpu.vector_load %arg11[%get3A_150] {strides = array<i32>} : memref<32768xf32, #tpu.memory_space<vmem>>, vector<16xf32>,
        %max3A_152 = arith.maximumf %max3A, %get3A_151 : vector<16xf32>
        %scan3A_153 = arith.constant 2 : i32
        %scan3A_154 = arith.addi %scan3A_138, %scan3A_153 : i32
        %mul3A_155 = arith.constant 16 : i32
        %mul3A_156 = arith.muli %scan3A_154, %mul3A_155 : i32
        %add3A_157 = arith.addi %mul3A_103, %mul3A_156 : i32
        %get3A_158 = arith.index_cast %add3A_157 : i32 to index
        %get3A_159 = tpu.vector_load %arg11[%get3A_158] {strides = array<i32>} : memref<32768xf32, #tpu.memory_space<vmem>>, vector<16xf32>,
        %max3A_160 = arith.maximumf %max3A_152, %get3A_159 : vector<16xf32>
        %scan3A_161 = arith.constant 3 : i32
        %scan3A_162 = arith.addi %scan3A_138, %scan3A_161 : i32
        %mul3A_163 = arith.constant 16 : i32
        %mul3A_164 = arith.muli %scan3A_162, %mul3A_163 : i32
        %add3A_165 = arith.addi %mul3A_103, %mul3A_164 : i32
        %get3A_166 = arith.index_cast %add3A_165 : i32 to index
        %get3A_167 = tpu.vector_load %arg11[%get3A_166] {strides = array<i32>} : memref<32768xf32, #tpu.memory_space<vmem>>, vector<16xf32>,
        %max3A_168 = arith.maximumf %max3A_160, %get3A_167 : vector<16xf32>
        %scan3A_169 = arith.constant 4 : i32
        %scan3A_170 = arith.addi %scan3A_138, %scan3A_169 : i32
        %mul3A_171 = arith.constant 16 : i32
        %mul3A_172 = arith.muli %scan3A_170, %mul3A_171 : i32
        %add3A_173 = arith.addi %mul3A_103, %mul3A_172 : i32
        %get3A_174 = arith.index_cast %add3A_173 : i32 to index
        %get3A_175 = tpu.vector_load %arg11[%get3A_174] {strides = array<i32>} : memref<32768xf32, #tpu.memory_space<vmem>>, vector<16xf32>,
        %max3A_176 = arith.maximumf %max3A_168, %get3A_175 : vector<16xf32>
        %scan3A_177 = arith.constant 5 : i32
        %scan3A_178 = arith.addi %scan3A_138, %scan3A_177 : i32
        %mul3A_179 = arith.constant 16 : i32
        %mul3A_180 = arith.muli %scan3A_178, %mul3A_179 : i32
        %add3A_181 = arith.addi %mul3A_103, %mul3A_180 : i32
        %get3A_182 = arith.index_cast %add3A_181 : i32 to index
        %get3A_183 = tpu.vector_load %arg11[%get3A_182] {strides = array<i32>} : memref<32768xf32, #tpu.memory_space<vmem>>, vector<16xf32>,
        %max3A_184 = arith.maximumf %max3A_176, %get3A_183 : vector<16xf32>
        %scan3A_185 = arith.constant 6 : i32
        %scan3A_186 = arith.addi %scan3A_138, %scan3A_185 : i32
        %mul3A_187 = arith.constant 16 : i32
        %mul3A_188 = arith.muli %scan3A_186, %mul3A_187 : i32
        %add3A_189 = arith.addi %mul3A_103, %mul3A_188 : i32
        %get3A_190 = arith.index_cast %add3A_189 : i32 to index
        %get3A_191 = tpu.vector_load %arg11[%get3A_190] {strides = array<i32>} : memref<32768xf32, #tpu.memory_space<vmem>>, vector<16xf32>,
        %max3A_192 = arith.maximumf %max3A_184, %get3A_191 : vector<16xf32>
        %scan3A_193 = arith.constant 7 : i32
        %scan3A_194 = arith.addi %scan3A_138, %scan3A_193 : i32
        %mul3A_195 = arith.constant 16 : i32
        %mul3A_196 = arith.muli %scan3A_194, %mul3A_195 : i32
        %add3A_197 = arith.addi %mul3A_103, %mul3A_196 : i32
        %get3A_198 = arith.index_cast %add3A_197 : i32 to index
        %get3A_199 = tpu.vector_load %arg11[%get3A_198] {strides = array<i32>} : memref<32768xf32, #tpu.memory_space<vmem>>, vector<16xf32>,
        %max3A_200 = arith.maximumf %max3A_192, %get3A_199 : vector<16xf32>
        scf.yield %max3A_200 : vector<16xf32>
      }
      %scan3A_109 = arith.constant 32 : i32
      %reduce_max3A = arith.constant true
      %reduce_max3A_110 = vector.broadcast %reduce_max3A : i1 to vector<16xi1>
      %reduce_max3A_111 = tpu.scan <max>, %scan3A_108 masked %reduce_max3A_110 : vector<16xf32>, vector<16xi1> -> vector<16xf32>
      %reduce_max3A_112 = vector.extract %reduce_max3A_111[15] : f32 from vector<16xf32>
      %scan3A_113 = arith.constant 0 : i32
      %scan3A_114 = arith.constant 32 : i32
      %scan3A_115 = arith.addi %scan3A_113, %scan3A_114 : i32
      %scan3A_116 = arith.constant 8 : i32
      %scan3A_117 = scf.for %scan3A_138 = %scan3A_113 to %scan3A_115 step %scan3A_116 iter_args(%scan3A_139 = %broadcast_in_dim3A_3) -> (vector<16xf32>)  : i32 {
        %mul3A_140 = arith.constant 16 : i32
        %mul3A_141 = arith.muli %scan3A_138, %mul3A_140 : i32
        %add3A_142 = arith.addi %mul3A_103, %mul3A_141 : i32
        %get3A_143 = arith.index_cast %add3A_142 : i32 to index
        %get3A_144 = tpu.vector_load %arg11[%get3A_143] {strides = array<i32>} : memref<32768xf32, #tpu.memory_space<vmem>>, vector<16xf32>,
        %sub3A_145 = vector.broadcast %reduce_max3A_112 : f32 to vector<16xf32>
        %sub3A_146 = arith.subf %get3A_144, %sub3A_145 : vector<16xf32>
        %exp3A = math.exp %sub3A_146 : vector<16xf32>
        %add3A_147 = arith.addf %scan3A_139, %exp3A : vector<16xf32>
        %scan3A_148 = arith.constant 1 : i32
        %scan3A_149 = arith.addi %scan3A_138, %scan3A_148 : i32
        %mul3A_150 = arith.constant 16 : i32
        %mul3A_151 = arith.muli %scan3A_149, %mul3A_150 : i32
        %add3A_152 = arith.addi %mul3A_103, %mul3A_151 : i32
        %get3A_153 = arith.index_cast %add3A_152 : i32 to index
        %get3A_154 = tpu.vector_load %arg11[%get3A_153] {strides = array<i32>} : memref<32768xf32, #tpu.memory_space<vmem>>, vector<16xf32>,
        %sub3A_155 = vector.broadcast %reduce_max3A_112 : f32 to vector<16xf32>
        %sub3A_156 = arith.subf %get3A_154, %sub3A_155 : vector<16xf32>
        %exp3A_157 = math.exp %sub3A_156 : vector<16xf32>
        %add3A_158 = arith.addf %add3A_147, %exp3A_157 : vector<16xf32>
        %scan3A_159 = arith.constant 2 : i32
        %scan3A_160 = arith.addi %scan3A_138, %scan3A_159 : i32
        %mul3A_161 = arith.constant 16 : i32
        %mul3A_162 = arith.muli %scan3A_160, %mul3A_161 : i32
        %add3A_163 = arith.addi %mul3A_103, %mul3A_162 : i32
        %get3A_164 = arith.index_cast %add3A_163 : i32 to index
        %get3A_165 = tpu.vector_load %arg11[%get3A_164] {strides = array<i32>} : memref<32768xf32, #tpu.memory_space<vmem>>, vector<16xf32>,
        %sub3A_166 = vector.broadcast %reduce_max3A_112 : f32 to vector<16xf32>
        %sub3A_167 = arith.subf %get3A_165, %sub3A_166 : vector<16xf32>
        %exp3A_168 = math.exp %sub3A_167 : vector<16xf32>
        %add3A_169 = arith.addf %add3A_158, %exp3A_168 : vector<16xf32>
        %scan3A_170 = arith.constant 3 : i32
        %scan3A_171 = arith.addi %scan3A_138, %scan3A_170 : i32
        %mul3A_172 = arith.constant 16 : i32
        %mul3A_173 = arith.muli %scan3A_171, %mul3A_172 : i32
        %add3A_174 = arith.addi %mul3A_103, %mul3A_173 : i32
        %get3A_175 = arith.index_cast %add3A_174 : i32 to index
        %get3A_176 = tpu.vector_load %arg11[%get3A_175] {strides = array<i32>} : memref<32768xf32, #tpu.memory_space<vmem>>, vector<16xf32>,
        %sub3A_177 = vector.broadcast %reduce_max3A_112 : f32 to vector<16xf32>
        %sub3A_178 = arith.subf %get3A_176, %sub3A_177 : vector<16xf32>
        %exp3A_179 = math.exp %sub3A_178 : vector<16xf32>
        %add3A_180 = arith.addf %add3A_169, %exp3A_179 : vector<16xf32>
        %scan3A_181 = arith.constant 4 : i32
        %scan3A_182 = arith.addi %scan3A_138, %scan3A_181 : i32
        %mul3A_183 = arith.constant 16 : i32
        %mul3A_184 = arith.muli %scan3A_182, %mul3A_183 : i32
        %add3A_185 = arith.addi %mul3A_103, %mul3A_184 : i32
        %get3A_186 = arith.index_cast %add3A_185 : i32 to index
        %get3A_187 = tpu.vector_load %arg11[%get3A_186] {strides = array<i32>} : memref<32768xf32, #tpu.memory_space<vmem>>, vector<16xf32>,
        %sub3A_188 = vector.broadcast %reduce_max3A_112 : f32 to vector<16xf32>
        %sub3A_189 = arith.subf %get3A_187, %sub3A_188 : vector<16xf32>
        %exp3A_190 = math.exp %sub3A_189 : vector<16xf32>
        %add3A_191 = arith.addf %add3A_180, %exp3A_190 : vector<16xf32>
        %scan3A_192 = arith.constant 5 : i32
        %scan3A_193 = arith.addi %scan3A_138, %scan3A_192 : i32
        %mul3A_194 = arith.constant 16 : i32
        %mul3A_195 = arith.muli %scan3A_193, %mul3A_194 : i32
        %add3A_196 = arith.addi %mul3A_103, %mul3A_195 : i32
        %get3A_197 = arith.index_cast %add3A_196 : i32 to index
        %get3A_198 = tpu.vector_load %arg11[%get3A_197] {strides = array<i32>} : memref<32768xf32, #tpu.memory_space<vmem>>, vector<16xf32>,
        %sub3A_199 = vector.broadcast %reduce_max3A_112 : f32 to vector<16xf32>
        %sub3A_200 = arith.subf %get3A_198, %sub3A_199 : vector<16xf32>
        %exp3A_201 = math.exp %sub3A_200 : vector<16xf32>
        %add3A_202 = arith.addf %add3A_191, %exp3A_201 : vector<16xf32>
        %scan3A_203 = arith.constant 6 : i32
        %scan3A_204 = arith.addi %scan3A_138, %scan3A_203 : i32
        %mul3A_205 = arith.constant 16 : i32
        %mul3A_206 = arith.muli %scan3A_204, %mul3A_205 : i32
        %add3A_207 = arith.addi %mul3A_103, %mul3A_206 : i32
        %get3A_208 = arith.index_cast %add3A_207 : i32 to index
        %get3A_209 = tpu.vector_load %arg11[%get3A_208] {strides = array<i32>} : memref<32768xf32, #tpu.memory_space<vmem>>, vector<16xf32>,
        %sub3A_210 = vector.broadcast %reduce_max3A_112 : f32 to vector<16xf32>
        %sub3A_211 = arith.subf %get3A_209, %sub3A_210 : vector<16xf32>
        %exp3A_212 = math.exp %sub3A_211 : vector<16xf32>
        %add3A_213 = arith.addf %add3A_202, %exp3A_212 : vector<16xf32>
        %scan3A_214 = arith.constant 7 : i32
        %scan3A_215 = arith.addi %scan3A_138, %scan3A_214 : i32
        %mul3A_216 = arith.constant 16 : i32
        %mul3A_217 = arith.muli %scan3A_215, %mul3A_216 : i32
        %add3A_218 = arith.addi %mul3A_103, %mul3A_217 : i32
        %get3A_219 = arith.index_cast %add3A_218 : i32 to index
        %get3A_220 = tpu.vector_load %arg11[%get3A_219] {strides = array<i32>} : memref<32768xf32, #tpu.memory_space<vmem>>, vector<16xf32>,
        %sub3A_221 = vector.broadcast %reduce_max3A_112 : f32 to vector<16xf32>
        %sub3A_222 = arith.subf %get3A_220, %sub3A_221 : vector<16xf32>
        %exp3A_223 = math.exp %sub3A_222 : vector<16xf32>
        %add3A_224 = arith.addf %add3A_213, %exp3A_223 : vector<16xf32>
        scf.yield %add3A_224 : vector<16xf32>
      }
      %scan3A_118 = arith.constant 32 : i32
      %reduce_sum3A = arith.constant true
      %reduce_sum3A_119 = vector.broadcast %reduce_sum3A : i1 to vector<16xi1>
      %reduce_sum3A_120 = tpu.scan <sum>, %scan3A_117 masked %reduce_sum3A_119 : vector<16xf32>, vector<16xi1> -> vector<16xf32>
      %reduce_sum3A_121 = vector.extract %reduce_sum3A_120[15] : f32 from vector<16xf32>
      %broadcast_in_dim3A_122 = arith.constant 0 : i32
      %broadcast_in_dim3A_123 = vector.broadcast %broadcast_in_dim3A_122 : i32 to vector<16xi32>
      %add3A_124 = vector.broadcast %scan3A_98 : i32 to vector<16xi32>
      %add3A_125 = arith.addi %broadcast_in_dim3A_123, %add3A_124 : vector<16xi32>
      %broadcast_in_dim3A_126 = vector.broadcast %reduce_max3A_112 : f32 to vector<16xf32>
      %eq3A = arith.constant 0 : i32
      %eq3A_127 = vector.broadcast %eq3A : i32 to vector<16xi32>
      %eq3A_128 = arith.cmpi eq, %iota3A, %eq3A_127 : vector<16xi32>
      tpu.vector_store_idx %arg12[%add3A_125], %broadcast_in_dim3A_126 masked %eq3A_128 : memref<128xf32, #tpu.memory_space<vmem>>[vector<16xi32>], vector<16xf32>, vector<16xi1>
      %broadcast_in_dim3A_129 = arith.constant 64 : i32
      %broadcast_in_dim3A_130 = vector.broadcast %broadcast_in_dim3A_129 : i32 to vector<16xi32>
      %add3A_131 = vector.broadcast %scan3A_98 : i32 to vector<16xi32>
      %add3A_132 = arith.addi %broadcast_in_dim3A_130, %add3A_131 : vector<16xi32>
      %broadcast_in_dim3A_133 = vector.broadcast %reduce_sum3A_121 : f32 to vector<16xf32>
      %eq3A_134 = arith.constant 0 : i32
      %eq3A_135 = vector.broadcast %eq3A_134 : i32 to vector<16xi32>
      %eq3A_136 = arith.cmpi eq, %iota3A, %eq3A_135 : vector<16xi32>
      tpu.vector_store_idx %arg12[%add3A_132], %broadcast_in_dim3A_133 masked %eq3A_136 : memref<128xf32, #tpu.memory_space<vmem>>[vector<16xi32>], vector<16xf32>, vector<16xi1>
      %scan3A_137 = arith.constant 0 : i32
      scf.yield %scan3A_137 : i32
    }
    %scan3A_57 = arith.constant 16 : i32
    %scan3A_58 = arith.constant 0 : i32
    %scan3A_59 = arith.constant 0 : i32
    %scan3A_60 = arith.constant 16 : i32
    %scan3A_61 = arith.addi %scan3A_59, %scan3A_60 : i32
    %scan3A_62 = arith.constant 1 : i32
    %scan3A_63 = scf.for %scan3A_98 = %scan3A_59 to %scan3A_61 step %scan3A_62 iter_args(%scan3A_99 = %scan3A_58) -> (i32)  : i32 {
      %add3A_100 = arith.constant 16 : i32
      %add3A_101 = arith.addi %add3A_100, %scan3A_98 : i32
      %mul3A_102 = arith.constant 512 : i32
      %mul3A_103 = arith.muli %add3A_101, %mul3A_102 : i32
      %scan3A_104 = arith.constant 0 : i32
      %scan3A_105 = arith.constant 32 : i32
      %scan3A_106 = arith.addi %scan3A_104, %scan3A_105 : i32
      %scan3A_107 = arith.constant 8 : i32
      %scan3A_108 = scf.for %scan3A_138 = %scan3A_104 to %scan3A_106 step %scan3A_107 iter_args(%scan3A_139 = %broadcast_in_dim3A_5) -> (vector<16xf32>)  : i32 {
        %mul3A_140 = arith.constant 16 : i32
        %mul3A_141 = arith.muli %scan3A_138, %mul3A_140 : i32
        %add3A_142 = arith.addi %mul3A_103, %mul3A_141 : i32
        %get3A_143 = arith.index_cast %add3A_142 : i32 to index
        %get3A_144 = tpu.vector_load %arg11[%get3A_143] {strides = array<i32>} : memref<32768xf32, #tpu.memory_space<vmem>>, vector<16xf32>,
        %max3A = arith.maximumf %scan3A_139, %get3A_144 : vector<16xf32>
        %scan3A_145 = arith.constant 1 : i32
        %scan3A_146 = arith.addi %scan3A_138, %scan3A_145 : i32
        %mul3A_147 = arith.constant 16 : i32
        %mul3A_148 = arith.muli %scan3A_146, %mul3A_147 : i32
        %add3A_149 = arith.addi %mul3A_103, %mul3A_148 : i32
        %get3A_150 = arith.index_cast %add3A_149 : i32 to index
        %get3A_151 = tpu.vector_load %arg11[%get3A_150] {strides = array<i32>} : memref<32768xf32, #tpu.memory_space<vmem>>, vector<16xf32>,
        %max3A_152 = arith.maximumf %max3A, %get3A_151 : vector<16xf32>
        %scan3A_153 = arith.constant 2 : i32
        %scan3A_154 = arith.addi %scan3A_138, %scan3A_153 : i32
        %mul3A_155 = arith.constant 16 : i32
        %mul3A_156 = arith.muli %scan3A_154, %mul3A_155 : i32
        %add3A_157 = arith.addi %mul3A_103, %mul3A_156 : i32
        %get3A_158 = arith.index_cast %add3A_157 : i32 to index
        %get3A_159 = tpu.vector_load %arg11[%get3A_158] {strides = array<i32>} : memref<32768xf32, #tpu.memory_space<vmem>>, vector<16xf32>,
        %max3A_160 = arith.maximumf %max3A_152, %get3A_159 : vector<16xf32>
        %scan3A_161 = arith.constant 3 : i32
        %scan3A_162 = arith.addi %scan3A_138, %scan3A_161 : i32
        %mul3A_163 = arith.constant 16 : i32
        %mul3A_164 = arith.muli %scan3A_162, %mul3A_163 : i32
        %add3A_165 = arith.addi %mul3A_103, %mul3A_164 : i32
        %get3A_166 = arith.index_cast %add3A_165 : i32 to index
        %get3A_167 = tpu.vector_load %arg11[%get3A_166] {strides = array<i32>} : memref<32768xf32, #tpu.memory_space<vmem>>, vector<16xf32>,
        %max3A_168 = arith.maximumf %max3A_160, %get3A_167 : vector<16xf32>
        %scan3A_169 = arith.constant 4 : i32
        %scan3A_170 = arith.addi %scan3A_138, %scan3A_169 : i32
        %mul3A_171 = arith.constant 16 : i32
        %mul3A_172 = arith.muli %scan3A_170, %mul3A_171 : i32
        %add3A_173 = arith.addi %mul3A_103, %mul3A_172 : i32
        %get3A_174 = arith.index_cast %add3A_173 : i32 to index
        %get3A_175 = tpu.vector_load %arg11[%get3A_174] {strides = array<i32>} : memref<32768xf32, #tpu.memory_space<vmem>>, vector<16xf32>,
        %max3A_176 = arith.maximumf %max3A_168, %get3A_175 : vector<16xf32>
        %scan3A_177 = arith.constant 5 : i32
        %scan3A_178 = arith.addi %scan3A_138, %scan3A_177 : i32
        %mul3A_179 = arith.constant 16 : i32
        %mul3A_180 = arith.muli %scan3A_178, %mul3A_179 : i32
        %add3A_181 = arith.addi %mul3A_103, %mul3A_180 : i32
        %get3A_182 = arith.index_cast %add3A_181 : i32 to index
        %get3A_183 = tpu.vector_load %arg11[%get3A_182] {strides = array<i32>} : memref<32768xf32, #tpu.memory_space<vmem>>, vector<16xf32>,
        %max3A_184 = arith.maximumf %max3A_176, %get3A_183 : vector<16xf32>
        %scan3A_185 = arith.constant 6 : i32
        %scan3A_186 = arith.addi %scan3A_138, %scan3A_185 : i32
        %mul3A_187 = arith.constant 16 : i32
        %mul3A_188 = arith.muli %scan3A_186, %mul3A_187 : i32
        %add3A_189 = arith.addi %mul3A_103, %mul3A_188 : i32
        %get3A_190 = arith.index_cast %add3A_189 : i32 to index
        %get3A_191 = tpu.vector_load %arg11[%get3A_190] {strides = array<i32>} : memref<32768xf32, #tpu.memory_space<vmem>>, vector<16xf32>,
        %max3A_192 = arith.maximumf %max3A_184, %get3A_191 : vector<16xf32>
        %scan3A_193 = arith.constant 7 : i32
        %scan3A_194 = arith.addi %scan3A_138, %scan3A_193 : i32
        %mul3A_195 = arith.constant 16 : i32
        %mul3A_196 = arith.muli %scan3A_194, %mul3A_195 : i32
        %add3A_197 = arith.addi %mul3A_103, %mul3A_196 : i32
        %get3A_198 = arith.index_cast %add3A_197 : i32 to index
        %get3A_199 = tpu.vector_load %arg11[%get3A_198] {strides = array<i32>} : memref<32768xf32, #tpu.memory_space<vmem>>, vector<16xf32>,
        %max3A_200 = arith.maximumf %max3A_192, %get3A_199 : vector<16xf32>
        scf.yield %max3A_200 : vector<16xf32>
      }
      %scan3A_109 = arith.constant 32 : i32
      %reduce_max3A = arith.constant true
      %reduce_max3A_110 = vector.broadcast %reduce_max3A : i1 to vector<16xi1>
      %reduce_max3A_111 = tpu.scan <max>, %scan3A_108 masked %reduce_max3A_110 : vector<16xf32>, vector<16xi1> -> vector<16xf32>
      %reduce_max3A_112 = vector.extract %reduce_max3A_111[15] : f32 from vector<16xf32>
      %scan3A_113 = arith.constant 0 : i32
      %scan3A_114 = arith.constant 32 : i32
      %scan3A_115 = arith.addi %scan3A_113, %scan3A_114 : i32
      %scan3A_116 = arith.constant 8 : i32
      %scan3A_117 = scf.for %scan3A_138 = %scan3A_113 to %scan3A_115 step %scan3A_116 iter_args(%scan3A_139 = %broadcast_in_dim3A_3) -> (vector<16xf32>)  : i32 {
        %mul3A_140 = arith.constant 16 : i32
        %mul3A_141 = arith.muli %scan3A_138, %mul3A_140 : i32
        %add3A_142 = arith.addi %mul3A_103, %mul3A_141 : i32
        %get3A_143 = arith.index_cast %add3A_142 : i32 to index
        %get3A_144 = tpu.vector_load %arg11[%get3A_143] {strides = array<i32>} : memref<32768xf32, #tpu.memory_space<vmem>>, vector<16xf32>,
        %sub3A_145 = vector.broadcast %reduce_max3A_112 : f32 to vector<16xf32>
        %sub3A_146 = arith.subf %get3A_144, %sub3A_145 : vector<16xf32>
        %exp3A = math.exp %sub3A_146 : vector<16xf32>
        %add3A_147 = arith.addf %scan3A_139, %exp3A : vector<16xf32>
        %scan3A_148 = arith.constant 1 : i32
        %scan3A_149 = arith.addi %scan3A_138, %scan3A_148 : i32
        %mul3A_150 = arith.constant 16 : i32
        %mul3A_151 = arith.muli %scan3A_149, %mul3A_150 : i32
        %add3A_152 = arith.addi %mul3A_103, %mul3A_151 : i32
        %get3A_153 = arith.index_cast %add3A_152 : i32 to index
        %get3A_154 = tpu.vector_load %arg11[%get3A_153] {strides = array<i32>} : memref<32768xf32, #tpu.memory_space<vmem>>, vector<16xf32>,
        %sub3A_155 = vector.broadcast %reduce_max3A_112 : f32 to vector<16xf32>
        %sub3A_156 = arith.subf %get3A_154, %sub3A_155 : vector<16xf32>
        %exp3A_157 = math.exp %sub3A_156 : vector<16xf32>
        %add3A_158 = arith.addf %add3A_147, %exp3A_157 : vector<16xf32>
        %scan3A_159 = arith.constant 2 : i32
        %scan3A_160 = arith.addi %scan3A_138, %scan3A_159 : i32
        %mul3A_161 = arith.constant 16 : i32
        %mul3A_162 = arith.muli %scan3A_160, %mul3A_161 : i32
        %add3A_163 = arith.addi %mul3A_103, %mul3A_162 : i32
        %get3A_164 = arith.index_cast %add3A_163 : i32 to index
        %get3A_165 = tpu.vector_load %arg11[%get3A_164] {strides = array<i32>} : memref<32768xf32, #tpu.memory_space<vmem>>, vector<16xf32>,
        %sub3A_166 = vector.broadcast %reduce_max3A_112 : f32 to vector<16xf32>
        %sub3A_167 = arith.subf %get3A_165, %sub3A_166 : vector<16xf32>
        %exp3A_168 = math.exp %sub3A_167 : vector<16xf32>
        %add3A_169 = arith.addf %add3A_158, %exp3A_168 : vector<16xf32>
        %scan3A_170 = arith.constant 3 : i32
        %scan3A_171 = arith.addi %scan3A_138, %scan3A_170 : i32
        %mul3A_172 = arith.constant 16 : i32
        %mul3A_173 = arith.muli %scan3A_171, %mul3A_172 : i32
        %add3A_174 = arith.addi %mul3A_103, %mul3A_173 : i32
        %get3A_175 = arith.index_cast %add3A_174 : i32 to index
        %get3A_176 = tpu.vector_load %arg11[%get3A_175] {strides = array<i32>} : memref<32768xf32, #tpu.memory_space<vmem>>, vector<16xf32>,
        %sub3A_177 = vector.broadcast %reduce_max3A_112 : f32 to vector<16xf32>
        %sub3A_178 = arith.subf %get3A_176, %sub3A_177 : vector<16xf32>
        %exp3A_179 = math.exp %sub3A_178 : vector<16xf32>
        %add3A_180 = arith.addf %add3A_169, %exp3A_179 : vector<16xf32>
        %scan3A_181 = arith.constant 4 : i32
        %scan3A_182 = arith.addi %scan3A_138, %scan3A_181 : i32
        %mul3A_183 = arith.constant 16 : i32
        %mul3A_184 = arith.muli %scan3A_182, %mul3A_183 : i32
        %add3A_185 = arith.addi %mul3A_103, %mul3A_184 : i32
        %get3A_186 = arith.index_cast %add3A_185 : i32 to index
        %get3A_187 = tpu.vector_load %arg11[%get3A_186] {strides = array<i32>} : memref<32768xf32, #tpu.memory_space<vmem>>, vector<16xf32>,
        %sub3A_188 = vector.broadcast %reduce_max3A_112 : f32 to vector<16xf32>
        %sub3A_189 = arith.subf %get3A_187, %sub3A_188 : vector<16xf32>
        %exp3A_190 = math.exp %sub3A_189 : vector<16xf32>
        %add3A_191 = arith.addf %add3A_180, %exp3A_190 : vector<16xf32>
        %scan3A_192 = arith.constant 5 : i32
        %scan3A_193 = arith.addi %scan3A_138, %scan3A_192 : i32
        %mul3A_194 = arith.constant 16 : i32
        %mul3A_195 = arith.muli %scan3A_193, %mul3A_194 : i32
        %add3A_196 = arith.addi %mul3A_103, %mul3A_195 : i32
        %get3A_197 = arith.index_cast %add3A_196 : i32 to index
        %get3A_198 = tpu.vector_load %arg11[%get3A_197] {strides = array<i32>} : memref<32768xf32, #tpu.memory_space<vmem>>, vector<16xf32>,
        %sub3A_199 = vector.broadcast %reduce_max3A_112 : f32 to vector<16xf32>
        %sub3A_200 = arith.subf %get3A_198, %sub3A_199 : vector<16xf32>
        %exp3A_201 = math.exp %sub3A_200 : vector<16xf32>
        %add3A_202 = arith.addf %add3A_191, %exp3A_201 : vector<16xf32>
        %scan3A_203 = arith.constant 6 : i32
        %scan3A_204 = arith.addi %scan3A_138, %scan3A_203 : i32
        %mul3A_205 = arith.constant 16 : i32
        %mul3A_206 = arith.muli %scan3A_204, %mul3A_205 : i32
        %add3A_207 = arith.addi %mul3A_103, %mul3A_206 : i32
        %get3A_208 = arith.index_cast %add3A_207 : i32 to index
        %get3A_209 = tpu.vector_load %arg11[%get3A_208] {strides = array<i32>} : memref<32768xf32, #tpu.memory_space<vmem>>, vector<16xf32>,
        %sub3A_210 = vector.broadcast %reduce_max3A_112 : f32 to vector<16xf32>
        %sub3A_211 = arith.subf %get3A_209, %sub3A_210 : vector<16xf32>
        %exp3A_212 = math.exp %sub3A_211 : vector<16xf32>
        %add3A_213 = arith.addf %add3A_202, %exp3A_212 : vector<16xf32>
        %scan3A_214 = arith.constant 7 : i32
        %scan3A_215 = arith.addi %scan3A_138, %scan3A_214 : i32
        %mul3A_216 = arith.constant 16 : i32
        %mul3A_217 = arith.muli %scan3A_215, %mul3A_216 : i32
        %add3A_218 = arith.addi %mul3A_103, %mul3A_217 : i32
        %get3A_219 = arith.index_cast %add3A_218 : i32 to index
        %get3A_220 = tpu.vector_load %arg11[%get3A_219] {strides = array<i32>} : memref<32768xf32, #tpu.memory_space<vmem>>, vector<16xf32>,
        %sub3A_221 = vector.broadcast %reduce_max3A_112 : f32 to vector<16xf32>
        %sub3A_222 = arith.subf %get3A_220, %sub3A_221 : vector<16xf32>
        %exp3A_223 = math.exp %sub3A_222 : vector<16xf32>
        %add3A_224 = arith.addf %add3A_213, %exp3A_223 : vector<16xf32>
        scf.yield %add3A_224 : vector<16xf32>
      }
      %scan3A_118 = arith.constant 32 : i32
      %reduce_sum3A = arith.constant true
      %reduce_sum3A_119 = vector.broadcast %reduce_sum3A : i1 to vector<16xi1>
      %reduce_sum3A_120 = tpu.scan <sum>, %scan3A_117 masked %reduce_sum3A_119 : vector<16xf32>, vector<16xi1> -> vector<16xf32>
      %reduce_sum3A_121 = vector.extract %reduce_sum3A_120[15] : f32 from vector<16xf32>
      %broadcast_in_dim3A_122 = arith.constant 16 : i32
      %broadcast_in_dim3A_123 = vector.broadcast %broadcast_in_dim3A_122 : i32 to vector<16xi32>
      %add3A_124 = vector.broadcast %scan3A_98 : i32 to vector<16xi32>
      %add3A_125 = arith.addi %broadcast_in_dim3A_123, %add3A_124 : vector<16xi32>
      %broadcast_in_dim3A_126 = vector.broadcast %reduce_max3A_112 : f32 to vector<16xf32>
      %eq3A = arith.constant 0 : i32
      %eq3A_127 = vector.broadcast %eq3A : i32 to vector<16xi32>
      %eq3A_128 = arith.cmpi eq, %iota3A, %eq3A_127 : vector<16xi32>
      tpu.vector_store_idx %arg12[%add3A_125], %broadcast_in_dim3A_126 masked %eq3A_128 : memref<128xf32, #tpu.memory_space<vmem>>[vector<16xi32>], vector<16xf32>, vector<16xi1>
      %broadcast_in_dim3A_129 = arith.constant 80 : i32
      %broadcast_in_dim3A_130 = vector.broadcast %broadcast_in_dim3A_129 : i32 to vector<16xi32>
      %add3A_131 = vector.broadcast %scan3A_98 : i32 to vector<16xi32>
      %add3A_132 = arith.addi %broadcast_in_dim3A_130, %add3A_131 : vector<16xi32>
      %broadcast_in_dim3A_133 = vector.broadcast %reduce_sum3A_121 : f32 to vector<16xf32>
      %eq3A_134 = arith.constant 0 : i32
      %eq3A_135 = vector.broadcast %eq3A_134 : i32 to vector<16xi32>
      %eq3A_136 = arith.cmpi eq, %iota3A, %eq3A_135 : vector<16xi32>
      tpu.vector_store_idx %arg12[%add3A_132], %broadcast_in_dim3A_133 masked %eq3A_136 : memref<128xf32, #tpu.memory_space<vmem>>[vector<16xi32>], vector<16xf32>, vector<16xi1>
      %scan3A_137 = arith.constant 0 : i32
      scf.yield %scan3A_137 : i32
    }
    %scan3A_64 = arith.constant 16 : i32
    %scan3A_65 = arith.constant 0 : i32
    %scan3A_66 = arith.constant 0 : i32
    %scan3A_67 = arith.constant 16 : i32
    %scan3A_68 = arith.addi %scan3A_66, %scan3A_67 : i32
    %scan3A_69 = arith.constant 1 : i32
    %scan3A_70 = scf.for %scan3A_98 = %scan3A_66 to %scan3A_68 step %scan3A_69 iter_args(%scan3A_99 = %scan3A_65) -> (i32)  : i32 {
      %add3A_100 = arith.constant 32 : i32
      %add3A_101 = arith.addi %add3A_100, %scan3A_98 : i32
      %mul3A_102 = arith.constant 512 : i32
      %mul3A_103 = arith.muli %add3A_101, %mul3A_102 : i32
      %scan3A_104 = arith.constant 0 : i32
      %scan3A_105 = arith.constant 32 : i32
      %scan3A_106 = arith.addi %scan3A_104, %scan3A_105 : i32
      %scan3A_107 = arith.constant 8 : i32
      %scan3A_108 = scf.for %scan3A_138 = %scan3A_104 to %scan3A_106 step %scan3A_107 iter_args(%scan3A_139 = %broadcast_in_dim3A_5) -> (vector<16xf32>)  : i32 {
        %mul3A_140 = arith.constant 16 : i32
        %mul3A_141 = arith.muli %scan3A_138, %mul3A_140 : i32
        %add3A_142 = arith.addi %mul3A_103, %mul3A_141 : i32
        %get3A_143 = arith.index_cast %add3A_142 : i32 to index
        %get3A_144 = tpu.vector_load %arg11[%get3A_143] {strides = array<i32>} : memref<32768xf32, #tpu.memory_space<vmem>>, vector<16xf32>,
        %max3A = arith.maximumf %scan3A_139, %get3A_144 : vector<16xf32>
        %scan3A_145 = arith.constant 1 : i32
        %scan3A_146 = arith.addi %scan3A_138, %scan3A_145 : i32
        %mul3A_147 = arith.constant 16 : i32
        %mul3A_148 = arith.muli %scan3A_146, %mul3A_147 : i32
        %add3A_149 = arith.addi %mul3A_103, %mul3A_148 : i32
        %get3A_150 = arith.index_cast %add3A_149 : i32 to index
        %get3A_151 = tpu.vector_load %arg11[%get3A_150] {strides = array<i32>} : memref<32768xf32, #tpu.memory_space<vmem>>, vector<16xf32>,
        %max3A_152 = arith.maximumf %max3A, %get3A_151 : vector<16xf32>
        %scan3A_153 = arith.constant 2 : i32
        %scan3A_154 = arith.addi %scan3A_138, %scan3A_153 : i32
        %mul3A_155 = arith.constant 16 : i32
        %mul3A_156 = arith.muli %scan3A_154, %mul3A_155 : i32
        %add3A_157 = arith.addi %mul3A_103, %mul3A_156 : i32
        %get3A_158 = arith.index_cast %add3A_157 : i32 to index
        %get3A_159 = tpu.vector_load %arg11[%get3A_158] {strides = array<i32>} : memref<32768xf32, #tpu.memory_space<vmem>>, vector<16xf32>,
        %max3A_160 = arith.maximumf %max3A_152, %get3A_159 : vector<16xf32>
        %scan3A_161 = arith.constant 3 : i32
        %scan3A_162 = arith.addi %scan3A_138, %scan3A_161 : i32
        %mul3A_163 = arith.constant 16 : i32
        %mul3A_164 = arith.muli %scan3A_162, %mul3A_163 : i32
        %add3A_165 = arith.addi %mul3A_103, %mul3A_164 : i32
        %get3A_166 = arith.index_cast %add3A_165 : i32 to index
        %get3A_167 = tpu.vector_load %arg11[%get3A_166] {strides = array<i32>} : memref<32768xf32, #tpu.memory_space<vmem>>, vector<16xf32>,
        %max3A_168 = arith.maximumf %max3A_160, %get3A_167 : vector<16xf32>
        %scan3A_169 = arith.constant 4 : i32
        %scan3A_170 = arith.addi %scan3A_138, %scan3A_169 : i32
        %mul3A_171 = arith.constant 16 : i32
        %mul3A_172 = arith.muli %scan3A_170, %mul3A_171 : i32
        %add3A_173 = arith.addi %mul3A_103, %mul3A_172 : i32
        %get3A_174 = arith.index_cast %add3A_173 : i32 to index
        %get3A_175 = tpu.vector_load %arg11[%get3A_174] {strides = array<i32>} : memref<32768xf32, #tpu.memory_space<vmem>>, vector<16xf32>,
        %max3A_176 = arith.maximumf %max3A_168, %get3A_175 : vector<16xf32>
        %scan3A_177 = arith.constant 5 : i32
        %scan3A_178 = arith.addi %scan3A_138, %scan3A_177 : i32
        %mul3A_179 = arith.constant 16 : i32
        %mul3A_180 = arith.muli %scan3A_178, %mul3A_179 : i32
        %add3A_181 = arith.addi %mul3A_103, %mul3A_180 : i32
        %get3A_182 = arith.index_cast %add3A_181 : i32 to index
        %get3A_183 = tpu.vector_load %arg11[%get3A_182] {strides = array<i32>} : memref<32768xf32, #tpu.memory_space<vmem>>, vector<16xf32>,
        %max3A_184 = arith.maximumf %max3A_176, %get3A_183 : vector<16xf32>
        %scan3A_185 = arith.constant 6 : i32
        %scan3A_186 = arith.addi %scan3A_138, %scan3A_185 : i32
        %mul3A_187 = arith.constant 16 : i32
        %mul3A_188 = arith.muli %scan3A_186, %mul3A_187 : i32
        %add3A_189 = arith.addi %mul3A_103, %mul3A_188 : i32
        %get3A_190 = arith.index_cast %add3A_189 : i32 to index
        %get3A_191 = tpu.vector_load %arg11[%get3A_190] {strides = array<i32>} : memref<32768xf32, #tpu.memory_space<vmem>>, vector<16xf32>,
        %max3A_192 = arith.maximumf %max3A_184, %get3A_191 : vector<16xf32>
        %scan3A_193 = arith.constant 7 : i32
        %scan3A_194 = arith.addi %scan3A_138, %scan3A_193 : i32
        %mul3A_195 = arith.constant 16 : i32
        %mul3A_196 = arith.muli %scan3A_194, %mul3A_195 : i32
        %add3A_197 = arith.addi %mul3A_103, %mul3A_196 : i32
        %get3A_198 = arith.index_cast %add3A_197 : i32 to index
        %get3A_199 = tpu.vector_load %arg11[%get3A_198] {strides = array<i32>} : memref<32768xf32, #tpu.memory_space<vmem>>, vector<16xf32>,
        %max3A_200 = arith.maximumf %max3A_192, %get3A_199 : vector<16xf32>
        scf.yield %max3A_200 : vector<16xf32>
      }
      %scan3A_109 = arith.constant 32 : i32
      %reduce_max3A = arith.constant true
      %reduce_max3A_110 = vector.broadcast %reduce_max3A : i1 to vector<16xi1>
      %reduce_max3A_111 = tpu.scan <max>, %scan3A_108 masked %reduce_max3A_110 : vector<16xf32>, vector<16xi1> -> vector<16xf32>
      %reduce_max3A_112 = vector.extract %reduce_max3A_111[15] : f32 from vector<16xf32>
      %scan3A_113 = arith.constant 0 : i32
      %scan3A_114 = arith.constant 32 : i32
      %scan3A_115 = arith.addi %scan3A_113, %scan3A_114 : i32
      %scan3A_116 = arith.constant 8 : i32
      %scan3A_117 = scf.for %scan3A_138 = %scan3A_113 to %scan3A_115 step %scan3A_116 iter_args(%scan3A_139 = %broadcast_in_dim3A_3) -> (vector<16xf32>)  : i32 {
        %mul3A_140 = arith.constant 16 : i32
        %mul3A_141 = arith.muli %scan3A_138, %mul3A_140 : i32
        %add3A_142 = arith.addi %mul3A_103, %mul3A_141 : i32
        %get3A_143 = arith.index_cast %add3A_142 : i32 to index
        %get3A_144 = tpu.vector_load %arg11[%get3A_143] {strides = array<i32>} : memref<32768xf32, #tpu.memory_space<vmem>>, vector<16xf32>,
        %sub3A_145 = vector.broadcast %reduce_max3A_112 : f32 to vector<16xf32>
        %sub3A_146 = arith.subf %get3A_144, %sub3A_145 : vector<16xf32>
        %exp3A = math.exp %sub3A_146 : vector<16xf32>
        %add3A_147 = arith.addf %scan3A_139, %exp3A : vector<16xf32>
        %scan3A_148 = arith.constant 1 : i32
        %scan3A_149 = arith.addi %scan3A_138, %scan3A_148 : i32
        %mul3A_150 = arith.constant 16 : i32
        %mul3A_151 = arith.muli %scan3A_149, %mul3A_150 : i32
        %add3A_152 = arith.addi %mul3A_103, %mul3A_151 : i32
        %get3A_153 = arith.index_cast %add3A_152 : i32 to index
        %get3A_154 = tpu.vector_load %arg11[%get3A_153] {strides = array<i32>} : memref<32768xf32, #tpu.memory_space<vmem>>, vector<16xf32>,
        %sub3A_155 = vector.broadcast %reduce_max3A_112 : f32 to vector<16xf32>
        %sub3A_156 = arith.subf %get3A_154, %sub3A_155 : vector<16xf32>
        %exp3A_157 = math.exp %sub3A_156 : vector<16xf32>
        %add3A_158 = arith.addf %add3A_147, %exp3A_157 : vector<16xf32>
        %scan3A_159 = arith.constant 2 : i32
        %scan3A_160 = arith.addi %scan3A_138, %scan3A_159 : i32
        %mul3A_161 = arith.constant 16 : i32
        %mul3A_162 = arith.muli %scan3A_160, %mul3A_161 : i32
        %add3A_163 = arith.addi %mul3A_103, %mul3A_162 : i32
        %get3A_164 = arith.index_cast %add3A_163 : i32 to index
        %get3A_165 = tpu.vector_load %arg11[%get3A_164] {strides = array<i32>} : memref<32768xf32, #tpu.memory_space<vmem>>, vector<16xf32>,
        %sub3A_166 = vector.broadcast %reduce_max3A_112 : f32 to vector<16xf32>
        %sub3A_167 = arith.subf %get3A_165, %sub3A_166 : vector<16xf32>
        %exp3A_168 = math.exp %sub3A_167 : vector<16xf32>
        %add3A_169 = arith.addf %add3A_158, %exp3A_168 : vector<16xf32>
        %scan3A_170 = arith.constant 3 : i32
        %scan3A_171 = arith.addi %scan3A_138, %scan3A_170 : i32
        %mul3A_172 = arith.constant 16 : i32
        %mul3A_173 = arith.muli %scan3A_171, %mul3A_172 : i32
        %add3A_174 = arith.addi %mul3A_103, %mul3A_173 : i32
        %get3A_175 = arith.index_cast %add3A_174 : i32 to index
        %get3A_176 = tpu.vector_load %arg11[%get3A_175] {strides = array<i32>} : memref<32768xf32, #tpu.memory_space<vmem>>, vector<16xf32>,
        %sub3A_177 = vector.broadcast %reduce_max3A_112 : f32 to vector<16xf32>
        %sub3A_178 = arith.subf %get3A_176, %sub3A_177 : vector<16xf32>
        %exp3A_179 = math.exp %sub3A_178 : vector<16xf32>
        %add3A_180 = arith.addf %add3A_169, %exp3A_179 : vector<16xf32>
        %scan3A_181 = arith.constant 4 : i32
        %scan3A_182 = arith.addi %scan3A_138, %scan3A_181 : i32
        %mul3A_183 = arith.constant 16 : i32
        %mul3A_184 = arith.muli %scan3A_182, %mul3A_183 : i32
        %add3A_185 = arith.addi %mul3A_103, %mul3A_184 : i32
        %get3A_186 = arith.index_cast %add3A_185 : i32 to index
        %get3A_187 = tpu.vector_load %arg11[%get3A_186] {strides = array<i32>} : memref<32768xf32, #tpu.memory_space<vmem>>, vector<16xf32>,
        %sub3A_188 = vector.broadcast %reduce_max3A_112 : f32 to vector<16xf32>
        %sub3A_189 = arith.subf %get3A_187, %sub3A_188 : vector<16xf32>
        %exp3A_190 = math.exp %sub3A_189 : vector<16xf32>
        %add3A_191 = arith.addf %add3A_180, %exp3A_190 : vector<16xf32>
        %scan3A_192 = arith.constant 5 : i32
        %scan3A_193 = arith.addi %scan3A_138, %scan3A_192 : i32
        %mul3A_194 = arith.constant 16 : i32
        %mul3A_195 = arith.muli %scan3A_193, %mul3A_194 : i32
        %add3A_196 = arith.addi %mul3A_103, %mul3A_195 : i32
        %get3A_197 = arith.index_cast %add3A_196 : i32 to index
        %get3A_198 = tpu.vector_load %arg11[%get3A_197] {strides = array<i32>} : memref<32768xf32, #tpu.memory_space<vmem>>, vector<16xf32>,
        %sub3A_199 = vector.broadcast %reduce_max3A_112 : f32 to vector<16xf32>
        %sub3A_200 = arith.subf %get3A_198, %sub3A_199 : vector<16xf32>
        %exp3A_201 = math.exp %sub3A_200 : vector<16xf32>
        %add3A_202 = arith.addf %add3A_191, %exp3A_201 : vector<16xf32>
        %scan3A_203 = arith.constant 6 : i32
        %scan3A_204 = arith.addi %scan3A_138, %scan3A_203 : i32
        %mul3A_205 = arith.constant 16 : i32
        %mul3A_206 = arith.muli %scan3A_204, %mul3A_205 : i32
        %add3A_207 = arith.addi %mul3A_103, %mul3A_206 : i32
        %get3A_208 = arith.index_cast %add3A_207 : i32 to index
        %get3A_209 = tpu.vector_load %arg11[%get3A_208] {strides = array<i32>} : memref<32768xf32, #tpu.memory_space<vmem>>, vector<16xf32>,
        %sub3A_210 = vector.broadcast %reduce_max3A_112 : f32 to vector<16xf32>
        %sub3A_211 = arith.subf %get3A_209, %sub3A_210 : vector<16xf32>
        %exp3A_212 = math.exp %sub3A_211 : vector<16xf32>
        %add3A_213 = arith.addf %add3A_202, %exp3A_212 : vector<16xf32>
        %scan3A_214 = arith.constant 7 : i32
        %scan3A_215 = arith.addi %scan3A_138, %scan3A_214 : i32
        %mul3A_216 = arith.constant 16 : i32
        %mul3A_217 = arith.muli %scan3A_215, %mul3A_216 : i32
        %add3A_218 = arith.addi %mul3A_103, %mul3A_217 : i32
        %get3A_219 = arith.index_cast %add3A_218 : i32 to index
        %get3A_220 = tpu.vector_load %arg11[%get3A_219] {strides = array<i32>} : memref<32768xf32, #tpu.memory_space<vmem>>, vector<16xf32>,
        %sub3A_221 = vector.broadcast %reduce_max3A_112 : f32 to vector<16xf32>
        %sub3A_222 = arith.subf %get3A_220, %sub3A_221 : vector<16xf32>
        %exp3A_223 = math.exp %sub3A_222 : vector<16xf32>
        %add3A_224 = arith.addf %add3A_213, %exp3A_223 : vector<16xf32>
        scf.yield %add3A_224 : vector<16xf32>
      }
      %scan3A_118 = arith.constant 32 : i32
      %reduce_sum3A = arith.constant true
      %reduce_sum3A_119 = vector.broadcast %reduce_sum3A : i1 to vector<16xi1>
      %reduce_sum3A_120 = tpu.scan <sum>, %scan3A_117 masked %reduce_sum3A_119 : vector<16xf32>, vector<16xi1> -> vector<16xf32>
      %reduce_sum3A_121 = vector.extract %reduce_sum3A_120[15] : f32 from vector<16xf32>
      %broadcast_in_dim3A_122 = arith.constant 32 : i32
      %broadcast_in_dim3A_123 = vector.broadcast %broadcast_in_dim3A_122 : i32 to vector<16xi32>
      %add3A_124 = vector.broadcast %scan3A_98 : i32 to vector<16xi32>
      %add3A_125 = arith.addi %broadcast_in_dim3A_123, %add3A_124 : vector<16xi32>
      %broadcast_in_dim3A_126 = vector.broadcast %reduce_max3A_112 : f32 to vector<16xf32>
      %eq3A = arith.constant 0 : i32
      %eq3A_127 = vector.broadcast %eq3A : i32 to vector<16xi32>
      %eq3A_128 = arith.cmpi eq, %iota3A, %eq3A_127 : vector<16xi32>
      tpu.vector_store_idx %arg12[%add3A_125], %broadcast_in_dim3A_126 masked %eq3A_128 : memref<128xf32, #tpu.memory_space<vmem>>[vector<16xi32>], vector<16xf32>, vector<16xi1>
      %broadcast_in_dim3A_129 = arith.constant 96 : i32
      %broadcast_in_dim3A_130 = vector.broadcast %broadcast_in_dim3A_129 : i32 to vector<16xi32>
      %add3A_131 = vector.broadcast %scan3A_98 : i32 to vector<16xi32>
      %add3A_132 = arith.addi %broadcast_in_dim3A_130, %add3A_131 : vector<16xi32>
      %broadcast_in_dim3A_133 = vector.broadcast %reduce_sum3A_121 : f32 to vector<16xf32>
      %eq3A_134 = arith.constant 0 : i32
      %eq3A_135 = vector.broadcast %eq3A_134 : i32 to vector<16xi32>
      %eq3A_136 = arith.cmpi eq, %iota3A, %eq3A_135 : vector<16xi32>
      tpu.vector_store_idx %arg12[%add3A_132], %broadcast_in_dim3A_133 masked %eq3A_136 : memref<128xf32, #tpu.memory_space<vmem>>[vector<16xi32>], vector<16xf32>, vector<16xi1>
      %scan3A_137 = arith.constant 0 : i32
      scf.yield %scan3A_137 : i32
    }
    %scan3A_71 = arith.constant 16 : i32
    %scan3A_72 = arith.constant 0 : i32
    %scan3A_73 = arith.constant 0 : i32
    %scan3A_74 = arith.constant 16 : i32
    %scan3A_75 = arith.addi %scan3A_73, %scan3A_74 : i32
    %scan3A_76 = arith.constant 1 : i32
    %scan3A_77 = scf.for %scan3A_98 = %scan3A_73 to %scan3A_75 step %scan3A_76 iter_args(%scan3A_99 = %scan3A_72) -> (i32)  : i32 {
      %add3A_100 = arith.constant 48 : i32
      %add3A_101 = arith.addi %add3A_100, %scan3A_98 : i32
      %mul3A_102 = arith.constant 512 : i32
      %mul3A_103 = arith.muli %add3A_101, %mul3A_102 : i32
      %scan3A_104 = arith.constant 0 : i32
      %scan3A_105 = arith.constant 32 : i32
      %scan3A_106 = arith.addi %scan3A_104, %scan3A_105 : i32
      %scan3A_107 = arith.constant 8 : i32
      %scan3A_108 = scf.for %scan3A_138 = %scan3A_104 to %scan3A_106 step %scan3A_107 iter_args(%scan3A_139 = %broadcast_in_dim3A_5) -> (vector<16xf32>)  : i32 {
        %mul3A_140 = arith.constant 16 : i32
        %mul3A_141 = arith.muli %scan3A_138, %mul3A_140 : i32
        %add3A_142 = arith.addi %mul3A_103, %mul3A_141 : i32
        %get3A_143 = arith.index_cast %add3A_142 : i32 to index
        %get3A_144 = tpu.vector_load %arg11[%get3A_143] {strides = array<i32>} : memref<32768xf32, #tpu.memory_space<vmem>>, vector<16xf32>,
        %max3A = arith.maximumf %scan3A_139, %get3A_144 : vector<16xf32>
        %scan3A_145 = arith.constant 1 : i32
        %scan3A_146 = arith.addi %scan3A_138, %scan3A_145 : i32
        %mul3A_147 = arith.constant 16 : i32
        %mul3A_148 = arith.muli %scan3A_146, %mul3A_147 : i32
        %add3A_149 = arith.addi %mul3A_103, %mul3A_148 : i32
        %get3A_150 = arith.index_cast %add3A_149 : i32 to index
        %get3A_151 = tpu.vector_load %arg11[%get3A_150] {strides = array<i32>} : memref<32768xf32, #tpu.memory_space<vmem>>, vector<16xf32>,
        %max3A_152 = arith.maximumf %max3A, %get3A_151 : vector<16xf32>
        %scan3A_153 = arith.constant 2 : i32
        %scan3A_154 = arith.addi %scan3A_138, %scan3A_153 : i32
        %mul3A_155 = arith.constant 16 : i32
        %mul3A_156 = arith.muli %scan3A_154, %mul3A_155 : i32
        %add3A_157 = arith.addi %mul3A_103, %mul3A_156 : i32
        %get3A_158 = arith.index_cast %add3A_157 : i32 to index
        %get3A_159 = tpu.vector_load %arg11[%get3A_158] {strides = array<i32>} : memref<32768xf32, #tpu.memory_space<vmem>>, vector<16xf32>,
        %max3A_160 = arith.maximumf %max3A_152, %get3A_159 : vector<16xf32>
        %scan3A_161 = arith.constant 3 : i32
        %scan3A_162 = arith.addi %scan3A_138, %scan3A_161 : i32
        %mul3A_163 = arith.constant 16 : i32
        %mul3A_164 = arith.muli %scan3A_162, %mul3A_163 : i32
        %add3A_165 = arith.addi %mul3A_103, %mul3A_164 : i32
        %get3A_166 = arith.index_cast %add3A_165 : i32 to index
        %get3A_167 = tpu.vector_load %arg11[%get3A_166] {strides = array<i32>} : memref<32768xf32, #tpu.memory_space<vmem>>, vector<16xf32>,
        %max3A_168 = arith.maximumf %max3A_160, %get3A_167 : vector<16xf32>
        %scan3A_169 = arith.constant 4 : i32
        %scan3A_170 = arith.addi %scan3A_138, %scan3A_169 : i32
        %mul3A_171 = arith.constant 16 : i32
        %mul3A_172 = arith.muli %scan3A_170, %mul3A_171 : i32
        %add3A_173 = arith.addi %mul3A_103, %mul3A_172 : i32
        %get3A_174 = arith.index_cast %add3A_173 : i32 to index
        %get3A_175 = tpu.vector_load %arg11[%get3A_174] {strides = array<i32>} : memref<32768xf32, #tpu.memory_space<vmem>>, vector<16xf32>,
        %max3A_176 = arith.maximumf %max3A_168, %get3A_175 : vector<16xf32>
        %scan3A_177 = arith.constant 5 : i32
        %scan3A_178 = arith.addi %scan3A_138, %scan3A_177 : i32
        %mul3A_179 = arith.constant 16 : i32
        %mul3A_180 = arith.muli %scan3A_178, %mul3A_179 : i32
        %add3A_181 = arith.addi %mul3A_103, %mul3A_180 : i32
        %get3A_182 = arith.index_cast %add3A_181 : i32 to index
        %get3A_183 = tpu.vector_load %arg11[%get3A_182] {strides = array<i32>} : memref<32768xf32, #tpu.memory_space<vmem>>, vector<16xf32>,
        %max3A_184 = arith.maximumf %max3A_176, %get3A_183 : vector<16xf32>
        %scan3A_185 = arith.constant 6 : i32
        %scan3A_186 = arith.addi %scan3A_138, %scan3A_185 : i32
        %mul3A_187 = arith.constant 16 : i32
        %mul3A_188 = arith.muli %scan3A_186, %mul3A_187 : i32
        %add3A_189 = arith.addi %mul3A_103, %mul3A_188 : i32
        %get3A_190 = arith.index_cast %add3A_189 : i32 to index
        %get3A_191 = tpu.vector_load %arg11[%get3A_190] {strides = array<i32>} : memref<32768xf32, #tpu.memory_space<vmem>>, vector<16xf32>,
        %max3A_192 = arith.maximumf %max3A_184, %get3A_191 : vector<16xf32>
        %scan3A_193 = arith.constant 7 : i32
        %scan3A_194 = arith.addi %scan3A_138, %scan3A_193 : i32
        %mul3A_195 = arith.constant 16 : i32
        %mul3A_196 = arith.muli %scan3A_194, %mul3A_195 : i32
        %add3A_197 = arith.addi %mul3A_103, %mul3A_196 : i32
        %get3A_198 = arith.index_cast %add3A_197 : i32 to index
        %get3A_199 = tpu.vector_load %arg11[%get3A_198] {strides = array<i32>} : memref<32768xf32, #tpu.memory_space<vmem>>, vector<16xf32>,
        %max3A_200 = arith.maximumf %max3A_192, %get3A_199 : vector<16xf32>
        scf.yield %max3A_200 : vector<16xf32>
      }
      %scan3A_109 = arith.constant 32 : i32
      %reduce_max3A = arith.constant true
      %reduce_max3A_110 = vector.broadcast %reduce_max3A : i1 to vector<16xi1>
      %reduce_max3A_111 = tpu.scan <max>, %scan3A_108 masked %reduce_max3A_110 : vector<16xf32>, vector<16xi1> -> vector<16xf32>
      %reduce_max3A_112 = vector.extract %reduce_max3A_111[15] : f32 from vector<16xf32>
      %scan3A_113 = arith.constant 0 : i32
      %scan3A_114 = arith.constant 32 : i32
      %scan3A_115 = arith.addi %scan3A_113, %scan3A_114 : i32
      %scan3A_116 = arith.constant 8 : i32
      %scan3A_117 = scf.for %scan3A_138 = %scan3A_113 to %scan3A_115 step %scan3A_116 iter_args(%scan3A_139 = %broadcast_in_dim3A_3) -> (vector<16xf32>)  : i32 {
        %mul3A_140 = arith.constant 16 : i32
        %mul3A_141 = arith.muli %scan3A_138, %mul3A_140 : i32
        %add3A_142 = arith.addi %mul3A_103, %mul3A_141 : i32
        %get3A_143 = arith.index_cast %add3A_142 : i32 to index
        %get3A_144 = tpu.vector_load %arg11[%get3A_143] {strides = array<i32>} : memref<32768xf32, #tpu.memory_space<vmem>>, vector<16xf32>,
        %sub3A_145 = vector.broadcast %reduce_max3A_112 : f32 to vector<16xf32>
        %sub3A_146 = arith.subf %get3A_144, %sub3A_145 : vector<16xf32>
        %exp3A = math.exp %sub3A_146 : vector<16xf32>
        %add3A_147 = arith.addf %scan3A_139, %exp3A : vector<16xf32>
        %scan3A_148 = arith.constant 1 : i32
        %scan3A_149 = arith.addi %scan3A_138, %scan3A_148 : i32
        %mul3A_150 = arith.constant 16 : i32
        %mul3A_151 = arith.muli %scan3A_149, %mul3A_150 : i32
        %add3A_152 = arith.addi %mul3A_103, %mul3A_151 : i32
        %get3A_153 = arith.index_cast %add3A_152 : i32 to index
        %get3A_154 = tpu.vector_load %arg11[%get3A_153] {strides = array<i32>} : memref<32768xf32, #tpu.memory_space<vmem>>, vector<16xf32>,
        %sub3A_155 = vector.broadcast %reduce_max3A_112 : f32 to vector<16xf32>
        %sub3A_156 = arith.subf %get3A_154, %sub3A_155 : vector<16xf32>
        %exp3A_157 = math.exp %sub3A_156 : vector<16xf32>
        %add3A_158 = arith.addf %add3A_147, %exp3A_157 : vector<16xf32>
        %scan3A_159 = arith.constant 2 : i32
        %scan3A_160 = arith.addi %scan3A_138, %scan3A_159 : i32
        %mul3A_161 = arith.constant 16 : i32
        %mul3A_162 = arith.muli %scan3A_160, %mul3A_161 : i32
        %add3A_163 = arith.addi %mul3A_103, %mul3A_162 : i32
        %get3A_164 = arith.index_cast %add3A_163 : i32 to index
        %get3A_165 = tpu.vector_load %arg11[%get3A_164] {strides = array<i32>} : memref<32768xf32, #tpu.memory_space<vmem>>, vector<16xf32>,
        %sub3A_166 = vector.broadcast %reduce_max3A_112 : f32 to vector<16xf32>
        %sub3A_167 = arith.subf %get3A_165, %sub3A_166 : vector<16xf32>
        %exp3A_168 = math.exp %sub3A_167 : vector<16xf32>
        %add3A_169 = arith.addf %add3A_158, %exp3A_168 : vector<16xf32>
        %scan3A_170 = arith.constant 3 : i32
        %scan3A_171 = arith.addi %scan3A_138, %scan3A_170 : i32
        %mul3A_172 = arith.constant 16 : i32
        %mul3A_173 = arith.muli %scan3A_171, %mul3A_172 : i32
        %add3A_174 = arith.addi %mul3A_103, %mul3A_173 : i32
        %get3A_175 = arith.index_cast %add3A_174 : i32 to index
        %get3A_176 = tpu.vector_load %arg11[%get3A_175] {strides = array<i32>} : memref<32768xf32, #tpu.memory_space<vmem>>, vector<16xf32>,
        %sub3A_177 = vector.broadcast %reduce_max3A_112 : f32 to vector<16xf32>
        %sub3A_178 = arith.subf %get3A_176, %sub3A_177 : vector<16xf32>
        %exp3A_179 = math.exp %sub3A_178 : vector<16xf32>
        %add3A_180 = arith.addf %add3A_169, %exp3A_179 : vector<16xf32>
        %scan3A_181 = arith.constant 4 : i32
        %scan3A_182 = arith.addi %scan3A_138, %scan3A_181 : i32
        %mul3A_183 = arith.constant 16 : i32
        %mul3A_184 = arith.muli %scan3A_182, %mul3A_183 : i32
        %add3A_185 = arith.addi %mul3A_103, %mul3A_184 : i32
        %get3A_186 = arith.index_cast %add3A_185 : i32 to index
        %get3A_187 = tpu.vector_load %arg11[%get3A_186] {strides = array<i32>} : memref<32768xf32, #tpu.memory_space<vmem>>, vector<16xf32>,
        %sub3A_188 = vector.broadcast %reduce_max3A_112 : f32 to vector<16xf32>
        %sub3A_189 = arith.subf %get3A_187, %sub3A_188 : vector<16xf32>
        %exp3A_190 = math.exp %sub3A_189 : vector<16xf32>
        %add3A_191 = arith.addf %add3A_180, %exp3A_190 : vector<16xf32>
        %scan3A_192 = arith.constant 5 : i32
        %scan3A_193 = arith.addi %scan3A_138, %scan3A_192 : i32
        %mul3A_194 = arith.constant 16 : i32
        %mul3A_195 = arith.muli %scan3A_193, %mul3A_194 : i32
        %add3A_196 = arith.addi %mul3A_103, %mul3A_195 : i32
        %get3A_197 = arith.index_cast %add3A_196 : i32 to index
        %get3A_198 = tpu.vector_load %arg11[%get3A_197] {strides = array<i32>} : memref<32768xf32, #tpu.memory_space<vmem>>, vector<16xf32>,
        %sub3A_199 = vector.broadcast %reduce_max3A_112 : f32 to vector<16xf32>
        %sub3A_200 = arith.subf %get3A_198, %sub3A_199 : vector<16xf32>
        %exp3A_201 = math.exp %sub3A_200 : vector<16xf32>
        %add3A_202 = arith.addf %add3A_191, %exp3A_201 : vector<16xf32>
        %scan3A_203 = arith.constant 6 : i32
        %scan3A_204 = arith.addi %scan3A_138, %scan3A_203 : i32
        %mul3A_205 = arith.constant 16 : i32
        %mul3A_206 = arith.muli %scan3A_204, %mul3A_205 : i32
        %add3A_207 = arith.addi %mul3A_103, %mul3A_206 : i32
        %get3A_208 = arith.index_cast %add3A_207 : i32 to index
        %get3A_209 = tpu.vector_load %arg11[%get3A_208] {strides = array<i32>} : memref<32768xf32, #tpu.memory_space<vmem>>, vector<16xf32>,
        %sub3A_210 = vector.broadcast %reduce_max3A_112 : f32 to vector<16xf32>
        %sub3A_211 = arith.subf %get3A_209, %sub3A_210 : vector<16xf32>
        %exp3A_212 = math.exp %sub3A_211 : vector<16xf32>
        %add3A_213 = arith.addf %add3A_202, %exp3A_212 : vector<16xf32>
        %scan3A_214 = arith.constant 7 : i32
        %scan3A_215 = arith.addi %scan3A_138, %scan3A_214 : i32
        %mul3A_216 = arith.constant 16 : i32
        %mul3A_217 = arith.muli %scan3A_215, %mul3A_216 : i32
        %add3A_218 = arith.addi %mul3A_103, %mul3A_217 : i32
        %get3A_219 = arith.index_cast %add3A_218 : i32 to index
        %get3A_220 = tpu.vector_load %arg11[%get3A_219] {strides = array<i32>} : memref<32768xf32, #tpu.memory_space<vmem>>, vector<16xf32>,
        %sub3A_221 = vector.broadcast %reduce_max3A_112 : f32 to vector<16xf32>
        %sub3A_222 = arith.subf %get3A_220, %sub3A_221 : vector<16xf32>
        %exp3A_223 = math.exp %sub3A_222 : vector<16xf32>
        %add3A_224 = arith.addf %add3A_213, %exp3A_223 : vector<16xf32>
        scf.yield %add3A_224 : vector<16xf32>
      }
      %scan3A_118 = arith.constant 32 : i32
      %reduce_sum3A = arith.constant true
      %reduce_sum3A_119 = vector.broadcast %reduce_sum3A : i1 to vector<16xi1>
      %reduce_sum3A_120 = tpu.scan <sum>, %scan3A_117 masked %reduce_sum3A_119 : vector<16xf32>, vector<16xi1> -> vector<16xf32>
      %reduce_sum3A_121 = vector.extract %reduce_sum3A_120[15] : f32 from vector<16xf32>
      %broadcast_in_dim3A_122 = arith.constant 48 : i32
      %broadcast_in_dim3A_123 = vector.broadcast %broadcast_in_dim3A_122 : i32 to vector<16xi32>
      %add3A_124 = vector.broadcast %scan3A_98 : i32 to vector<16xi32>
      %add3A_125 = arith.addi %broadcast_in_dim3A_123, %add3A_124 : vector<16xi32>
      %broadcast_in_dim3A_126 = vector.broadcast %reduce_max3A_112 : f32 to vector<16xf32>
      %eq3A = arith.constant 0 : i32
      %eq3A_127 = vector.broadcast %eq3A : i32 to vector<16xi32>
      %eq3A_128 = arith.cmpi eq, %iota3A, %eq3A_127 : vector<16xi32>
      tpu.vector_store_idx %arg12[%add3A_125], %broadcast_in_dim3A_126 masked %eq3A_128 : memref<128xf32, #tpu.memory_space<vmem>>[vector<16xi32>], vector<16xf32>, vector<16xi1>
      %broadcast_in_dim3A_129 = arith.constant 112 : i32
      %broadcast_in_dim3A_130 = vector.broadcast %broadcast_in_dim3A_129 : i32 to vector<16xi32>
      %add3A_131 = vector.broadcast %scan3A_98 : i32 to vector<16xi32>
      %add3A_132 = arith.addi %broadcast_in_dim3A_130, %add3A_131 : vector<16xi32>
      %broadcast_in_dim3A_133 = vector.broadcast %reduce_sum3A_121 : f32 to vector<16xf32>
      %eq3A_134 = arith.constant 0 : i32
      %eq3A_135 = vector.broadcast %eq3A_134 : i32 to vector<16xi32>
      %eq3A_136 = arith.cmpi eq, %iota3A, %eq3A_135 : vector<16xi32>
      tpu.vector_store_idx %arg12[%add3A_132], %broadcast_in_dim3A_133 masked %eq3A_136 : memref<128xf32, #tpu.memory_space<vmem>>[vector<16xi32>], vector<16xf32>, vector<16xi1>
      %scan3A_137 = arith.constant 0 : i32
      scf.yield %scan3A_137 : i32
    }
    %scan3A_78 = arith.constant 16 : i32
    %scan3A_79 = arith.constant 0 : i32
    %scan3A_80 = arith.constant 0 : i32
    %scan3A_81 = arith.constant 256 : i32
    %scan3A_82 = arith.addi %scan3A_80, %scan3A_81 : i32
    %scan3A_83 = arith.constant 2 : i32
    %scan3A_84 = scf.for %scan3A_98 = %scan3A_80 to %scan3A_82 step %scan3A_83 iter_args(%scan3A_99 = %scan3A_79) -> (i32)  : i32 {
      %mul3A_100 = arith.constant 128 : i32
      %mul3A_101 = arith.muli %scan3A_98, %mul3A_100 : i32
      %add3A_102 = arith.constant 0 : i32
      %add3A_103 = arith.addi %mul3A_101, %add3A_102 : i32
      %swap3A_104 = arith.index_cast %add3A_103 : i32 to index
      %swap3A_105 = tpu.vector_load %arg11[%swap3A_104] {strides = array<i32>} : memref<32768xf32, #tpu.memory_space<vmem>>, vector<16xf32>,
      tpu.vector_store %arg11[%swap3A_104], %broadcast_in_dim3A_3 {strides = array<i32>} : memref<32768xf32, #tpu.memory_space<vmem>>, vector<16xf32>,
      %mul3A_106 = arith.constant 128 : i32
      %mul3A_107 = arith.muli %scan3A_98, %mul3A_106 : i32
      %add3A_108 = arith.constant 16 : i32
      %add3A_109 = arith.addi %mul3A_107, %add3A_108 : i32
      %swap3A_110 = arith.index_cast %add3A_109 : i32 to index
      %swap3A_111 = tpu.vector_load %arg11[%swap3A_110] {strides = array<i32>} : memref<32768xf32, #tpu.memory_space<vmem>>, vector<16xf32>,
      tpu.vector_store %arg11[%swap3A_110], %broadcast_in_dim3A_3 {strides = array<i32>} : memref<32768xf32, #tpu.memory_space<vmem>>, vector<16xf32>,
      %mul3A_112 = arith.constant 128 : i32
      %mul3A_113 = arith.muli %scan3A_98, %mul3A_112 : i32
      %add3A_114 = arith.constant 32 : i32
      %add3A_115 = arith.addi %mul3A_113, %add3A_114 : i32
      %swap3A_116 = arith.index_cast %add3A_115 : i32 to index
      %swap3A_117 = tpu.vector_load %arg11[%swap3A_116] {strides = array<i32>} : memref<32768xf32, #tpu.memory_space<vmem>>, vector<16xf32>,
      tpu.vector_store %arg11[%swap3A_116], %broadcast_in_dim3A_3 {strides = array<i32>} : memref<32768xf32, #tpu.memory_space<vmem>>, vector<16xf32>,
      %mul3A_118 = arith.constant 128 : i32
      %mul3A_119 = arith.muli %scan3A_98, %mul3A_118 : i32
      %add3A_120 = arith.constant 48 : i32
      %add3A_121 = arith.addi %mul3A_119, %add3A_120 : i32
      %swap3A_122 = arith.index_cast %add3A_121 : i32 to index
      %swap3A_123 = tpu.vector_load %arg11[%swap3A_122] {strides = array<i32>} : memref<32768xf32, #tpu.memory_space<vmem>>, vector<16xf32>,
      tpu.vector_store %arg11[%swap3A_122], %broadcast_in_dim3A_3 {strides = array<i32>} : memref<32768xf32, #tpu.memory_space<vmem>>, vector<16xf32>,
      %mul3A_124 = arith.constant 128 : i32
      %mul3A_125 = arith.muli %scan3A_98, %mul3A_124 : i32
      %add3A_126 = arith.constant 64 : i32
      %add3A_127 = arith.addi %mul3A_125, %add3A_126 : i32
      %swap3A_128 = arith.index_cast %add3A_127 : i32 to index
      %swap3A_129 = tpu.vector_load %arg11[%swap3A_128] {strides = array<i32>} : memref<32768xf32, #tpu.memory_space<vmem>>, vector<16xf32>,
      tpu.vector_store %arg11[%swap3A_128], %broadcast_in_dim3A_3 {strides = array<i32>} : memref<32768xf32, #tpu.memory_space<vmem>>, vector<16xf32>,
      %mul3A_130 = arith.constant 128 : i32
      %mul3A_131 = arith.muli %scan3A_98, %mul3A_130 : i32
      %add3A_132 = arith.constant 80 : i32
      %add3A_133 = arith.addi %mul3A_131, %add3A_132 : i32
      %swap3A_134 = arith.index_cast %add3A_133 : i32 to index
      %swap3A_135 = tpu.vector_load %arg11[%swap3A_134] {strides = array<i32>} : memref<32768xf32, #tpu.memory_space<vmem>>, vector<16xf32>,
      tpu.vector_store %arg11[%swap3A_134], %broadcast_in_dim3A_3 {strides = array<i32>} : memref<32768xf32, #tpu.memory_space<vmem>>, vector<16xf32>,
      %mul3A_136 = arith.constant 128 : i32
      %mul3A_137 = arith.muli %scan3A_98, %mul3A_136 : i32
      %add3A_138 = arith.constant 96 : i32
      %add3A_139 = arith.addi %mul3A_137, %add3A_138 : i32
      %swap3A_140 = arith.index_cast %add3A_139 : i32 to index
      %swap3A_141 = tpu.vector_load %arg11[%swap3A_140] {strides = array<i32>} : memref<32768xf32, #tpu.memory_space<vmem>>, vector<16xf32>,
      tpu.vector_store %arg11[%swap3A_140], %broadcast_in_dim3A_3 {strides = array<i32>} : memref<32768xf32, #tpu.memory_space<vmem>>, vector<16xf32>,
      %mul3A_142 = arith.constant 128 : i32
      %mul3A_143 = arith.muli %scan3A_98, %mul3A_142 : i32
      %add3A_144 = arith.constant 112 : i32
      %add3A_145 = arith.addi %mul3A_143, %add3A_144 : i32
      %swap3A_146 = arith.index_cast %add3A_145 : i32 to index
      %swap3A_147 = tpu.vector_load %arg11[%swap3A_146] {strides = array<i32>} : memref<32768xf32, #tpu.memory_space<vmem>>, vector<16xf32>,
      tpu.vector_store %arg11[%swap3A_146], %broadcast_in_dim3A_3 {strides = array<i32>} : memref<32768xf32, #tpu.memory_space<vmem>>, vector<16xf32>,
      %scan3A_148 = arith.constant 0 : i32
      %scan3A_149 = arith.constant 1 : i32
      %scan3A_150 = arith.addi %scan3A_98, %scan3A_149 : i32
      %mul3A_151 = arith.constant 128 : i32
      %mul3A_152 = arith.muli %scan3A_150, %mul3A_151 : i32
      %add3A_153 = arith.constant 0 : i32
      %add3A_154 = arith.addi %mul3A_152, %add3A_153 : i32
      %swap3A_155 = arith.index_cast %add3A_154 : i32 to index
      %swap3A_156 = tpu.vector_load %arg11[%swap3A_155] {strides = array<i32>} : memref<32768xf32, #tpu.memory_space<vmem>>, vector<16xf32>,
      tpu.vector_store %arg11[%swap3A_155], %broadcast_in_dim3A_3 {strides = array<i32>} : memref<32768xf32, #tpu.memory_space<vmem>>, vector<16xf32>,
      %mul3A_157 = arith.constant 128 : i32
      %mul3A_158 = arith.muli %scan3A_150, %mul3A_157 : i32
      %add3A_159 = arith.constant 16 : i32
      %add3A_160 = arith.addi %mul3A_158, %add3A_159 : i32
      %swap3A_161 = arith.index_cast %add3A_160 : i32 to index
      %swap3A_162 = tpu.vector_load %arg11[%swap3A_161] {strides = array<i32>} : memref<32768xf32, #tpu.memory_space<vmem>>, vector<16xf32>,
      tpu.vector_store %arg11[%swap3A_161], %broadcast_in_dim3A_3 {strides = array<i32>} : memref<32768xf32, #tpu.memory_space<vmem>>, vector<16xf32>,
      %mul3A_163 = arith.constant 128 : i32
      %mul3A_164 = arith.muli %scan3A_150, %mul3A_163 : i32
      %add3A_165 = arith.constant 32 : i32
      %add3A_166 = arith.addi %mul3A_164, %add3A_165 : i32
      %swap3A_167 = arith.index_cast %add3A_166 : i32 to index
      %swap3A_168 = tpu.vector_load %arg11[%swap3A_167] {strides = array<i32>} : memref<32768xf32, #tpu.memory_space<vmem>>, vector<16xf32>,
      tpu.vector_store %arg11[%swap3A_167], %broadcast_in_dim3A_3 {strides = array<i32>} : memref<32768xf32, #tpu.memory_space<vmem>>, vector<16xf32>,
      %mul3A_169 = arith.constant 128 : i32
      %mul3A_170 = arith.muli %scan3A_150, %mul3A_169 : i32
      %add3A_171 = arith.constant 48 : i32
      %add3A_172 = arith.addi %mul3A_170, %add3A_171 : i32
      %swap3A_173 = arith.index_cast %add3A_172 : i32 to index
      %swap3A_174 = tpu.vector_load %arg11[%swap3A_173] {strides = array<i32>} : memref<32768xf32, #tpu.memory_space<vmem>>, vector<16xf32>,
      tpu.vector_store %arg11[%swap3A_173], %broadcast_in_dim3A_3 {strides = array<i32>} : memref<32768xf32, #tpu.memory_space<vmem>>, vector<16xf32>,
      %mul3A_175 = arith.constant 128 : i32
      %mul3A_176 = arith.muli %scan3A_150, %mul3A_175 : i32
      %add3A_177 = arith.constant 64 : i32
      %add3A_178 = arith.addi %mul3A_176, %add3A_177 : i32
      %swap3A_179 = arith.index_cast %add3A_178 : i32 to index
      %swap3A_180 = tpu.vector_load %arg11[%swap3A_179] {strides = array<i32>} : memref<32768xf32, #tpu.memory_space<vmem>>, vector<16xf32>,
      tpu.vector_store %arg11[%swap3A_179], %broadcast_in_dim3A_3 {strides = array<i32>} : memref<32768xf32, #tpu.memory_space<vmem>>, vector<16xf32>,
      %mul3A_181 = arith.constant 128 : i32
      %mul3A_182 = arith.muli %scan3A_150, %mul3A_181 : i32
      %add3A_183 = arith.constant 80 : i32
      %add3A_184 = arith.addi %mul3A_182, %add3A_183 : i32
      %swap3A_185 = arith.index_cast %add3A_184 : i32 to index
      %swap3A_186 = tpu.vector_load %arg11[%swap3A_185] {strides = array<i32>} : memref<32768xf32, #tpu.memory_space<vmem>>, vector<16xf32>,
      tpu.vector_store %arg11[%swap3A_185], %broadcast_in_dim3A_3 {strides = array<i32>} : memref<32768xf32, #tpu.memory_space<vmem>>, vector<16xf32>,
      %mul3A_187 = arith.constant 128 : i32
      %mul3A_188 = arith.muli %scan3A_150, %mul3A_187 : i32
      %add3A_189 = arith.constant 96 : i32
      %add3A_190 = arith.addi %mul3A_188, %add3A_189 : i32
      %swap3A_191 = arith.index_cast %add3A_190 : i32 to index
      %swap3A_192 = tpu.vector_load %arg11[%swap3A_191] {strides = array<i32>} : memref<32768xf32, #tpu.memory_space<vmem>>, vector<16xf32>,
      tpu.vector_store %arg11[%swap3A_191], %broadcast_in_dim3A_3 {strides = array<i32>} : memref<32768xf32, #tpu.memory_space<vmem>>, vector<16xf32>,
      %mul3A_193 = arith.constant 128 : i32
      %mul3A_194 = arith.muli %scan3A_150, %mul3A_193 : i32
      %add3A_195 = arith.constant 112 : i32
      %add3A_196 = arith.addi %mul3A_194, %add3A_195 : i32
      %swap3A_197 = arith.index_cast %add3A_196 : i32 to index
      %swap3A_198 = tpu.vector_load %arg11[%swap3A_197] {strides = array<i32>} : memref<32768xf32, #tpu.memory_space<vmem>>, vector<16xf32>,
      tpu.vector_store %arg11[%swap3A_197], %broadcast_in_dim3A_3 {strides = array<i32>} : memref<32768xf32, #tpu.memory_space<vmem>>, vector<16xf32>,
      %scan3A_199 = arith.constant 0 : i32
      scf.yield %scan3A_199 : i32
    }
    %scan3A_85 = arith.constant 256 : i32
    %while3A_86 = arith.constant 0 : i32
    %while3A_87 = arith.constant 0 : i32
    %while3A_88 = arith.subi %select_n3A, %while3A_86 : i32
    %while3A_89 = arith.addi %while3A_86, %while3A_88 : i32
    %while3A_90 = arith.constant 1 : i32
    %while3A_91 = arith.divsi %while3A_88, %while3A_90 : i32
    %while3A_92 = arith.muli %while3A_91, %while3A_90 : i32
    %while3A_93 = arith.addi %while3A_86, %while3A_92 : i32
    %while3A_94 = arith.constant 1 : i32
    %while3A_95 = scf.for %while3A_98 = %while3A_86 to %while3A_93 step %while3A_94 iter_args(%while3A_99 = %while3A_87) -> (i32)  : i32 {
      %mul3A_100 = arith.constant 16 : i32
      %mul3A_101 = arith.muli %while3A_98, %mul3A_100 : i32
      %add3A_102 = vector.broadcast %mul3A_101 : i32 to vector<16xi32>
      %add3A_103 = arith.addi %iota3A, %add3A_102 : vector<16xi32>
      %lt3A = vector.broadcast %squeeze3A : i32 to vector<16xi32>
      %lt3A_104 = arith.cmpi slt, %add3A_103, %lt3A : vector<16xi32>
      %mul3A_105 = arith.constant 16 : i32
      %mul3A_106 = arith.muli %while3A_98, %mul3A_105 : i32
      %get3A_107 = arith.index_cast %mul3A_106 : i32 to index
      %get3A_108 = tpu.vector_load %arg9[%get3A_107] {strides = array<i32>} : memref<8192xi32, #tpu.memory_space<vmem>>, vector<16xi32>,
      %jit3A_109 = arith.constant 0 : i32
      %broadcast_in_dim3A_110 = vector.broadcast %jit3A_109 : i32 to vector<16xi32>
      %select_n3A_111 = arith.select %lt3A_104, %get3A_108, %broadcast_in_dim3A_110 : vector<16xi1>, vector<16xi32>
      %gather3A = tpu.vector_load_idx %arg6[%select_n3A_111] : memref<8192xi32, #tpu.memory_space<vmem>>[vector<16xi32>], vector<16xi32>,
      %gather3A_112 = tpu.vector_load_idx %arg7[%select_n3A_111] : memref<8192xi32, #tpu.memory_space<vmem>>[vector<16xi32>], vector<16xi32>,
      %sub3A_113 = vector.broadcast %mul3A_2 : i32 to vector<16xi32>
      %sub3A_114 = arith.subi %gather3A, %sub3A_113 : vector<16xi32>
      %mul3A_115 = arith.constant 512 : i32
      %mul3A_116 = vector.broadcast %mul3A_115 : i32 to vector<16xi32>
      %mul3A_117 = arith.muli %sub3A_114, %mul3A_116 : vector<16xi32>
      %add3A_118 = arith.addi %mul3A_117, %gather3A_112 : vector<16xi32>
      %jit3A_119 = arith.constant 0 : i32
      %jit3A_120 = arith.constant 8191 : i32
      %max3A = vector.broadcast %jit3A_119 : i32 to vector<16xi32>
      %max3A_121 = arith.maxsi %max3A, %add3A_118 : vector<16xi32>
      %min3A = vector.broadcast %jit3A_120 : i32 to vector<16xi32>
      %min3A_122 = arith.minsi %min3A, %max3A_121 : vector<16xi32>
      %gather3A_123 = tpu.vector_load_idx %arg10[%min3A_122] : memref<8192xi32, #tpu.memory_space<vmem>>[vector<16xi32>], vector<16xi32>,
      %eq3A = arith.cmpi eq, %gather3A_123, %select_n3A_111 : vector<16xi32>
      %and3A_124 = arith.andi %eq3A, %lt3A_104 : vector<16xi1>
      %sub3A_125 = vector.broadcast %mul3A_2 : i32 to vector<16xi32>
      %sub3A_126 = arith.subi %gather3A, %sub3A_125 : vector<16xi32>
      %jit3A_127 = arith.constant 0 : i32
      %jit3A_128 = arith.constant 15 : i32
      %max3A_129 = vector.broadcast %jit3A_127 : i32 to vector<16xi32>
      %max3A_130 = arith.maxsi %max3A_129, %sub3A_126 : vector<16xi32>
      %min3A_131 = vector.broadcast %jit3A_128 : i32 to vector<16xi32>
      %min3A_132 = arith.minsi %min3A_131, %max3A_130 : vector<16xi32>
      %eq3A_133 = arith.cmpi eq, %gather3A, %gather3A_112 : vector<16xi32>
      %jit3A_134 = arith.constant 1.000000e+00 : f32
      %jit3A_135 = arith.constant 0.000000e+00 : f32
      %broadcast_in_dim3A_136 = vector.broadcast %jit3A_134 : f32 to vector<16xf32>
      %broadcast_in_dim3A_137 = vector.broadcast %jit3A_135 : f32 to vector<16xf32>
      %select_n3A_138 = arith.select %eq3A_133, %broadcast_in_dim3A_136, %broadcast_in_dim3A_137 : vector<16xi1>, vector<16xf32>
      %add3A_139 = arith.constant 0 : i32
      %add3A_140 = vector.broadcast %add3A_139 : i32 to vector<16xi32>
      %add3A_141 = arith.addi %add3A_140, %min3A_132 : vector<16xi32>
      %gather3A_142 = tpu.vector_load_idx %arg12[%add3A_141] : memref<128xf32, #tpu.memory_space<vmem>>[vector<16xi32>], vector<16xf32>,
      %add3A_143 = arith.constant 64 : i32
      %add3A_144 = vector.broadcast %add3A_143 : i32 to vector<16xi32>
      %add3A_145 = arith.addi %add3A_141, %add3A_144 : vector<16xi32>
      %gather3A_146 = tpu.vector_load_idx %arg12[%add3A_145] : memref<128xf32, #tpu.memory_space<vmem>>[vector<16xi32>], vector<16xf32>,
      %mul3A_147 = arith.constant 4 : i32
      %mul3A_148 = vector.broadcast %mul3A_147 : i32 to vector<16xi32>
      %mul3A_149 = arith.muli %select_n3A_111, %mul3A_148 : vector<16xi32>
      %add3A_150 = arith.constant 0 : i32
      %add3A_151 = vector.broadcast %add3A_150 : i32 to vector<16xi32>
      %add3A_152 = arith.addi %mul3A_149, %add3A_151 : vector<16xi32>
      %gather3A_153 = tpu.vector_load_idx %arg8[%add3A_152] : memref<32768xf32, #tpu.memory_space<vmem>>[vector<16xi32>], vector<16xf32>,
      %sub3A_154 = arith.subf %gather3A_153, %gather3A_142 : vector<16xf32>
      %exp3A = math.exp %sub3A_154 : vector<16xf32>
      %div3A_155 = arith.divf %exp3A, %gather3A_146 : vector<16xf32>
      %add3A_156 = arith.constant 0 : i32
      %add3A_157 = vector.broadcast %add3A_156 : i32 to vector<16xi32>
      %add3A_158 = arith.addi %add3A_157, %select_n3A_111 : vector<16xi32>
      %sub3A_159 = arith.subf %select_n3A_138, %div3A_155 : vector<16xf32>
      tpu.vector_store_idx %arg11[%add3A_158], %sub3A_159 masked %and3A_124 : memref<32768xf32, #tpu.memory_space<vmem>>[vector<16xi32>], vector<16xf32>, vector<16xi1>
      %add3A_160 = arith.constant 16 : i32
      %add3A_161 = vector.broadcast %add3A_160 : i32 to vector<16xi32>
      %add3A_162 = arith.addi %add3A_161, %min3A_132 : vector<16xi32>
      %gather3A_163 = tpu.vector_load_idx %arg12[%add3A_162] : memref<128xf32, #tpu.memory_space<vmem>>[vector<16xi32>], vector<16xf32>,
      %add3A_164 = arith.constant 64 : i32
      %add3A_165 = vector.broadcast %add3A_164 : i32 to vector<16xi32>
      %add3A_166 = arith.addi %add3A_162, %add3A_165 : vector<16xi32>
      %gather3A_167 = tpu.vector_load_idx %arg12[%add3A_166] : memref<128xf32, #tpu.memory_space<vmem>>[vector<16xi32>], vector<16xf32>,
      %mul3A_168 = arith.constant 4 : i32
      %mul3A_169 = vector.broadcast %mul3A_168 : i32 to vector<16xi32>
      %mul3A_170 = arith.muli %select_n3A_111, %mul3A_169 : vector<16xi32>
      %add3A_171 = arith.constant 1 : i32
      %add3A_172 = vector.broadcast %add3A_171 : i32 to vector<16xi32>
      %add3A_173 = arith.addi %mul3A_170, %add3A_172 : vector<16xi32>
      %gather3A_174 = tpu.vector_load_idx %arg8[%add3A_173] : memref<32768xf32, #tpu.memory_space<vmem>>[vector<16xi32>], vector<16xf32>,
      %sub3A_175 = arith.subf %gather3A_174, %gather3A_163 : vector<16xf32>
      %exp3A_176 = math.exp %sub3A_175 : vector<16xf32>
      %div3A_177 = arith.divf %exp3A_176, %gather3A_167 : vector<16xf32>
      %add3A_178 = arith.constant 8192 : i32
      %add3A_179 = vector.broadcast %add3A_178 : i32 to vector<16xi32>
      %add3A_180 = arith.addi %add3A_179, %select_n3A_111 : vector<16xi32>
      %sub3A_181 = arith.subf %select_n3A_138, %div3A_177 : vector<16xf32>
      tpu.vector_store_idx %arg11[%add3A_180], %sub3A_181 masked %and3A_124 : memref<32768xf32, #tpu.memory_space<vmem>>[vector<16xi32>], vector<16xf32>, vector<16xi1>
      %add3A_182 = arith.constant 32 : i32
      %add3A_183 = vector.broadcast %add3A_182 : i32 to vector<16xi32>
      %add3A_184 = arith.addi %add3A_183, %min3A_132 : vector<16xi32>
      %gather3A_185 = tpu.vector_load_idx %arg12[%add3A_184] : memref<128xf32, #tpu.memory_space<vmem>>[vector<16xi32>], vector<16xf32>,
      %add3A_186 = arith.constant 64 : i32
      %add3A_187 = vector.broadcast %add3A_186 : i32 to vector<16xi32>
      %add3A_188 = arith.addi %add3A_184, %add3A_187 : vector<16xi32>
      %gather3A_189 = tpu.vector_load_idx %arg12[%add3A_188] : memref<128xf32, #tpu.memory_space<vmem>>[vector<16xi32>], vector<16xf32>,
      %mul3A_190 = arith.constant 4 : i32
      %mul3A_191 = vector.broadcast %mul3A_190 : i32 to vector<16xi32>
      %mul3A_192 = arith.muli %select_n3A_111, %mul3A_191 : vector<16xi32>
      %add3A_193 = arith.constant 2 : i32
      %add3A_194 = vector.broadcast %add3A_193 : i32 to vector<16xi32>
      %add3A_195 = arith.addi %mul3A_192, %add3A_194 : vector<16xi32>
      %gather3A_196 = tpu.vector_load_idx %arg8[%add3A_195] : memref<32768xf32, #tpu.memory_space<vmem>>[vector<16xi32>], vector<16xf32>,
      %sub3A_197 = arith.subf %gather3A_196, %gather3A_185 : vector<16xf32>
      %exp3A_198 = math.exp %sub3A_197 : vector<16xf32>
      %div3A_199 = arith.divf %exp3A_198, %gather3A_189 : vector<16xf32>
      %add3A_200 = arith.constant 16384 : i32
      %add3A_201 = vector.broadcast %add3A_200 : i32 to vector<16xi32>
      %add3A_202 = arith.addi %add3A_201, %select_n3A_111 : vector<16xi32>
      %sub3A_203 = arith.subf %select_n3A_138, %div3A_199 : vector<16xf32>
      tpu.vector_store_idx %arg11[%add3A_202], %sub3A_203 masked %and3A_124 : memref<32768xf32, #tpu.memory_space<vmem>>[vector<16xi32>], vector<16xf32>, vector<16xi1>
      %add3A_204 = arith.constant 48 : i32
      %add3A_205 = vector.broadcast %add3A_204 : i32 to vector<16xi32>
      %add3A_206 = arith.addi %add3A_205, %min3A_132 : vector<16xi32>
      %gather3A_207 = tpu.vector_load_idx %arg12[%add3A_206] : memref<128xf32, #tpu.memory_space<vmem>>[vector<16xi32>], vector<16xf32>,
      %add3A_208 = arith.constant 64 : i32
      %add3A_209 = vector.broadcast %add3A_208 : i32 to vector<16xi32>
      %add3A_210 = arith.addi %add3A_206, %add3A_209 : vector<16xi32>
      %gather3A_211 = tpu.vector_load_idx %arg12[%add3A_210] : memref<128xf32, #tpu.memory_space<vmem>>[vector<16xi32>], vector<16xf32>,
      %mul3A_212 = arith.constant 4 : i32
      %mul3A_213 = vector.broadcast %mul3A_212 : i32 to vector<16xi32>
      %mul3A_214 = arith.muli %select_n3A_111, %mul3A_213 : vector<16xi32>
      %add3A_215 = arith.constant 3 : i32
      %add3A_216 = vector.broadcast %add3A_215 : i32 to vector<16xi32>
      %add3A_217 = arith.addi %mul3A_214, %add3A_216 : vector<16xi32>
      %gather3A_218 = tpu.vector_load_idx %arg8[%add3A_217] : memref<32768xf32, #tpu.memory_space<vmem>>[vector<16xi32>], vector<16xf32>,
      %sub3A_219 = arith.subf %gather3A_218, %gather3A_207 : vector<16xf32>
      %exp3A_220 = math.exp %sub3A_219 : vector<16xf32>
      %div3A_221 = arith.divf %exp3A_220, %gather3A_211 : vector<16xf32>
      %add3A_222 = arith.constant 24576 : i32
      %add3A_223 = vector.broadcast %add3A_222 : i32 to vector<16xi32>
      %add3A_224 = arith.addi %add3A_223, %select_n3A_111 : vector<16xi32>
      %sub3A_225 = arith.subf %select_n3A_138, %div3A_221 : vector<16xf32>
      tpu.vector_store_idx %arg11[%add3A_224], %sub3A_225 masked %and3A_124 : memref<32768xf32, #tpu.memory_space<vmem>>[vector<16xi32>], vector<16xf32>, vector<16xi1>
      %while3A_226 = arith.constant 0 : i32
      scf.yield %while3A_226 : i32
    }
    %while3A_96 = arith.constant 1 : i32
    %while3A_97 = scf.for %while3A_98 = %while3A_93 to %while3A_89 step %while3A_96 iter_args(%while3A_99 = %while3A_95) -> (i32)  : i32 {
      %mul3A_100 = arith.constant 16 : i32
      %mul3A_101 = arith.muli %while3A_98, %mul3A_100 : i32
      %add3A_102 = vector.broadcast %mul3A_101 : i32 to vector<16xi32>
      %add3A_103 = arith.addi %iota3A, %add3A_102 : vector<16xi32>
      %lt3A = vector.broadcast %squeeze3A : i32 to vector<16xi32>
      %lt3A_104 = arith.cmpi slt, %add3A_103, %lt3A : vector<16xi32>
      %mul3A_105 = arith.constant 16 : i32
      %mul3A_106 = arith.muli %while3A_98, %mul3A_105 : i32
      %get3A_107 = arith.index_cast %mul3A_106 : i32 to index
      %get3A_108 = tpu.vector_load %arg9[%get3A_107] {strides = array<i32>} : memref<8192xi32, #tpu.memory_space<vmem>>, vector<16xi32>,
      %jit3A_109 = arith.constant 0 : i32
      %broadcast_in_dim3A_110 = vector.broadcast %jit3A_109 : i32 to vector<16xi32>
      %select_n3A_111 = arith.select %lt3A_104, %get3A_108, %broadcast_in_dim3A_110 : vector<16xi1>, vector<16xi32>
      %gather3A = tpu.vector_load_idx %arg6[%select_n3A_111] : memref<8192xi32, #tpu.memory_space<vmem>>[vector<16xi32>], vector<16xi32>,
      %gather3A_112 = tpu.vector_load_idx %arg7[%select_n3A_111] : memref<8192xi32, #tpu.memory_space<vmem>>[vector<16xi32>], vector<16xi32>,
      %sub3A_113 = vector.broadcast %mul3A_2 : i32 to vector<16xi32>
      %sub3A_114 = arith.subi %gather3A, %sub3A_113 : vector<16xi32>
      %mul3A_115 = arith.constant 512 : i32
      %mul3A_116 = vector.broadcast %mul3A_115 : i32 to vector<16xi32>
      %mul3A_117 = arith.muli %sub3A_114, %mul3A_116 : vector<16xi32>
      %add3A_118 = arith.addi %mul3A_117, %gather3A_112 : vector<16xi32>
      %jit3A_119 = arith.constant 0 : i32
      %jit3A_120 = arith.constant 8191 : i32
      %max3A = vector.broadcast %jit3A_119 : i32 to vector<16xi32>
      %max3A_121 = arith.maxsi %max3A, %add3A_118 : vector<16xi32>
      %min3A = vector.broadcast %jit3A_120 : i32 to vector<16xi32>
      %min3A_122 = arith.minsi %min3A, %max3A_121 : vector<16xi32>
      %gather3A_123 = tpu.vector_load_idx %arg10[%min3A_122] : memref<8192xi32, #tpu.memory_space<vmem>>[vector<16xi32>], vector<16xi32>,
      %eq3A = arith.cmpi eq, %gather3A_123, %select_n3A_111 : vector<16xi32>
      %and3A_124 = arith.andi %eq3A, %lt3A_104 : vector<16xi1>
      %sub3A_125 = vector.broadcast %mul3A_2 : i32 to vector<16xi32>
      %sub3A_126 = arith.subi %gather3A, %sub3A_125 : vector<16xi32>
      %jit3A_127 = arith.constant 0 : i32
      %jit3A_128 = arith.constant 15 : i32
      %max3A_129 = vector.broadcast %jit3A_127 : i32 to vector<16xi32>
      %max3A_130 = arith.maxsi %max3A_129, %sub3A_126 : vector<16xi32>
      %min3A_131 = vector.broadcast %jit3A_128 : i32 to vector<16xi32>
      %min3A_132 = arith.minsi %min3A_131, %max3A_130 : vector<16xi32>
      %eq3A_133 = arith.cmpi eq, %gather3A, %gather3A_112 : vector<16xi32>
      %jit3A_134 = arith.constant 1.000000e+00 : f32
      %jit3A_135 = arith.constant 0.000000e+00 : f32
      %broadcast_in_dim3A_136 = vector.broadcast %jit3A_134 : f32 to vector<16xf32>
      %broadcast_in_dim3A_137 = vector.broadcast %jit3A_135 : f32 to vector<16xf32>
      %select_n3A_138 = arith.select %eq3A_133, %broadcast_in_dim3A_136, %broadcast_in_dim3A_137 : vector<16xi1>, vector<16xf32>
      %add3A_139 = arith.constant 0 : i32
      %add3A_140 = vector.broadcast %add3A_139 : i32 to vector<16xi32>
      %add3A_141 = arith.addi %add3A_140, %min3A_132 : vector<16xi32>
      %gather3A_142 = tpu.vector_load_idx %arg12[%add3A_141] : memref<128xf32, #tpu.memory_space<vmem>>[vector<16xi32>], vector<16xf32>,
      %add3A_143 = arith.constant 64 : i32
      %add3A_144 = vector.broadcast %add3A_143 : i32 to vector<16xi32>
      %add3A_145 = arith.addi %add3A_141, %add3A_144 : vector<16xi32>
      %gather3A_146 = tpu.vector_load_idx %arg12[%add3A_145] : memref<128xf32, #tpu.memory_space<vmem>>[vector<16xi32>], vector<16xf32>,
      %mul3A_147 = arith.constant 4 : i32
      %mul3A_148 = vector.broadcast %mul3A_147 : i32 to vector<16xi32>
      %mul3A_149 = arith.muli %select_n3A_111, %mul3A_148 : vector<16xi32>
      %add3A_150 = arith.constant 0 : i32
      %add3A_151 = vector.broadcast %add3A_150 : i32 to vector<16xi32>
      %add3A_152 = arith.addi %mul3A_149, %add3A_151 : vector<16xi32>
      %gather3A_153 = tpu.vector_load_idx %arg8[%add3A_152] : memref<32768xf32, #tpu.memory_space<vmem>>[vector<16xi32>], vector<16xf32>,
      %sub3A_154 = arith.subf %gather3A_153, %gather3A_142 : vector<16xf32>
      %exp3A = math.exp %sub3A_154 : vector<16xf32>
      %div3A_155 = arith.divf %exp3A, %gather3A_146 : vector<16xf32>
      %add3A_156 = arith.constant 0 : i32
      %add3A_157 = vector.broadcast %add3A_156 : i32 to vector<16xi32>
      %add3A_158 = arith.addi %add3A_157, %select_n3A_111 : vector<16xi32>
      %sub3A_159 = arith.subf %select_n3A_138, %div3A_155 : vector<16xf32>
      tpu.vector_store_idx %arg11[%add3A_158], %sub3A_159 masked %and3A_124 : memref<32768xf32, #tpu.memory_space<vmem>>[vector<16xi32>], vector<16xf32>, vector<16xi1>
      %add3A_160 = arith.constant 16 : i32
      %add3A_161 = vector.broadcast %add3A_160 : i32 to vector<16xi32>
      %add3A_162 = arith.addi %add3A_161, %min3A_132 : vector<16xi32>
      %gather3A_163 = tpu.vector_load_idx %arg12[%add3A_162] : memref<128xf32, #tpu.memory_space<vmem>>[vector<16xi32>], vector<16xf32>,
      %add3A_164 = arith.constant 64 : i32
      %add3A_165 = vector.broadcast %add3A_164 : i32 to vector<16xi32>
      %add3A_166 = arith.addi %add3A_162, %add3A_165 : vector<16xi32>
      %gather3A_167 = tpu.vector_load_idx %arg12[%add3A_166] : memref<128xf32, #tpu.memory_space<vmem>>[vector<16xi32>], vector<16xf32>,
      %mul3A_168 = arith.constant 4 : i32
      %mul3A_169 = vector.broadcast %mul3A_168 : i32 to vector<16xi32>
      %mul3A_170 = arith.muli %select_n3A_111, %mul3A_169 : vector<16xi32>
      %add3A_171 = arith.constant 1 : i32
      %add3A_172 = vector.broadcast %add3A_171 : i32 to vector<16xi32>
      %add3A_173 = arith.addi %mul3A_170, %add3A_172 : vector<16xi32>
      %gather3A_174 = tpu.vector_load_idx %arg8[%add3A_173] : memref<32768xf32, #tpu.memory_space<vmem>>[vector<16xi32>], vector<16xf32>,
      %sub3A_175 = arith.subf %gather3A_174, %gather3A_163 : vector<16xf32>
      %exp3A_176 = math.exp %sub3A_175 : vector<16xf32>
      %div3A_177 = arith.divf %exp3A_176, %gather3A_167 : vector<16xf32>
      %add3A_178 = arith.constant 8192 : i32
      %add3A_179 = vector.broadcast %add3A_178 : i32 to vector<16xi32>
      %add3A_180 = arith.addi %add3A_179, %select_n3A_111 : vector<16xi32>
      %sub3A_181 = arith.subf %select_n3A_138, %div3A_177 : vector<16xf32>
      tpu.vector_store_idx %arg11[%add3A_180], %sub3A_181 masked %and3A_124 : memref<32768xf32, #tpu.memory_space<vmem>>[vector<16xi32>], vector<16xf32>, vector<16xi1>
      %add3A_182 = arith.constant 32 : i32
      %add3A_183 = vector.broadcast %add3A_182 : i32 to vector<16xi32>
      %add3A_184 = arith.addi %add3A_183, %min3A_132 : vector<16xi32>
      %gather3A_185 = tpu.vector_load_idx %arg12[%add3A_184] : memref<128xf32, #tpu.memory_space<vmem>>[vector<16xi32>], vector<16xf32>,
      %add3A_186 = arith.constant 64 : i32
      %add3A_187 = vector.broadcast %add3A_186 : i32 to vector<16xi32>
      %add3A_188 = arith.addi %add3A_184, %add3A_187 : vector<16xi32>
      %gather3A_189 = tpu.vector_load_idx %arg12[%add3A_188] : memref<128xf32, #tpu.memory_space<vmem>>[vector<16xi32>], vector<16xf32>,
      %mul3A_190 = arith.constant 4 : i32
      %mul3A_191 = vector.broadcast %mul3A_190 : i32 to vector<16xi32>
      %mul3A_192 = arith.muli %select_n3A_111, %mul3A_191 : vector<16xi32>
      %add3A_193 = arith.constant 2 : i32
      %add3A_194 = vector.broadcast %add3A_193 : i32 to vector<16xi32>
      %add3A_195 = arith.addi %mul3A_192, %add3A_194 : vector<16xi32>
      %gather3A_196 = tpu.vector_load_idx %arg8[%add3A_195] : memref<32768xf32, #tpu.memory_space<vmem>>[vector<16xi32>], vector<16xf32>,
      %sub3A_197 = arith.subf %gather3A_196, %gather3A_185 : vector<16xf32>
      %exp3A_198 = math.exp %sub3A_197 : vector<16xf32>
      %div3A_199 = arith.divf %exp3A_198, %gather3A_189 : vector<16xf32>
      %add3A_200 = arith.constant 16384 : i32
      %add3A_201 = vector.broadcast %add3A_200 : i32 to vector<16xi32>
      %add3A_202 = arith.addi %add3A_201, %select_n3A_111 : vector<16xi32>
      %sub3A_203 = arith.subf %select_n3A_138, %div3A_199 : vector<16xf32>
      tpu.vector_store_idx %arg11[%add3A_202], %sub3A_203 masked %and3A_124 : memref<32768xf32, #tpu.memory_space<vmem>>[vector<16xi32>], vector<16xf32>, vector<16xi1>
      %add3A_204 = arith.constant 48 : i32
      %add3A_205 = vector.broadcast %add3A_204 : i32 to vector<16xi32>
      %add3A_206 = arith.addi %add3A_205, %min3A_132 : vector<16xi32>
      %gather3A_207 = tpu.vector_load_idx %arg12[%add3A_206] : memref<128xf32, #tpu.memory_space<vmem>>[vector<16xi32>], vector<16xf32>,
      %add3A_208 = arith.constant 64 : i32
      %add3A_209 = vector.broadcast %add3A_208 : i32 to vector<16xi32>
      %add3A_210 = arith.addi %add3A_206, %add3A_209 : vector<16xi32>
      %gather3A_211 = tpu.vector_load_idx %arg12[%add3A_210] : memref<128xf32, #tpu.memory_space<vmem>>[vector<16xi32>], vector<16xf32>,
      %mul3A_212 = arith.constant 4 : i32
      %mul3A_213 = vector.broadcast %mul3A_212 : i32 to vector<16xi32>
      %mul3A_214 = arith.muli %select_n3A_111, %mul3A_213 : vector<16xi32>
      %add3A_215 = arith.constant 3 : i32
      %add3A_216 = vector.broadcast %add3A_215 : i32 to vector<16xi32>
      %add3A_217 = arith.addi %mul3A_214, %add3A_216 : vector<16xi32>
      %gather3A_218 = tpu.vector_load_idx %arg8[%add3A_217] : memref<32768xf32, #tpu.memory_space<vmem>>[vector<16xi32>], vector<16xf32>,
      %sub3A_219 = arith.subf %gather3A_218, %gather3A_207 : vector<16xf32>
      %exp3A_220 = math.exp %sub3A_219 : vector<16xf32>
      %div3A_221 = arith.divf %exp3A_220, %gather3A_211 : vector<16xf32>
      %add3A_222 = arith.constant 24576 : i32
      %add3A_223 = vector.broadcast %add3A_222 : i32 to vector<16xi32>
      %add3A_224 = arith.addi %add3A_223, %select_n3A_111 : vector<16xi32>
      %sub3A_225 = arith.subf %select_n3A_138, %div3A_221 : vector<16xf32>
      tpu.vector_store_idx %arg11[%add3A_224], %sub3A_225 masked %and3A_124 : memref<32768xf32, #tpu.memory_space<vmem>>[vector<16xi32>], vector<16xf32>, vector<16xi1>
      %while3A_226 = arith.constant 0 : i32
      scf.yield %while3A_226 : i32
    }
    "tpu.region"() ({
      %run_scoped3A = tpu.sem_alloc : memref<!tpu.dma_semaphore, #tpu.memory_space<semaphore_mem>>
      %dma_start3A = arith.constant 0 : i32
      %dma_start3A_98 = tpu.memref_slice %arg5[%add3A, %dma_start3A] : memref<32x32768xf32, #tpu.memory_space<hbm>> -> memref<1x32768xf32, #tpu.memory_space<hbm>>
      %dma_start3A_99 = tpu.memref_squeeze %dma_start3A_98 : memref<1x32768xf32, #tpu.memory_space<hbm>> -> memref<32768xf32, #tpu.memory_space<hbm>>
      %dma_start3A_100 = arith.constant 0 : i32
      %dma_start3A_101 = tpu.memref_slice %arg5[%add3A, %dma_start3A_100] : memref<32x32768xf32, #tpu.memory_space<hbm>> -> memref<1x32768xf32, #tpu.memory_space<hbm>>
      %dma_start3A_102 = tpu.memref_squeeze %dma_start3A_101 : memref<1x32768xf32, #tpu.memory_space<hbm>> -> memref<32768xf32, #tpu.memory_space<hbm>>
      tpu.enqueue_dma source(%arg11 : memref<32768xf32, #tpu.memory_space<vmem>>) target(%dma_start3A_102 : memref<32768xf32, #tpu.memory_space<hbm>>) target_semaphore(%run_scoped3A : memref<!tpu.dma_semaphore, #tpu.memory_space<semaphore_mem>>)
      %dma_wait3A = arith.constant 0 : i32
      %dma_wait3A_103 = tpu.memref_slice %arg5[%add3A, %dma_wait3A] : memref<32x32768xf32, #tpu.memory_space<hbm>> -> memref<1x32768xf32, #tpu.memory_space<hbm>>
      %dma_wait3A_104 = tpu.memref_squeeze %dma_wait3A_103 : memref<1x32768xf32, #tpu.memory_space<hbm>> -> memref<32768xf32, #tpu.memory_space<hbm>>
      %dma_wait3A_105 = arith.constant 0 : i32
      %dma_wait3A_106 = tpu.memref_slice %arg5[%add3A, %dma_wait3A_105] : memref<32x32768xf32, #tpu.memory_space<hbm>> -> memref<1x32768xf32, #tpu.memory_space<hbm>>
      %dma_wait3A_107 = tpu.memref_squeeze %dma_wait3A_106 : memref<1x32768xf32, #tpu.memory_space<hbm>> -> memref<32768xf32, #tpu.memory_space<hbm>>
      tpu.wait_dma2 semaphore(%run_scoped3A : memref<!tpu.dma_semaphore, #tpu.memory_space<semaphore_mem>>) src(%arg11 : memref<32768xf32, #tpu.memory_space<vmem>>) dst(%dma_wait3A_107 : memref<32768xf32, #tpu.memory_space<hbm>>)
      tpu.yield
    }) : () -> ()
    return
  }
}

module attributes {stable_mosaic.version = 14 : i64} {
  func.func @_edge_body(%arg0: i32, %arg1: memref<512x256xf32, #tpu.memory_space<vmem>>, %arg2: memref<512x256xf32, #tpu.memory_space<vmem>>, %arg3: memref<256x256xf32, #tpu.memory_space<vmem>>, %arg4: memref<256x256xf32, #tpu.memory_space<vmem>>, %arg5: memref<256x256xf32, #tpu.memory_space<vmem>>, %arg6: memref<8x8xf32, #tpu.memory_space<vmem>>, %arg7: memref<1x1x512xi32, #tpu.memory_space<vmem>>, %arg8: memref<1x1x512xi32, #tpu.memory_space<vmem>>, %arg9: memref<512x4xf32, #tpu.memory_space<vmem>>, %arg10: memref<512x512xf32, #tpu.memory_space<vmem>>) attributes {dimension_semantics = [#tpu.dimension_semantics<arbitrary>], iteration_bounds = array<i64: 16>, scalar_prefetch = 0 : i64, scratch_operands = 1 : i64, tpu.core_type = #tpu.core_type<tc>, window_params = [{pipeline_mode = #tpu.pipeline_mode<synchronous>, transform_indices = @transform_0, window_bounds = array<i64: 512, 256>}, {transform_indices = @transform_1, window_bounds = array<i64: 512, 256>}, {pipeline_mode = #tpu.pipeline_mode<synchronous>, transform_indices = @transform_2, window_bounds = array<i64: 256, 256>}, {pipeline_mode = #tpu.pipeline_mode<synchronous>, transform_indices = @transform_3, window_bounds = array<i64: 256, 256>}, {pipeline_mode = #tpu.pipeline_mode<synchronous>, transform_indices = @transform_4, window_bounds = array<i64: 256, 256>}, {pipeline_mode = #tpu.pipeline_mode<synchronous>, transform_indices = @transform_5, window_bounds = array<i64: 8, 8>}, {transform_indices = @transform_6, window_bounds = array<i64: 1, 1, 512>}, {transform_indices = @transform_7, window_bounds = array<i64: 1, 1, 512>}, {transform_indices = @transform_8, window_bounds = array<i64: 512, 4>}]} {
    %eq3A = arith.constant 0 : i32
    %eq3A_0 = arith.cmpi eq, %arg0, %eq3A : i32
    %convert_element_type3A = arith.extui %eq3A_0 : i1 to i32
    %cond3A = arith.constant 0 : i32
    %cond3A_1 = arith.cmpi ne, %convert_element_type3A, %cond3A : i32
    scf.if %cond3A_1 {
      %get3A_127 = arith.constant 0 : index
      %get3A_128 = arith.constant 0 : index
      %get3A_129 = vector.load %arg1[%get3A_127, %get3A_128] : memref<512x256xf32, #tpu.memory_space<vmem>>, vector<512x256xf32>
      %get3A_130 = arith.constant 0 : index
      %get3A_131 = arith.constant 0 : index
      %get3A_132 = vector.load %arg3[%get3A_130, %get3A_131] : memref<256x256xf32, #tpu.memory_space<vmem>>, vector<256x256xf32>
      %convert_element_type3A_133 = arith.truncf %get3A_129 : vector<512x256xf32> to vector<512x256xbf16>
      %convert_element_type3A_134 = arith.extf %convert_element_type3A_133 : vector<512x256xbf16> to vector<512x256xf32>
      %sub3A_135 = arith.subf %get3A_129, %convert_element_type3A_134 : vector<512x256xf32>
      %convert_element_type3A_136 = arith.truncf %sub3A_135 : vector<512x256xf32> to vector<512x256xbf16>
      %convert_element_type3A_137 = arith.truncf %get3A_132 : vector<256x256xf32> to vector<256x256xbf16>
      %convert_element_type3A_138 = arith.extf %convert_element_type3A_137 : vector<256x256xbf16> to vector<256x256xf32>
      %sub3A_139 = arith.subf %get3A_132, %convert_element_type3A_138 : vector<256x256xf32>
      %convert_element_type3A_140 = arith.truncf %sub3A_139 : vector<256x256xf32> to vector<256x256xbf16>
      %dot_general3A_141 = arith.constant dense<0.000000e+00> : vector<512x256xf32>
      %dot_general3A_142 = tpu.matmul %convert_element_type3A_133, %convert_element_type3A_137, %dot_general3A_141 {dimension_numbers = #tpu.dot_dimension_numbers<[1], [0], [0], [1], [0, 0, 1, 1], [], []>, transpose_lhs_hint = false} : vector<512x256xbf16>, vector<256x256xbf16>, vector<512x256xf32> -> vector<512x256xf32>
      %dot_general3A_143 = arith.constant dense<0.000000e+00> : vector<512x256xf32>
      %dot_general3A_144 = tpu.matmul %convert_element_type3A_133, %convert_element_type3A_140, %dot_general3A_143 {dimension_numbers = #tpu.dot_dimension_numbers<[1], [0], [0], [1], [0, 0, 1, 1], [], []>, transpose_lhs_hint = false} : vector<512x256xbf16>, vector<256x256xbf16>, vector<512x256xf32> -> vector<512x256xf32>
      %dot_general3A_145 = arith.constant dense<0.000000e+00> : vector<512x256xf32>
      %dot_general3A_146 = tpu.matmul %convert_element_type3A_136, %convert_element_type3A_137, %dot_general3A_145 {dimension_numbers = #tpu.dot_dimension_numbers<[1], [0], [0], [1], [0, 0, 1, 1], [], []>, transpose_lhs_hint = false} : vector<512x256xbf16>, vector<256x256xbf16>, vector<512x256xf32> -> vector<512x256xf32>
      %add3A_147 = arith.addf %dot_general3A_144, %dot_general3A_146 : vector<512x256xf32>
      %add3A_148 = arith.addf %dot_general3A_142, %add3A_147 : vector<512x256xf32>
      %get3A_149 = arith.constant 0 : index
      %get3A_150 = arith.constant 0 : index
      %get3A_151 = vector.load %arg1[%get3A_149, %get3A_150] : memref<512x256xf32, #tpu.memory_space<vmem>>, vector<512x256xf32>
      %get3A_152 = arith.constant 0 : index
      %get3A_153 = arith.constant 0 : index
      %get3A_154 = vector.load %arg4[%get3A_152, %get3A_153] : memref<256x256xf32, #tpu.memory_space<vmem>>, vector<256x256xf32>
      %convert_element_type3A_155 = arith.truncf %get3A_151 : vector<512x256xf32> to vector<512x256xbf16>
      %convert_element_type3A_156 = arith.extf %convert_element_type3A_155 : vector<512x256xbf16> to vector<512x256xf32>
      %sub3A_157 = arith.subf %get3A_151, %convert_element_type3A_156 : vector<512x256xf32>
      %convert_element_type3A_158 = arith.truncf %sub3A_157 : vector<512x256xf32> to vector<512x256xbf16>
      %convert_element_type3A_159 = arith.truncf %get3A_154 : vector<256x256xf32> to vector<256x256xbf16>
      %convert_element_type3A_160 = arith.extf %convert_element_type3A_159 : vector<256x256xbf16> to vector<256x256xf32>
      %sub3A_161 = arith.subf %get3A_154, %convert_element_type3A_160 : vector<256x256xf32>
      %convert_element_type3A_162 = arith.truncf %sub3A_161 : vector<256x256xf32> to vector<256x256xbf16>
      %dot_general3A_163 = arith.constant dense<0.000000e+00> : vector<512x256xf32>
      %dot_general3A_164 = tpu.matmul %convert_element_type3A_155, %convert_element_type3A_159, %dot_general3A_163 {dimension_numbers = #tpu.dot_dimension_numbers<[1], [0], [0], [1], [0, 0, 1, 1], [], []>, transpose_lhs_hint = false} : vector<512x256xbf16>, vector<256x256xbf16>, vector<512x256xf32> -> vector<512x256xf32>
      %dot_general3A_165 = arith.constant dense<0.000000e+00> : vector<512x256xf32>
      %dot_general3A_166 = tpu.matmul %convert_element_type3A_155, %convert_element_type3A_162, %dot_general3A_165 {dimension_numbers = #tpu.dot_dimension_numbers<[1], [0], [0], [1], [0, 0, 1, 1], [], []>, transpose_lhs_hint = false} : vector<512x256xbf16>, vector<256x256xbf16>, vector<512x256xf32> -> vector<512x256xf32>
      %dot_general3A_167 = arith.constant dense<0.000000e+00> : vector<512x256xf32>
      %dot_general3A_168 = tpu.matmul %convert_element_type3A_158, %convert_element_type3A_159, %dot_general3A_167 {dimension_numbers = #tpu.dot_dimension_numbers<[1], [0], [0], [1], [0, 0, 1, 1], [], []>, transpose_lhs_hint = false} : vector<512x256xbf16>, vector<256x256xbf16>, vector<512x256xf32> -> vector<512x256xf32>
      %add3A_169 = arith.addf %dot_general3A_166, %dot_general3A_168 : vector<512x256xf32>
      %add3A_170 = arith.addf %dot_general3A_164, %add3A_169 : vector<512x256xf32>
      %concatenate3A = tpu.concatenate %add3A_148, %add3A_170 in 1 : vector<512x256xf32>, vector<512x256xf32> -> vector<512x512xf32>
      %swap3A_171 = arith.constant 0 : index
      %swap3A_172 = arith.constant 0 : index
      %swap3A_173 = vector.load %arg10[%swap3A_171, %swap3A_172] : memref<512x512xf32, #tpu.memory_space<vmem>>, vector<512x512xf32>
      tpu.vector_store %arg10[%swap3A_171, %swap3A_172], %concatenate3A {strides = array<i32>} : memref<512x512xf32, #tpu.memory_space<vmem>>, vector<512x512xf32>,
    } else {
    }
    %get3A = arith.constant 0 : index
    %get3A_2 = arith.constant 0 : index
    %get3A_3 = vector.load %arg2[%get3A, %get3A_2] : memref<512x256xf32, #tpu.memory_space<vmem>>, vector<512x256xf32>
    %get3A_4 = arith.constant 0 : index
    %get3A_5 = arith.constant 0 : index
    %get3A_6 = vector.load %arg5[%get3A_4, %get3A_5] : memref<256x256xf32, #tpu.memory_space<vmem>>, vector<256x256xf32>
    %convert_element_type3A_7 = arith.truncf %get3A_3 : vector<512x256xf32> to vector<512x256xbf16>
    %convert_element_type3A_8 = arith.extf %convert_element_type3A_7 : vector<512x256xbf16> to vector<512x256xf32>
    %sub3A = arith.subf %get3A_3, %convert_element_type3A_8 : vector<512x256xf32>
    %convert_element_type3A_9 = arith.truncf %sub3A : vector<512x256xf32> to vector<512x256xbf16>
    %convert_element_type3A_10 = arith.truncf %get3A_6 : vector<256x256xf32> to vector<256x256xbf16>
    %convert_element_type3A_11 = arith.extf %convert_element_type3A_10 : vector<256x256xbf16> to vector<256x256xf32>
    %sub3A_12 = arith.subf %get3A_6, %convert_element_type3A_11 : vector<256x256xf32>
    %convert_element_type3A_13 = arith.truncf %sub3A_12 : vector<256x256xf32> to vector<256x256xbf16>
    %dot_general3A = arith.constant dense<0.000000e+00> : vector<512x256xf32>
    %dot_general3A_14 = tpu.matmul %convert_element_type3A_7, %convert_element_type3A_10, %dot_general3A {dimension_numbers = #tpu.dot_dimension_numbers<[1], [0], [0], [1], [0, 0, 1, 1], [], []>, transpose_lhs_hint = false} : vector<512x256xbf16>, vector<256x256xbf16>, vector<512x256xf32> -> vector<512x256xf32>
    %dot_general3A_15 = arith.constant dense<0.000000e+00> : vector<512x256xf32>
    %dot_general3A_16 = tpu.matmul %convert_element_type3A_7, %convert_element_type3A_13, %dot_general3A_15 {dimension_numbers = #tpu.dot_dimension_numbers<[1], [0], [0], [1], [0, 0, 1, 1], [], []>, transpose_lhs_hint = false} : vector<512x256xbf16>, vector<256x256xbf16>, vector<512x256xf32> -> vector<512x256xf32>
    %dot_general3A_17 = arith.constant dense<0.000000e+00> : vector<512x256xf32>
    %dot_general3A_18 = tpu.matmul %convert_element_type3A_9, %convert_element_type3A_10, %dot_general3A_17 {dimension_numbers = #tpu.dot_dimension_numbers<[1], [0], [0], [1], [0, 0, 1, 1], [], []>, transpose_lhs_hint = false} : vector<512x256xbf16>, vector<256x256xbf16>, vector<512x256xf32> -> vector<512x256xf32>
    %add3A = arith.addf %dot_general3A_16, %dot_general3A_18 : vector<512x256xf32>
    %add3A_19 = arith.addf %dot_general3A_14, %add3A : vector<512x256xf32>
    %get3A_20 = arith.constant 0 : index
    %get3A_21 = arith.constant 0 : index
    %get3A_22 = vector.load %arg10[%get3A_20, %get3A_21] : memref<512x512xf32, #tpu.memory_space<vmem>>, vector<512x512xf32>
    %get3A_23 = arith.constant 0 : index
    %get3A_24 = arith.constant 0 : index
    %get3A_25 = arith.constant 0 : index
    %get3A_26 = vector.load %arg7[%get3A_23, %get3A_24, %get3A_25] : memref<1x1x512xi32, #tpu.memory_space<vmem>>, vector<1x1x512xi32>
    %get3A_27 = vector.shape_cast %get3A_26 : vector<1x1x512xi32> to vector<1x512xi32>
    %get3A_28 = arith.constant 0 : index
    %get3A_29 = arith.constant 0 : index
    %get3A_30 = arith.constant 0 : index
    %get3A_31 = vector.load %arg8[%get3A_28, %get3A_29, %get3A_30] : memref<1x1x512xi32, #tpu.memory_space<vmem>>, vector<1x1x512xi32>
    %get3A_32 = vector.shape_cast %get3A_31 : vector<1x1x512xi32> to vector<1x512xi32>
    %iota3A = tpu.iota {dimensions = array<i32: 0>} : vector<512x512xi32>
    %eq3A_33 = vector.broadcast %get3A_27 : vector<1x512xi32> to vector<512x512xi32>
    %eq3A_34 = arith.cmpi eq, %iota3A, %eq3A_33 : vector<512x512xi32>
    %convert_element_type3A_35 = arith.extui %eq3A_34 : vector<512x512xi1> to vector<512x512xi32>
    %convert_element_type3A_36 = arith.sitofp %convert_element_type3A_35 : vector<512x512xi32> to vector<512x512xf32>
    %convert_element_type3A_37 = arith.truncf %convert_element_type3A_36 : vector<512x512xf32> to vector<512x512xbf16>
    %eq3A_38 = vector.broadcast %get3A_32 : vector<1x512xi32> to vector<512x512xi32>
    %eq3A_39 = arith.cmpi eq, %iota3A, %eq3A_38 : vector<512x512xi32>
    %convert_element_type3A_40 = arith.extui %eq3A_39 : vector<512x512xi1> to vector<512x512xi32>
    %convert_element_type3A_41 = arith.sitofp %convert_element_type3A_40 : vector<512x512xi32> to vector<512x512xf32>
    %convert_element_type3A_42 = arith.truncf %convert_element_type3A_41 : vector<512x512xf32> to vector<512x512xbf16>
    %slice3A = vector.extract_strided_slice %get3A_22 {offsets = [0, 0], sizes = [512, 256], strides = [1, 1]} : vector<512x512xf32> to vector<512x256xf32>
    %convert_element_type3A_43 = arith.truncf %slice3A : vector<512x256xf32> to vector<512x256xbf16>
    %convert_element_type3A_44 = arith.extf %convert_element_type3A_43 : vector<512x256xbf16> to vector<512x256xf32>
    %sub3A_45 = arith.subf %slice3A, %convert_element_type3A_44 : vector<512x256xf32>
    %convert_element_type3A_46 = arith.truncf %sub3A_45 : vector<512x256xf32> to vector<512x256xbf16>
    %dot_general3A_47 = arith.constant dense<0.000000e+00> : vector<512x256xf32>
    %dot_general3A_48 = tpu.matmul %convert_element_type3A_37, %convert_element_type3A_43, %dot_general3A_47 {dimension_numbers = #tpu.dot_dimension_numbers<[0], [0], [1], [1], [0, 1, 1, 1], [], []>, transpose_lhs_hint = false} : vector<512x512xbf16>, vector<512x256xbf16>, vector<512x256xf32> -> vector<512x256xf32>
    %dot_general3A_49 = arith.constant dense<0.000000e+00> : vector<512x256xf32>
    %dot_general3A_50 = tpu.matmul %convert_element_type3A_37, %convert_element_type3A_46, %dot_general3A_49 {dimension_numbers = #tpu.dot_dimension_numbers<[0], [0], [1], [1], [0, 1, 1, 1], [], []>, transpose_lhs_hint = false} : vector<512x512xbf16>, vector<512x256xbf16>, vector<512x256xf32> -> vector<512x256xf32>
    %add3A_51 = arith.addf %dot_general3A_48, %dot_general3A_50 : vector<512x256xf32>
    %slice3A_52 = vector.extract_strided_slice %get3A_22 {offsets = [0, 256], sizes = [512, 256], strides = [1, 1]} : vector<512x512xf32> to vector<512x256xf32>
    %convert_element_type3A_53 = arith.truncf %slice3A_52 : vector<512x256xf32> to vector<512x256xbf16>
    %convert_element_type3A_54 = arith.extf %convert_element_type3A_53 : vector<512x256xbf16> to vector<512x256xf32>
    %sub3A_55 = arith.subf %slice3A_52, %convert_element_type3A_54 : vector<512x256xf32>
    %convert_element_type3A_56 = arith.truncf %sub3A_55 : vector<512x256xf32> to vector<512x256xbf16>
    %dot_general3A_57 = arith.constant dense<0.000000e+00> : vector<512x256xf32>
    %dot_general3A_58 = tpu.matmul %convert_element_type3A_42, %convert_element_type3A_53, %dot_general3A_57 {dimension_numbers = #tpu.dot_dimension_numbers<[0], [0], [1], [1], [0, 1, 1, 1], [], []>, transpose_lhs_hint = false} : vector<512x512xbf16>, vector<512x256xbf16>, vector<512x256xf32> -> vector<512x256xf32>
    %dot_general3A_59 = arith.constant dense<0.000000e+00> : vector<512x256xf32>
    %dot_general3A_60 = tpu.matmul %convert_element_type3A_42, %convert_element_type3A_56, %dot_general3A_59 {dimension_numbers = #tpu.dot_dimension_numbers<[0], [0], [1], [1], [0, 1, 1, 1], [], []>, transpose_lhs_hint = false} : vector<512x512xbf16>, vector<512x256xbf16>, vector<512x256xf32> -> vector<512x256xf32>
    %add3A_61 = arith.addf %dot_general3A_58, %dot_general3A_60 : vector<512x256xf32>
    %add3A_62 = arith.addf %add3A_61, %add3A_19 : vector<512x256xf32>
    %mul3A = arith.mulf %add3A_51, %add3A_62 : vector<512x256xf32>
    %iota3A_63 = tpu.iota {dimensions = array<i32: 0>} : vector<256x8xi32>
    %jit3A = arith.constant 64 : i32
    %div3A = vector.broadcast %jit3A : i32 to vector<256x8xi32>
    %div3A_64 = arith.divsi %iota3A_63, %div3A : vector<256x8xi32>
    %sign3A = arith.constant 0 : i32
    %sign3A_65 = vector.broadcast %sign3A : i32 to vector<256x8xi32>
    %sign3A_66 = arith.cmpi sgt, %iota3A_63, %sign3A_65 : vector<256x8xi32>
    %sign3A_67 = arith.extui %sign3A_66 : vector<256x8xi1> to vector<256x8xi32>
    %sign3A_68 = arith.constant 0 : i32
    %sign3A_69 = vector.broadcast %sign3A_68 : i32 to vector<256x8xi32>
    %sign3A_70 = arith.cmpi slt, %iota3A_63, %sign3A_69 : vector<256x8xi32>
    %sign3A_71 = arith.extui %sign3A_70 : vector<256x8xi1> to vector<256x8xi32>
    %sign3A_72 = arith.subi %sign3A_67, %sign3A_71 : vector<256x8xi32>
    %sign3A_73 = arith.constant 0 : i32
    %sign3A_74 = arith.cmpi sgt, %jit3A, %sign3A_73 : i32
    %sign3A_75 = arith.extui %sign3A_74 : i1 to i32
    %sign3A_76 = arith.constant 0 : i32
    %sign3A_77 = arith.cmpi slt, %jit3A, %sign3A_76 : i32
    %sign3A_78 = arith.extui %sign3A_77 : i1 to i32
    %sign3A_79 = arith.subi %sign3A_75, %sign3A_78 : i32
    %ne3A = vector.broadcast %sign3A_79 : i32 to vector<256x8xi32>
    %ne3A_80 = arith.cmpi ne, %sign3A_72, %ne3A : vector<256x8xi32>
    %rem3A = vector.broadcast %jit3A : i32 to vector<256x8xi32>
    %rem3A_81 = arith.remsi %iota3A_63, %rem3A : vector<256x8xi32>
    %ne3A_82 = arith.constant 0 : i32
    %ne3A_83 = vector.broadcast %ne3A_82 : i32 to vector<256x8xi32>
    %ne3A_84 = arith.cmpi ne, %rem3A_81, %ne3A_83 : vector<256x8xi32>
    %and3A = arith.andi %ne3A_80, %ne3A_84 : vector<256x8xi1>
    %sub3A_85 = arith.constant 1 : i32
    %sub3A_86 = vector.broadcast %sub3A_85 : i32 to vector<256x8xi32>
    %sub3A_87 = arith.subi %div3A_64, %sub3A_86 : vector<256x8xi32>
    %select_n3A = arith.select %and3A, %sub3A_87, %div3A_64 : vector<256x8xi1>, vector<256x8xi32>
    %iota3A_88 = tpu.iota {dimensions = array<i32: 1>} : vector<256x8xi32>
    %eq3A_89 = arith.cmpi eq, %select_n3A, %iota3A_88 : vector<256x8xi32>
    %convert_element_type3A_90 = arith.extui %eq3A_89 : vector<256x8xi1> to vector<256x8xi32>
    %convert_element_type3A_91 = arith.sitofp %convert_element_type3A_90 : vector<256x8xi32> to vector<256x8xf32>
    %convert_element_type3A_92 = arith.truncf %convert_element_type3A_91 : vector<256x8xf32> to vector<256x8xbf16>
    %convert_element_type3A_93 = arith.truncf %mul3A : vector<512x256xf32> to vector<512x256xbf16>
    %convert_element_type3A_94 = arith.extf %convert_element_type3A_93 : vector<512x256xbf16> to vector<512x256xf32>
    %sub3A_95 = arith.subf %mul3A, %convert_element_type3A_94 : vector<512x256xf32>
    %convert_element_type3A_96 = arith.truncf %sub3A_95 : vector<512x256xf32> to vector<512x256xbf16>
    %dot_general3A_97 = arith.constant dense<0.000000e+00> : vector<512x8xf32>
    %dot_general3A_98 = tpu.matmul %convert_element_type3A_93, %convert_element_type3A_92, %dot_general3A_97 {dimension_numbers = #tpu.dot_dimension_numbers<[1], [0], [0], [1], [0, 0, 1, 1], [], []>, transpose_lhs_hint = false} : vector<512x256xbf16>, vector<256x8xbf16>, vector<512x8xf32> -> vector<512x8xf32>
    %dot_general3A_99 = arith.constant dense<0.000000e+00> : vector<512x8xf32>
    %dot_general3A_100 = tpu.matmul %convert_element_type3A_96, %convert_element_type3A_92, %dot_general3A_99 {dimension_numbers = #tpu.dot_dimension_numbers<[1], [0], [0], [1], [0, 0, 1, 1], [], []>, transpose_lhs_hint = false} : vector<512x256xbf16>, vector<256x8xbf16>, vector<512x8xf32> -> vector<512x8xf32>
    %add3A_101 = arith.addf %dot_general3A_98, %dot_general3A_100 : vector<512x8xf32>
    %mul3A_102 = arith.constant 1.250000e-01 : f32
    %mul3A_103 = vector.broadcast %mul3A_102 : f32 to vector<512x8xf32>
    %mul3A_104 = arith.mulf %mul3A_103, %add3A_101 : vector<512x8xf32>
    %get3A_105 = arith.constant 0 : index
    %get3A_106 = arith.constant 0 : index
    %get3A_107 = vector.load %arg6[%get3A_105, %get3A_106] : memref<8x8xf32, #tpu.memory_space<vmem>>, vector<8x8xf32>
    %convert_element_type3A_108 = arith.truncf %mul3A_104 : vector<512x8xf32> to vector<512x8xbf16>
    %convert_element_type3A_109 = arith.extf %convert_element_type3A_108 : vector<512x8xbf16> to vector<512x8xf32>
    %sub3A_110 = arith.subf %mul3A_104, %convert_element_type3A_109 : vector<512x8xf32>
    %convert_element_type3A_111 = arith.truncf %sub3A_110 : vector<512x8xf32> to vector<512x8xbf16>
    %convert_element_type3A_112 = arith.truncf %get3A_107 : vector<8x8xf32> to vector<8x8xbf16>
    %convert_element_type3A_113 = arith.extf %convert_element_type3A_112 : vector<8x8xbf16> to vector<8x8xf32>
    %sub3A_114 = arith.subf %get3A_107, %convert_element_type3A_113 : vector<8x8xf32>
    %convert_element_type3A_115 = arith.truncf %sub3A_114 : vector<8x8xf32> to vector<8x8xbf16>
    %dot_general3A_116 = arith.constant dense<0.000000e+00> : vector<512x8xf32>
    %dot_general3A_117 = tpu.matmul %convert_element_type3A_108, %convert_element_type3A_112, %dot_general3A_116 {dimension_numbers = #tpu.dot_dimension_numbers<[1], [0], [0], [1], [0, 0, 1, 1], [], []>, transpose_lhs_hint = false} : vector<512x8xbf16>, vector<8x8xbf16>, vector<512x8xf32> -> vector<512x8xf32>
    %dot_general3A_118 = arith.constant dense<0.000000e+00> : vector<512x8xf32>
    %dot_general3A_119 = tpu.matmul %convert_element_type3A_108, %convert_element_type3A_115, %dot_general3A_118 {dimension_numbers = #tpu.dot_dimension_numbers<[1], [0], [0], [1], [0, 0, 1, 1], [], []>, transpose_lhs_hint = false} : vector<512x8xbf16>, vector<8x8xbf16>, vector<512x8xf32> -> vector<512x8xf32>
    %dot_general3A_120 = arith.constant dense<0.000000e+00> : vector<512x8xf32>
    %dot_general3A_121 = tpu.matmul %convert_element_type3A_111, %convert_element_type3A_112, %dot_general3A_120 {dimension_numbers = #tpu.dot_dimension_numbers<[1], [0], [0], [1], [0, 0, 1, 1], [], []>, transpose_lhs_hint = false} : vector<512x8xbf16>, vector<8x8xbf16>, vector<512x8xf32> -> vector<512x8xf32>
    %add3A_122 = arith.addf %dot_general3A_119, %dot_general3A_121 : vector<512x8xf32>
    %add3A_123 = arith.addf %dot_general3A_117, %add3A_122 : vector<512x8xf32>
    %slice3A_124 = vector.extract_strided_slice %add3A_123 {offsets = [0, 0], sizes = [512, 4], strides = [1, 1]} : vector<512x8xf32> to vector<512x4xf32>
    %swap3A = arith.constant 0 : index
    %swap3A_125 = arith.constant 0 : index
    %swap3A_126 = vector.load %arg9[%swap3A, %swap3A_125] : memref<512x4xf32, #tpu.memory_space<vmem>>, vector<512x4xf32>
    tpu.vector_store %arg9[%swap3A, %swap3A_125], %slice3A_124 {strides = array<i32>} : memref<512x4xf32, #tpu.memory_space<vmem>>, vector<512x4xf32>,
    return
  }
  func.func @transform_0(%arg0: i32) -> (i32, i32) {
    %c0_i32 = arith.constant 0 : i32
    %c0_i32_0 = arith.constant 0 : i32
    %c0_i32_1 = arith.constant 0 : i32
    return %c0_i32, %c0_i32_0 : i32, i32
  }
  func.func @transform_1(%arg0: i32) -> (i32, i32) {
    %c0_i32 = arith.constant 0 : i32
    %c0_i32_0 = arith.constant 0 : i32
    return %arg0, %c0_i32 : i32, i32
  }
  func.func @transform_2(%arg0: i32) -> (i32, i32) {
    %c0_i32 = arith.constant 0 : i32
    %c0_i32_0 = arith.constant 0 : i32
    %c0_i32_1 = arith.constant 0 : i32
    return %c0_i32, %c0_i32_0 : i32, i32
  }
  func.func @transform_3(%arg0: i32) -> (i32, i32) {
    %c0_i32 = arith.constant 0 : i32
    %c0_i32_0 = arith.constant 0 : i32
    %c0_i32_1 = arith.constant 0 : i32
    return %c0_i32, %c0_i32_0 : i32, i32
  }
  func.func @transform_4(%arg0: i32) -> (i32, i32) {
    %c0_i32 = arith.constant 0 : i32
    %c0_i32_0 = arith.constant 0 : i32
    %c0_i32_1 = arith.constant 0 : i32
    return %c0_i32, %c0_i32_0 : i32, i32
  }
  func.func @transform_5(%arg0: i32) -> (i32, i32) {
    %c0_i32 = arith.constant 0 : i32
    %c0_i32_0 = arith.constant 0 : i32
    %c0_i32_1 = arith.constant 0 : i32
    return %c0_i32, %c0_i32_0 : i32, i32
  }
  func.func @transform_6(%arg0: i32) -> (i32, i32, i32) {
    %c0_i32 = arith.constant 0 : i32
    %c0_i32_0 = arith.constant 0 : i32
    %c0_i32_1 = arith.constant 0 : i32
    return %arg0, %c0_i32, %c0_i32_0 : i32, i32, i32
  }
  func.func @transform_7(%arg0: i32) -> (i32, i32, i32) {
    %c0_i32 = arith.constant 0 : i32
    %c0_i32_0 = arith.constant 0 : i32
    %c0_i32_1 = arith.constant 0 : i32
    return %arg0, %c0_i32, %c0_i32_0 : i32, i32, i32
  }
  func.func @transform_8(%arg0: i32) -> (i32, i32) {
    %c0_i32 = arith.constant 0 : i32
    %c0_i32_0 = arith.constant 0 : i32
    return %arg0, %c0_i32 : i32, i32
  }
}

module attributes {stable_mosaic.version = 14 : i64} {
  func.func @_v2_body(%arg0: i32, %arg1: memref<512x256xf32, #tpu.memory_space<vmem>>, %arg2: memref<512x256xf32, #tpu.memory_space<vmem>>, %arg3: memref<256x256xf32, #tpu.memory_space<vmem>>, %arg4: memref<256x256xf32, #tpu.memory_space<vmem>>, %arg5: memref<1x1x512xi32, #tpu.memory_space<vmem>>, %arg6: memref<512x256xf32, #tpu.memory_space<vmem>>, %arg7: memref<512x256xf32, #tpu.memory_space<vmem>>) attributes {dimension_semantics = [#tpu.dimension_semantics<arbitrary>], iteration_bounds = array<i64: 16>, scalar_prefetch = 0 : i64, scratch_operands = 1 : i64, tpu.core_type = #tpu.core_type<tc>, window_params = [{pipeline_mode = #tpu.pipeline_mode<synchronous>, transform_indices = @transform_0, window_bounds = array<i64: 512, 256>}, {transform_indices = @transform_1, window_bounds = array<i64: 512, 256>}, {pipeline_mode = #tpu.pipeline_mode<synchronous>, transform_indices = @transform_2, window_bounds = array<i64: 256, 256>}, {pipeline_mode = #tpu.pipeline_mode<synchronous>, transform_indices = @transform_3, window_bounds = array<i64: 256, 256>}, {transform_indices = @transform_4, window_bounds = array<i64: 1, 1, 512>}, {transform_indices = @transform_5, window_bounds = array<i64: 512, 256>}]} {
    %eq3A = arith.constant 0 : i32
    %eq3A_0 = arith.cmpi eq, %arg0, %eq3A : i32
    %convert_element_type3A = arith.extui %eq3A_0 : i1 to i32
    %cond3A = arith.constant 0 : i32
    %cond3A_1 = arith.cmpi ne, %convert_element_type3A, %cond3A : i32
    scf.if %cond3A_1 {
      %get3A_45 = arith.constant 0 : index
      %get3A_46 = arith.constant 0 : index
      %get3A_47 = vector.load %arg1[%get3A_45, %get3A_46] : memref<512x256xf32, #tpu.memory_space<vmem>>, vector<512x256xf32>
      %get3A_48 = arith.constant 0 : index
      %get3A_49 = arith.constant 0 : index
      %get3A_50 = vector.load %arg3[%get3A_48, %get3A_49] : memref<256x256xf32, #tpu.memory_space<vmem>>, vector<256x256xf32>
      %convert_element_type3A_51 = arith.truncf %get3A_47 : vector<512x256xf32> to vector<512x256xbf16>
      %convert_element_type3A_52 = arith.extf %convert_element_type3A_51 : vector<512x256xbf16> to vector<512x256xf32>
      %sub3A_53 = arith.subf %get3A_47, %convert_element_type3A_52 : vector<512x256xf32>
      %convert_element_type3A_54 = arith.truncf %sub3A_53 : vector<512x256xf32> to vector<512x256xbf16>
      %convert_element_type3A_55 = arith.truncf %get3A_50 : vector<256x256xf32> to vector<256x256xbf16>
      %convert_element_type3A_56 = arith.extf %convert_element_type3A_55 : vector<256x256xbf16> to vector<256x256xf32>
      %sub3A_57 = arith.subf %get3A_50, %convert_element_type3A_56 : vector<256x256xf32>
      %convert_element_type3A_58 = arith.truncf %sub3A_57 : vector<256x256xf32> to vector<256x256xbf16>
      %dot_general3A_59 = arith.constant dense<0.000000e+00> : vector<512x256xf32>
      %dot_general3A_60 = tpu.matmul %convert_element_type3A_51, %convert_element_type3A_55, %dot_general3A_59 {dimension_numbers = #tpu.dot_dimension_numbers<[1], [0], [0], [1], [0, 0, 1, 1], [], []>, transpose_lhs_hint = false} : vector<512x256xbf16>, vector<256x256xbf16>, vector<512x256xf32> -> vector<512x256xf32>
      %dot_general3A_61 = arith.constant dense<0.000000e+00> : vector<512x256xf32>
      %dot_general3A_62 = tpu.matmul %convert_element_type3A_51, %convert_element_type3A_58, %dot_general3A_61 {dimension_numbers = #tpu.dot_dimension_numbers<[1], [0], [0], [1], [0, 0, 1, 1], [], []>, transpose_lhs_hint = false} : vector<512x256xbf16>, vector<256x256xbf16>, vector<512x256xf32> -> vector<512x256xf32>
      %dot_general3A_63 = arith.constant dense<0.000000e+00> : vector<512x256xf32>
      %dot_general3A_64 = tpu.matmul %convert_element_type3A_54, %convert_element_type3A_55, %dot_general3A_63 {dimension_numbers = #tpu.dot_dimension_numbers<[1], [0], [0], [1], [0, 0, 1, 1], [], []>, transpose_lhs_hint = false} : vector<512x256xbf16>, vector<256x256xbf16>, vector<512x256xf32> -> vector<512x256xf32>
      %add3A_65 = arith.addf %dot_general3A_62, %dot_general3A_64 : vector<512x256xf32>
      %add3A_66 = arith.addf %dot_general3A_60, %add3A_65 : vector<512x256xf32>
      %swap3A_67 = arith.constant 0 : index
      %swap3A_68 = arith.constant 0 : index
      %swap3A_69 = vector.load %arg7[%swap3A_67, %swap3A_68] : memref<512x256xf32, #tpu.memory_space<vmem>>, vector<512x256xf32>
      tpu.vector_store %arg7[%swap3A_67, %swap3A_68], %add3A_66 {strides = array<i32>} : memref<512x256xf32, #tpu.memory_space<vmem>>, vector<512x256xf32>,
    } else {
    }
    %get3A = arith.constant 0 : index
    %get3A_2 = arith.constant 0 : index
    %get3A_3 = vector.load %arg2[%get3A, %get3A_2] : memref<512x256xf32, #tpu.memory_space<vmem>>, vector<512x256xf32>
    %get3A_4 = arith.constant 0 : index
    %get3A_5 = arith.constant 0 : index
    %get3A_6 = vector.load %arg4[%get3A_4, %get3A_5] : memref<256x256xf32, #tpu.memory_space<vmem>>, vector<256x256xf32>
    %convert_element_type3A_7 = arith.truncf %get3A_3 : vector<512x256xf32> to vector<512x256xbf16>
    %convert_element_type3A_8 = arith.extf %convert_element_type3A_7 : vector<512x256xbf16> to vector<512x256xf32>
    %sub3A = arith.subf %get3A_3, %convert_element_type3A_8 : vector<512x256xf32>
    %convert_element_type3A_9 = arith.truncf %sub3A : vector<512x256xf32> to vector<512x256xbf16>
    %convert_element_type3A_10 = arith.truncf %get3A_6 : vector<256x256xf32> to vector<256x256xbf16>
    %convert_element_type3A_11 = arith.extf %convert_element_type3A_10 : vector<256x256xbf16> to vector<256x256xf32>
    %sub3A_12 = arith.subf %get3A_6, %convert_element_type3A_11 : vector<256x256xf32>
    %convert_element_type3A_13 = arith.truncf %sub3A_12 : vector<256x256xf32> to vector<256x256xbf16>
    %dot_general3A = arith.constant dense<0.000000e+00> : vector<512x256xf32>
    %dot_general3A_14 = tpu.matmul %convert_element_type3A_7, %convert_element_type3A_10, %dot_general3A {dimension_numbers = #tpu.dot_dimension_numbers<[1], [0], [0], [1], [0, 0, 1, 1], [], []>, transpose_lhs_hint = false} : vector<512x256xbf16>, vector<256x256xbf16>, vector<512x256xf32> -> vector<512x256xf32>
    %dot_general3A_15 = arith.constant dense<0.000000e+00> : vector<512x256xf32>
    %dot_general3A_16 = tpu.matmul %convert_element_type3A_7, %convert_element_type3A_13, %dot_general3A_15 {dimension_numbers = #tpu.dot_dimension_numbers<[1], [0], [0], [1], [0, 0, 1, 1], [], []>, transpose_lhs_hint = false} : vector<512x256xbf16>, vector<256x256xbf16>, vector<512x256xf32> -> vector<512x256xf32>
    %dot_general3A_17 = arith.constant dense<0.000000e+00> : vector<512x256xf32>
    %dot_general3A_18 = tpu.matmul %convert_element_type3A_9, %convert_element_type3A_10, %dot_general3A_17 {dimension_numbers = #tpu.dot_dimension_numbers<[1], [0], [0], [1], [0, 0, 1, 1], [], []>, transpose_lhs_hint = false} : vector<512x256xbf16>, vector<256x256xbf16>, vector<512x256xf32> -> vector<512x256xf32>
    %add3A = arith.addf %dot_general3A_16, %dot_general3A_18 : vector<512x256xf32>
    %add3A_19 = arith.addf %dot_general3A_14, %add3A : vector<512x256xf32>
    %get3A_20 = arith.constant 0 : index
    %get3A_21 = arith.constant 0 : index
    %get3A_22 = arith.constant 0 : index
    %get3A_23 = vector.load %arg5[%get3A_20, %get3A_21, %get3A_22] : memref<1x1x512xi32, #tpu.memory_space<vmem>>, vector<1x1x512xi32>
    %get3A_24 = vector.shape_cast %get3A_23 : vector<1x1x512xi32> to vector<1x512xi32>
    %iota3A = tpu.iota {dimensions = array<i32: 0>} : vector<512x512xi32>
    %eq3A_25 = vector.broadcast %get3A_24 : vector<1x512xi32> to vector<512x512xi32>
    %eq3A_26 = arith.cmpi eq, %iota3A, %eq3A_25 : vector<512x512xi32>
    %convert_element_type3A_27 = arith.extui %eq3A_26 : vector<512x512xi1> to vector<512x512xi32>
    %convert_element_type3A_28 = arith.sitofp %convert_element_type3A_27 : vector<512x512xi32> to vector<512x512xf32>
    %convert_element_type3A_29 = arith.truncf %convert_element_type3A_28 : vector<512x512xf32> to vector<512x512xbf16>
    %get3A_30 = arith.constant 0 : index
    %get3A_31 = arith.constant 0 : index
    %get3A_32 = vector.load %arg7[%get3A_30, %get3A_31] : memref<512x256xf32, #tpu.memory_space<vmem>>, vector<512x256xf32>
    %convert_element_type3A_33 = arith.truncf %get3A_32 : vector<512x256xf32> to vector<512x256xbf16>
    %convert_element_type3A_34 = arith.extf %convert_element_type3A_33 : vector<512x256xbf16> to vector<512x256xf32>
    %sub3A_35 = arith.subf %get3A_32, %convert_element_type3A_34 : vector<512x256xf32>
    %convert_element_type3A_36 = arith.truncf %sub3A_35 : vector<512x256xf32> to vector<512x256xbf16>
    %dot_general3A_37 = arith.constant dense<0.000000e+00> : vector<512x256xf32>
    %dot_general3A_38 = tpu.matmul %convert_element_type3A_29, %convert_element_type3A_33, %dot_general3A_37 {dimension_numbers = #tpu.dot_dimension_numbers<[0], [0], [1], [1], [0, 1, 1, 1], [], []>, transpose_lhs_hint = false} : vector<512x512xbf16>, vector<512x256xbf16>, vector<512x256xf32> -> vector<512x256xf32>
    %dot_general3A_39 = arith.constant dense<0.000000e+00> : vector<512x256xf32>
    %dot_general3A_40 = tpu.matmul %convert_element_type3A_29, %convert_element_type3A_36, %dot_general3A_39 {dimension_numbers = #tpu.dot_dimension_numbers<[0], [0], [1], [1], [0, 1, 1, 1], [], []>, transpose_lhs_hint = false} : vector<512x512xbf16>, vector<512x256xbf16>, vector<512x256xf32> -> vector<512x256xf32>
    %add3A_41 = arith.addf %dot_general3A_38, %dot_general3A_40 : vector<512x256xf32>
    %add3A_42 = arith.addf %add3A_41, %add3A_19 : vector<512x256xf32>
    %swap3A = arith.constant 0 : index
    %swap3A_43 = arith.constant 0 : index
    %swap3A_44 = vector.load %arg6[%swap3A, %swap3A_43] : memref<512x256xf32, #tpu.memory_space<vmem>>, vector<512x256xf32>
    tpu.vector_store %arg6[%swap3A, %swap3A_43], %add3A_42 {strides = array<i32>} : memref<512x256xf32, #tpu.memory_space<vmem>>, vector<512x256xf32>,
    return
  }
  func.func @transform_0(%arg0: i32) -> (i32, i32) {
    %c0_i32 = arith.constant 0 : i32
    %c0_i32_0 = arith.constant 0 : i32
    %c0_i32_1 = arith.constant 0 : i32
    return %c0_i32, %c0_i32_0 : i32, i32
  }
  func.func @transform_1(%arg0: i32) -> (i32, i32) {
    %c0_i32 = arith.constant 0 : i32
    %c0_i32_0 = arith.constant 0 : i32
    return %arg0, %c0_i32 : i32, i32
  }
  func.func @transform_2(%arg0: i32) -> (i32, i32) {
    %c0_i32 = arith.constant 0 : i32
    %c0_i32_0 = arith.constant 0 : i32
    %c0_i32_1 = arith.constant 0 : i32
    return %c0_i32, %c0_i32_0 : i32, i32
  }
  func.func @transform_3(%arg0: i32) -> (i32, i32) {
    %c0_i32 = arith.constant 0 : i32
    %c0_i32_0 = arith.constant 0 : i32
    %c0_i32_1 = arith.constant 0 : i32
    return %c0_i32, %c0_i32_0 : i32, i32
  }
  func.func @transform_4(%arg0: i32) -> (i32, i32, i32) {
    %c0_i32 = arith.constant 0 : i32
    %c0_i32_0 = arith.constant 0 : i32
    %c0_i32_1 = arith.constant 0 : i32
    return %arg0, %c0_i32, %c0_i32_0 : i32, i32, i32
  }
  func.func @transform_5(%arg0: i32) -> (i32, i32) {
    %c0_i32 = arith.constant 0 : i32
    %c0_i32_0 = arith.constant 0 : i32
    return %arg0, %c0_i32 : i32, i32
  }
}

module attributes {stable_mosaic.version = 14 : i64} {
  func.func @_out_body(%arg0: i32, %arg1: memref<128x512xf32, #tpu.memory_space<vmem>>, %arg2: memref<512x256xf32, #tpu.memory_space<vmem>>, %arg3: memref<1x1x512xi32, #tpu.memory_space<vmem>>, %arg4: memref<256x256xf32, #tpu.memory_space<vmem>>, %arg5: memref<1x256xf32, #tpu.memory_space<vmem>>, %arg6: memref<512x256xf32, #tpu.memory_space<vmem>>, %arg7: memref<512x256xf32, #tpu.memory_space<vmem>>) attributes {dimension_semantics = [#tpu.dimension_semantics<arbitrary>], iteration_bounds = array<i64: 16>, scalar_prefetch = 0 : i64, scratch_operands = 1 : i64, tpu.core_type = #tpu.core_type<tc>, window_params = [{transform_indices = @transform_0, window_bounds = array<i64: 128, 512>}, {transform_indices = @transform_1, window_bounds = array<i64: 512, 256>}, {transform_indices = @transform_2, window_bounds = array<i64: 1, 1, 512>}, {pipeline_mode = #tpu.pipeline_mode<synchronous>, transform_indices = @transform_3, window_bounds = array<i64: 256, 256>}, {pipeline_mode = #tpu.pipeline_mode<synchronous>, transform_indices = @transform_4, window_bounds = array<i64: 1, 256>}, {pipeline_mode = #tpu.pipeline_mode<synchronous>, transform_indices = @transform_5, window_bounds = array<i64: 512, 256>}]} {
    %eq3A = arith.constant 0 : i32
    %eq3A_0 = arith.cmpi eq, %arg0, %eq3A : i32
    %convert_element_type3A = arith.extui %eq3A_0 : i1 to i32
    %cond3A = arith.constant 0 : i32
    %cond3A_1 = arith.cmpi ne, %convert_element_type3A, %cond3A : i32
    scf.if %cond3A_1 {
      %broadcast_in_dim3A = arith.constant 0.000000e+00 : f32
      %broadcast_in_dim3A_74 = vector.broadcast %broadcast_in_dim3A : f32 to vector<512x256xf32>
      %swap3A_75 = arith.constant 0 : index
      %swap3A_76 = arith.constant 0 : index
      %swap3A_77 = vector.load %arg7[%swap3A_75, %swap3A_76] : memref<512x256xf32, #tpu.memory_space<vmem>>, vector<512x256xf32>
      tpu.vector_store %arg7[%swap3A_75, %swap3A_76], %broadcast_in_dim3A_74 {strides = array<i32>} : memref<512x256xf32, #tpu.memory_space<vmem>>, vector<512x256xf32>,
    } else {
    }
    %get3A = arith.constant 0 : index
    %get3A_2 = arith.constant 0 : index
    %get3A_3 = vector.load %arg1[%get3A, %get3A_2] : memref<128x512xf32, #tpu.memory_space<vmem>>, vector<128x512xf32>
    %reshape3A = vector.shape_cast %get3A_3 : vector<128x512xf32> to vector<32x4x512xf32>
    %reduce_sum3A = arith.constant dense<0.000000e+00> : vector<4x512xf32>
    %reduce_sum3A_4 = vector.multi_reduction <add>, %reshape3A, %reduce_sum3A [0] : vector<32x4x512xf32> to vector<4x512xf32>
    %iota3A = tpu.iota {dimensions = array<i32: 0>} : vector<4x256xi32>
    %iota3A_5 = tpu.iota {dimensions = array<i32: 1>} : vector<4x256xi32>
    %jit3A = arith.constant 64 : i32
    %div3A = vector.broadcast %jit3A : i32 to vector<4x256xi32>
    %div3A_6 = arith.divsi %iota3A_5, %div3A : vector<4x256xi32>
    %sign3A = arith.constant 0 : i32
    %sign3A_7 = vector.broadcast %sign3A : i32 to vector<4x256xi32>
    %sign3A_8 = arith.cmpi sgt, %iota3A_5, %sign3A_7 : vector<4x256xi32>
    %sign3A_9 = arith.extui %sign3A_8 : vector<4x256xi1> to vector<4x256xi32>
    %sign3A_10 = arith.constant 0 : i32
    %sign3A_11 = vector.broadcast %sign3A_10 : i32 to vector<4x256xi32>
    %sign3A_12 = arith.cmpi slt, %iota3A_5, %sign3A_11 : vector<4x256xi32>
    %sign3A_13 = arith.extui %sign3A_12 : vector<4x256xi1> to vector<4x256xi32>
    %sign3A_14 = arith.subi %sign3A_9, %sign3A_13 : vector<4x256xi32>
    %sign3A_15 = arith.constant 0 : i32
    %sign3A_16 = arith.cmpi sgt, %jit3A, %sign3A_15 : i32
    %sign3A_17 = arith.extui %sign3A_16 : i1 to i32
    %sign3A_18 = arith.constant 0 : i32
    %sign3A_19 = arith.cmpi slt, %jit3A, %sign3A_18 : i32
    %sign3A_20 = arith.extui %sign3A_19 : i1 to i32
    %sign3A_21 = arith.subi %sign3A_17, %sign3A_20 : i32
    %ne3A = vector.broadcast %sign3A_21 : i32 to vector<4x256xi32>
    %ne3A_22 = arith.cmpi ne, %sign3A_14, %ne3A : vector<4x256xi32>
    %rem3A = vector.broadcast %jit3A : i32 to vector<4x256xi32>
    %rem3A_23 = arith.remsi %iota3A_5, %rem3A : vector<4x256xi32>
    %ne3A_24 = arith.constant 0 : i32
    %ne3A_25 = vector.broadcast %ne3A_24 : i32 to vector<4x256xi32>
    %ne3A_26 = arith.cmpi ne, %rem3A_23, %ne3A_25 : vector<4x256xi32>
    %and3A = arith.andi %ne3A_22, %ne3A_26 : vector<4x256xi1>
    %sub3A = arith.constant 1 : i32
    %sub3A_27 = vector.broadcast %sub3A : i32 to vector<4x256xi32>
    %sub3A_28 = arith.subi %div3A_6, %sub3A_27 : vector<4x256xi32>
    %select_n3A = arith.select %and3A, %sub3A_28, %div3A_6 : vector<4x256xi1>, vector<4x256xi32>
    %eq3A_29 = arith.cmpi eq, %iota3A, %select_n3A : vector<4x256xi32>
    %convert_element_type3A_30 = arith.extui %eq3A_29 : vector<4x256xi1> to vector<4x256xi32>
    %convert_element_type3A_31 = arith.sitofp %convert_element_type3A_30 : vector<4x256xi32> to vector<4x256xf32>
    %convert_element_type3A_32 = arith.truncf %convert_element_type3A_31 : vector<4x256xf32> to vector<4x256xbf16>
    %convert_element_type3A_33 = arith.truncf %reduce_sum3A_4 : vector<4x512xf32> to vector<4x512xbf16>
    %convert_element_type3A_34 = arith.extf %convert_element_type3A_33 : vector<4x512xbf16> to vector<4x512xf32>
    %sub3A_35 = arith.subf %reduce_sum3A_4, %convert_element_type3A_34 : vector<4x512xf32>
    %convert_element_type3A_36 = arith.truncf %sub3A_35 : vector<4x512xf32> to vector<4x512xbf16>
    %dot_general3A = arith.constant dense<0.000000e+00> : vector<512x256xf32>
    %dot_general3A_37 = tpu.matmul %convert_element_type3A_33, %convert_element_type3A_32, %dot_general3A {dimension_numbers = #tpu.dot_dimension_numbers<[0], [0], [1], [1], [0, 1, 1, 1], [], []>, transpose_lhs_hint = false} : vector<4x512xbf16>, vector<4x256xbf16>, vector<512x256xf32> -> vector<512x256xf32>
    %dot_general3A_38 = arith.constant dense<0.000000e+00> : vector<512x256xf32>
    %dot_general3A_39 = tpu.matmul %convert_element_type3A_36, %convert_element_type3A_32, %dot_general3A_38 {dimension_numbers = #tpu.dot_dimension_numbers<[0], [0], [1], [1], [0, 1, 1, 1], [], []>, transpose_lhs_hint = false} : vector<4x512xbf16>, vector<4x256xbf16>, vector<512x256xf32> -> vector<512x256xf32>
    %add3A = arith.addf %dot_general3A_37, %dot_general3A_39 : vector<512x256xf32>
    %get3A_40 = arith.constant 0 : index
    %get3A_41 = arith.constant 0 : index
    %get3A_42 = vector.load %arg2[%get3A_40, %get3A_41] : memref<512x256xf32, #tpu.memory_space<vmem>>, vector<512x256xf32>
    %mul3A = arith.mulf %add3A, %get3A_42 : vector<512x256xf32>
    %get3A_43 = arith.constant 0 : index
    %get3A_44 = arith.constant 0 : index
    %get3A_45 = arith.constant 0 : index
    %get3A_46 = vector.load %arg3[%get3A_43, %get3A_44, %get3A_45] : memref<1x1x512xi32, #tpu.memory_space<vmem>>, vector<1x1x512xi32>
    %get3A_47 = vector.shape_cast %get3A_46 : vector<1x1x512xi32> to vector<1x512xi32>
    %iota3A_48 = tpu.iota {dimensions = array<i32: 0>} : vector<512x512xi32>
    %eq3A_49 = vector.broadcast %get3A_47 : vector<1x512xi32> to vector<512x512xi32>
    %eq3A_50 = arith.cmpi eq, %iota3A_48, %eq3A_49 : vector<512x512xi32>
    %convert_element_type3A_51 = arith.extui %eq3A_50 : vector<512x512xi1> to vector<512x512xi32>
    %convert_element_type3A_52 = arith.sitofp %convert_element_type3A_51 : vector<512x512xi32> to vector<512x512xf32>
    %convert_element_type3A_53 = arith.truncf %convert_element_type3A_52 : vector<512x512xf32> to vector<512x512xbf16>
    %convert_element_type3A_54 = arith.truncf %mul3A : vector<512x256xf32> to vector<512x256xbf16>
    %convert_element_type3A_55 = arith.extf %convert_element_type3A_54 : vector<512x256xbf16> to vector<512x256xf32>
    %sub3A_56 = arith.subf %mul3A, %convert_element_type3A_55 : vector<512x256xf32>
    %convert_element_type3A_57 = arith.truncf %sub3A_56 : vector<512x256xf32> to vector<512x256xbf16>
    %get3A_58 = arith.constant 0 : index
    %get3A_59 = arith.constant 0 : index
    %get3A_60 = vector.load %arg7[%get3A_58, %get3A_59] : memref<512x256xf32, #tpu.memory_space<vmem>>, vector<512x256xf32>
    %dot_general3A_61 = arith.constant dense<0.000000e+00> : vector<512x256xf32>
    %dot_general3A_62 = tpu.matmul %convert_element_type3A_53, %convert_element_type3A_54, %dot_general3A_61 {dimension_numbers = #tpu.dot_dimension_numbers<[1], [0], [0], [1], [0, 0, 1, 1], [], []>, transpose_lhs_hint = false} : vector<512x512xbf16>, vector<512x256xbf16>, vector<512x256xf32> -> vector<512x256xf32>
    %dot_general3A_63 = arith.constant dense<0.000000e+00> : vector<512x256xf32>
    %dot_general3A_64 = tpu.matmul %convert_element_type3A_53, %convert_element_type3A_57, %dot_general3A_63 {dimension_numbers = #tpu.dot_dimension_numbers<[1], [0], [0], [1], [0, 0, 1, 1], [], []>, transpose_lhs_hint = false} : vector<512x512xbf16>, vector<512x256xbf16>, vector<512x256xf32> -> vector<512x256xf32>
    %add3A_65 = arith.addf %dot_general3A_62, %dot_general3A_64 : vector<512x256xf32>
    %add3A_66 = arith.addf %get3A_60, %add3A_65 : vector<512x256xf32>
    %swap3A = arith.constant 0 : index
    %swap3A_67 = arith.constant 0 : index
    %swap3A_68 = vector.load %arg7[%swap3A, %swap3A_67] : memref<512x256xf32, #tpu.memory_space<vmem>>, vector<512x256xf32>
    tpu.vector_store %arg7[%swap3A, %swap3A_67], %add3A_66 {strides = array<i32>} : memref<512x256xf32, #tpu.memory_space<vmem>>, vector<512x256xf32>,
    %eq3A_69 = arith.constant 15 : i32
    %eq3A_70 = arith.cmpi eq, %arg0, %eq3A_69 : i32
    %convert_element_type3A_71 = arith.extui %eq3A_70 : i1 to i32
    %cond3A_72 = arith.constant 0 : i32
    %cond3A_73 = arith.cmpi ne, %convert_element_type3A_71, %cond3A_72 : i32
    scf.if %cond3A_73 {
      %get3A_74 = arith.constant 0 : index
      %get3A_75 = arith.constant 0 : index
      %get3A_76 = vector.load %arg7[%get3A_74, %get3A_75] : memref<512x256xf32, #tpu.memory_space<vmem>>, vector<512x256xf32>
      %get3A_77 = arith.constant 0 : index
      %get3A_78 = arith.constant 0 : index
      %get3A_79 = vector.load %arg4[%get3A_77, %get3A_78] : memref<256x256xf32, #tpu.memory_space<vmem>>, vector<256x256xf32>
      %convert_element_type3A_80 = arith.truncf %get3A_76 : vector<512x256xf32> to vector<512x256xbf16>
      %convert_element_type3A_81 = arith.extf %convert_element_type3A_80 : vector<512x256xbf16> to vector<512x256xf32>
      %sub3A_82 = arith.subf %get3A_76, %convert_element_type3A_81 : vector<512x256xf32>
      %convert_element_type3A_83 = arith.truncf %sub3A_82 : vector<512x256xf32> to vector<512x256xbf16>
      %convert_element_type3A_84 = arith.truncf %get3A_79 : vector<256x256xf32> to vector<256x256xbf16>
      %convert_element_type3A_85 = arith.extf %convert_element_type3A_84 : vector<256x256xbf16> to vector<256x256xf32>
      %sub3A_86 = arith.subf %get3A_79, %convert_element_type3A_85 : vector<256x256xf32>
      %convert_element_type3A_87 = arith.truncf %sub3A_86 : vector<256x256xf32> to vector<256x256xbf16>
      %dot_general3A_88 = arith.constant dense<0.000000e+00> : vector<512x256xf32>
      %dot_general3A_89 = tpu.matmul %convert_element_type3A_80, %convert_element_type3A_84, %dot_general3A_88 {dimension_numbers = #tpu.dot_dimension_numbers<[1], [0], [0], [1], [0, 0, 1, 1], [], []>, transpose_lhs_hint = false} : vector<512x256xbf16>, vector<256x256xbf16>, vector<512x256xf32> -> vector<512x256xf32>
      %dot_general3A_90 = arith.constant dense<0.000000e+00> : vector<512x256xf32>
      %dot_general3A_91 = tpu.matmul %convert_element_type3A_80, %convert_element_type3A_87, %dot_general3A_90 {dimension_numbers = #tpu.dot_dimension_numbers<[1], [0], [0], [1], [0, 0, 1, 1], [], []>, transpose_lhs_hint = false} : vector<512x256xbf16>, vector<256x256xbf16>, vector<512x256xf32> -> vector<512x256xf32>
      %dot_general3A_92 = arith.constant dense<0.000000e+00> : vector<512x256xf32>
      %dot_general3A_93 = tpu.matmul %convert_element_type3A_83, %convert_element_type3A_84, %dot_general3A_92 {dimension_numbers = #tpu.dot_dimension_numbers<[1], [0], [0], [1], [0, 0, 1, 1], [], []>, transpose_lhs_hint = false} : vector<512x256xbf16>, vector<256x256xbf16>, vector<512x256xf32> -> vector<512x256xf32>
      %add3A_94 = arith.addf %dot_general3A_91, %dot_general3A_93 : vector<512x256xf32>
      %add3A_95 = arith.addf %dot_general3A_89, %add3A_94 : vector<512x256xf32>
      %get3A_96 = arith.constant 0 : index
      %get3A_97 = arith.constant 0 : index
      %get3A_98 = vector.load %arg5[%get3A_96, %get3A_97] : memref<1x256xf32, #tpu.memory_space<vmem>>, vector<1x256xf32>
      %add3A_99 = vector.broadcast %get3A_98 : vector<1x256xf32> to vector<512x256xf32>
      %add3A_100 = arith.addf %add3A_95, %add3A_99 : vector<512x256xf32>
      %swap3A_101 = arith.constant 0 : index
      %swap3A_102 = arith.constant 0 : index
      %swap3A_103 = vector.load %arg6[%swap3A_101, %swap3A_102] : memref<512x256xf32, #tpu.memory_space<vmem>>, vector<512x256xf32>
      tpu.vector_store %arg6[%swap3A_101, %swap3A_102], %add3A_100 {strides = array<i32>} : memref<512x256xf32, #tpu.memory_space<vmem>>, vector<512x256xf32>,
    } else {
    }
    return
  }
  func.func @transform_0(%arg0: i32) -> (i32, i32) {
    %c0_i32 = arith.constant 0 : i32
    %c0_i32_0 = arith.constant 0 : i32
    return %c0_i32, %arg0 : i32, i32
  }
  func.func @transform_1(%arg0: i32) -> (i32, i32) {
    %c0_i32 = arith.constant 0 : i32
    %c0_i32_0 = arith.constant 0 : i32
    return %arg0, %c0_i32 : i32, i32
  }
  func.func @transform_2(%arg0: i32) -> (i32, i32, i32) {
    %c0_i32 = arith.constant 0 : i32
    %c0_i32_0 = arith.constant 0 : i32
    %c0_i32_1 = arith.constant 0 : i32
    return %arg0, %c0_i32, %c0_i32_0 : i32, i32, i32
  }
  func.func @transform_3(%arg0: i32) -> (i32, i32) {
    %c0_i32 = arith.constant 0 : i32
    %c0_i32_0 = arith.constant 0 : i32
    %c0_i32_1 = arith.constant 0 : i32
    return %c0_i32, %c0_i32_0 : i32, i32
  }
  func.func @transform_4(%arg0: i32) -> (i32, i32) {
    %c0_i32 = arith.constant 0 : i32
    %c0_i32_0 = arith.constant 0 : i32
    %c0_i32_1 = arith.constant 0 : i32
    return %c0_i32, %c0_i32_0 : i32, i32
  }
  func.func @transform_5(%arg0: i32) -> (i32, i32) {
    %c0_i32 = arith.constant 0 : i32
    %c0_i32_0 = arith.constant 0 : i32
    %c0_i32_1 = arith.constant 0 : i32
    return %c0_i32, %c0_i32_0 : i32, i32
  }
}

</mosaic_0001>

<sc_bundles>
// kernel: kernel.6.cloned.1.call-start
scs
__scs_entry_jumppad:
0x0: {  	(pc) =	sbr.rel $0x88, $3  }
0x1: {  	(tag) =	ssettag $0x0;
	lr =	simm.s32 $0x1  }
0x2: {  	[smem:$0x3F96] =	sst lr;
	_ =	strace $0xD0000000  }
0x3: {  	_ = 	snop  }
0x4: {  	_ = 	snop  }
0x5: {  	_ = 	snop  }
0x6: {  	_ = 	snop  }
0x7: {  	_ = 	snop  }
__scs_overlays_trampoline_lowered:
0x8: {  	[smem:$0x3FA5] =	sst s0  }
0x9: {  	[smem:$0x3FA6] =	sst s1  }
0xa: {  	[smem:$0x3FA7] =	sst s2  }
0xb: {  	[smem:$0x3FA8] =	sst s3  }
0xc: {  	[smem:$0x3FA9] =	sst s4  }
0xd: {  	[smem:$0x3FAA] =	sst s5  }
0xe: {  	[smem:$0x3FAB] =	sst s6  }
0xf: {  	[smem:$0x3FAC] =	sst s7  }
0x10: {  	[smem:$0x3FAD] =	sst s8  }
0x11: {  	[smem:$0x3FAE] =	sst s9;
	s0 =	simm.s32 @!p0 $0x0  }
0x12: {  	s1 =	sld [smem:$0x3F94];
	s0 =	simm.s32 @p0 $0x1  }
0x13: {  	[smem:$0x3FAF] =	sst s0;
	s0 =	simm.s32 @!p1 $0x0  }
0x14: {  	s2 =	sld [smem:$0x3F93];
	s0 =	simm.s32 @p1 $0x1  }
0x15: {  	[smem:$0x3FB0] =	sst s0;
	s0 =	simm.s32 @!p2 $0x0  }
0x16: {  	s3 =	sld [smem:$0x3FDB];
	s0 =	simm.s32 @p2 $0x1  }
0x17: {  	s4 =	simm.s32 $0x1BF5;
	[smem:$0x3FB2] =	sst s0  }
0x18: {  	s0 =	sld [smem:$0x3F95];
	_ =	swait.ge [sflag:s4], $0x0  }
0x19: {  	s7 =	sld [smem:$0x3F96]  }
0x1a: {  	s8 =	sadd.s32 $0xFFFFE003, lr  }
0x1b: {  	s9 =	sadd.s32 $0xFFFFFEF7, lr;
	s5 =	simm.s32 $0xFFFFFFFF;
	p2 =	slt.u32 s8, $0xFFFFF086  }
0x1c: {  	p1 =	slt.u32 s9, $0xF7A;
	s5 =	simm.s32 @!p2 $0x0  }
0x1d: {  	s5 =	simm.s32 @p1 $0x1;
	p0 =	seq.s32 s7, s2  }
0x1e: {  	s7 =	smul.u32 @!p0 $0xF7A, s2;
	p2 =	seq.s32 @!p0 s5, $0x0  }
0x1f: {  	s9 =	smul.u32 $0xF7A, s1;
	s8 =	simm.s32 @!p0 $0x1BF5;
	p2 =	por !p2, p0  }
0x20: {  	[sflag:s8] =	ssyncset.s32 @!p0 $0xFFFFF086;
	s6 =	sadd.s32 @!p0 s3, s7;
	s7 =	simm.s32 @!p0 $0x108  }
0x21: {  	s3 =	sadd.s32 s3, s9;
	s6 =	sadd.s32 @!p0 $0x88, s6;
	s7 =	simm.s32 @p2 $0x1082  }
0x22: {  	[simem:s7], [sflag:s8] =	dma.local @!p0 [hbm:s6], $0xF7A  }
0x23: {  	s9 =	sor.u32 $0xD0000000, s2;
	s6 =	simm.s32 $0x108;
	_ =	swait.ge @!p0 [sflag:s8], $0x0  }
0x24: {  	s3 =	sadd.s32 $0x88, s3;
	s6 =	simm.s32 @!p1 $0x1082;
	[sflag:s4] =	ssyncset.s32 $0xFFFFF086  }
0x25: {  	[simem:s6], [sflag:s4] =	dma.local [hbm:s3], $0xF7A  }
0x26: {  	[smem:$0x3F96] =	sst s1;
	(tag) =	ssettag s2;
	_ =	strace s9  }
0x27: {  	s1 =	sld [smem:$0x3FA6]  }
0x28: {  	s2 =	sld [smem:$0x3FA7]  }
0x29: {  	s4 =	sld [smem:$0x3FA9]  }
0x2a: {  	p0 =	seq.s32 s5, $0x0;
	s5 =	sld [smem:$0x3FAA]  }
0x2b: {  	s6 =	sld [smem:$0x3FAB]  }
0x2c: {  	s7 =	sld [smem:$0x3FAC]  }
0x2d: {  	s3 =	simm.s32 $0x108;
	s8 =	sld [smem:$0x3FAD]  }
0x2e: {  	s3 =	simm.s32 @!p0 $0x1082;
	s9 =	sld [smem:$0x3FAE]  }
0x2f: {  	lr =	sadd.s32 s0, s3;
	s0 =	sld [smem:$0x3FA5]  }
0x30: {  	s3 =	sld [smem:$0x3FA8]  }
0x31: {  	[smem:$0x3FB1] =	sst s10  }
0x32: {  	s10 =	sld [smem:$0x3FAF];
	_ =	sdelay $0x3  }
0x33: {  	p0 =	seq.s32 s10, $0x1;
	s10 =	sld [smem:$0x3FB1];
	_ =	sdelay $0x3  }
0x34: {  	[smem:$0x3FB1] =	sst s10  }
0x35: {  	s10 =	sld [smem:$0x3FB0];
	_ =	sdelay $0x3  }
0x36: {  	p1 =	seq.s32 s10, $0x1;
	s10 =	sld [smem:$0x3FB1];
	_ =	sdelay $0x3  }
0x37: {  	[smem:$0x3FB1] =	sst s10  }
0x38: {  	s10 =	sld [smem:$0x3FB2]  }
0x39: {  	_ = 	snop;
	(pc) =	sbr.ind lr, $3  }
0x3a: {  	_ = 	snop  }
0x3b: {  	_ = 	snop  }
0x3c: {  	p2 =	seq.s32 s10, $0x1;
	s10 =	sld [smem:$0x3FB1]  }
0x3d: {  	_ =	shalt  }
0x3e: {  	_ =	shalt  }
0x3f: {  	_ =	shalt  }
0x40: {  	_ =	shalt  }
0x41: {  	_ =	shalt  }
0x42: {  	_ =	shalt  }
0x43: {  	_ =	shalt  }
0x44: {  	_ =	shalt  }
0x45: {  	_ =	shalt  }
0x46: {  	_ =	shalt  }
0x47: {  	_ =	shalt  }
0x48: {  	_ =	shalt  }
0x49: {  	_ =	shalt  }
0x4a: {  	_ =	shalt  }
0x4b: {  	_ =	shalt  }
0x4c: {  	_ =	shalt  }
0x4d: {  	_ =	shalt  }
0x4e: {  	_ =	shalt  }
0x4f: {  	_ =	shalt  }
0x50: {  	_ =	shalt  }
0x51: {  	_ =	shalt  }
0x52: {  	_ =	shalt  }
0x53: {  	_ =	shalt  }
0x54: {  	_ =	shalt  }
0x55: {  	_ =	shalt  }
0x56: {  	_ =	shalt  }
0x57: {  	_ =	shalt  }
0x58: {  	_ =	shalt  }
0x59: {  	_ =	shalt  }
0x5a: {  	_ =	shalt  }
0x5b: {  	_ =	shalt  }
0x5c: {  	_ =	shalt  }
0x5d: {  	_ =	shalt  }
0x5e: {  	_ =	shalt  }
0x5f: {  	_ =	shalt  }
0x60: {  	_ =	shalt  }
0x61: {  	_ =	shalt  }
0x62: {  	_ =	shalt  }
0x63: {  	_ =	shalt  }
0x64: {  	_ =	shalt  }
0x65: {  	_ =	shalt  }
0x66: {  	_ =	shalt  }
0x67: {  	_ =	shalt  }
0x68: {  	_ =	shalt  }
0x69: {  	_ =	shalt  }
0x6a: {  	_ =	shalt  }
0x6b: {  	_ =	shalt  }
0x6c: {  	_ =	shalt  }
0x6d: {  	_ =	shalt  }
0x6e: {  	_ =	shalt  }
0x6f: {  	_ =	shalt  }
0x70: {  	_ =	shalt  }
0x71: {  	_ =	shalt  }
0x72: {  	_ =	shalt  }
0x73: {  	_ =	shalt  }
0x74: {  	_ =	shalt  }
0x75: {  	_ =	shalt  }
0x76: {  	_ =	shalt  }
0x77: {  	_ =	shalt  }
0x78: {  	_ =	shalt  }
0x79: {  	_ =	shalt  }
0x7a: {  	_ =	shalt  }
0x7b: {  	_ =	shalt  }
0x7c: {  	_ =	shalt  }
0x7d: {  	_ =	shalt  }
0x7e: {  	_ =	shalt  }
0x7f: {  	_ =	shalt  }
0x80: {  	_ =	shalt  }
0x81: {  	_ =	shalt  }
0x82: {  	_ =	shalt  }
0x83: {  	_ =	shalt  }
0x84: {  	_ =	shalt  }
0x85: {  	_ =	shalt  }
0x86: {  	_ =	shalt  }
0x87: {  	_ =	shalt  }
.Lfunc_end0:
.L_simem_size_0:
called_computation_lowered:
.L_overlay_start_0:
0x88: {  	s2 =	sld [smem:$0x3FD9]  }
0x89: {  	s3 =	sld [smem:$0x3FFE];
	_ =	sdelay $0x1  }
0x8a: {  	s1 =	srdreg.scid  }
0x8b: {  	s0 =	sand.u32 $0x1, s1  }
0x8c: {  	s17 =	sshll.u32 s0, $0xA;
	s2 =	sadd.s32 s3, s2  }
0x8d: {  	s2 =	sadd.s32 s2, s17  }
0x8e: {  	[smem:$0x3FBD] =	sst s2  }
0x8f: {  	_ = 	snop  }
0x90: {  	s2 =	sld [smem:$0x3FD0];
	(tm) =	ssettm $0x1  }
0x91: {  	s18 =	sld [smem:$0x3FFB];
	_ =	sdelay $0x3  }
0x92: {  	_ =	strace s18  }
0x93: {  	s3 =	sld [smem:$0x3FFC];
	_ =	sdelay $0x3  }
0x94: {  	_ =	strace s3  }
0x95: {  	s3 =	sld [smem:$0x3FFD];
	_ =	sdelay $0x3  }
0x96: {  	_ =	strace s3  }
0x97: {  	_ =	strace $0x8FFFFFFF  }
0x98: {  	s19 =	sld [smem:$0x3FDB];
	_ =	sdelay $0x1  }
0x99: {  	s4 =	simm.s32 $_scs_section_size  }
0x9a: {  	s5 =	simm.s32 $_size__tile_overlayer_lowered;
	s6 =	simm.s32 $_tile_overlayer_lowered  }
0x9b: {  	s22 =	simm.s32 $0x1BFF;
	s21 =	sshll.u32 s6, $0x1;
	s3 =	sadd.s32 s4, s19  }
0x9c: {  	s7 =	simm.s32 $0x0;
	s20 =	sshll.u32 s5, $0x1;
	s5 =	sadd.s32 s21, s3  }
0x9d: {  	[timem:s7], [sflag:s22] =	dma.local [hbm:s5], s20  }
0x9e: {  	_ =	swait.ge [sflag:s22], s20  }
0x9f: {  	s4 =	ssub.s32 $0x0, s20;
	[sflag:s22] =	ssyncset.done $0x0  }
0xa0: {  	[sflag:s22] =	ssyncadd.s32 s4;
	_ =	sdelay $0x1  }
0xa1: {  	s23 =	simm.s32 $0x1B8B  }
0xa2: {  	_ =	swait.ge [sflag:s23], $0x1  }
0xa3: {  	[sflag:s23] =	ssyncset.done $0x0  }
0xa4: {  	s25 =	simm.s32 $0x1B8E;
	s24 =	sld [smem:$0x3FFE];
	[sflag:s23] =	ssyncadd.s32 $0xFFFFFFFF  }
0xa5: {  	s26 =	simm.s32 $execute0_lowered;
	[smem:$0x3FD2] =	sst s25  }
0xa6: {  	s5 =	sshll.u32 s26, $0x1;
	_ =	strace $0x80000046;
	[dreg:$0x1] =	wrdreg $0xFFFFFFFF  }
0xa7: {  	s28 =	simm.s32 $_size_execute0_lowered;
	s3 =	sadd.s32 s3, s5;
	[dreg:$0x0] =	wrdreg $0x0  }
0xa8: {  	s5 =	sshll.u32 s28, $0x1;
	[dreg:$0x2] =	wrdreg s3  }
0xa9: {  	[dreg:$0x3] =	wrdreg s5  }
0xaa: {  	[dreg:$0x4] =	wrdreg $0xC0  }
0xab: {  	_ =	task [dreg:s7], $0x5FFFF  }
0xac: {  	[dreg:$0x1] =	wrdreg $0xFFFFFFFF  }
0xad: {  	[dreg:$0x0] =	wrdreg $0x60  }
0xae: {  	[dreg:$0x2] =	wrdreg s24  }
0xaf: {  	[dreg:$0x3] =	wrdreg s2  }
0xb0: {  	[dreg:$0x4] =	wrdreg $0x9  }
0xb1: {  	_ =	task.clear_ibuf [dreg:s7], $0x5FFFF;
	_ =	strace $0x90000046  }
0xb2: {  	s29 =	simm.s32 $0x9;
	_ =	strace $0x80000048  }
0xb3: {  	_ =	swait.ge [sflag:s29], $0x1  }
0xb4: {  	[sflag:s29] =	ssyncadd.s32 $0xFFFFFFFF  }
0xb5: {  	_ =	strace $0x90000048  }
0xb6: {  	_ =	sfence  }
0xb7: {  	s30 =	sld [smem:$0x0];
	_ =	sdelay $0x2  }
0xb8: {  	s31 =	sshll.u32 s1, $0xD;
	s1 =	sshrl.u32 s1, $0x2  }
0xb9: {  	s3 =	sand.u32 $0x4000, s31;
	s1 =	sadd.s32 s1, s30  }
0xba: {  	s0 =	sor.u32 s3, s0;
	s1 =	sshll.u32 s1, $0x11  }
0xbb: {  	s0 =	sor.u32 s1, s0  }
0xbc: {  	s0 =	sadd.s32 $0x8F2B, s0  }
0xbd: {  	[sflag:s0] =	ssyncadd.remote.s32 $0x1  }
0xbe: {  	_ =	sfence.sel $0xFFFF  }
0xbf: {  	[dreg:$0x0] =	wrdreg $0xFFFFFFFF;
	(pc) =	sbr.abs _section_cstart, $3  }
0xc0: {  	[dreg:$0x1] =	wrdreg $0xFFFFFFFF  }
0xc1: {  	_ =	task.clear_ibuf [dreg:s7], $0x2FFFF;
	_ =	strace $0x9FFFFFFF  }
0xc2: {  	(tm) =	ssettm $0x7FFFFFFF  }
0xc3: {  	_ =	shalt  }
tec
execute0_lowered:
.L_overlay_start_1:
0x0: {  	(tag) =	ssettag $0x1  }
0x1: {  	s5 =	rddreg [dreg:$0x0]  }
0x2: {  	s1 =	rddreg [dreg:$0x1]  }
0x3: {  	s0 =	rddreg [dreg:$0x2];
	s3 =	simm.s32 $0x0  }
0x4: {  	s4 =	srdreg.scid;
	s2 =	stileid.u32;
	s11 =	simm.s32 $0xC000  }
0x5: {  	s12 =	simm.s32 $0x18080;
	s13 =	simm.s32 $0xE000;
	s14 =	simm.s32 $0x10000  }
0x6: {  	s15 =	simm.s32 $0x18000;
	s16 =	simm.s32 $0x80;
	s17 =	simm.s32 $0x400  }
0x7: {  	v0 =	vimm.s32 $0xFFEDCBA9;
	v1 =	vimm.s32 $0x87654321;
	s18 =	simm.s32 $0x0;
	[smem:$0x7FF] =	sst s3;
	s6 =	sand.u32 $0x1, s4  }
0x8: {  	s7 =	sshll.u32 s2, $0xD;
	s8 =	sshll.u32 s2, $0x5;
	s4 =	sadd.s32 $0x2A00, s5;
	v0 =	vunpack.c.l.s4.s8 v0;
	v1 =	vunpack.c.l.s4.s8 v1  }
0x9: {  	_ =	strace $0x80000047;
	s9 =	sshll.u32 s6, $0x4;
	s7 =	sand.u32 $0x18000, s7  }
.Ltmp0:
0xa: {  	s6 =	ssub.s32 $0x2, s6;
	s8 =	sor.u32 s9, s8;
	v3 =	vunpack.c.0.s8.s32 v0;
	v4 =	vunpack.c.0.s8.s32 v1;
	(pc) =	sbr.rel .LBB2_1-.Ltmp0, $4  }
0xb: {  	v2 =	vimm.f32 $-3.402823470e+38;
	s7 =	sadd.s32 s7, s5;
	s5 =	sadd.s32 $0x2E00, s5;
	s10 =	sshrl.u32 s6, $0x1  }
0xc: {  	v5 =	vimm.s32 $0xF;
	vm0 =	vcmask $0x3F3C;
	s9 =	sand.u32 $0x70, s8;
	s30 =	ssub.s32 s6, s10;
	s31 =	sadd.s32 $0x10, s8;
	v6 =	vcombine.low v4, v3  }
0xd: {  	v7 =	vimm.f32 $0.0e+00;
	v0 =	vmov s8;
	s8 =	simm.s32 $0x1;
	s10 =	simm.s32 $0x4000;
	s7 =	sadd.s32 s9, s7;
	v1 =	vmov s31  }
0xe: {  	s9 =	simm.s32 $0x2000;
	v3 =	vimm.s32 $0x0;
	v4 =	vlaneseq.u32;
	s6 =	sadd.s32 $0x3200, s7;
	s7 =	smax.u32 s30, $0x1;
	v6 =	vand.u32 $0xF, v6  }
.LBB2_24:
0xf: {  	v8 =	vsub.f32 v15, v13;
	_ =	sdelay $0x1  }
0x10: {  	v8 =	vmul.f32 $1.442695020e+00, v8  }
0x11: {  	(erf) = vrcp.f32 v14  }
0x12: {  	(erf) = vpow2.f32 v8;
	_ =	sdelay $0x7  }
0x13: {  	v8 =	vpop (erf)  }
0x14: {  	v58 =	vadd.s32 $0x4000, v9;
	v59 =	vpop (erf)  }
0x15: {  	v60 =	vor.u32 $0x30, v11;
	v8 =	vmul.f32 v59, v8  }
0x16: {  	v10 =	vor.u32 $0x3, v10  }
0x17: {  	v8 =	vsub.f32 v12, v8;
	_ =	sdelay $0x1  }
0x18: {  	v61 =	vor.u32 $0x70, v11;
	[tilespmem:v58+s14+$0x0] =	vst.idx.msk vm1, v8  }
0x19: {  	v8 =	vld.idx.msk [tilespmem:v60+s15+$0x0], $0xffff  }
0x1a: {  	v10 =	vld.idx.msk [tilespmem:v10+s10+$0x0], $0xffff;
	_ =	sdelay $0x2  }
0x1b: {  	v11 =	vld.idx.msk [tilespmem:v61+s15+$0x0], $0xffff;
	_ =	sdelay $0x1  }
0x1c: {  	v8 =	vsub.f32 v10, v8;
	_ =	sdelay $0x1  }
0x1d: {  	v8 =	vmul.f32 $1.442695020e+00, v8  }
0x1e: {  	(erf) = vrcp.f32 v11  }
0x1f: {  	(erf) = vpow2.f32 v8;
	_ =	sdelay $0x7  }
0x20: {  	v8 =	vpop (erf)  }
0x21: {  	v62 =	vadd.s32 $0x6000, v9;
	v63 =	vpop (erf)  }
0x22: {  	v8 =	vmul.f32 v63, v8;
	_ =	sdelay $0x1  }
0x23: {  	v8 =	vsub.f32 v12, v8;
	_ =	sdelay $0x1  }
0x24: {  	[tilespmem:v62+s14+$0x0] =	vst.idx.msk vm1, v8  }
.LBB2_25:
0x25: {  	s18 =	sadd.s32 $0x1, s18  }
0x26: {  	p0 =	sne.s32 s18, s7  }
.Ltmp1:
0x27: {  	_ = 	snop;
	(pc) =	sbr.rel @!p0 .LBB2_26-.Ltmp1, $4  }
0x28: {  	[hbm4b:s6+s16] =	stream.strided.scatter [tilespmem:s14], [sflag:$0x1], $0x8000, s17, s16, $0x38;
	[tilespmem:$0x18100] =	vst v63  }
0x29: {  	_ =	swait.ge [sflag:s8], $0x8000  }
0x2a: {  	[sflag:s8] =	ssyncset.done $0x0  }
0x2b: {  	[sflag:s8] =	ssyncadd.s32 $0xFFFF8000  }
.LBB2_1:
0x2c: {  	[tilespmem:s3], [sflag:$0x1] =	stream.linear.gather [hbm4b:s4+s3], $0x2000, $0x38;
	[tilespmem:$0x18100] =	vst v63  }
0x2d: {  	_ =	swait.ge [sflag:s8], $0x2000  }
0x2e: {  	[sflag:s8] =	ssyncset.done $0x0  }
0x2f: {  	[sflag:s8] =	ssyncadd.s32 $0xFFFFE000  }
0x30: {  	[tilespmem:s9], [sflag:$0x1] =	stream.linear.gather [hbm4b:s5+s3], $0x2000, $0x38;
	[tilespmem:$0x18100] =	vst v63  }
0x31: {  	_ =	swait.ge [sflag:s8], $0x2000  }
0x32: {  	[sflag:s8] =	ssyncset.done $0x0  }
0x33: {  	[sflag:s8] =	ssyncadd.s32 $0xFFFFE000  }
0x34: {  	[tilespmem:s10], [sflag:$0x1] =	stream.linear.gather [hbm4b:s1+s3], $0x8000, $0x38;
	[tilespmem:$0x18100] =	vst v63  }
0x35: {  	_ =	swait.ge [sflag:s8], $0x8000  }
0x36: {  	[sflag:s8] =	ssyncset.done $0x0  }
0x37: {  	s19 =	simm.s32 $0x10080;
	[sflag:s8] =	ssyncadd.s32 $0xFFFF8000  }
0x38: {  	[tilespmem:s19+$0xFFFFFF80] =	vst v2  }
0x39: {  	[tilespmem:s19+$0x70] =	vst v2  }
0x3a: {  	[tilespmem:s19+$0x60] =	vst v2  }
0x3b: {  	[tilespmem:s19+$0x50] =	vst v2  }
0x3c: {  	[tilespmem:s19+$0x40] =	vst v2  }
0x3d: {  	[tilespmem:s19+$0x30] =	vst v2  }
0x3e: {  	[tilespmem:s19+$0x20] =	vst v2  }
0x3f: {  	[tilespmem:s19+$0x10] =	vst v2  }
0x40: {  	[tilespmem:s19+$0x0] =	vst v2  }
0x41: {  	[tilespmem:s19+$0xFFFFFFF0] =	vst v2  }
0x42: {  	[tilespmem:s19+$0xFFFFFFE0] =	vst v2  }
0x43: {  	[tilespmem:s19+$0xFFFFFFD0] =	vst v2  }
0x44: {  	[tilespmem:s19+$0xFFFFFFC0] =	vst v2  }
0x45: {  	[tilespmem:s19+$0xFFFFFFB0] =	vst v2  }
0x46: {  	s20 =	simm.s32 $0x0;
	[tilespmem:s19+$0xFFFFFFA0] =	vst v2  }
.LBB2_2:
0x47: {  	s20 =	sadd.s32 $0x2, s20;
	[tilespmem:s19+$0xFFFFFF90] =	vst v2;
	s19 =	sadd.s32 $0x100, s19  }
0x48: {  	[tilespmem:s19+$0xFFFFFF80] =	vst v2;
	p0 =	slt.u32 s20, $0xFE  }
0x49: {  	[tilespmem:s19+$0x70] =	vst v2  }
0x4a: {  	[tilespmem:s19+$0x60] =	vst v2  }
0x4b: {  	[tilespmem:s19+$0x50] =	vst v2  }
0x4c: {  	[tilespmem:s19+$0x40] =	vst v2  }
0x4d: {  	[tilespmem:s19+$0x30] =	vst v2  }
0x4e: {  	[tilespmem:s19+$0x20] =	vst v2  }
0x4f: {  	[tilespmem:s19+$0x10] =	vst v2  }
0x50: {  	[tilespmem:s19+$0x0] =	vst v2  }
0x51: {  	[tilespmem:s19+$0xFFFFFFF0] =	vst v2  }
.Ltmp2:
0x52: {  	[tilespmem:s19+$0xFFFFFFE0] =	vst v2;
	(pc) =	sbr.rel @p0 .LBB2_2-.Ltmp2, $4  }
0x53: {  	[tilespmem:s19+$0xFFFFFFD0] =	vst v2  }
0x54: {  	[tilespmem:s19+$0xFFFFFFC0] =	vst v2  }
0x55: {  	[tilespmem:s19+$0xFFFFFFB0] =	vst v2  }
0x56: {  	[tilespmem:s19+$0xFFFFFFA0] =	vst v2  }
0x57: {  	[tilespmem:s19+$0xFFFFFF90] =	vst v2;
	s19 =	simm.s32 $0x0  }
0x58: {  	v9 =	vld [tilespmem:s19+$0x0]  }
0x59: {  	v8 =	vimm.s32 $0x0;
	s20 =	simm.s32 $0x10;
	s21 =	simm.s32 $0x0  }
.LBB2_4:
0x5a: {  	p0 =	sne.s32 s20, $0x1FF0;
	_ =	sdelay $0x2  }
0x5b: {  	vm1 =	vge.s32 v9, v0;
	vm2 =	vlt.s32 v9, v1  }
0x5c: {  	vm1 =	vmand vm1, vm2  }
0x5d: {  	v9 =	vsel vm1, $0x1, v3  }
0x5e: {  	(xrf0) =	vadd.scan.msk.s32 $0xffff, v9;
	_ =	sdelay $0x5  }
0x5f: {  	v9, _, _ =	vpop (xrf0)  }
0x60: {  	v8 =	vadd.s32 v8, v9  }
0x61: {  	v9 =	vadd.s32 $0xFFFFFFFF, v8;
	_ =	sdelay $0x3  }
.Ltmp3:
0x62: {  	v10 =	vor.u32 s19, v4;
	s19 =	smov.u32 s20;
	(pc) =	sbr.rel @p0 .LBB2_4-.Ltmp3, $4  }
0x63: {  	[tilespmem:v9+s11+$0x0] =	vst.idx.msk vm1, v10  }
0x64: {  	s21 =	sadd.s32 $0x10, s21;
	[tilespmem:$0x18080] =	vst v8  }
0x65: {  	v9 =	vld [tilespmem:s21+$0x0]  }
0x66: {  	s20 =	sadd.s32 $0x10, s20;
	v8 =	vld.idx.msk [tilespmem:v5+s12+$0x0], $0xffff  }
0x67: {  	_ =	sdelay $0x2  }
0x68: {  	vm1 =	vge.s32 v9, v0;
	vm2 =	vlt.s32 v9, v1  }
0x69: {  	vm1 =	vmand vm1, vm2  }
0x6a: {  	v9 =	vsel vm1, $0x1, v3  }
0x6b: {  	(xrf0) =	vadd.scan.msk.s32 $0xffff, v9;
	_ =	sdelay $0x5  }
0x6c: {  	v9, _, _ =	vpop (xrf0)  }
0x6d: {  	v8 =	vadd.s32 v8, v9  }
0x6e: {  	v9 =	vadd.s32 $0xFFFFFFFF, v8;
	_ =	sdelay $0x3  }
0x6f: {  	v10 =	vor.u32 s19, v4  }
0x70: {  	[tilespmem:v9+s11+$0x0] =	vst.idx.msk vm1, v10  }
0x71: {  	[tilespmem:$0x18080] =	vst v8  }
0x72: {  	v8 =	vld.idx.msk [tilespmem:v5+s12+$0x0], $0xffff;
	_ =	sdelay $0x4  }
0x73: {  	(v2sf) =	vpush v8, $0x0;
	_ =	sdelay $0xe  }
0x74: {  	s30 =	spop (v2sf)  }
0x75: {  	s19 =	sadd.s32 $0xF, s30  }
0x76: {  	s20 =	sand.u32 $0xF, s19  }
0x77: {  	s31 =	sshra.s32 s19, $0x1F;
	p1 =	slt.s32 s19, $0x1;
	p0 =	sne.s32 s20, $0x0  }
0x78: {  	s20 =	sshrl.u32 s31, $0x1C;
	p0 =	por !p1, !p0  }
0x79: {  	s19 =	sadd.s32 s20, s19;
	s20 =	simm.s32 $0x1;
	p0 =	por !p0, !p0  }
0x7a: {  	s19 =	sshra.s32 s19, $0x4;
	s20 =	simm.s32 @!p0 $0x0  }
0x7b: {  	s19 =	ssub.s32 s19, s20  }
0x7c: {  	p0 =	slt.s32 s19, $0x1  }
.Ltmp4:
0x7d: {  	_ = 	snop;
	(pc) =	sbr.rel @p0 .LBB2_8-.Ltmp4, $2  }
0x7e: {  	_ =	sdelay $0x2  }
0x7f: {  	[tilespmem:$0x18080] =	vst v8;
	v8 =	vbroadcast v8, $0x0  }
0x80: {  	s20 =	simm.s32 $0xC000;
	s21 =	simm.s32 $0x0;
	s22 =	smov.u32 s19  }
.LBB2_7:
0x81: {  	v9 =	vld [tilespmem:s20+$0x0];
	_ =	sdelay $0x2  }
0x82: {  	v10 =	vor.u32 s21, v4  }
0x83: {  	vm1 =	vlt.s32 v10, v8  }
0x84: {  	v9 =	vnsel vm1, $0x0, v9;
	_ =	sdelay $0x4  }
0x85: {  	v10 =	vld.idx.msk [tilespmem:v9+s3+$0x0], $0xffff  }
0x86: {  	v11 =	vld.idx.msk [tilespmem:v9+s9+$0x0], $0xffff;
	_ =	sdelay $0x4  }
0x87: {  	v12 =	vshll.u32 v10, $0xD;
	v13 =	vshll.u32 v11, $0x4  }
0x88: {  	v12 =	vadd.s32 v12, v13  }
0x89: {  	v12 =	vor.u32 v4, v12  }
0x8a: {  	v12 =	vnsel vm1, $0x7FFFFFFF, v12  }
0x8b: {  	v57 =	vxor.u32 $0x80000000, v12  }
0x8c: {  	(xrf1) =	vsort.ascd.msk.u32 $0xffff, v57, v12;
	_ =	sdelay $0xd  }
0x8d: {  	v12, _, _ =	vpop (xrf1)  }
0x8e: {  	v58 =	vxor.u32 $0x80000000, v12  }
0x8f: {  	[tilespmem:$0x18080] =	vst v58  }
0x90: {  	v14 =	vld.idx.msk [tilespmem:v6+s12+$0x0], $0xffff;
	_ =	sdelay $0x2  }
0x91: {  	vm2 =	vne.s32 v12, $0xFFFFFFFF  }
0x92: {  	v12 =	vand.u32 $0xF, v12  }
0x93: {  	v13 =	vxor.u32 v14, v58  }
0x94: {  	vm3 =	vgt.u32 v13, $0xF  }
0x95: {  	vm3 =	vmor vm3, vm0  }
0x96: {  	[tilespmem:$0x18080] =	vst v3;
	v59 =	vsel vm3, $0x1, v3  }
0x97: {  	[tilespmem:v12+s12+$0x0] =	vst.idx.msk vm2, v59  }
0x98: {  	v12 =	vld [tilespmem:$0x18080];
	_ =	sdelay $0x1  }
0x99: {  	v10 =	vsub.s32 v10, v0  }
0x9a: {  	v10 =	vshll.u32 v10, $0x9  }
0x9b: {  	v10 =	vadd.s32 v11, v10  }
0x9c: {  	vm3 =	vgt.s32 v10, $0x0;
	vm2 =	veq.s32 v12, $0x1  }
0x9d: {  	v10 =	vnsel vm3, $0x0, v10;
	vm1 =	vmand vm1, vm2  }
0x9e: {  	v10 =	vmin.u32 v10, $0x1FFF  }
0x9f: {  	v11 =	vshll.u32 v9, $0x2;
	_ =	sdelay $0x3  }
0xa0: {  	[tilespmem:v10+s13+$0x0] =	vst.idx.msk vm1, v9  }
0xa1: {  	v9 =	vld.idx.msk [tilespmem:v11+s10+$0x0], $0xffff  }
0xa2: {  	v60 =	vor.u32 $0x1, v11;
	_ =	sdelay $0x3  }
0xa3: {  	[tilespmem:v10+s14+$0x0] =	vst.idx.msk vm1, v9  }
0xa4: {  	v61 =	vor.u32 $0x2000, v10;
	v9 =	vld.idx.msk [tilespmem:v60+s10+$0x0], $0xffff  }
0xa5: {  	v62 =	vor.u32 $0x2, v11;
	_ =	sdelay $0x3  }
0xa6: {  	[tilespmem:v61+s14+$0x0] =	vst.idx.msk vm1, v9  }
0xa7: {  	v63 =	vor.u32 $0x4000, v10;
	v9 =	vld.idx.msk [tilespmem:v62+s10+$0x0], $0xffff  }
0xa8: {  	v11 =	vor.u32 $0x3, v11;
	_ =	sdelay $0x3  }
0xa9: {  	[tilespmem:v63+s14+$0x0] =	vst.idx.msk vm1, v9  }
0xaa: {  	p1 =	sne.s32 s22, $0x1;
	v10 =	vor.u32 $0x6000, v10;
	v9 =	vld.idx.msk [tilespmem:v11+s10+$0x0], $0xffff  }
.Ltmp5:
0xab: {  	_ = 	snop;
	(pc) =	sbr.rel @p1 .LBB2_7-.Ltmp5, $2  }
0xac: {  	_ =	sdelay $0x2  }
0xad: {  	s20 =	sadd.s32 $0x10, s20;
	s21 =	sadd.s32 $0x10, s21;
	s22 =	sadd.s32 $0xFFFFFFFF, s22;
	[tilespmem:v10+s14+$0x0] =	vst.idx.msk vm1, v9  }
.LBB2_8:
0xae: {  	s22 =	simm.s32 $0x10100  }
0xaf: {  	s20 =	simm.s32 $0x0;
	s23 =	simm.s32 $0x1;
	s21 =	simm.s32 $0x0;
	v10 =	vld [tilespmem:s22+$0xFFFFFF00]  }
.LBB2_9:
0xb0: {  	p1 =	sne.s32 s23, $0xF;
	v23 =	vld [tilespmem:s22+$0xFFFFFF10]  }
0xb1: {  	v24 =	vld [tilespmem:s22+$0xFFFFFF20]  }
0xb2: {  	v22 =	vld [tilespmem:s22+$0xFFFFFF30]  }
0xb3: {  	v19 =	vld [tilespmem:s22+$0xFFFFFF40]  }
0xb4: {  	v9 =	vmax.f32 v10, $-3.402823470e+38;
	v20 =	vld [tilespmem:s22+$0xFFFFFF50]  }
0xb5: {  	v9 =	vmax.f32 v9, v23;
	v17 =	vld [tilespmem:s22+$0xFFFFFF60]  }
0xb6: {  	v9 =	vmax.f32 v9, v24;
	v21 =	vld [tilespmem:s22+$0xFFFFFF70]  }
0xb7: {  	v9 =	vmax.f32 v9, v22;
	v18 =	vld [tilespmem:s22+$0xFFFFFF80]  }
0xb8: {  	v9 =	vmax.f32 v9, v19;
	v16 =	vld [tilespmem:s22+$0xFFFFFF90]  }
0xb9: {  	v9 =	vmax.f32 v9, v20;
	v15 =	vld [tilespmem:s22+$0xFFFFFFA0]  }
0xba: {  	v9 =	vmax.f32 v9, v17;
	v14 =	vld [tilespmem:s22+$0xFFFFFFB0]  }
0xbb: {  	v9 =	vmax.f32 v9, v21;
	v13 =	vld [tilespmem:s22+$0xFFFFFFC0]  }
0xbc: {  	v9 =	vmax.f32 v9, v18;
	v12 =	vld [tilespmem:s22+$0xFFFFFFD0]  }
0xbd: {  	v9 =	vmax.f32 v9, v16;
	v11 =	vld [tilespmem:s22+$0xFFFFFFE0]  }
0xbe: {  	v9 =	vmax.f32 v9, v15;
	v25 =	vld [tilespmem:s22+$0xFFFFFFF0]  }
0xbf: {  	v9 =	vmax.f32 v9, v14;
	v26 =	vld [tilespmem:s22+$0x0]  }
0xc0: {  	v9 =	vmax.f32 v9, v13;
	v27 =	vld [tilespmem:s22+$0x10]  }
0xc1: {  	v9 =	vmax.f32 v9, v12;
	v28 =	vld [tilespmem:s22+$0x20]  }
0xc2: {  	v9 =	vmax.f32 v9, v11;
	v29 =	vld [tilespmem:s22+$0x30]  }
0xc3: {  	v9 =	vmax.f32 v9, v25;
	v30 =	vld [tilespmem:s22+$0x40]  }
0xc4: {  	v9 =	vmax.f32 v9, v26;
	v31 =	vld [tilespmem:s22+$0x50]  }
0xc5: {  	v9 =	vmax.f32 v9, v27;
	v32 =	vld [tilespmem:s22+$0x60]  }
0xc6: {  	v9 =	vmax.f32 v9, v28;
	v33 =	vld [tilespmem:s22+$0x70]  }
0xc7: {  	v9 =	vmax.f32 v9, v29;
	v34 =	vld [tilespmem:s22+$0x80]  }
0xc8: {  	v9 =	vmax.f32 v9, v30;
	v35 =	vld [tilespmem:s22+$0x90]  }
0xc9: {  	v9 =	vmax.f32 v9, v31;
	v36 =	vld [tilespmem:s22+$0xA0]  }
0xca: {  	v9 =	vmax.f32 v9, v32;
	v37 =	vld [tilespmem:s22+$0xB0]  }
0xcb: {  	v9 =	vmax.f32 v9, v33;
	v38 =	vld [tilespmem:s22+$0xC0]  }
0xcc: {  	v9 =	vmax.f32 v9, v34;
	v39 =	vld [tilespmem:s22+$0xD0]  }
0xcd: {  	v9 =	vmax.f32 v9, v35;
	v40 =	vld [tilespmem:s22+$0xE0]  }
0xce: {  	v9 =	vmax.f32 v9, v36;
	v41 =	vld [tilespmem:s22+$0xF0]  }
0xcf: {  	v9 =	vmax.f32 v9, v37  }
0xd0: {  	v9 =	vmax.f32 v9, v38  }
0xd1: {  	v9 =	vmax.f32 v9, v39  }
0xd2: {  	v9 =	vmax.f32 v9, v40  }
0xd3: {  	v9 =	vmax.f32 v9, v41  }
0xd4: {  	(xrf0) =	vmax.scan.msk.f32 $0xffff, v9;
	_ =	sdelay $0x3  }
0xd5: {  	v9 =	vmov s21;
	s21 =	smov.u32 s23;
	_ =	sdelay $0x1  }
0xd6: {  	v42, _, _ =	vpop (xrf0)  }
0xd7: {  	v42 =	vbroadcast v42, $0xF;
	_ =	sdelay $0x1  }
0xd8: {  	v10 =	vsub.f32 v10, v42;
	v43 =	vsub.f32 v25, v42;
	[tilespmem:v9+s15+$0x0] =	vst.idx.msk $0x1, v42  }
0xd9: {  	v44 =	vsub.f32 v26, v42;
	v45 =	vsub.f32 v27, v42  }
0xda: {  	v23 =	vsub.f32 v23, v42;
	v28 =	vsub.f32 v28, v42;
	v10 =	vmul.f32 $1.442695020e+00, v10  }
0xdb: {  	v29 =	vsub.f32 v29, v42;
	v26 =	vsub.f32 v30, v42  }
0xdc: {  	v25 =	vsub.f32 v24, v42;
	v23 =	vmul.f32 $1.442695020e+00, v23;
	(erf) = vpow2.f32 v10  }
0xdd: {  	v27 =	vsub.f32 v31, v42;
	v24 =	vsub.f32 v32, v42  }
0xde: {  	v30 =	vsub.f32 v22, v42;
	v10 =	vmul.f32 $1.442695020e+00, v25;
	(erf) = vpow2.f32 v23  }
0xdf: {  	v22 =	vsub.f32 v34, v42;
	v25 =	vsub.f32 v33, v42  }
0xe0: {  	v31 =	vsub.f32 v19, v42;
	v30 =	vmul.f32 $1.442695020e+00, v30;
	(erf) = vpow2.f32 v10  }
0xe1: {  	v19 =	vsub.f32 v36, v42;
	v23 =	vsub.f32 v35, v42  }
0xe2: {  	v32 =	vsub.f32 v20, v42;
	v33 =	vmul.f32 $1.442695020e+00, v31;
	(erf) = vpow2.f32 v30  }
0xe3: {  	v20 =	vsub.f32 v37, v42;
	v10 =	vsub.f32 v38, v42  }
0xe4: {  	v30 =	vmul.f32 $1.442695020e+00, v32;
	v32 =	vsub.f32 v17, v42;
	(erf) = vpow2.f32 v33  }
0xe5: {  	v21 =	vsub.f32 v21, v42;
	v17 =	vsub.f32 v39, v42;
	v31 =	vpop (erf)  }
0xe6: {  	v32 =	vmul.f32 $1.442695020e+00, v32;
	v31 =	vadd.f32 $0.0e+00, v31;
	(erf) = vpow2.f32 v30  }
0xe7: {  	v30 =	vsub.f32 v18, v42;
	v18 =	vsub.f32 v40, v42;
	v33 =	vpop (erf)  }
0xe8: {  	v34 =	vmul.f32 $1.442695020e+00, v21;
	v31 =	vadd.f32 v33, v31;
	(erf) = vpow2.f32 v32  }
0xe9: {  	v32 =	vsub.f32 v16, v42;
	v16 =	vsub.f32 v41, v42;
	v33 =	vpop (erf)  }
0xea: {  	v31 =	vadd.f32 v33, v31;
	v33 =	vmul.f32 $1.442695020e+00, v30;
	(erf) = vpow2.f32 v34  }
0xeb: {  	v15 =	vsub.f32 v15, v42;
	v21 =	vpop (erf)  }
0xec: {  	v21 =	vadd.f32 v21, v31;
	v31 =	vmul.f32 $1.442695020e+00, v32;
	(erf) = vpow2.f32 v33  }
0xed: {  	v14 =	vsub.f32 v14, v42;
	v30 =	vpop (erf)  }
0xee: {  	v32 =	vmul.f32 $1.442695020e+00, v15;
	v21 =	vadd.f32 v30, v21;
	(erf) = vpow2.f32 v31  }
0xef: {  	v13 =	vsub.f32 v13, v42;
	v30 =	vpop (erf)  }
0xf0: {  	v21 =	vadd.f32 v30, v21;
	v30 =	vmul.f32 $1.442695020e+00, v14;
	(erf) = vpow2.f32 v32  }
0xf1: {  	v12 =	vsub.f32 v12, v42;
	v15 =	vpop (erf)  }
0xf2: {  	v15 =	vadd.f32 v15, v21;
	v21 =	vmul.f32 $1.442695020e+00, v13;
	(erf) = vpow2.f32 v30  }
0xf3: {  	v11 =	vsub.f32 v11, v42;
	v14 =	vpop (erf)  }
0xf4: {  	v14 =	vadd.f32 v14, v15;
	v15 =	vmul.f32 $1.442695020e+00, v12;
	(erf) = vpow2.f32 v21  }
0xf5: {  	v13 =	vpop (erf)  }
0xf6: {  	v13 =	vadd.f32 v13, v14;
	v14 =	vmul.f32 $1.442695020e+00, v11;
	(erf) = vpow2.f32 v15  }
0xf7: {  	v12 =	vpop (erf)  }
0xf8: {  	v15 =	vmul.f32 $1.442695020e+00, v43;
	v12 =	vadd.f32 v12, v13;
	(erf) = vpow2.f32 v14  }
0xf9: {  	v11 =	vpop (erf)  }
0xfa: {  	v14 =	vmul.f32 $1.442695020e+00, v44;
	v11 =	vadd.f32 v11, v12;
	(erf) = vpow2.f32 v15  }
0xfb: {  	v13 =	vpop (erf)  }
0xfc: {  	v15 =	vmul.f32 $1.442695020e+00, v45;
	v11 =	vadd.f32 v13, v11;
	(erf) = vpow2.f32 v14  }
0xfd: {  	v12 =	vpop (erf)  }
0xfe: {  	v14 =	vmul.f32 $1.442695020e+00, v28;
	v11 =	vadd.f32 v12, v11;
	(erf) = vpow2.f32 v15  }
0xff: {  	v13 =	vpop (erf)  }
0x100: {  	v15 =	vmul.f32 $1.442695020e+00, v29;
	v11 =	vadd.f32 v13, v11;
	(erf) = vpow2.f32 v14  }
0x101: {  	v12 =	vpop (erf)  }
0x102: {  	v14 =	vmul.f32 $1.442695020e+00, v26;
	v11 =	vadd.f32 v12, v11;
	(erf) = vpow2.f32 v15  }
0x103: {  	v13 =	vpop (erf)  }
0x104: {  	v15 =	vmul.f32 $1.442695020e+00, v27;
	v11 =	vadd.f32 v13, v11;
	(erf) = vpow2.f32 v14  }
0x105: {  	v12 =	vpop (erf)  }
0x106: {  	v14 =	vmul.f32 $1.442695020e+00, v24;
	v11 =	vadd.f32 v12, v11;
	(erf) = vpow2.f32 v15  }
0x107: {  	v13 =	vpop (erf)  }
0x108: {  	v15 =	vmul.f32 $1.442695020e+00, v25;
	v11 =	vadd.f32 v13, v11;
	(erf) = vpow2.f32 v14  }
0x109: {  	v12 =	vpop (erf)  }
0x10a: {  	v14 =	vmul.f32 $1.442695020e+00, v22;
	v11 =	vadd.f32 v12, v11;
	(erf) = vpow2.f32 v15  }
0x10b: {  	v13 =	vpop (erf)  }
0x10c: {  	v15 =	vmul.f32 $1.442695020e+00, v23;
	v11 =	vadd.f32 v13, v11;
	(erf) = vpow2.f32 v14  }
0x10d: {  	v12 =	vpop (erf)  }
0x10e: {  	v14 =	vmul.f32 $1.442695020e+00, v19;
	v11 =	vadd.f32 v12, v11;
	(erf) = vpow2.f32 v15  }
0x10f: {  	v13 =	vpop (erf)  }
0x110: {  	v11 =	vadd.f32 v13, v11;
	v13 =	vmul.f32 $1.442695020e+00, v20;
	(erf) = vpow2.f32 v14  }
0x111: {  	v12 =	vpop (erf)  }
0x112: {  	v14 =	vmul.f32 $1.442695020e+00, v10;
	v11 =	vadd.f32 v12, v11;
	(erf) = vpow2.f32 v13  }
0x113: {  	v12 =	vpop (erf)  }
0x114: {  	v13 =	vmul.f32 $1.442695020e+00, v17;
	v11 =	vadd.f32 v12, v11;
	(erf) = vpow2.f32 v14  }
0x115: {  	v10 =	vpop (erf)  }
0x116: {  	v14 =	vmul.f32 $1.442695020e+00, v18;
	v10 =	vadd.f32 v10, v11;
	(erf) = vpow2.f32 v13  }
0x117: {  	v12 =	vpop (erf)  }
0x118: {  	v10 =	vadd.f32 v12, v10;
	v12 =	vmul.f32 $1.442695020e+00, v16;
	(erf) = vpow2.f32 v14  }
0x119: {  	v11 =	vpop (erf)  }
0x11a: {  	v10 =	vadd.f32 v11, v10;
	(erf) = vpow2.f32 v12  }
0x11b: {  	v11 =	vpop (erf)  }
0x11c: {  	v10 =	vadd.f32 v11, v10  }
0x11d: {  	v11 =	vpop (erf)  }
0x11e: {  	v10 =	vadd.f32 v11, v10  }
0x11f: {  	v11 =	vpop (erf)  }
0x120: {  	v10 =	vadd.f32 v11, v10  }
0x121: {  	v11 =	vpop (erf)  }
0x122: {  	v10 =	vadd.f32 v11, v10  }
0x123: {  	v11 =	vpop (erf)  }
0x124: {  	v10 =	vadd.f32 v11, v10;
	_ =	sdelay $0x1  }
0x125: {  	(xrf2) =	vadd.scan.msk.f32 $0xffff, v10;
	_ =	sdelay $0x7  }
0x126: {  	v9 =	vor.u32 $0x40, v9;
	_ =	sdelay $0x1  }
.Ltmp6:
0x127: {  	v10, _, _ =	vpop (xrf2);
	(pc) =	sbr.rel @p1 .LBB2_9-.Ltmp6, $3  }
0x128: {  	v10 =	vbroadcast v10, $0xF;
	_ =	sdelay $0x1  }
0x129: {  	s22 =	sadd.s32 $0x200, s22;
	[tilespmem:v9+s15+$0x0] =	vst.idx.msk $0x1, v10  }
0x12a: {  	s23 =	sadd.s32 $0x1, s23;
	v10 =	vld [tilespmem:s22+$0xFFFFFF00]  }
0x12b: {  	v18 =	vld [tilespmem:s22+$0xFFFFFF10]  }
0x12c: {  	v19 =	vld [tilespmem:s22+$0xFFFFFF20]  }
0x12d: {  	v20 =	vld [tilespmem:s22+$0xFFFFFF30]  }
0x12e: {  	v21 =	vld [tilespmem:s22+$0xFFFFFF40]  }
0x12f: {  	v22 =	vld [tilespmem:s22+$0xFFFFFF50];
	v9 =	vmax.f32 v10, $-3.402823470e+38  }
0x130: {  	v23 =	vld [tilespmem:s22+$0xFFFFFF60];
	v9 =	vmax.f32 v9, v18  }
0x131: {  	v24 =	vld [tilespmem:s22+$0xFFFFFF70];
	v9 =	vmax.f32 v9, v19  }
0x132: {  	v25 =	vld [tilespmem:s22+$0xFFFFFF80];
	v9 =	vmax.f32 v9, v20  }
0x133: {  	v26 =	vld [tilespmem:s22+$0xFFFFFF90];
	v9 =	vmax.f32 v9, v21  }
0x134: {  	v27 =	vld [tilespmem:s22+$0xFFFFFFA0];
	v9 =	vmax.f32 v9, v22  }
0x135: {  	v28 =	vld [tilespmem:s22+$0xFFFFFFB0];
	v9 =	vmax.f32 v9, v23  }
0x136: {  	v29 =	vld [tilespmem:s22+$0xFFFFFFC0];
	v9 =	vmax.f32 v9, v24  }
0x137: {  	v30 =	vld [tilespmem:s22+$0xFFFFFFD0];
	v9 =	vmax.f32 v9, v25  }
0x138: {  	v31 =	vld [tilespmem:s22+$0xFFFFFFE0];
	v9 =	vmax.f32 v9, v26  }
0x139: {  	v32 =	vld [tilespmem:s22+$0xFFFFFFF0];
	v9 =	vmax.f32 v9, v27  }
0x13a: {  	v33 =	vld [tilespmem:s22+$0x0];
	v9 =	vmax.f32 v9, v28  }
0x13b: {  	v34 =	vld [tilespmem:s22+$0x10];
	v9 =	vmax.f32 v9, v29  }
0x13c: {  	v35 =	vld [tilespmem:s22+$0x20];
	v9 =	vmax.f32 v9, v30  }
0x13d: {  	v36 =	vld [tilespmem:s22+$0x30];
	v9 =	vmax.f32 v9, v31  }
0x13e: {  	v37 =	vld [tilespmem:s22+$0x40];
	v9 =	vmax.f32 v9, v32  }
0x13f: {  	v38 =	vld [tilespmem:s22+$0x50];
	v9 =	vmax.f32 v9, v33  }
0x140: {  	v39 =	vld [tilespmem:s22+$0x60];
	v9 =	vmax.f32 v9, v34  }
0x141: {  	v40 =	vld [tilespmem:s22+$0x70];
	v9 =	vmax.f32 v9, v35  }
0x142: {  	v41 =	vld [tilespmem:s22+$0x80];
	v9 =	vmax.f32 v9, v36  }
0x143: {  	v17 =	vld [tilespmem:s22+$0x90];
	v9 =	vmax.f32 v9, v37  }
0x144: {  	v16 =	vld [tilespmem:s22+$0xA0];
	v9 =	vmax.f32 v9, v38  }
0x145: {  	v15 =	vld [tilespmem:s22+$0xB0];
	v9 =	vmax.f32 v9, v39  }
0x146: {  	v14 =	vld [tilespmem:s22+$0xC0];
	v9 =	vmax.f32 v9, v40  }
0x147: {  	v13 =	vld [tilespmem:s22+$0xD0];
	v9 =	vmax.f32 v9, v41  }
0x148: {  	v12 =	vld [tilespmem:s22+$0xE0];
	v9 =	vmax.f32 v9, v17  }
0x149: {  	v11 =	vld [tilespmem:s22+$0xF0];
	v9 =	vmax.f32 v9, v16  }
0x14a: {  	v9 =	vmax.f32 v9, v15  }
0x14b: {  	v9 =	vmax.f32 v9, v14  }
0x14c: {  	v9 =	vmax.f32 v9, v13  }
0x14d: {  	v9 =	vmax.f32 v9, v12  }
0x14e: {  	v9 =	vmax.f32 v9, v11  }
0x14f: {  	(xrf0) =	vmax.scan.msk.f32 $0xffff, v9;
	_ =	sdelay $0x5  }
0x150: {  	v9, _, _ =	vpop (xrf0)  }
0x151: {  	v9 =	vbroadcast v9, $0xF;
	_ =	sdelay $0x1  }
0x152: {  	v10 =	vsub.f32 v10, v9;
	_ =	sdelay $0x1  }
0x153: {  	v18 =	vsub.f32 v18, v9;
	v10 =	vmul.f32 $1.442695020e+00, v10;
	_ =	sdelay $0x1  }
0x154: {  	v19 =	vsub.f32 v19, v9;
	v18 =	vmul.f32 $1.442695020e+00, v18;
	(erf) = vpow2.f32 v10;
	_ =	sdelay $0x1  }
0x155: {  	v52 =	vsub.f32 v20, v9;
	v10 =	vmul.f32 $1.442695020e+00, v19;
	(erf) = vpow2.f32 v18;
	_ =	sdelay $0x1  }
0x156: {  	v54 =	vsub.f32 v21, v9;
	v53 =	vmul.f32 $1.442695020e+00, v52;
	(erf) = vpow2.f32 v10;
	_ =	sdelay $0x1  }
0x157: {  	v55 =	vsub.f32 v22, v9;
	v10 =	vmul.f32 $1.442695020e+00, v54;
	(erf) = vpow2.f32 v53  }
0x158: {  	v57 =	vsub.f32 v23, v9  }
0x159: {  	v56 =	vmul.f32 $1.442695020e+00, v55;
	(erf) = vpow2.f32 v10  }
0x15a: {  	v19 =	vmul.f32 $1.442695020e+00, v57;
	v58 =	vpop (erf)  }
0x15b: {  	v10 =	vsub.f32 v24, v9;
	(erf) = vpow2.f32 v56;
	v20 =	vadd.f32 $0.0e+00, v58  }
0x15c: {  	v59 =	vsub.f32 v25, v9;
	v60 =	vpop (erf)  }
0x15d: {  	v10 =	vmul.f32 $1.442695020e+00, v10;
	(erf) = vpow2.f32 v19;
	v20 =	vadd.f32 v60, v20  }
0x15e: {  	v61 =	vsub.f32 v26, v9;
	v62 =	vpop (erf)  }
0x15f: {  	v18 =	vmul.f32 $1.442695020e+00, v59;
	(erf) = vpow2.f32 v10;
	v20 =	vadd.f32 v62, v20  }
0x160: {  	v19 =	vmul.f32 $1.442695020e+00, v61;
	v63 =	vpop (erf)  }
0x161: {  	v10 =	vsub.f32 v27, v9;
	(erf) = vpow2.f32 v18;
	v20 =	vadd.f32 v63, v20  }
0x162: {  	v24 =	vsub.f32 v28, v9;
	v25 =	vpop (erf)  }
0x163: {  	v10 =	vmul.f32 $1.442695020e+00, v10;
	(erf) = vpow2.f32 v19;
	v20 =	vadd.f32 v25, v20  }
0x164: {  	v26 =	vsub.f32 v29, v9;
	v27 =	vpop (erf)  }
0x165: {  	v18 =	vmul.f32 $1.442695020e+00, v24;
	(erf) = vpow2.f32 v10;
	v20 =	vadd.f32 v27, v20  }
0x166: {  	v19 =	vmul.f32 $1.442695020e+00, v26;
	v28 =	vpop (erf)  }
0x167: {  	v10 =	vsub.f32 v30, v9;
	(erf) = vpow2.f32 v18;
	v20 =	vadd.f32 v28, v20  }
0x168: {  	v29 =	vsub.f32 v31, v9;
	v30 =	vpop (erf)  }
0x169: {  	v10 =	vmul.f32 $1.442695020e+00, v10;
	(erf) = vpow2.f32 v19;
	v20 =	vadd.f32 v30, v20  }
0x16a: {  	v31 =	vsub.f32 v32, v9;
	v32 =	vpop (erf)  }
0x16b: {  	v18 =	vmul.f32 $1.442695020e+00, v29;
	(erf) = vpow2.f32 v10;
	v20 =	vadd.f32 v32, v20  }
0x16c: {  	v10 =	vsub.f32 v33, v9;
	v33 =	vpop (erf)  }
0x16d: {  	v19 =	vmul.f32 $1.442695020e+00, v31;
	(erf) = vpow2.f32 v18;
	v20 =	vadd.f32 v33, v20  }
0x16e: {  	v34 =	vsub.f32 v34, v9;
	v42 =	vpop (erf)  }
0x16f: {  	v10 =	vmul.f32 $1.442695020e+00, v10;
	(erf) = vpow2.f32 v19;
	v20 =	vadd.f32 v42, v20  }
0x170: {  	v43 =	vsub.f32 v35, v9;
	v44 =	vpop (erf)  }
0x171: {  	v18 =	vmul.f32 $1.442695020e+00, v34;
	(erf) = vpow2.f32 v10;
	v20 =	vadd.f32 v44, v20  }
0x172: {  	v19 =	vmul.f32 $1.442695020e+00, v43;
	v45 =	vpop (erf)  }
0x173: {  	v10 =	vsub.f32 v36, v9;
	(erf) = vpow2.f32 v18;
	v20 =	vadd.f32 v45, v20  }
0x174: {  	v46 =	vsub.f32 v37, v9;
	v47 =	vpop (erf)  }
0x175: {  	v10 =	vmul.f32 $1.442695020e+00, v10;
	(erf) = vpow2.f32 v19;
	v20 =	vadd.f32 v47, v20  }
0x176: {  	v48 =	vsub.f32 v38, v9;
	v49 =	vpop (erf)  }
0x177: {  	v18 =	vmul.f32 $1.442695020e+00, v46;
	(erf) = vpow2.f32 v10;
	v20 =	vadd.f32 v49, v20  }
0x178: {  	v19 =	vmul.f32 $1.442695020e+00, v48;
	v50 =	vpop (erf)  }
0x179: {  	v10 =	vsub.f32 v39, v9;
	(erf) = vpow2.f32 v18;
	v20 =	vadd.f32 v50, v20  }
0x17a: {  	v51 =	vsub.f32 v40, v9;
	v52 =	vpop (erf)  }
0x17b: {  	v10 =	vmul.f32 $1.442695020e+00, v10;
	(erf) = vpow2.f32 v19;
	v20 =	vadd.f32 v52, v20  }
0x17c: {  	v53 =	vsub.f32 v41, v9;
	v54 =	vpop (erf)  }
0x17d: {  	v18 =	vmul.f32 $1.442695020e+00, v51;
	(erf) = vpow2.f32 v10;
	v20 =	vadd.f32 v54, v20  }
0x17e: {  	v19 =	vmul.f32 $1.442695020e+00, v53;
	v55 =	vpop (erf)  }
0x17f: {  	v10 =	vsub.f32 v17, v9;
	(erf) = vpow2.f32 v18;
	v17 =	vadd.f32 v55, v20  }
0x180: {  	v16 =	vsub.f32 v16, v9;
	v56 =	vpop (erf)  }
0x181: {  	v10 =	vmul.f32 $1.442695020e+00, v10;
	(erf) = vpow2.f32 v19;
	v17 =	vadd.f32 v56, v17  }
0x182: {  	v57 =	vpop (erf)  }
0x183: {  	v16 =	vmul.f32 $1.442695020e+00, v16;
	(erf) = vpow2.f32 v10;
	v17 =	vadd.f32 v57, v17  }
0x184: {  	v15 =	vsub.f32 v15, v9;
	v58 =	vpop (erf)  }
0x185: {  	v10 =	vsub.f32 v14, v9;
	(erf) = vpow2.f32 v16;
	v14 =	vadd.f32 v58, v17  }
0x186: {  	v15 =	vmul.f32 $1.442695020e+00, v15;
	v59 =	vpop (erf)  }
0x187: {  	v14 =	vadd.f32 v59, v14  }
0x188: {  	v13 =	vsub.f32 v13, v9;
	v10 =	vmul.f32 $1.442695020e+00, v10;
	(erf) = vpow2.f32 v15;
	v60 =	vpop (erf)  }
0x189: {  	v12 =	vsub.f32 v12, v9;
	v14 =	vadd.f32 v60, v14  }
0x18a: {  	v13 =	vmul.f32 $1.442695020e+00, v13;
	(erf) = vpow2.f32 v10;
	v10 =	vsub.f32 v11, v9;
	v11 =	vpop (erf)  }
0x18b: {  	v11 =	vadd.f32 v11, v14  }
0x18c: {  	v12 =	vmul.f32 $1.442695020e+00, v12;
	(erf) = vpow2.f32 v13;
	v61 =	vpop (erf)  }
0x18d: {  	v10 =	vmul.f32 $1.442695020e+00, v10;
	v11 =	vadd.f32 v61, v11  }
0x18e: {  	(erf) = vpow2.f32 v12;
	v62 =	vpop (erf)  }
0x18f: {  	v11 =	vadd.f32 v62, v11  }
0x190: {  	(erf) = vpow2.f32 v10  }
0x191: {  	v10 =	vpop (erf)  }
0x192: {  	v10 =	vadd.f32 v10, v11  }
0x193: {  	v11 =	vpop (erf)  }
0x194: {  	v10 =	vadd.f32 v11, v10  }
0x195: {  	v11 =	vpop (erf)  }
0x196: {  	v10 =	vadd.f32 v11, v10  }
0x197: {  	v11 =	vpop (erf)  }
0x198: {  	v10 =	vadd.f32 v11, v10  }
0x199: {  	v11 =	vpop (erf)  }
0x19a: {  	v10 =	vadd.f32 v11, v10;
	_ =	sdelay $0x1  }
0x19b: {  	(xrf2) =	vadd.scan.msk.f32 $0xffff, v10;
	_ =	sdelay $0x6  }
0x19c: {  	v10 =	vmov s21  }
0x19d: {  	v11 =	vor.u32 $0x40, v10;
	_ =	sdelay $0x1  }
0x19e: {  	v63, _, _ =	vpop (xrf2)  }
0x19f: {  	v12 =	vbroadcast v63, $0xF  }
0x1a0: {  	[tilespmem:v10+s15+$0x0] =	vst.idx.msk $0x1, v9  }
0x1a1: {  	s21 =	simm.s32 $0x121F0;
	[tilespmem:v11+s15+$0x0] =	vst.idx.msk $0x1, v12  }
0x1a2: {  	s22 =	simm.s32 $0x1;
	v10 =	vld [tilespmem:s21+$0xFFFFFE10]  }
.LBB2_11:
0x1a3: {  	p1 =	sne.s32 s22, $0xF;
	v23 =	vld [tilespmem:s21+$0xFFFFFE20]  }
0x1a4: {  	v24 =	vld [tilespmem:s21+$0xFFFFFE30]  }
0x1a5: {  	v22 =	vld [tilespmem:s21+$0xFFFFFE40]  }
0x1a6: {  	v19 =	vld [tilespmem:s21+$0xFFFFFE50]  }
0x1a7: {  	v9 =	vmax.f32 v10, $-3.402823470e+38;
	v20 =	vld [tilespmem:s21+$0xFFFFFE60]  }
0x1a8: {  	v9 =	vmax.f32 v9, v23;
	v17 =	vld [tilespmem:s21+$0xFFFFFE70]  }
0x1a9: {  	v9 =	vmax.f32 v9, v24;
	v21 =	vld [tilespmem:s21+$0xFFFFFE80]  }
0x1aa: {  	v9 =	vmax.f32 v9, v22;
	v18 =	vld [tilespmem:s21+$0xFFFFFE90]  }
0x1ab: {  	v9 =	vmax.f32 v9, v19;
	v16 =	vld [tilespmem:s21+$0xFFFFFEA0]  }
0x1ac: {  	v9 =	vmax.f32 v9, v20;
	v15 =	vld [tilespmem:s21+$0xFFFFFEB0]  }
0x1ad: {  	v9 =	vmax.f32 v9, v17;
	v14 =	vld [tilespmem:s21+$0xFFFFFEC0]  }
0x1ae: {  	v9 =	vmax.f32 v9, v21;
	v13 =	vld [tilespmem:s21+$0xFFFFFED0]  }
0x1af: {  	v9 =	vmax.f32 v9, v18;
	v12 =	vld [tilespmem:s21+$0xFFFFFEE0]  }
0x1b0: {  	v9 =	vmax.f32 v9, v16;
	v11 =	vld [tilespmem:s21+$0xFFFFFEF0]  }
0x1b1: {  	v9 =	vmax.f32 v9, v15;
	v25 =	vld [tilespmem:s21+$0xFFFFFF00]  }
0x1b2: {  	v9 =	vmax.f32 v9, v14;
	v26 =	vld [tilespmem:s21+$0xFFFFFF10]  }
0x1b3: {  	v9 =	vmax.f32 v9, v13;
	v27 =	vld [tilespmem:s21+$0xFFFFFF20]  }
0x1b4: {  	v9 =	vmax.f32 v9, v12;
	v28 =	vld [tilespmem:s21+$0xFFFFFF30]  }
0x1b5: {  	v9 =	vmax.f32 v9, v11;
	v29 =	vld [tilespmem:s21+$0xFFFFFF40]  }
0x1b6: {  	v9 =	vmax.f32 v9, v25;
	v30 =	vld [tilespmem:s21+$0xFFFFFF50]  }
0x1b7: {  	v9 =	vmax.f32 v9, v26;
	v31 =	vld [tilespmem:s21+$0xFFFFFF60]  }
0x1b8: {  	v9 =	vmax.f32 v9, v27;
	v32 =	vld [tilespmem:s21+$0xFFFFFF70]  }
0x1b9: {  	v9 =	vmax.f32 v9, v28;
	v33 =	vld [tilespmem:s21+$0xFFFFFF80]  }
0x1ba: {  	v9 =	vmax.f32 v9, v29;
	v34 =	vld [tilespmem:s21+$0xFFFFFF90]  }
0x1bb: {  	v9 =	vmax.f32 v9, v30;
	v35 =	vld [tilespmem:s21+$0xFFFFFFA0]  }
0x1bc: {  	v9 =	vmax.f32 v9, v31;
	v36 =	vld [tilespmem:s21+$0xFFFFFFB0]  }
0x1bd: {  	v9 =	vmax.f32 v9, v32;
	v37 =	vld [tilespmem:s21+$0xFFFFFFC0]  }
0x1be: {  	v9 =	vmax.f32 v9, v33;
	v38 =	vld [tilespmem:s21+$0xFFFFFFD0]  }
0x1bf: {  	v9 =	vmax.f32 v9, v34;
	v39 =	vld [tilespmem:s21+$0xFFFFFFE0]  }
0x1c0: {  	v9 =	vmax.f32 v9, v35;
	v40 =	vld [tilespmem:s21+$0xFFFFFFF0]  }
0x1c1: {  	v9 =	vmax.f32 v9, v36;
	v41 =	vld [tilespmem:s21+$0x0]  }
0x1c2: {  	v9 =	vmax.f32 v9, v37  }
0x1c3: {  	v9 =	vmax.f32 v9, v38  }
0x1c4: {  	v9 =	vmax.f32 v9, v39  }
0x1c5: {  	v9 =	vmax.f32 v9, v40  }
0x1c6: {  	v9 =	vmax.f32 v9, v41  }
0x1c7: {  	(xrf0) =	vmax.scan.msk.f32 $0xffff, v9;
	_ =	sdelay $0x2  }
0x1c8: {  	v9 =	vmov s20;
	s20 =	smov.u32 s22  }
0x1c9: {  	v42 =	vor.u32 $0x10, v9;
	_ =	sdelay $0x1  }
0x1ca: {  	v43, _, _ =	vpop (xrf0)  }
0x1cb: {  	v43 =	vbroadcast v43, $0xF;
	_ =	sdelay $0x1  }
0x1cc: {  	v10 =	vsub.f32 v10, v43;
	v44 =	vsub.f32 v25, v43;
	[tilespmem:v42+s15+$0x0] =	vst.idx.msk $0x1, v43  }
0x1cd: {  	v42 =	vsub.f32 v26, v43;
	v45 =	vsub.f32 v27, v43  }
0x1ce: {  	v23 =	vsub.f32 v23, v43;
	v28 =	vsub.f32 v28, v43;
	v10 =	vmul.f32 $1.442695020e+00, v10  }
0x1cf: {  	v29 =	vsub.f32 v29, v43;
	v26 =	vsub.f32 v30, v43  }
0x1d0: {  	v25 =	vsub.f32 v24, v43;
	v23 =	vmul.f32 $1.442695020e+00, v23;
	(erf) = vpow2.f32 v10  }
0x1d1: {  	v27 =	vsub.f32 v31, v43;
	v24 =	vsub.f32 v32, v43  }
0x1d2: {  	v30 =	vsub.f32 v22, v43;
	v10 =	vmul.f32 $1.442695020e+00, v25;
	(erf) = vpow2.f32 v23  }
0x1d3: {  	v22 =	vsub.f32 v34, v43;
	v25 =	vsub.f32 v33, v43  }
0x1d4: {  	v31 =	vsub.f32 v19, v43;
	v30 =	vmul.f32 $1.442695020e+00, v30;
	(erf) = vpow2.f32 v10  }
0x1d5: {  	v19 =	vsub.f32 v36, v43;
	v23 =	vsub.f32 v35, v43  }
0x1d6: {  	v32 =	vsub.f32 v20, v43;
	v33 =	vmul.f32 $1.442695020e+00, v31;
	(erf) = vpow2.f32 v30  }
0x1d7: {  	v20 =	vsub.f32 v37, v43;
	v10 =	vsub.f32 v38, v43  }
0x1d8: {  	v30 =	vmul.f32 $1.442695020e+00, v32;
	v32 =	vsub.f32 v17, v43;
	(erf) = vpow2.f32 v33  }
0x1d9: {  	v21 =	vsub.f32 v21, v43;
	v17 =	vsub.f32 v39, v43;
	v31 =	vpop (erf)  }
0x1da: {  	v32 =	vmul.f32 $1.442695020e+00, v32;
	v31 =	vadd.f32 $0.0e+00, v31;
	(erf) = vpow2.f32 v30  }
0x1db: {  	v30 =	vsub.f32 v18, v43;
	v18 =	vsub.f32 v40, v43;
	v33 =	vpop (erf)  }
0x1dc: {  	v34 =	vmul.f32 $1.442695020e+00, v21;
	v31 =	vadd.f32 v33, v31;
	(erf) = vpow2.f32 v32  }
0x1dd: {  	v32 =	vsub.f32 v16, v43;
	v16 =	vsub.f32 v41, v43;
	v33 =	vpop (erf)  }
0x1de: {  	v31 =	vadd.f32 v33, v31;
	v33 =	vmul.f32 $1.442695020e+00, v30;
	(erf) = vpow2.f32 v34  }
0x1df: {  	v15 =	vsub.f32 v15, v43;
	v21 =	vpop (erf)  }
0x1e0: {  	v21 =	vadd.f32 v21, v31;
	v31 =	vmul.f32 $1.442695020e+00, v32;
	(erf) = vpow2.f32 v33  }
0x1e1: {  	v14 =	vsub.f32 v14, v43;
	v30 =	vpop (erf)  }
0x1e2: {  	v32 =	vmul.f32 $1.442695020e+00, v15;
	v21 =	vadd.f32 v30, v21;
	(erf) = vpow2.f32 v31  }
0x1e3: {  	v13 =	vsub.f32 v13, v43;
	v30 =	vpop (erf)  }
0x1e4: {  	v21 =	vadd.f32 v30, v21;
	v30 =	vmul.f32 $1.442695020e+00, v14;
	(erf) = vpow2.f32 v32  }
0x1e5: {  	v12 =	vsub.f32 v12, v43;
	v15 =	vpop (erf)  }
0x1e6: {  	v15 =	vadd.f32 v15, v21;
	v21 =	vmul.f32 $1.442695020e+00, v13;
	(erf) = vpow2.f32 v30  }
0x1e7: {  	v11 =	vsub.f32 v11, v43;
	v14 =	vpop (erf)  }
0x1e8: {  	v14 =	vadd.f32 v14, v15;
	v15 =	vmul.f32 $1.442695020e+00, v12;
	(erf) = vpow2.f32 v21  }
0x1e9: {  	v13 =	vpop (erf)  }
0x1ea: {  	v13 =	vadd.f32 v13, v14;
	v14 =	vmul.f32 $1.442695020e+00, v11;
	(erf) = vpow2.f32 v15  }
0x1eb: {  	v12 =	vpop (erf)  }
0x1ec: {  	v15 =	vmul.f32 $1.442695020e+00, v44;
	v12 =	vadd.f32 v12, v13;
	(erf) = vpow2.f32 v14  }
0x1ed: {  	v11 =	vpop (erf)  }
0x1ee: {  	v14 =	vmul.f32 $1.442695020e+00, v42;
	v11 =	vadd.f32 v11, v12;
	(erf) = vpow2.f32 v15  }
0x1ef: {  	v13 =	vpop (erf)  }
0x1f0: {  	v15 =	vmul.f32 $1.442695020e+00, v45;
	v11 =	vadd.f32 v13, v11;
	(erf) = vpow2.f32 v14  }
0x1f1: {  	v12 =	vpop (erf)  }
0x1f2: {  	v14 =	vmul.f32 $1.442695020e+00, v28;
	v11 =	vadd.f32 v12, v11;
	(erf) = vpow2.f32 v15  }
0x1f3: {  	v13 =	vpop (erf)  }
0x1f4: {  	v15 =	vmul.f32 $1.442695020e+00, v29;
	v11 =	vadd.f32 v13, v11;
	(erf) = vpow2.f32 v14  }
0x1f5: {  	v12 =	vpop (erf)  }
0x1f6: {  	v14 =	vmul.f32 $1.442695020e+00, v26;
	v11 =	vadd.f32 v12, v11;
	(erf) = vpow2.f32 v15  }
0x1f7: {  	v13 =	vpop (erf)  }
0x1f8: {  	v15 =	vmul.f32 $1.442695020e+00, v27;
	v11 =	vadd.f32 v13, v11;
	(erf) = vpow2.f32 v14  }
0x1f9: {  	v12 =	vpop (erf)  }
0x1fa: {  	v14 =	vmul.f32 $1.442695020e+00, v24;
	v11 =	vadd.f32 v12, v11;
	(erf) = vpow2.f32 v15  }
0x1fb: {  	v13 =	vpop (erf)  }
0x1fc: {  	v15 =	vmul.f32 $1.442695020e+00, v25;
	v11 =	vadd.f32 v13, v11;
	(erf) = vpow2.f32 v14  }
0x1fd: {  	v12 =	vpop (erf)  }
0x1fe: {  	v14 =	vmul.f32 $1.442695020e+00, v22;
	v11 =	vadd.f32 v12, v11;
	(erf) = vpow2.f32 v15  }
0x1ff: {  	v13 =	vpop (erf)  }
0x200: {  	v15 =	vmul.f32 $1.442695020e+00, v23;
	v11 =	vadd.f32 v13, v11;
	(erf) = vpow2.f32 v14  }
0x201: {  	v12 =	vpop (erf)  }
0x202: {  	v14 =	vmul.f32 $1.442695020e+00, v19;
	v11 =	vadd.f32 v12, v11;
	(erf) = vpow2.f32 v15  }
0x203: {  	v13 =	vpop (erf)  }
0x204: {  	v11 =	vadd.f32 v13, v11;
	v13 =	vmul.f32 $1.442695020e+00, v20;
	(erf) = vpow2.f32 v14  }
0x205: {  	v12 =	vpop (erf)  }
0x206: {  	v14 =	vmul.f32 $1.442695020e+00, v10;
	v11 =	vadd.f32 v12, v11;
	(erf) = vpow2.f32 v13  }
0x207: {  	v12 =	vpop (erf)  }
0x208: {  	v13 =	vmul.f32 $1.442695020e+00, v17;
	v11 =	vadd.f32 v12, v11;
	(erf) = vpow2.f32 v14  }
0x209: {  	v10 =	vpop (erf)  }
0x20a: {  	v14 =	vmul.f32 $1.442695020e+00, v18;
	v10 =	vadd.f32 v10, v11;
	(erf) = vpow2.f32 v13  }
0x20b: {  	v12 =	vpop (erf)  }
0x20c: {  	v10 =	vadd.f32 v12, v10;
	v12 =	vmul.f32 $1.442695020e+00, v16;
	(erf) = vpow2.f32 v14  }
0x20d: {  	v11 =	vpop (erf)  }
0x20e: {  	v10 =	vadd.f32 v11, v10;
	(erf) = vpow2.f32 v12  }
0x20f: {  	v11 =	vpop (erf)  }
0x210: {  	v10 =	vadd.f32 v11, v10  }
0x211: {  	v11 =	vpop (erf)  }
0x212: {  	v10 =	vadd.f32 v11, v10  }
0x213: {  	v11 =	vpop (erf)  }
0x214: {  	v10 =	vadd.f32 v11, v10  }
0x215: {  	v11 =	vpop (erf)  }
0x216: {  	v10 =	vadd.f32 v11, v10  }
0x217: {  	v11 =	vpop (erf)  }
0x218: {  	v10 =	vadd.f32 v11, v10;
	_ =	sdelay $0x1  }
0x219: {  	(xrf2) =	vadd.scan.msk.f32 $0xffff, v10;
	_ =	sdelay $0x7  }
0x21a: {  	v9 =	vor.u32 $0x50, v9;
	_ =	sdelay $0x1  }
.Ltmp7:
0x21b: {  	v10, _, _ =	vpop (xrf2);
	(pc) =	sbr.rel @p1 .LBB2_11-.Ltmp7, $3  }
0x21c: {  	v10 =	vbroadcast v10, $0xF;
	_ =	sdelay $0x1  }
0x21d: {  	s21 =	sadd.s32 $0x200, s21;
	[tilespmem:v9+s15+$0x0] =	vst.idx.msk $0x1, v10  }
0x21e: {  	s22 =	sadd.s32 $0x1, s22;
	v10 =	vld [tilespmem:s21+$0xFFFFFE10]  }
0x21f: {  	v18 =	vld [tilespmem:s21+$0xFFFFFE20]  }
0x220: {  	v19 =	vld [tilespmem:s21+$0xFFFFFE30]  }
0x221: {  	v20 =	vld [tilespmem:s21+$0xFFFFFE40]  }
0x222: {  	v21 =	vld [tilespmem:s21+$0xFFFFFE50]  }
0x223: {  	v22 =	vld [tilespmem:s21+$0xFFFFFE60];
	v9 =	vmax.f32 v10, $-3.402823470e+38  }
0x224: {  	v23 =	vld [tilespmem:s21+$0xFFFFFE70];
	v9 =	vmax.f32 v9, v18  }
0x225: {  	v24 =	vld [tilespmem:s21+$0xFFFFFE80];
	v9 =	vmax.f32 v9, v19  }
0x226: {  	v25 =	vld [tilespmem:s21+$0xFFFFFE90];
	v9 =	vmax.f32 v9, v20  }
0x227: {  	v26 =	vld [tilespmem:s21+$0xFFFFFEA0];
	v9 =	vmax.f32 v9, v21  }
0x228: {  	v27 =	vld [tilespmem:s21+$0xFFFFFEB0];
	v9 =	vmax.f32 v9, v22  }
0x229: {  	v28 =	vld [tilespmem:s21+$0xFFFFFEC0];
	v9 =	vmax.f32 v9, v23  }
0x22a: {  	v29 =	vld [tilespmem:s21+$0xFFFFFED0];
	v9 =	vmax.f32 v9, v24  }
0x22b: {  	v30 =	vld [tilespmem:s21+$0xFFFFFEE0];
	v9 =	vmax.f32 v9, v25  }
0x22c: {  	v31 =	vld [tilespmem:s21+$0xFFFFFEF0];
	v9 =	vmax.f32 v9, v26  }
0x22d: {  	v32 =	vld [tilespmem:s21+$0xFFFFFF00];
	v9 =	vmax.f32 v9, v27  }
0x22e: {  	v33 =	vld [tilespmem:s21+$0xFFFFFF10];
	v9 =	vmax.f32 v9, v28  }
0x22f: {  	v34 =	vld [tilespmem:s21+$0xFFFFFF20];
	v9 =	vmax.f32 v9, v29  }
0x230: {  	v35 =	vld [tilespmem:s21+$0xFFFFFF30];
	v9 =	vmax.f32 v9, v30  }
0x231: {  	v36 =	vld [tilespmem:s21+$0xFFFFFF40];
	v9 =	vmax.f32 v9, v31  }
0x232: {  	v37 =	vld [tilespmem:s21+$0xFFFFFF50];
	v9 =	vmax.f32 v9, v32  }
0x233: {  	v38 =	vld [tilespmem:s21+$0xFFFFFF60];
	v9 =	vmax.f32 v9, v33  }
0x234: {  	v39 =	vld [tilespmem:s21+$0xFFFFFF70];
	v9 =	vmax.f32 v9, v34  }
0x235: {  	v40 =	vld [tilespmem:s21+$0xFFFFFF80];
	v9 =	vmax.f32 v9, v35  }
0x236: {  	v41 =	vld [tilespmem:s21+$0xFFFFFF90];
	v9 =	vmax.f32 v9, v36  }
0x237: {  	v17 =	vld [tilespmem:s21+$0xFFFFFFA0];
	v9 =	vmax.f32 v9, v37  }
0x238: {  	v16 =	vld [tilespmem:s21+$0xFFFFFFB0];
	v9 =	vmax.f32 v9, v38  }
0x239: {  	v15 =	vld [tilespmem:s21+$0xFFFFFFC0];
	v9 =	vmax.f32 v9, v39  }
0x23a: {  	v14 =	vld [tilespmem:s21+$0xFFFFFFD0];
	v9 =	vmax.f32 v9, v40  }
0x23b: {  	v13 =	vld [tilespmem:s21+$0xFFFFFFE0];
	v9 =	vmax.f32 v9, v41  }
0x23c: {  	v12 =	vld [tilespmem:s21+$0xFFFFFFF0];
	v9 =	vmax.f32 v9, v17  }
0x23d: {  	v11 =	vld [tilespmem:s21+$0x0];
	v9 =	vmax.f32 v9, v16  }
0x23e: {  	v9 =	vmax.f32 v9, v15  }
0x23f: {  	v9 =	vmax.f32 v9, v14  }
0x240: {  	v9 =	vmax.f32 v9, v13  }
0x241: {  	v9 =	vmax.f32 v9, v12  }
0x242: {  	v9 =	vmax.f32 v9, v11  }
0x243: {  	(xrf0) =	vmax.scan.msk.f32 $0xffff, v9;
	_ =	sdelay $0x5  }
0x244: {  	v9, _, _ =	vpop (xrf0)  }
0x245: {  	v9 =	vbroadcast v9, $0xF;
	_ =	sdelay $0x1  }
0x246: {  	v10 =	vsub.f32 v10, v9;
	_ =	sdelay $0x1  }
0x247: {  	v18 =	vsub.f32 v18, v9;
	v10 =	vmul.f32 $1.442695020e+00, v10;
	_ =	sdelay $0x1  }
0x248: {  	v19 =	vsub.f32 v19, v9;
	v18 =	vmul.f32 $1.442695020e+00, v18;
	(erf) = vpow2.f32 v10;
	_ =	sdelay $0x1  }
0x249: {  	v46 =	vsub.f32 v20, v9;
	v10 =	vmul.f32 $1.442695020e+00, v19;
	(erf) = vpow2.f32 v18;
	_ =	sdelay $0x1  }
0x24a: {  	v48 =	vsub.f32 v21, v9;
	v47 =	vmul.f32 $1.442695020e+00, v46;
	(erf) = vpow2.f32 v10;
	_ =	sdelay $0x1  }
0x24b: {  	v49 =	vsub.f32 v22, v9;
	v10 =	vmul.f32 $1.442695020e+00, v48;
	(erf) = vpow2.f32 v47  }
0x24c: {  	v51 =	vsub.f32 v23, v9  }
0x24d: {  	v50 =	vmul.f32 $1.442695020e+00, v49;
	(erf) = vpow2.f32 v10  }
0x24e: {  	v19 =	vmul.f32 $1.442695020e+00, v51;
	v52 =	vpop (erf)  }
0x24f: {  	v10 =	vsub.f32 v24, v9;
	(erf) = vpow2.f32 v50;
	v20 =	vadd.f32 $0.0e+00, v52  }
0x250: {  	v53 =	vsub.f32 v25, v9;
	v54 =	vpop (erf)  }
0x251: {  	v10 =	vmul.f32 $1.442695020e+00, v10;
	(erf) = vpow2.f32 v19;
	v20 =	vadd.f32 v54, v20  }
0x252: {  	v55 =	vsub.f32 v26, v9;
	v56 =	vpop (erf)  }
0x253: {  	v18 =	vmul.f32 $1.442695020e+00, v53;
	(erf) = vpow2.f32 v10;
	v20 =	vadd.f32 v56, v20  }
0x254: {  	v19 =	vmul.f32 $1.442695020e+00, v55;
	v57 =	vpop (erf)  }
0x255: {  	v10 =	vsub.f32 v27, v9;
	(erf) = vpow2.f32 v18;
	v20 =	vadd.f32 v57, v20  }
0x256: {  	v58 =	vsub.f32 v28, v9;
	v59 =	vpop (erf)  }
0x257: {  	v10 =	vmul.f32 $1.442695020e+00, v10;
	(erf) = vpow2.f32 v19;
	v20 =	vadd.f32 v59, v20  }
0x258: {  	v60 =	vsub.f32 v29, v9;
	v61 =	vpop (erf)  }
0x259: {  	v18 =	vmul.f32 $1.442695020e+00, v58;
	(erf) = vpow2.f32 v10;
	v20 =	vadd.f32 v61, v20  }
0x25a: {  	v19 =	vmul.f32 $1.442695020e+00, v60;
	v62 =	vpop (erf)  }
0x25b: {  	v10 =	vsub.f32 v30, v9;
	(erf) = vpow2.f32 v18;
	v20 =	vadd.f32 v62, v20  }
0x25c: {  	v63 =	vsub.f32 v31, v9;
	v24 =	vpop (erf)  }
0x25d: {  	v10 =	vmul.f32 $1.442695020e+00, v10;
	(erf) = vpow2.f32 v19;
	v20 =	vadd.f32 v24, v20  }
0x25e: {  	v25 =	vsub.f32 v32, v9;
	v26 =	vpop (erf)  }
0x25f: {  	v18 =	vmul.f32 $1.442695020e+00, v63;
	(erf) = vpow2.f32 v10;
	v20 =	vadd.f32 v26, v20  }
0x260: {  	v19 =	vmul.f32 $1.442695020e+00, v25;
	v27 =	vpop (erf)  }
0x261: {  	v10 =	vsub.f32 v33, v9;
	(erf) = vpow2.f32 v18;
	v20 =	vadd.f32 v27, v20  }
0x262: {  	v28 =	vsub.f32 v34, v9;
	v29 =	vpop (erf)  }
0x263: {  	v10 =	vmul.f32 $1.442695020e+00, v10;
	(erf) = vpow2.f32 v19;
	v20 =	vadd.f32 v29, v20  }
0x264: {  	v30 =	vsub.f32 v35, v9;
	v31 =	vpop (erf)  }
0x265: {  	v18 =	vmul.f32 $1.442695020e+00, v28;
	(erf) = vpow2.f32 v10;
	v20 =	vadd.f32 v31, v20  }
0x266: {  	v19 =	vmul.f32 $1.442695020e+00, v30;
	v32 =	vpop (erf)  }
0x267: {  	v10 =	vsub.f32 v36, v9;
	(erf) = vpow2.f32 v18;
	v20 =	vadd.f32 v32, v20  }
0x268: {  	v33 =	vsub.f32 v37, v9;
	v34 =	vpop (erf)  }
0x269: {  	v10 =	vmul.f32 $1.442695020e+00, v10;
	(erf) = vpow2.f32 v19;
	v20 =	vadd.f32 v34, v20  }
0x26a: {  	v35 =	vsub.f32 v38, v9;
	v36 =	vpop (erf)  }
0x26b: {  	v18 =	vmul.f32 $1.442695020e+00, v33;
	(erf) = vpow2.f32 v10;
	v20 =	vadd.f32 v36, v20  }
0x26c: {  	v19 =	vmul.f32 $1.442695020e+00, v35;
	v37 =	vpop (erf)  }
0x26d: {  	v10 =	vsub.f32 v39, v9;
	(erf) = vpow2.f32 v18;
	v20 =	vadd.f32 v37, v20  }
0x26e: {  	v38 =	vsub.f32 v40, v9;
	v39 =	vpop (erf)  }
0x26f: {  	v10 =	vmul.f32 $1.442695020e+00, v10;
	(erf) = vpow2.f32 v19;
	v20 =	vadd.f32 v39, v20  }
0x270: {  	v40 =	vsub.f32 v41, v9;
	v41 =	vpop (erf)  }
0x271: {  	v18 =	vmul.f32 $1.442695020e+00, v38;
	(erf) = vpow2.f32 v10;
	v20 =	vadd.f32 v41, v20  }
0x272: {  	v19 =	vmul.f32 $1.442695020e+00, v40;
	v42 =	vpop (erf)  }
0x273: {  	v10 =	vsub.f32 v17, v9;
	(erf) = vpow2.f32 v18;
	v17 =	vadd.f32 v42, v20  }
0x274: {  	v16 =	vsub.f32 v16, v9;
	v43 =	vpop (erf)  }
0x275: {  	v10 =	vmul.f32 $1.442695020e+00, v10;
	(erf) = vpow2.f32 v19;
	v17 =	vadd.f32 v43, v17  }
0x276: {  	v44 =	vpop (erf)  }
0x277: {  	v16 =	vmul.f32 $1.442695020e+00, v16;
	(erf) = vpow2.f32 v10;
	v17 =	vadd.f32 v44, v17  }
0x278: {  	v15 =	vsub.f32 v15, v9;
	v45 =	vpop (erf)  }
0x279: {  	v10 =	vsub.f32 v14, v9;
	(erf) = vpow2.f32 v16;
	v14 =	vadd.f32 v45, v17  }
0x27a: {  	v15 =	vmul.f32 $1.442695020e+00, v15;
	v46 =	vpop (erf)  }
0x27b: {  	v14 =	vadd.f32 v46, v14  }
0x27c: {  	v13 =	vsub.f32 v13, v9;
	v10 =	vmul.f32 $1.442695020e+00, v10;
	(erf) = vpow2.f32 v15;
	v47 =	vpop (erf)  }
0x27d: {  	v12 =	vsub.f32 v12, v9;
	v14 =	vadd.f32 v47, v14  }
0x27e: {  	v13 =	vmul.f32 $1.442695020e+00, v13;
	(erf) = vpow2.f32 v10;
	v10 =	vsub.f32 v11, v9;
	v11 =	vpop (erf)  }
0x27f: {  	v11 =	vadd.f32 v11, v14  }
0x280: {  	v12 =	vmul.f32 $1.442695020e+00, v12;
	(erf) = vpow2.f32 v13;
	v48 =	vpop (erf)  }
0x281: {  	v10 =	vmul.f32 $1.442695020e+00, v10;
	v11 =	vadd.f32 v48, v11  }
0x282: {  	(erf) = vpow2.f32 v12;
	v49 =	vpop (erf)  }
0x283: {  	v11 =	vadd.f32 v49, v11  }
0x284: {  	(erf) = vpow2.f32 v10  }
0x285: {  	v10 =	vpop (erf)  }
0x286: {  	v10 =	vadd.f32 v10, v11  }
0x287: {  	v11 =	vpop (erf)  }
0x288: {  	v10 =	vadd.f32 v11, v10  }
0x289: {  	v11 =	vpop (erf)  }
0x28a: {  	v10 =	vadd.f32 v11, v10  }
0x28b: {  	v11 =	vpop (erf)  }
0x28c: {  	v10 =	vadd.f32 v11, v10  }
0x28d: {  	v11 =	vpop (erf)  }
0x28e: {  	v10 =	vadd.f32 v11, v10;
	_ =	sdelay $0x1  }
0x28f: {  	(xrf2) =	vadd.scan.msk.f32 $0xffff, v10;
	_ =	sdelay $0x5  }
0x290: {  	v10 =	vmov s20  }
0x291: {  	v11 =	vor.u32 $0x10, v10  }
0x292: {  	v10 =	vor.u32 $0x50, v10;
	_ =	sdelay $0x1  }
0x293: {  	v50, _, _ =	vpop (xrf2)  }
0x294: {  	v12 =	vbroadcast v50, $0xF  }
0x295: {  	[tilespmem:v11+s15+$0x0] =	vst.idx.msk $0x1, v9  }
0x296: {  	s21 =	simm.s32 $0x0;
	[tilespmem:v10+s15+$0x0] =	vst.idx.msk $0x1, v12  }
0x297: {  	v51 =	vld [tilespmem:s21+$0x14000]  }
0x298: {  	v52 =	vld [tilespmem:s21+$0x14010]  }
0x299: {  	v53 =	vld [tilespmem:s21+$0x14020]  }
0x29a: {  	v54 =	vld [tilespmem:s21+$0x14030]  }
0x29b: {  	v55 =	vld [tilespmem:s21+$0x14040]  }
0x29c: {  	v56 =	vld [tilespmem:s21+$0x14050];
	v9 =	vmax.f32 v51, $-3.402823470e+38  }
0x29d: {  	v57 =	vld [tilespmem:s21+$0x14060];
	v9 =	vmax.f32 v9, v52  }
0x29e: {  	v58 =	vld [tilespmem:s21+$0x14070];
	v9 =	vmax.f32 v9, v53  }
0x29f: {  	v59 =	vld [tilespmem:s21+$0x14080];
	v9 =	vmax.f32 v9, v54  }
0x2a0: {  	v60 =	vld [tilespmem:s21+$0x14090];
	v9 =	vmax.f32 v9, v55  }
0x2a1: {  	v61 =	vld [tilespmem:s21+$0x140A0];
	v9 =	vmax.f32 v9, v56  }
0x2a2: {  	v62 =	vld [tilespmem:s21+$0x140B0];
	v9 =	vmax.f32 v9, v57  }
0x2a3: {  	v63 =	vld [tilespmem:s21+$0x140C0];
	v9 =	vmax.f32 v9, v58  }
0x2a4: {  	v30 =	vld [tilespmem:s21+$0x140D0];
	v9 =	vmax.f32 v9, v59  }
0x2a5: {  	v31 =	vld [tilespmem:s21+$0x140E0];
	v9 =	vmax.f32 v9, v60  }
0x2a6: {  	v32 =	vld [tilespmem:s21+$0x140F0];
	v9 =	vmax.f32 v9, v61  }
0x2a7: {  	v33 =	vld [tilespmem:s21+$0x14100];
	v9 =	vmax.f32 v9, v62  }
0x2a8: {  	v34 =	vld [tilespmem:s21+$0x14110];
	v9 =	vmax.f32 v9, v63  }
0x2a9: {  	v35 =	vld [tilespmem:s21+$0x14120];
	v9 =	vmax.f32 v9, v30  }
0x2aa: {  	v36 =	vld [tilespmem:s21+$0x14130];
	v9 =	vmax.f32 v9, v31  }
0x2ab: {  	v37 =	vld [tilespmem:s21+$0x14140];
	v9 =	vmax.f32 v9, v32  }
0x2ac: {  	v38 =	vld [tilespmem:s21+$0x14150];
	v9 =	vmax.f32 v9, v33  }
0x2ad: {  	v39 =	vld [tilespmem:s21+$0x14160];
	v9 =	vmax.f32 v9, v34  }
0x2ae: {  	v40 =	vld [tilespmem:s21+$0x14170];
	v9 =	vmax.f32 v9, v35  }
0x2af: {  	v41 =	vld [tilespmem:s21+$0x14180];
	v9 =	vmax.f32 v9, v36  }
0x2b0: {  	v16 =	vld [tilespmem:s21+$0x14190];
	v9 =	vmax.f32 v9, v37  }
0x2b1: {  	v15 =	vld [tilespmem:s21+$0x141A0];
	v9 =	vmax.f32 v9, v38  }
0x2b2: {  	v14 =	vld [tilespmem:s21+$0x141B0];
	v9 =	vmax.f32 v9, v39  }
0x2b3: {  	v13 =	vld [tilespmem:s21+$0x141C0];
	v9 =	vmax.f32 v9, v40  }
0x2b4: {  	v12 =	vld [tilespmem:s21+$0x141D0];
	v9 =	vmax.f32 v9, v41  }
0x2b5: {  	v11 =	vld [tilespmem:s21+$0x141E0];
	v9 =	vmax.f32 v9, v16  }
0x2b6: {  	v10 =	vmax.f32 v9, v15;
	v9 =	vld [tilespmem:s21+$0x141F0]  }
0x2b7: {  	v10 =	vmax.f32 v10, v14  }
0x2b8: {  	v10 =	vmax.f32 v10, v13  }
0x2b9: {  	v10 =	vmax.f32 v10, v12  }
0x2ba: {  	v10 =	vmax.f32 v10, v11  }
0x2bb: {  	v10 =	vmax.f32 v10, v9  }
0x2bc: {  	(xrf0) =	vmax.scan.msk.f32 $0xffff, v10;
	_ =	sdelay $0x5  }
0x2bd: {  	v10, _, _ =	vpop (xrf0)  }
0x2be: {  	v10 =	vbroadcast v10, $0xF;
	_ =	sdelay $0x1  }
0x2bf: {  	v17 =	vsub.f32 v51, v10;
	_ =	sdelay $0x1  }
0x2c0: {  	v18 =	vsub.f32 v52, v10;
	v17 =	vmul.f32 $1.442695020e+00, v17;
	_ =	sdelay $0x1  }
0x2c1: {  	v19 =	vsub.f32 v53, v10;
	v18 =	vmul.f32 $1.442695020e+00, v18;
	(erf) = vpow2.f32 v17;
	_ =	sdelay $0x1  }
0x2c2: {  	v45 =	vsub.f32 v54, v10;
	v44 =	vmul.f32 $1.442695020e+00, v19;
	(erf) = vpow2.f32 v18;
	_ =	sdelay $0x1  }
0x2c3: {  	v47 =	vsub.f32 v55, v10;
	v46 =	vmul.f32 $1.442695020e+00, v45;
	(erf) = vpow2.f32 v44;
	_ =	sdelay $0x1  }
0x2c4: {  	v49 =	vsub.f32 v56, v10;
	v48 =	vmul.f32 $1.442695020e+00, v47;
	(erf) = vpow2.f32 v46;
	_ =	sdelay $0x1  }
0x2c5: {  	v51 =	vsub.f32 v57, v10;
	v50 =	vmul.f32 $1.442695020e+00, v49;
	(erf) = vpow2.f32 v48  }
0x2c6: {  	v52 =	vsub.f32 v58, v10;
	v53 =	vpop (erf)  }
0x2c7: {  	v19 =	vmul.f32 $1.442695020e+00, v51;
	(erf) = vpow2.f32 v50;
	v20 =	vadd.f32 $0.0e+00, v53  }
0x2c8: {  	v54 =	vsub.f32 v59, v10;
	v55 =	vpop (erf)  }
0x2c9: {  	v17 =	vmul.f32 $1.442695020e+00, v52;
	(erf) = vpow2.f32 v19;
	v20 =	vadd.f32 v55, v20  }
0x2ca: {  	v56 =	vsub.f32 v60, v10;
	v57 =	vpop (erf)  }
0x2cb: {  	v18 =	vmul.f32 $1.442695020e+00, v54;
	(erf) = vpow2.f32 v17;
	v20 =	vadd.f32 v57, v20  }
0x2cc: {  	v58 =	vsub.f32 v61, v10;
	v59 =	vpop (erf)  }
0x2cd: {  	v19 =	vmul.f32 $1.442695020e+00, v56;
	(erf) = vpow2.f32 v18;
	v20 =	vadd.f32 v59, v20  }
0x2ce: {  	v60 =	vsub.f32 v62, v10;
	v61 =	vpop (erf)  }
0x2cf: {  	v17 =	vmul.f32 $1.442695020e+00, v58;
	(erf) = vpow2.f32 v19;
	v20 =	vadd.f32 v61, v20  }
0x2d0: {  	v62 =	vsub.f32 v63, v10;
	v63 =	vpop (erf)  }
0x2d1: {  	v18 =	vmul.f32 $1.442695020e+00, v60;
	(erf) = vpow2.f32 v17;
	v20 =	vadd.f32 v63, v20  }
0x2d2: {  	v24 =	vsub.f32 v30, v10;
	v25 =	vpop (erf)  }
0x2d3: {  	v19 =	vmul.f32 $1.442695020e+00, v62;
	(erf) = vpow2.f32 v18;
	v20 =	vadd.f32 v25, v20  }
0x2d4: {  	v26 =	vsub.f32 v31, v10;
	v27 =	vpop (erf)  }
0x2d5: {  	v17 =	vmul.f32 $1.442695020e+00, v24;
	(erf) = vpow2.f32 v19;
	v20 =	vadd.f32 v27, v20  }
0x2d6: {  	v28 =	vsub.f32 v32, v10;
	v29 =	vpop (erf)  }
0x2d7: {  	v18 =	vmul.f32 $1.442695020e+00, v26;
	(erf) = vpow2.f32 v17;
	v20 =	vadd.f32 v29, v20  }
0x2d8: {  	v30 =	vsub.f32 v33, v10;
	v31 =	vpop (erf)  }
0x2d9: {  	v19 =	vmul.f32 $1.442695020e+00, v28;
	(erf) = vpow2.f32 v18;
	v20 =	vadd.f32 v31, v20  }
0x2da: {  	v32 =	vsub.f32 v34, v10;
	v33 =	vpop (erf)  }
0x2db: {  	v17 =	vmul.f32 $1.442695020e+00, v30;
	(erf) = vpow2.f32 v19;
	v20 =	vadd.f32 v33, v20  }
0x2dc: {  	v34 =	vsub.f32 v35, v10;
	v35 =	vpop (erf)  }
0x2dd: {  	v18 =	vmul.f32 $1.442695020e+00, v32;
	(erf) = vpow2.f32 v17;
	v20 =	vadd.f32 v35, v20  }
0x2de: {  	v42 =	vsub.f32 v36, v10;
	v43 =	vpop (erf)  }
0x2df: {  	v19 =	vmul.f32 $1.442695020e+00, v34;
	(erf) = vpow2.f32 v18;
	v20 =	vadd.f32 v43, v20  }
0x2e0: {  	v44 =	vsub.f32 v37, v10;
	v45 =	vpop (erf)  }
0x2e1: {  	v17 =	vmul.f32 $1.442695020e+00, v42;
	(erf) = vpow2.f32 v19;
	v20 =	vadd.f32 v45, v20  }
0x2e2: {  	v46 =	vsub.f32 v38, v10;
	v47 =	vpop (erf)  }
0x2e3: {  	v18 =	vmul.f32 $1.442695020e+00, v44;
	(erf) = vpow2.f32 v17;
	v20 =	vadd.f32 v47, v20  }
0x2e4: {  	v48 =	vsub.f32 v39, v10;
	v49 =	vpop (erf)  }
0x2e5: {  	v19 =	vmul.f32 $1.442695020e+00, v46;
	(erf) = vpow2.f32 v18;
	v20 =	vadd.f32 v49, v20  }
0x2e6: {  	v50 =	vsub.f32 v40, v10;
	v51 =	vpop (erf)  }
0x2e7: {  	v17 =	vmul.f32 $1.442695020e+00, v48;
	(erf) = vpow2.f32 v19;
	v20 =	vadd.f32 v51, v20  }
0x2e8: {  	v52 =	vsub.f32 v41, v10;
	v53 =	vpop (erf)  }
0x2e9: {  	v18 =	vmul.f32 $1.442695020e+00, v50;
	(erf) = vpow2.f32 v17;
	v20 =	vadd.f32 v53, v20  }
0x2ea: {  	v16 =	vsub.f32 v16, v10;
	v54 =	vpop (erf)  }
0x2eb: {  	v19 =	vmul.f32 $1.442695020e+00, v52;
	(erf) = vpow2.f32 v18;
	v17 =	vadd.f32 v54, v20  }
0x2ec: {  	v15 =	vsub.f32 v15, v10;
	v55 =	vpop (erf)  }
0x2ed: {  	v16 =	vmul.f32 $1.442695020e+00, v16;
	(erf) = vpow2.f32 v19;
	v17 =	vadd.f32 v55, v17  }
0x2ee: {  	v56 =	vpop (erf)  }
0x2ef: {  	v15 =	vmul.f32 $1.442695020e+00, v15;
	(erf) = vpow2.f32 v16;
	v17 =	vadd.f32 v56, v17  }
0x2f0: {  	v14 =	vsub.f32 v14, v10;
	v57 =	vpop (erf)  }
0x2f1: {  	(erf) = vpow2.f32 v15;
	v16 =	vadd.f32 v57, v17  }
0x2f2: {  	v13 =	vsub.f32 v13, v10;
	v14 =	vmul.f32 $1.442695020e+00, v14;
	v58 =	vpop (erf)  }
0x2f3: {  	v12 =	vsub.f32 v12, v10;
	v15 =	vadd.f32 v58, v16  }
0x2f4: {  	v11 =	vsub.f32 v11, v10;
	v13 =	vmul.f32 $1.442695020e+00, v13;
	(erf) = vpow2.f32 v14;
	v59 =	vpop (erf)  }
0x2f5: {  	v12 =	vmul.f32 $1.442695020e+00, v12;
	v14 =	vadd.f32 v59, v15  }
0x2f6: {  	v11 =	vmul.f32 $1.442695020e+00, v11;
	(erf) = vpow2.f32 v13;
	v60 =	vpop (erf)  }
0x2f7: {  	v9 =	vsub.f32 v9, v10;
	v13 =	vadd.f32 v60, v14  }
0x2f8: {  	(erf) = vpow2.f32 v12;
	v61 =	vpop (erf)  }
0x2f9: {  	v9 =	vmul.f32 $1.442695020e+00, v9;
	v12 =	vadd.f32 v61, v13  }
0x2fa: {  	(erf) = vpow2.f32 v11;
	v11 =	vpop (erf)  }
0x2fb: {  	v11 =	vadd.f32 v11, v12  }
0x2fc: {  	(erf) = vpow2.f32 v9  }
0x2fd: {  	v9 =	vpop (erf)  }
0x2fe: {  	v9 =	vadd.f32 v9, v11  }
0x2ff: {  	v11 =	vpop (erf)  }
0x300: {  	v9 =	vadd.f32 v11, v9  }
0x301: {  	v11 =	vpop (erf)  }
0x302: {  	v9 =	vadd.f32 v11, v9  }
0x303: {  	v11 =	vpop (erf)  }
0x304: {  	v9 =	vadd.f32 v11, v9  }
0x305: {  	v11 =	vpop (erf)  }
0x306: {  	v9 =	vadd.f32 v11, v9;
	_ =	sdelay $0x1  }
0x307: {  	(xrf2) =	vadd.scan.msk.f32 $0xffff, v9;
	_ =	sdelay $0x4  }
0x308: {  	s20 =	simm.s32 $0x0  }
0x309: {  	v9 =	vmov s20  }
0x30a: {  	v11 =	vor.u32 $0x20, v9  }
0x30b: {  	v62 =	vor.u32 $0x60, v9;
	_ =	sdelay $0x1  }
0x30c: {  	v63, _, _ =	vpop (xrf2)  }
0x30d: {  	v13 =	vbroadcast v63, $0xF  }
0x30e: {  	[tilespmem:v11+s15+$0x0] =	vst.idx.msk $0x1, v10  }
0x30f: {  	s24 =	simm.s32 $0x200;
	s23 =	simm.s32 $0x1000;
	s22 =	simm.s32 $0x0;
	[tilespmem:v62+s15+$0x0] =	vst.idx.msk $0x1, v13  }
.LBB2_13:
0x310: {  	p1 =	sne.s32 s23, $0x7800;
	v23 =	vld [tilespmem:s24+$0x14000]  }
0x311: {  	v24 =	vld [tilespmem:s24+$0x14010]  }
0x312: {  	v25 =	vld [tilespmem:s24+$0x14020]  }
0x313: {  	v21 =	vld [tilespmem:s24+$0x14030]  }
0x314: {  	v20 =	vld [tilespmem:s24+$0x14040]  }
0x315: {  	v10 =	vmax.f32 v23, $-3.402823470e+38;
	v17 =	vld [tilespmem:s24+$0x14050]  }
0x316: {  	v10 =	vmax.f32 v10, v24;
	v18 =	vld [tilespmem:s24+$0x14060]  }
0x317: {  	v10 =	vmax.f32 v10, v25;
	v22 =	vld [tilespmem:s24+$0x14070]  }
0x318: {  	v10 =	vmax.f32 v10, v21;
	v19 =	vld [tilespmem:s24+$0x14080]  }
0x319: {  	v10 =	vmax.f32 v10, v20;
	v16 =	vld [tilespmem:s24+$0x14090]  }
0x31a: {  	v10 =	vmax.f32 v10, v17;
	v15 =	vld [tilespmem:s24+$0x140A0]  }
0x31b: {  	v10 =	vmax.f32 v10, v18;
	v14 =	vld [tilespmem:s24+$0x140B0]  }
0x31c: {  	v10 =	vmax.f32 v10, v22;
	v13 =	vld [tilespmem:s24+$0x140C0]  }
0x31d: {  	v10 =	vmax.f32 v10, v19;
	v12 =	vld [tilespmem:s24+$0x140D0]  }
0x31e: {  	v10 =	vmax.f32 v10, v16;
	v11 =	vld [tilespmem:s24+$0x140E0]  }
0x31f: {  	v10 =	vmax.f32 v10, v15;
	v26 =	vld [tilespmem:s24+$0x140F0]  }
0x320: {  	v10 =	vmax.f32 v10, v14;
	v27 =	vld [tilespmem:s24+$0x14100]  }
0x321: {  	v10 =	vmax.f32 v10, v13;
	v28 =	vld [tilespmem:s24+$0x14110]  }
0x322: {  	v10 =	vmax.f32 v10, v12;
	v29 =	vld [tilespmem:s24+$0x14120]  }
0x323: {  	v10 =	vmax.f32 v10, v11;
	v30 =	vld [tilespmem:s24+$0x14130]  }
0x324: {  	v10 =	vmax.f32 v10, v26;
	v31 =	vld [tilespmem:s24+$0x14140]  }
0x325: {  	v10 =	vmax.f32 v10, v27;
	v32 =	vld [tilespmem:s24+$0x14150]  }
0x326: {  	v10 =	vmax.f32 v10, v28;
	v33 =	vld [tilespmem:s24+$0x14160]  }
0x327: {  	v10 =	vmax.f32 v10, v29;
	v34 =	vld [tilespmem:s24+$0x14170]  }
0x328: {  	v10 =	vmax.f32 v10, v30;
	v35 =	vld [tilespmem:s24+$0x14180]  }
0x329: {  	v10 =	vmax.f32 v10, v31;
	v36 =	vld [tilespmem:s24+$0x14190]  }
0x32a: {  	v10 =	vmax.f32 v10, v32;
	v37 =	vld [tilespmem:s24+$0x141A0]  }
0x32b: {  	v10 =	vmax.f32 v10, v33;
	v38 =	vld [tilespmem:s24+$0x141B0]  }
0x32c: {  	v10 =	vmax.f32 v10, v34;
	v39 =	vld [tilespmem:s24+$0x141C0]  }
0x32d: {  	v10 =	vmax.f32 v10, v35;
	v40 =	vld [tilespmem:s24+$0x141D0]  }
0x32e: {  	v10 =	vmax.f32 v10, v36;
	v41 =	vld [tilespmem:s24+$0x141E0]  }
0x32f: {  	v10 =	vmax.f32 v10, v37;
	v42 =	vld [tilespmem:s24+$0x141F0]  }
0x330: {  	v10 =	vmax.f32 v10, v38  }
0x331: {  	v10 =	vmax.f32 v10, v39  }
0x332: {  	v10 =	vmax.f32 v10, v40  }
0x333: {  	v10 =	vmax.f32 v10, v41  }
0x334: {  	v10 =	vmax.f32 v10, v42  }
0x335: {  	(xrf0) =	vmax.scan.msk.f32 $0xffff, v10;
	_ =	sdelay $0x1  }
0x336: {  	s22 =	sadd.s32 $0x1, s22  }
0x337: {  	v10 =	vmov s22  }
0x338: {  	v43 =	vor.u32 $0x20, v10;
	_ =	sdelay $0x1  }
0x339: {  	v44, _, _ =	vpop (xrf0)  }
0x33a: {  	v44 =	vbroadcast v44, $0xF;
	_ =	sdelay $0x1  }
0x33b: {  	v23 =	vsub.f32 v23, v44;
	v45 =	vsub.f32 v26, v44;
	[tilespmem:v43+s15+$0x0] =	vst.idx.msk $0x1, v44  }
0x33c: {  	v43 =	vsub.f32 v27, v44;
	v46 =	vsub.f32 v28, v44  }
0x33d: {  	v24 =	vsub.f32 v24, v44;
	v29 =	vsub.f32 v29, v44;
	v23 =	vmul.f32 $1.442695020e+00, v23  }
0x33e: {  	v30 =	vsub.f32 v30, v44;
	v27 =	vsub.f32 v31, v44  }
0x33f: {  	v26 =	vsub.f32 v25, v44;
	v24 =	vmul.f32 $1.442695020e+00, v24;
	(erf) = vpow2.f32 v23  }
0x340: {  	v28 =	vsub.f32 v32, v44;
	v25 =	vsub.f32 v33, v44  }
0x341: {  	v21 =	vsub.f32 v21, v44;
	v31 =	vmul.f32 $1.442695020e+00, v26;
	(erf) = vpow2.f32 v24  }
0x342: {  	v26 =	vsub.f32 v34, v44;
	v23 =	vsub.f32 v35, v44  }
0x343: {  	v32 =	vsub.f32 v20, v44;
	v21 =	vmul.f32 $1.442695020e+00, v21;
	(erf) = vpow2.f32 v31  }
0x344: {  	v20 =	vsub.f32 v37, v44;
	v24 =	vsub.f32 v36, v44  }
0x345: {  	v34 =	vmul.f32 $1.442695020e+00, v32;
	v32 =	vsub.f32 v17, v44;
	(erf) = vpow2.f32 v21  }
0x346: {  	v17 =	vsub.f32 v39, v44;
	v21 =	vsub.f32 v38, v44  }
0x347: {  	v33 =	vsub.f32 v18, v44;
	v32 =	vmul.f32 $1.442695020e+00, v32;
	(erf) = vpow2.f32 v34  }
0x348: {  	v22 =	vsub.f32 v22, v44;
	v18 =	vsub.f32 v40, v44;
	v31 =	vpop (erf)  }
0x349: {  	v33 =	vmul.f32 $1.442695020e+00, v33;
	v31 =	vadd.f32 $0.0e+00, v31;
	(erf) = vpow2.f32 v32  }
0x34a: {  	v32 =	vsub.f32 v19, v44;
	v19 =	vsub.f32 v41, v44;
	v34 =	vpop (erf)  }
0x34b: {  	v35 =	vmul.f32 $1.442695020e+00, v22;
	v31 =	vadd.f32 v34, v31;
	(erf) = vpow2.f32 v33  }
0x34c: {  	v33 =	vsub.f32 v16, v44;
	v16 =	vsub.f32 v42, v44;
	v34 =	vpop (erf)  }
0x34d: {  	v31 =	vadd.f32 v34, v31;
	v34 =	vmul.f32 $1.442695020e+00, v32;
	(erf) = vpow2.f32 v35  }
0x34e: {  	v15 =	vsub.f32 v15, v44;
	v22 =	vpop (erf)  }
0x34f: {  	v33 =	vmul.f32 $1.442695020e+00, v33;
	v22 =	vadd.f32 v22, v31;
	(erf) = vpow2.f32 v34  }
0x350: {  	v14 =	vsub.f32 v14, v44;
	v32 =	vpop (erf)  }
0x351: {  	v22 =	vadd.f32 v32, v22;
	v32 =	vmul.f32 $1.442695020e+00, v15;
	(erf) = vpow2.f32 v33  }
0x352: {  	v13 =	vsub.f32 v13, v44;
	v31 =	vpop (erf)  }
0x353: {  	v22 =	vadd.f32 v31, v22;
	v31 =	vmul.f32 $1.442695020e+00, v14;
	(erf) = vpow2.f32 v32  }
0x354: {  	v12 =	vsub.f32 v12, v44;
	v15 =	vpop (erf)  }
0x355: {  	v15 =	vadd.f32 v15, v22;
	v22 =	vmul.f32 $1.442695020e+00, v13;
	(erf) = vpow2.f32 v31  }
0x356: {  	v11 =	vsub.f32 v11, v44;
	v14 =	vpop (erf)  }
0x357: {  	v14 =	vadd.f32 v14, v15;
	v15 =	vmul.f32 $1.442695020e+00, v12;
	(erf) = vpow2.f32 v22  }
0x358: {  	v13 =	vpop (erf)  }
0x359: {  	v13 =	vadd.f32 v13, v14;
	v14 =	vmul.f32 $1.442695020e+00, v11;
	(erf) = vpow2.f32 v15  }
0x35a: {  	v12 =	vpop (erf)  }
0x35b: {  	v15 =	vmul.f32 $1.442695020e+00, v45;
	v12 =	vadd.f32 v12, v13;
	(erf) = vpow2.f32 v14  }
0x35c: {  	v11 =	vpop (erf)  }
0x35d: {  	v14 =	vmul.f32 $1.442695020e+00, v43;
	v11 =	vadd.f32 v11, v12;
	(erf) = vpow2.f32 v15  }
0x35e: {  	v13 =	vpop (erf)  }
0x35f: {  	v15 =	vmul.f32 $1.442695020e+00, v46;
	v11 =	vadd.f32 v13, v11;
	(erf) = vpow2.f32 v14  }
0x360: {  	v12 =	vpop (erf)  }
0x361: {  	v14 =	vmul.f32 $1.442695020e+00, v29;
	v11 =	vadd.f32 v12, v11;
	(erf) = vpow2.f32 v15  }
0x362: {  	v13 =	vpop (erf)  }
0x363: {  	v15 =	vmul.f32 $1.442695020e+00, v30;
	v11 =	vadd.f32 v13, v11;
	(erf) = vpow2.f32 v14  }
0x364: {  	v12 =	vpop (erf)  }
0x365: {  	v14 =	vmul.f32 $1.442695020e+00, v27;
	v11 =	vadd.f32 v12, v11;
	(erf) = vpow2.f32 v15  }
0x366: {  	v13 =	vpop (erf)  }
0x367: {  	v15 =	vmul.f32 $1.442695020e+00, v28;
	v11 =	vadd.f32 v13, v11;
	(erf) = vpow2.f32 v14  }
0x368: {  	v12 =	vpop (erf)  }
0x369: {  	v14 =	vmul.f32 $1.442695020e+00, v25;
	v11 =	vadd.f32 v12, v11;
	(erf) = vpow2.f32 v15  }
0x36a: {  	v13 =	vpop (erf)  }
0x36b: {  	v15 =	vmul.f32 $1.442695020e+00, v26;
	v11 =	vadd.f32 v13, v11;
	(erf) = vpow2.f32 v14  }
0x36c: {  	v12 =	vpop (erf)  }
0x36d: {  	v14 =	vmul.f32 $1.442695020e+00, v23;
	v11 =	vadd.f32 v12, v11;
	(erf) = vpow2.f32 v15  }
0x36e: {  	v13 =	vpop (erf)  }
0x36f: {  	v15 =	vmul.f32 $1.442695020e+00, v24;
	v11 =	vadd.f32 v13, v11;
	(erf) = vpow2.f32 v14  }
0x370: {  	v12 =	vpop (erf)  }
0x371: {  	v14 =	vmul.f32 $1.442695020e+00, v20;
	v11 =	vadd.f32 v12, v11;
	(erf) = vpow2.f32 v15  }
0x372: {  	v13 =	vpop (erf)  }
0x373: {  	v15 =	vmul.f32 $1.442695020e+00, v21;
	v11 =	vadd.f32 v13, v11;
	(erf) = vpow2.f32 v14  }
0x374: {  	v12 =	vpop (erf)  }
0x375: {  	v14 =	vmul.f32 $1.442695020e+00, v17;
	v11 =	vadd.f32 v12, v11;
	(erf) = vpow2.f32 v15  }
0x376: {  	v13 =	vpop (erf)  }
0x377: {  	v15 =	vmul.f32 $1.442695020e+00, v18;
	v11 =	vadd.f32 v13, v11;
	(erf) = vpow2.f32 v14  }
0x378: {  	v12 =	vpop (erf)  }
0x379: {  	v14 =	vmul.f32 $1.442695020e+00, v19;
	v11 =	vadd.f32 v12, v11;
	(erf) = vpow2.f32 v15  }
0x37a: {  	v13 =	vpop (erf)  }
0x37b: {  	v11 =	vadd.f32 v13, v11;
	v13 =	vmul.f32 $1.442695020e+00, v16;
	(erf) = vpow2.f32 v14  }
0x37c: {  	v12 =	vpop (erf)  }
0x37d: {  	v11 =	vadd.f32 v12, v11;
	(erf) = vpow2.f32 v13  }
0x37e: {  	v12 =	vpop (erf)  }
0x37f: {  	v11 =	vadd.f32 v12, v11  }
0x380: {  	v12 =	vpop (erf)  }
0x381: {  	v11 =	vadd.f32 v12, v11  }
0x382: {  	v12 =	vpop (erf)  }
0x383: {  	v11 =	vadd.f32 v12, v11  }
0x384: {  	v12 =	vpop (erf)  }
0x385: {  	v11 =	vadd.f32 v12, v11  }
0x386: {  	v12 =	vpop (erf)  }
0x387: {  	v11 =	vadd.f32 v12, v11;
	_ =	sdelay $0x1  }
0x388: {  	(xrf2) =	vadd.scan.msk.f32 $0xffff, v11;
	_ =	sdelay $0x7  }
0x389: {  	v10 =	vor.u32 $0x60, v10  }
.Ltmp8:
0x38a: {  	(pc) =	sbr.rel @p1 .LBB2_13-.Ltmp8, $3  }
0x38b: {  	v11, _, _ =	vpop (xrf2)  }
0x38c: {  	v11 =	vbroadcast v11, $0xF;
	_ =	sdelay $0x1  }
0x38d: {  	s24 =	sshra.s32 s23, $0x2;
	s23 =	sadd.s32 $0x800, s23;
	[tilespmem:v10+s15+$0x0] =	vst.idx.msk $0x1, v11  }
0x38e: {  	v18 =	vld [tilespmem:s24+$0x14000]  }
0x38f: {  	v19 =	vld [tilespmem:s24+$0x14010]  }
0x390: {  	v20 =	vld [tilespmem:s24+$0x14020]  }
0x391: {  	v21 =	vld [tilespmem:s24+$0x14030]  }
0x392: {  	v22 =	vld [tilespmem:s24+$0x14040]  }
0x393: {  	v23 =	vld [tilespmem:s24+$0x14050];
	v10 =	vmax.f32 v18, $-3.402823470e+38  }
0x394: {  	v24 =	vld [tilespmem:s24+$0x14060];
	v10 =	vmax.f32 v10, v19  }
0x395: {  	v25 =	vld [tilespmem:s24+$0x14070];
	v10 =	vmax.f32 v10, v20  }
0x396: {  	v26 =	vld [tilespmem:s24+$0x14080];
	v10 =	vmax.f32 v10, v21  }
0x397: {  	v27 =	vld [tilespmem:s24+$0x14090];
	v10 =	vmax.f32 v10, v22  }
0x398: {  	v28 =	vld [tilespmem:s24+$0x140A0];
	v10 =	vmax.f32 v10, v23  }
0x399: {  	v29 =	vld [tilespmem:s24+$0x140B0];
	v10 =	vmax.f32 v10, v24  }
0x39a: {  	v30 =	vld [tilespmem:s24+$0x140C0];
	v10 =	vmax.f32 v10, v25  }
0x39b: {  	v31 =	vld [tilespmem:s24+$0x140D0];
	v10 =	vmax.f32 v10, v26  }
0x39c: {  	v32 =	vld [tilespmem:s24+$0x140E0];
	v10 =	vmax.f32 v10, v27  }
0x39d: {  	v33 =	vld [tilespmem:s24+$0x140F0];
	v10 =	vmax.f32 v10, v28  }
0x39e: {  	v34 =	vld [tilespmem:s24+$0x14100];
	v10 =	vmax.f32 v10, v29  }
0x39f: {  	v35 =	vld [tilespmem:s24+$0x14110];
	v10 =	vmax.f32 v10, v30  }
0x3a0: {  	v36 =	vld [tilespmem:s24+$0x14120];
	v10 =	vmax.f32 v10, v31  }
0x3a1: {  	v37 =	vld [tilespmem:s24+$0x14130];
	v10 =	vmax.f32 v10, v32  }
0x3a2: {  	v38 =	vld [tilespmem:s24+$0x14140];
	v10 =	vmax.f32 v10, v33  }
0x3a3: {  	v39 =	vld [tilespmem:s24+$0x14150];
	v10 =	vmax.f32 v10, v34  }
0x3a4: {  	v40 =	vld [tilespmem:s24+$0x14160];
	v10 =	vmax.f32 v10, v35  }
0x3a5: {  	v41 =	vld [tilespmem:s24+$0x14170];
	v10 =	vmax.f32 v10, v36  }
0x3a6: {  	v42 =	vld [tilespmem:s24+$0x14180];
	v10 =	vmax.f32 v10, v37  }
0x3a7: {  	v17 =	vld [tilespmem:s24+$0x14190];
	v10 =	vmax.f32 v10, v38  }
0x3a8: {  	v16 =	vld [tilespmem:s24+$0x141A0];
	v10 =	vmax.f32 v10, v39  }
0x3a9: {  	v15 =	vld [tilespmem:s24+$0x141B0];
	v10 =	vmax.f32 v10, v40  }
0x3aa: {  	v14 =	vld [tilespmem:s24+$0x141C0];
	v10 =	vmax.f32 v10, v41  }
0x3ab: {  	v13 =	vld [tilespmem:s24+$0x141D0];
	v10 =	vmax.f32 v10, v42  }
0x3ac: {  	v12 =	vld [tilespmem:s24+$0x141E0];
	v10 =	vmax.f32 v10, v17  }
0x3ad: {  	v11 =	vld [tilespmem:s24+$0x141F0];
	v10 =	vmax.f32 v10, v16  }
0x3ae: {  	v10 =	vmax.f32 v10, v15  }
0x3af: {  	v10 =	vmax.f32 v10, v14  }
0x3b0: {  	v10 =	vmax.f32 v10, v13  }
0x3b1: {  	v10 =	vmax.f32 v10, v12  }
0x3b2: {  	v10 =	vmax.f32 v10, v11  }
0x3b3: {  	(xrf0) =	vmax.scan.msk.f32 $0xffff, v10;
	_ =	sdelay $0x5  }
0x3b4: {  	v10, _, _ =	vpop (xrf0)  }
0x3b5: {  	v10 =	vbroadcast v10, $0xF;
	_ =	sdelay $0x1  }
0x3b6: {  	v18 =	vsub.f32 v18, v10;
	_ =	sdelay $0x1  }
0x3b7: {  	v19 =	vsub.f32 v19, v10;
	v18 =	vmul.f32 $1.442695020e+00, v18;
	_ =	sdelay $0x1  }
0x3b8: {  	v20 =	vsub.f32 v20, v10;
	v19 =	vmul.f32 $1.442695020e+00, v19;
	(erf) = vpow2.f32 v18;
	_ =	sdelay $0x1  }
0x3b9: {  	v43 =	vsub.f32 v21, v10;
	v63 =	vmul.f32 $1.442695020e+00, v20;
	(erf) = vpow2.f32 v19;
	_ =	sdelay $0x1  }
0x3ba: {  	v45 =	vsub.f32 v22, v10;
	v44 =	vmul.f32 $1.442695020e+00, v43;
	(erf) = vpow2.f32 v63;
	_ =	sdelay $0x1  }
0x3bb: {  	v47 =	vsub.f32 v23, v10;
	v46 =	vmul.f32 $1.442695020e+00, v45;
	(erf) = vpow2.f32 v44;
	_ =	sdelay $0x1  }
0x3bc: {  	v49 =	vsub.f32 v24, v10;
	v48 =	vmul.f32 $1.442695020e+00, v47;
	(erf) = vpow2.f32 v46  }
0x3bd: {  	v50 =	vsub.f32 v25, v10;
	v51 =	vpop (erf)  }
0x3be: {  	v20 =	vmul.f32 $1.442695020e+00, v49;
	(erf) = vpow2.f32 v48;
	v21 =	vadd.f32 $0.0e+00, v51  }
0x3bf: {  	v52 =	vsub.f32 v26, v10;
	v53 =	vpop (erf)  }
0x3c0: {  	v18 =	vmul.f32 $1.442695020e+00, v50;
	(erf) = vpow2.f32 v20;
	v21 =	vadd.f32 v53, v21  }
0x3c1: {  	v54 =	vsub.f32 v27, v10;
	v55 =	vpop (erf)  }
0x3c2: {  	v19 =	vmul.f32 $1.442695020e+00, v52;
	(erf) = vpow2.f32 v18;
	v21 =	vadd.f32 v55, v21  }
0x3c3: {  	v56 =	vsub.f32 v28, v10;
	v57 =	vpop (erf)  }
0x3c4: {  	v20 =	vmul.f32 $1.442695020e+00, v54;
	(erf) = vpow2.f32 v19;
	v21 =	vadd.f32 v57, v21  }
0x3c5: {  	v58 =	vsub.f32 v29, v10;
	v59 =	vpop (erf)  }
0x3c6: {  	v18 =	vmul.f32 $1.442695020e+00, v56;
	(erf) = vpow2.f32 v20;
	v21 =	vadd.f32 v59, v21  }
0x3c7: {  	v60 =	vsub.f32 v30, v10;
	v61 =	vpop (erf)  }
0x3c8: {  	v19 =	vmul.f32 $1.442695020e+00, v58;
	(erf) = vpow2.f32 v18;
	v21 =	vadd.f32 v61, v21  }
0x3c9: {  	v62 =	vsub.f32 v31, v10;
	v63 =	vpop (erf)  }
0x3ca: {  	v20 =	vmul.f32 $1.442695020e+00, v60;
	(erf) = vpow2.f32 v19;
	v21 =	vadd.f32 v63, v21  }
0x3cb: {  	v24 =	vsub.f32 v32, v10;
	v25 =	vpop (erf)  }
0x3cc: {  	v18 =	vmul.f32 $1.442695020e+00, v62;
	(erf) = vpow2.f32 v20;
	v21 =	vadd.f32 v25, v21  }
0x3cd: {  	v26 =	vsub.f32 v33, v10;
	v27 =	vpop (erf)  }
0x3ce: {  	v19 =	vmul.f32 $1.442695020e+00, v24;
	(erf) = vpow2.f32 v18;
	v21 =	vadd.f32 v27, v21  }
0x3cf: {  	v28 =	vsub.f32 v34, v10;
	v29 =	vpop (erf)  }
0x3d0: {  	v20 =	vmul.f32 $1.442695020e+00, v26;
	(erf) = vpow2.f32 v19;
	v21 =	vadd.f32 v29, v21  }
0x3d1: {  	v30 =	vsub.f32 v35, v10;
	v31 =	vpop (erf)  }
0x3d2: {  	v18 =	vmul.f32 $1.442695020e+00, v28;
	(erf) = vpow2.f32 v20;
	v21 =	vadd.f32 v31, v21  }
0x3d3: {  	v32 =	vsub.f32 v36, v10;
	v33 =	vpop (erf)  }
0x3d4: {  	v19 =	vmul.f32 $1.442695020e+00, v30;
	(erf) = vpow2.f32 v18;
	v21 =	vadd.f32 v33, v21  }
0x3d5: {  	v34 =	vsub.f32 v37, v10;
	v35 =	vpop (erf)  }
0x3d6: {  	v20 =	vmul.f32 $1.442695020e+00, v32;
	(erf) = vpow2.f32 v19;
	v21 =	vadd.f32 v35, v21  }
0x3d7: {  	v36 =	vsub.f32 v38, v10;
	v37 =	vpop (erf)  }
0x3d8: {  	v18 =	vmul.f32 $1.442695020e+00, v34;
	(erf) = vpow2.f32 v20;
	v21 =	vadd.f32 v37, v21  }
0x3d9: {  	v38 =	vsub.f32 v39, v10;
	v39 =	vpop (erf)  }
0x3da: {  	v19 =	vmul.f32 $1.442695020e+00, v36;
	(erf) = vpow2.f32 v18;
	v21 =	vadd.f32 v39, v21  }
0x3db: {  	v43 =	vsub.f32 v40, v10;
	v44 =	vpop (erf)  }
0x3dc: {  	v20 =	vmul.f32 $1.442695020e+00, v38;
	(erf) = vpow2.f32 v19;
	v21 =	vadd.f32 v44, v21  }
0x3dd: {  	v45 =	vsub.f32 v41, v10;
	v46 =	vpop (erf)  }
0x3de: {  	v18 =	vmul.f32 $1.442695020e+00, v43;
	(erf) = vpow2.f32 v20;
	v21 =	vadd.f32 v46, v21  }
0x3df: {  	v47 =	vsub.f32 v42, v10;
	v48 =	vpop (erf)  }
0x3e0: {  	v19 =	vmul.f32 $1.442695020e+00, v45;
	(erf) = vpow2.f32 v18;
	v21 =	vadd.f32 v48, v21  }
0x3e1: {  	v17 =	vsub.f32 v17, v10;
	v49 =	vpop (erf)  }
0x3e2: {  	v20 =	vmul.f32 $1.442695020e+00, v47;
	(erf) = vpow2.f32 v19;
	v18 =	vadd.f32 v49, v21  }
0x3e3: {  	v16 =	vsub.f32 v16, v10;
	v50 =	vpop (erf)  }
0x3e4: {  	v17 =	vmul.f32 $1.442695020e+00, v17;
	(erf) = vpow2.f32 v20;
	v18 =	vadd.f32 v50, v18  }
0x3e5: {  	v15 =	vsub.f32 v15, v10;
	v51 =	vpop (erf)  }
0x3e6: {  	v16 =	vmul.f32 $1.442695020e+00, v16;
	(erf) = vpow2.f32 v17;
	v18 =	vadd.f32 v51, v18  }
0x3e7: {  	v14 =	vsub.f32 v14, v10;
	v52 =	vpop (erf)  }
0x3e8: {  	v15 =	vmul.f32 $1.442695020e+00, v15;
	(erf) = vpow2.f32 v16;
	v17 =	vadd.f32 v52, v18  }
0x3e9: {  	v13 =	vsub.f32 v13, v10;
	v53 =	vpop (erf)  }
0x3ea: {  	v14 =	vmul.f32 $1.442695020e+00, v14;
	(erf) = vpow2.f32 v15;
	v16 =	vadd.f32 v53, v17  }
0x3eb: {  	v12 =	vsub.f32 v12, v10;
	v54 =	vpop (erf)  }
0x3ec: {  	v13 =	vmul.f32 $1.442695020e+00, v13;
	(erf) = vpow2.f32 v14;
	v15 =	vadd.f32 v54, v16  }
0x3ed: {  	v11 =	vsub.f32 v11, v10;
	v55 =	vpop (erf)  }
0x3ee: {  	v12 =	vmul.f32 $1.442695020e+00, v12;
	(erf) = vpow2.f32 v13;
	v14 =	vadd.f32 v55, v15  }
0x3ef: {  	v11 =	vmul.f32 $1.442695020e+00, v11;
	v56 =	vpop (erf)  }
0x3f0: {  	(erf) = vpow2.f32 v12;
	v13 =	vadd.f32 v56, v14  }
0x3f1: {  	v57 =	vpop (erf)  }
0x3f2: {  	(erf) = vpow2.f32 v11;
	v12 =	vadd.f32 v57, v13  }
0x3f3: {  	v11 =	vpop (erf)  }
0x3f4: {  	v11 =	vadd.f32 v11, v12  }
0x3f5: {  	v58 =	vpop (erf)  }
0x3f6: {  	v11 =	vadd.f32 v58, v11  }
0x3f7: {  	v59 =	vpop (erf)  }
0x3f8: {  	v11 =	vadd.f32 v59, v11  }
0x3f9: {  	v60 =	vpop (erf)  }
0x3fa: {  	v11 =	vadd.f32 v60, v11  }
0x3fb: {  	v61 =	vpop (erf)  }
0x3fc: {  	v11 =	vadd.f32 v61, v11;
	_ =	sdelay $0x1  }
0x3fd: {  	(xrf2) =	vadd.scan.msk.f32 $0xffff, v11;
	_ =	sdelay $0x4  }
0x3fe: {  	s22 =	sadd.s32 $0x1, s22  }
0x3ff: {  	v11 =	vmov s22  }
0x400: {  	v62 =	vor.u32 $0x20, v11  }
0x401: {  	p2 =	por $0x0, $0x0;
	v11 =	vor.u32 $0x60, v11  }
.Ltmp9:
0x402: {  	_ = 	snop;
	(pc) =	sbr.rel @p2 .LBB2_15-.Ltmp9, $4  }
0x403: {  	v63, _, _ =	vpop (xrf2)  }
0x404: {  	v13 =	vbroadcast v63, $0xF  }
0x405: {  	[tilespmem:v62+s15+$0x0] =	vst.idx.msk $0x1, v10  }
0x406: {  	p1 =	por $0x0, $0x0;
	[tilespmem:v11+s15+$0x0] =	vst.idx.msk $0x1, v13  }
0x407: {  	v18 =	vld [tilespmem:s21+$0x16000]  }
0x408: {  	v19 =	vld [tilespmem:s21+$0x16010]  }
0x409: {  	v20 =	vld [tilespmem:s21+$0x16020]  }
0x40a: {  	v21 =	vld [tilespmem:s21+$0x16030]  }
0x40b: {  	v22 =	vld [tilespmem:s21+$0x16040]  }
0x40c: {  	v23 =	vld [tilespmem:s21+$0x16050];
	v10 =	vmax.f32 v18, $-3.402823470e+38  }
0x40d: {  	v24 =	vld [tilespmem:s21+$0x16060];
	v10 =	vmax.f32 v10, v19  }
0x40e: {  	v25 =	vld [tilespmem:s21+$0x16070];
	v10 =	vmax.f32 v10, v20  }
0x40f: {  	v26 =	vld [tilespmem:s21+$0x16080];
	v10 =	vmax.f32 v10, v21  }
0x410: {  	v27 =	vld [tilespmem:s21+$0x16090];
	v10 =	vmax.f32 v10, v22  }
0x411: {  	v28 =	vld [tilespmem:s21+$0x160A0];
	v10 =	vmax.f32 v10, v23  }
0x412: {  	v29 =	vld [tilespmem:s21+$0x160B0];
	v10 =	vmax.f32 v10, v24  }
0x413: {  	v30 =	vld [tilespmem:s21+$0x160C0];
	v10 =	vmax.f32 v10, v25  }
0x414: {  	v31 =	vld [tilespmem:s21+$0x160D0];
	v10 =	vmax.f32 v10, v26  }
0x415: {  	v32 =	vld [tilespmem:s21+$0x160E0];
	v10 =	vmax.f32 v10, v27  }
0x416: {  	v33 =	vld [tilespmem:s21+$0x160F0];
	v10 =	vmax.f32 v10, v28  }
0x417: {  	v34 =	vld [tilespmem:s21+$0x16100];
	v10 =	vmax.f32 v10, v29  }
0x418: {  	v35 =	vld [tilespmem:s21+$0x16110];
	v10 =	vmax.f32 v10, v30  }
0x419: {  	v36 =	vld [tilespmem:s21+$0x16120];
	v10 =	vmax.f32 v10, v31  }
0x41a: {  	v37 =	vld [tilespmem:s21+$0x16130];
	v10 =	vmax.f32 v10, v32  }
0x41b: {  	v38 =	vld [tilespmem:s21+$0x16140];
	v10 =	vmax.f32 v10, v33  }
0x41c: {  	v39 =	vld [tilespmem:s21+$0x16150];
	v10 =	vmax.f32 v10, v34  }
0x41d: {  	v40 =	vld [tilespmem:s21+$0x16160];
	v10 =	vmax.f32 v10, v35  }
0x41e: {  	v41 =	vld [tilespmem:s21+$0x16170];
	v10 =	vmax.f32 v10, v36  }
0x41f: {  	v42 =	vld [tilespmem:s21+$0x16180];
	v10 =	vmax.f32 v10, v37  }
0x420: {  	v17 =	vld [tilespmem:s21+$0x16190];
	v10 =	vmax.f32 v10, v38  }
0x421: {  	v16 =	vld [tilespmem:s21+$0x161A0];
	v10 =	vmax.f32 v10, v39  }
0x422: {  	v15 =	vld [tilespmem:s21+$0x161B0];
	v10 =	vmax.f32 v10, v40  }
0x423: {  	v14 =	vld [tilespmem:s21+$0x161C0];
	v10 =	vmax.f32 v10, v41  }
0x424: {  	v13 =	vld [tilespmem:s21+$0x161D0];
	v10 =	vmax.f32 v10, v42  }
0x425: {  	v12 =	vld [tilespmem:s21+$0x161E0];
	v10 =	vmax.f32 v10, v17  }
0x426: {  	v11 =	vld [tilespmem:s21+$0x161F0];
	v10 =	vmax.f32 v10, v16  }
0x427: {  	v10 =	vmax.f32 v10, v15  }
0x428: {  	v10 =	vmax.f32 v10, v14  }
0x429: {  	v10 =	vmax.f32 v10, v13  }
0x42a: {  	v10 =	vmax.f32 v10, v12  }
0x42b: {  	v10 =	vmax.f32 v10, v11  }
0x42c: {  	(xrf0) =	vmax.scan.msk.f32 $0xffff, v10;
	_ =	sdelay $0x5  }
0x42d: {  	v10, _, _ =	vpop (xrf0)  }
0x42e: {  	v10 =	vbroadcast v10, $0xF;
	_ =	sdelay $0x1  }
0x42f: {  	v18 =	vsub.f32 v18, v10;
	_ =	sdelay $0x1  }
0x430: {  	v19 =	vsub.f32 v19, v10;
	v18 =	vmul.f32 $1.442695020e+00, v18;
	_ =	sdelay $0x1  }
0x431: {  	v20 =	vsub.f32 v20, v10;
	v19 =	vmul.f32 $1.442695020e+00, v19;
	(erf) = vpow2.f32 v18;
	_ =	sdelay $0x1  }
0x432: {  	v44 =	vsub.f32 v21, v10;
	v43 =	vmul.f32 $1.442695020e+00, v20;
	(erf) = vpow2.f32 v19;
	_ =	sdelay $0x1  }
0x433: {  	v46 =	vsub.f32 v22, v10;
	v45 =	vmul.f32 $1.442695020e+00, v44;
	(erf) = vpow2.f32 v43;
	_ =	sdelay $0x1  }
0x434: {  	v48 =	vsub.f32 v23, v10;
	v47 =	vmul.f32 $1.442695020e+00, v46;
	(erf) = vpow2.f32 v45;
	_ =	sdelay $0x1  }
0x435: {  	v50 =	vsub.f32 v24, v10;
	v49 =	vmul.f32 $1.442695020e+00, v48;
	(erf) = vpow2.f32 v47  }
0x436: {  	v51 =	vsub.f32 v25, v10;
	v52 =	vpop (erf)  }
0x437: {  	v20 =	vmul.f32 $1.442695020e+00, v50;
	(erf) = vpow2.f32 v49;
	v21 =	vadd.f32 $0.0e+00, v52  }
0x438: {  	v53 =	vsub.f32 v26, v10;
	v54 =	vpop (erf)  }
0x439: {  	v18 =	vmul.f32 $1.442695020e+00, v51;
	(erf) = vpow2.f32 v20;
	v21 =	vadd.f32 v54, v21  }
0x43a: {  	v55 =	vsub.f32 v27, v10;
	v56 =	vpop (erf)  }
0x43b: {  	v19 =	vmul.f32 $1.442695020e+00, v53;
	(erf) = vpow2.f32 v18;
	v21 =	vadd.f32 v56, v21  }
0x43c: {  	v57 =	vsub.f32 v28, v10;
	v58 =	vpop (erf)  }
0x43d: {  	v20 =	vmul.f32 $1.442695020e+00, v55;
	(erf) = vpow2.f32 v19;
	v21 =	vadd.f32 v58, v21  }
0x43e: {  	v59 =	vsub.f32 v29, v10;
	v60 =	vpop (erf)  }
0x43f: {  	v18 =	vmul.f32 $1.442695020e+00, v57;
	(erf) = vpow2.f32 v20;
	v21 =	vadd.f32 v60, v21  }
0x440: {  	v61 =	vsub.f32 v30, v10;
	v62 =	vpop (erf)  }
0x441: {  	v19 =	vmul.f32 $1.442695020e+00, v59;
	(erf) = vpow2.f32 v18;
	v21 =	vadd.f32 v62, v21  }
0x442: {  	v63 =	vsub.f32 v31, v10;
	v24 =	vpop (erf)  }
0x443: {  	v20 =	vmul.f32 $1.442695020e+00, v61;
	(erf) = vpow2.f32 v19;
	v21 =	vadd.f32 v24, v21  }
0x444: {  	v25 =	vsub.f32 v32, v10;
	v26 =	vpop (erf)  }
0x445: {  	v18 =	vmul.f32 $1.442695020e+00, v63;
	(erf) = vpow2.f32 v20;
	v21 =	vadd.f32 v26, v21  }
0x446: {  	v27 =	vsub.f32 v33, v10;
	v28 =	vpop (erf)  }
0x447: {  	v19 =	vmul.f32 $1.442695020e+00, v25;
	(erf) = vpow2.f32 v18;
	v21 =	vadd.f32 v28, v21  }
0x448: {  	v29 =	vsub.f32 v34, v10;
	v30 =	vpop (erf)  }
0x449: {  	v20 =	vmul.f32 $1.442695020e+00, v27;
	(erf) = vpow2.f32 v19;
	v21 =	vadd.f32 v30, v21  }
0x44a: {  	v31 =	vsub.f32 v35, v10;
	v32 =	vpop (erf)  }
0x44b: {  	v18 =	vmul.f32 $1.442695020e+00, v29;
	(erf) = vpow2.f32 v20;
	v21 =	vadd.f32 v32, v21  }
0x44c: {  	v33 =	vsub.f32 v36, v10;
	v34 =	vpop (erf)  }
0x44d: {  	v19 =	vmul.f32 $1.442695020e+00, v31;
	(erf) = vpow2.f32 v18;
	v21 =	vadd.f32 v34, v21  }
0x44e: {  	v35 =	vsub.f32 v37, v10;
	v36 =	vpop (erf)  }
0x44f: {  	v20 =	vmul.f32 $1.442695020e+00, v33;
	(erf) = vpow2.f32 v19;
	v21 =	vadd.f32 v36, v21  }
0x450: {  	v37 =	vsub.f32 v38, v10;
	v38 =	vpop (erf)  }
0x451: {  	v18 =	vmul.f32 $1.442695020e+00, v35;
	(erf) = vpow2.f32 v20;
	v21 =	vadd.f32 v38, v21  }
0x452: {  	v39 =	vsub.f32 v39, v10;
	v43 =	vpop (erf)  }
0x453: {  	v19 =	vmul.f32 $1.442695020e+00, v37;
	(erf) = vpow2.f32 v18;
	v21 =	vadd.f32 v43, v21  }
0x454: {  	v44 =	vsub.f32 v40, v10;
	v45 =	vpop (erf)  }
0x455: {  	v20 =	vmul.f32 $1.442695020e+00, v39;
	(erf) = vpow2.f32 v19;
	v21 =	vadd.f32 v45, v21  }
0x456: {  	v46 =	vsub.f32 v41, v10;
	v47 =	vpop (erf)  }
0x457: {  	v18 =	vmul.f32 $1.442695020e+00, v44;
	(erf) = vpow2.f32 v20;
	v21 =	vadd.f32 v47, v21  }
0x458: {  	v48 =	vsub.f32 v42, v10;
	v49 =	vpop (erf)  }
0x459: {  	v19 =	vmul.f32 $1.442695020e+00, v46;
	(erf) = vpow2.f32 v18;
	v21 =	vadd.f32 v49, v21  }
0x45a: {  	v17 =	vsub.f32 v17, v10;
	v50 =	vpop (erf)  }
0x45b: {  	v20 =	vmul.f32 $1.442695020e+00, v48;
	(erf) = vpow2.f32 v19;
	v18 =	vadd.f32 v50, v21  }
0x45c: {  	v16 =	vsub.f32 v16, v10;
	v51 =	vpop (erf)  }
0x45d: {  	v17 =	vmul.f32 $1.442695020e+00, v17;
	(erf) = vpow2.f32 v20;
	v18 =	vadd.f32 v51, v18  }
0x45e: {  	v15 =	vsub.f32 v15, v10;
	v52 =	vpop (erf)  }
0x45f: {  	v16 =	vmul.f32 $1.442695020e+00, v16;
	(erf) = vpow2.f32 v17;
	v18 =	vadd.f32 v52, v18  }
0x460: {  	v14 =	vsub.f32 v14, v10;
	v53 =	vpop (erf)  }
0x461: {  	v15 =	vmul.f32 $1.442695020e+00, v15;
	(erf) = vpow2.f32 v16;
	v17 =	vadd.f32 v53, v18  }
0x462: {  	v13 =	vsub.f32 v13, v10;
	v54 =	vpop (erf)  }
0x463: {  	v14 =	vmul.f32 $1.442695020e+00, v14;
	(erf) = vpow2.f32 v15;
	v16 =	vadd.f32 v54, v17  }
0x464: {  	v12 =	vsub.f32 v12, v10;
	v55 =	vpop (erf)  }
0x465: {  	v13 =	vmul.f32 $1.442695020e+00, v13;
	(erf) = vpow2.f32 v14;
	v15 =	vadd.f32 v55, v16  }
0x466: {  	v11 =	vsub.f32 v11, v10;
	v56 =	vpop (erf)  }
0x467: {  	v12 =	vmul.f32 $1.442695020e+00, v12;
	(erf) = vpow2.f32 v13;
	v14 =	vadd.f32 v56, v15  }
0x468: {  	v11 =	vmul.f32 $1.442695020e+00, v11;
	v57 =	vpop (erf)  }
0x469: {  	(erf) = vpow2.f32 v12;
	v13 =	vadd.f32 v57, v14  }
0x46a: {  	v58 =	vpop (erf)  }
0x46b: {  	(erf) = vpow2.f32 v11;
	v12 =	vadd.f32 v58, v13  }
0x46c: {  	v11 =	vpop (erf)  }
0x46d: {  	v11 =	vadd.f32 v11, v12  }
0x46e: {  	v59 =	vpop (erf)  }
0x46f: {  	v11 =	vadd.f32 v59, v11  }
0x470: {  	v60 =	vpop (erf)  }
0x471: {  	v11 =	vadd.f32 v60, v11  }
0x472: {  	v61 =	vpop (erf)  }
0x473: {  	v11 =	vadd.f32 v61, v11  }
0x474: {  	v62 =	vpop (erf)  }
0x475: {  	v11 =	vadd.f32 v62, v11;
	_ =	sdelay $0x1  }
0x476: {  	(xrf2) =	vadd.scan.msk.f32 $0xffff, v11;
	_ =	sdelay $0x6  }
0x477: {  	v11 =	vor.u32 $0x30, v9  }
0x478: {  	p2 =	por $0x0, $0x0;
	v9 =	vor.u32 $0x70, v9  }
.Ltmp10:
0x479: {  	_ = 	snop;
	(pc) =	sbr.rel @p2 .LBB2_17-.Ltmp10, $4  }
0x47a: {  	v63, _, _ =	vpop (xrf2)  }
0x47b: {  	v12 =	vbroadcast v63, $0xF  }
0x47c: {  	s21 =	simm.s32 $0x200;
	[tilespmem:v11+s15+$0x0] =	vst.idx.msk $0x1, v10  }
0x47d: {  	s23 =	simm.s32 $0x1000;
	p1 =	por $0x1, $0x1;
	s22 =	simm.s32 $0x0;
	[tilespmem:v9+s15+$0x0] =	vst.idx.msk $0x1, v12  }
.LBB2_18:
0x47e: {  	p2 =	seq.s32 s23, $0x7800;
	v22 =	vld [tilespmem:s21+$0x16000]  }
0x47f: {  	v23 =	vld [tilespmem:s21+$0x16010]  }
0x480: {  	v24 =	vld [tilespmem:s21+$0x16020]  }
0x481: {  	v20 =	vld [tilespmem:s21+$0x16030]  }
0x482: {  	v19 =	vld [tilespmem:s21+$0x16040]  }
0x483: {  	v9 =	vmax.f32 v22, $-3.402823470e+38;
	v16 =	vld [tilespmem:s21+$0x16050]  }
0x484: {  	v9 =	vmax.f32 v9, v23;
	v17 =	vld [tilespmem:s21+$0x16060]  }
0x485: {  	v9 =	vmax.f32 v9, v24;
	v21 =	vld [tilespmem:s21+$0x16070]  }
0x486: {  	v9 =	vmax.f32 v9, v20;
	v18 =	vld [tilespmem:s21+$0x16080]  }
0x487: {  	v9 =	vmax.f32 v9, v19;
	v15 =	vld [tilespmem:s21+$0x16090]  }
0x488: {  	v9 =	vmax.f32 v9, v16;
	v14 =	vld [tilespmem:s21+$0x160A0]  }
0x489: {  	v9 =	vmax.f32 v9, v17;
	v13 =	vld [tilespmem:s21+$0x160B0]  }
0x48a: {  	v9 =	vmax.f32 v9, v21;
	v12 =	vld [tilespmem:s21+$0x160C0]  }
0x48b: {  	v9 =	vmax.f32 v9, v18;
	v11 =	vld [tilespmem:s21+$0x160D0]  }
0x48c: {  	v9 =	vmax.f32 v9, v15;
	v10 =	vld [tilespmem:s21+$0x160E0]  }
0x48d: {  	v9 =	vmax.f32 v9, v14;
	v25 =	vld [tilespmem:s21+$0x160F0]  }
0x48e: {  	v9 =	vmax.f32 v9, v13;
	v26 =	vld [tilespmem:s21+$0x16100]  }
0x48f: {  	v9 =	vmax.f32 v9, v12;
	v27 =	vld [tilespmem:s21+$0x16110]  }
0x490: {  	v9 =	vmax.f32 v9, v11;
	v28 =	vld [tilespmem:s21+$0x16120]  }
0x491: {  	v9 =	vmax.f32 v9, v10;
	v29 =	vld [tilespmem:s21+$0x16130]  }
0x492: {  	v9 =	vmax.f32 v9, v25;
	v30 =	vld [tilespmem:s21+$0x16140]  }
0x493: {  	v9 =	vmax.f32 v9, v26;
	v31 =	vld [tilespmem:s21+$0x16150]  }
0x494: {  	v9 =	vmax.f32 v9, v27;
	v32 =	vld [tilespmem:s21+$0x16160]  }
0x495: {  	v9 =	vmax.f32 v9, v28;
	v33 =	vld [tilespmem:s21+$0x16170]  }
0x496: {  	v9 =	vmax.f32 v9, v29;
	v34 =	vld [tilespmem:s21+$0x16180]  }
0x497: {  	v9 =	vmax.f32 v9, v30;
	v35 =	vld [tilespmem:s21+$0x16190]  }
0x498: {  	v9 =	vmax.f32 v9, v31;
	v36 =	vld [tilespmem:s21+$0x161A0]  }
0x499: {  	v9 =	vmax.f32 v9, v32;
	v37 =	vld [tilespmem:s21+$0x161B0]  }
0x49a: {  	v9 =	vmax.f32 v9, v33;
	v38 =	vld [tilespmem:s21+$0x161C0]  }
0x49b: {  	v9 =	vmax.f32 v9, v34;
	v39 =	vld [tilespmem:s21+$0x161D0]  }
0x49c: {  	v9 =	vmax.f32 v9, v35;
	v40 =	vld [tilespmem:s21+$0x161E0]  }
0x49d: {  	v9 =	vmax.f32 v9, v36;
	v41 =	vld [tilespmem:s21+$0x161F0]  }
0x49e: {  	v9 =	vmax.f32 v9, v37  }
0x49f: {  	v9 =	vmax.f32 v9, v38  }
0x4a0: {  	v9 =	vmax.f32 v9, v39  }
0x4a1: {  	v9 =	vmax.f32 v9, v40  }
0x4a2: {  	v9 =	vmax.f32 v9, v41  }
0x4a3: {  	(xrf0) =	vmax.scan.msk.f32 $0xffff, v9;
	_ =	sdelay $0x1  }
0x4a4: {  	s22 =	sadd.s32 $0x1, s22  }
0x4a5: {  	v9 =	vmov s22  }
0x4a6: {  	v42 =	vor.u32 $0x30, v9;
	_ =	sdelay $0x1  }
0x4a7: {  	v43, _, _ =	vpop (xrf0)  }
0x4a8: {  	v43 =	vbroadcast v43, $0xF;
	_ =	sdelay $0x1  }
0x4a9: {  	v22 =	vsub.f32 v22, v43;
	v44 =	vsub.f32 v25, v43;
	[tilespmem:v42+s15+$0x0] =	vst.idx.msk $0x1, v43  }
0x4aa: {  	v42 =	vsub.f32 v26, v43;
	v45 =	vsub.f32 v27, v43  }
0x4ab: {  	v23 =	vsub.f32 v23, v43;
	v28 =	vsub.f32 v28, v43;
	v22 =	vmul.f32 $1.442695020e+00, v22  }
0x4ac: {  	v29 =	vsub.f32 v29, v43;
	v26 =	vsub.f32 v30, v43  }
0x4ad: {  	v25 =	vsub.f32 v24, v43;
	v23 =	vmul.f32 $1.442695020e+00, v23;
	(erf) = vpow2.f32 v22  }
0x4ae: {  	v27 =	vsub.f32 v31, v43;
	v24 =	vsub.f32 v32, v43  }
0x4af: {  	v20 =	vsub.f32 v20, v43;
	v30 =	vmul.f32 $1.442695020e+00, v25;
	(erf) = vpow2.f32 v23  }
0x4b0: {  	v25 =	vsub.f32 v33, v43;
	v22 =	vsub.f32 v34, v43  }
0x4b1: {  	v31 =	vsub.f32 v19, v43;
	v20 =	vmul.f32 $1.442695020e+00, v20;
	(erf) = vpow2.f32 v30  }
0x4b2: {  	v19 =	vsub.f32 v36, v43;
	v23 =	vsub.f32 v35, v43  }
0x4b3: {  	v33 =	vmul.f32 $1.442695020e+00, v31;
	v31 =	vsub.f32 v16, v43;
	(erf) = vpow2.f32 v20  }
0x4b4: {  	v16 =	vsub.f32 v38, v43;
	v20 =	vsub.f32 v37, v43  }
0x4b5: {  	v32 =	vsub.f32 v17, v43;
	v31 =	vmul.f32 $1.442695020e+00, v31;
	(erf) = vpow2.f32 v33  }
0x4b6: {  	v21 =	vsub.f32 v21, v43;
	v17 =	vsub.f32 v39, v43;
	v30 =	vpop (erf)  }
0x4b7: {  	v32 =	vmul.f32 $1.442695020e+00, v32;
	v30 =	vadd.f32 $0.0e+00, v30;
	(erf) = vpow2.f32 v31  }
0x4b8: {  	v31 =	vsub.f32 v18, v43;
	v18 =	vsub.f32 v40, v43;
	v33 =	vpop (erf)  }
0x4b9: {  	v34 =	vmul.f32 $1.442695020e+00, v21;
	v30 =	vadd.f32 v33, v30;
	(erf) = vpow2.f32 v32  }
0x4ba: {  	v32 =	vsub.f32 v15, v43;
	v15 =	vsub.f32 v41, v43;
	v33 =	vpop (erf)  }
0x4bb: {  	v30 =	vadd.f32 v33, v30;
	v33 =	vmul.f32 $1.442695020e+00, v31;
	(erf) = vpow2.f32 v34  }
0x4bc: {  	v14 =	vsub.f32 v14, v43;
	v21 =	vpop (erf)  }
0x4bd: {  	v32 =	vmul.f32 $1.442695020e+00, v32;
	v21 =	vadd.f32 v21, v30;
	(erf) = vpow2.f32 v33  }
0x4be: {  	v13 =	vsub.f32 v13, v43;
	v31 =	vpop (erf)  }
0x4bf: {  	v21 =	vadd.f32 v31, v21;
	v31 =	vmul.f32 $1.442695020e+00, v14;
	(erf) = vpow2.f32 v32  }
0x4c0: {  	v12 =	vsub.f32 v12, v43;
	v30 =	vpop (erf)  }
0x4c1: {  	v21 =	vadd.f32 v30, v21;
	v30 =	vmul.f32 $1.442695020e+00, v13;
	(erf) = vpow2.f32 v31  }
0x4c2: {  	v11 =	vsub.f32 v11, v43;
	v14 =	vpop (erf)  }
0x4c3: {  	v14 =	vadd.f32 v14, v21;
	v21 =	vmul.f32 $1.442695020e+00, v12;
	(erf) = vpow2.f32 v30  }
0x4c4: {  	v10 =	vsub.f32 v10, v43;
	v13 =	vpop (erf)  }
0x4c5: {  	v13 =	vadd.f32 v13, v14;
	v14 =	vmul.f32 $1.442695020e+00, v11;
	(erf) = vpow2.f32 v21  }
0x4c6: {  	v12 =	vpop (erf)  }
0x4c7: {  	v12 =	vadd.f32 v12, v13;
	v13 =	vmul.f32 $1.442695020e+00, v10;
	(erf) = vpow2.f32 v14  }
0x4c8: {  	v11 =	vpop (erf)  }
0x4c9: {  	v14 =	vmul.f32 $1.442695020e+00, v44;
	v11 =	vadd.f32 v11, v12;
	(erf) = vpow2.f32 v13  }
0x4ca: {  	v10 =	vpop (erf)  }
0x4cb: {  	v13 =	vmul.f32 $1.442695020e+00, v42;
	v10 =	vadd.f32 v10, v11;
	(erf) = vpow2.f32 v14  }
0x4cc: {  	v12 =	vpop (erf)  }
0x4cd: {  	v14 =	vmul.f32 $1.442695020e+00, v45;
	v10 =	vadd.f32 v12, v10;
	(erf) = vpow2.f32 v13  }
0x4ce: {  	v11 =	vpop (erf)  }
0x4cf: {  	v13 =	vmul.f32 $1.442695020e+00, v28;
	v10 =	vadd.f32 v11, v10;
	(erf) = vpow2.f32 v14  }
0x4d0: {  	v12 =	vpop (erf)  }
0x4d1: {  	v14 =	vmul.f32 $1.442695020e+00, v29;
	v10 =	vadd.f32 v12, v10;
	(erf) = vpow2.f32 v13  }
0x4d2: {  	v11 =	vpop (erf)  }
0x4d3: {  	v13 =	vmul.f32 $1.442695020e+00, v26;
	v10 =	vadd.f32 v11, v10;
	(erf) = vpow2.f32 v14  }
0x4d4: {  	v12 =	vpop (erf)  }
0x4d5: {  	v14 =	vmul.f32 $1.442695020e+00, v27;
	v10 =	vadd.f32 v12, v10;
	(erf) = vpow2.f32 v13  }
0x4d6: {  	v11 =	vpop (erf)  }
0x4d7: {  	v13 =	vmul.f32 $1.442695020e+00, v24;
	v10 =	vadd.f32 v11, v10;
	(erf) = vpow2.f32 v14  }
0x4d8: {  	v12 =	vpop (erf)  }
0x4d9: {  	v14 =	vmul.f32 $1.442695020e+00, v25;
	v10 =	vadd.f32 v12, v10;
	(erf) = vpow2.f32 v13  }
0x4da: {  	v11 =	vpop (erf)  }
0x4db: {  	v13 =	vmul.f32 $1.442695020e+00, v22;
	v10 =	vadd.f32 v11, v10;
	(erf) = vpow2.f32 v14  }
0x4dc: {  	v12 =	vpop (erf)  }
0x4dd: {  	v14 =	vmul.f32 $1.442695020e+00, v23;
	v10 =	vadd.f32 v12, v10;
	(erf) = vpow2.f32 v13  }
0x4de: {  	v11 =	vpop (erf)  }
0x4df: {  	v13 =	vmul.f32 $1.442695020e+00, v19;
	v10 =	vadd.f32 v11, v10;
	(erf) = vpow2.f32 v14  }
0x4e0: {  	v12 =	vpop (erf)  }
0x4e1: {  	v14 =	vmul.f32 $1.442695020e+00, v20;
	v10 =	vadd.f32 v12, v10;
	(erf) = vpow2.f32 v13  }
0x4e2: {  	v11 =	vpop (erf)  }
0x4e3: {  	v13 =	vmul.f32 $1.442695020e+00, v16;
	v10 =	vadd.f32 v11, v10;
	(erf) = vpow2.f32 v14  }
0x4e4: {  	v12 =	vpop (erf)  }
0x4e5: {  	v14 =	vmul.f32 $1.442695020e+00, v17;
	v10 =	vadd.f32 v12, v10;
	(erf) = vpow2.f32 v13  }
0x4e6: {  	v11 =	vpop (erf)  }
0x4e7: {  	v13 =	vmul.f32 $1.442695020e+00, v18;
	v10 =	vadd.f32 v11, v10;
	(erf) = vpow2.f32 v14  }
0x4e8: {  	v12 =	vpop (erf)  }
0x4e9: {  	v10 =	vadd.f32 v12, v10;
	v12 =	vmul.f32 $1.442695020e+00, v15;
	(erf) = vpow2.f32 v13  }
0x4ea: {  	v11 =	vpop (erf)  }
0x4eb: {  	v10 =	vadd.f32 v11, v10;
	(erf) = vpow2.f32 v12  }
0x4ec: {  	v11 =	vpop (erf)  }
0x4ed: {  	v10 =	vadd.f32 v11, v10  }
0x4ee: {  	v11 =	vpop (erf)  }
0x4ef: {  	v10 =	vadd.f32 v11, v10  }
0x4f0: {  	v11 =	vpop (erf)  }
0x4f1: {  	v10 =	vadd.f32 v11, v10  }
0x4f2: {  	v11 =	vpop (erf)  }
0x4f3: {  	v10 =	vadd.f32 v11, v10  }
0x4f4: {  	v11 =	vpop (erf)  }
0x4f5: {  	v10 =	vadd.f32 v11, v10;
	_ =	sdelay $0x1  }
0x4f6: {  	(xrf2) =	vadd.scan.msk.f32 $0xffff, v10;
	_ =	sdelay $0x7  }
0x4f7: {  	v9 =	vor.u32 $0x70, v9  }
.Ltmp11:
0x4f8: {  	(pc) =	sbr.rel @!p2 .LBB2_18-.Ltmp11, $3  }
0x4f9: {  	v10, _, _ =	vpop (xrf2)  }
0x4fa: {  	v10 =	vbroadcast v10, $0xF;
	_ =	sdelay $0x1  }
0x4fb: {  	s21 =	sshra.s32 s23, $0x2;
	s23 =	sadd.s32 $0x800, s23;
	[tilespmem:v9+s15+$0x0] =	vst.idx.msk $0x1, v10  }
.LBB2_19:
0x4fc: {  	v17 =	vld [tilespmem:s21+$0x16000]  }
0x4fd: {  	v18 =	vld [tilespmem:s21+$0x16010]  }
0x4fe: {  	v19 =	vld [tilespmem:s21+$0x16020]  }
0x4ff: {  	v20 =	vld [tilespmem:s21+$0x16030]  }
0x500: {  	v21 =	vld [tilespmem:s21+$0x16040]  }
0x501: {  	v22 =	vld [tilespmem:s21+$0x16050];
	v9 =	vmax.f32 v17, $-3.402823470e+38  }
0x502: {  	v23 =	vld [tilespmem:s21+$0x16060];
	v9 =	vmax.f32 v9, v18  }
0x503: {  	v24 =	vld [tilespmem:s21+$0x16070];
	v9 =	vmax.f32 v9, v19  }
0x504: {  	v25 =	vld [tilespmem:s21+$0x16080];
	v9 =	vmax.f32 v9, v20  }
0x505: {  	v26 =	vld [tilespmem:s21+$0x16090];
	v9 =	vmax.f32 v9, v21  }
0x506: {  	v27 =	vld [tilespmem:s21+$0x160A0];
	v9 =	vmax.f32 v9, v22  }
0x507: {  	v28 =	vld [tilespmem:s21+$0x160B0];
	v9 =	vmax.f32 v9, v23  }
0x508: {  	v29 =	vld [tilespmem:s21+$0x160C0];
	v9 =	vmax.f32 v9, v24  }
0x509: {  	v30 =	vld [tilespmem:s21+$0x160D0];
	v9 =	vmax.f32 v9, v25  }
0x50a: {  	v31 =	vld [tilespmem:s21+$0x160E0];
	v9 =	vmax.f32 v9, v26  }
0x50b: {  	v32 =	vld [tilespmem:s21+$0x160F0];
	v9 =	vmax.f32 v9, v27  }
0x50c: {  	v33 =	vld [tilespmem:s21+$0x16100];
	v9 =	vmax.f32 v9, v28  }
0x50d: {  	v34 =	vld [tilespmem:s21+$0x16110];
	v9 =	vmax.f32 v9, v29  }
0x50e: {  	v35 =	vld [tilespmem:s21+$0x16120];
	v9 =	vmax.f32 v9, v30  }
0x50f: {  	v36 =	vld [tilespmem:s21+$0x16130];
	v9 =	vmax.f32 v9, v31  }
0x510: {  	v37 =	vld [tilespmem:s21+$0x16140];
	v9 =	vmax.f32 v9, v32  }
0x511: {  	v38 =	vld [tilespmem:s21+$0x16150];
	v9 =	vmax.f32 v9, v33  }
0x512: {  	v39 =	vld [tilespmem:s21+$0x16160];
	v9 =	vmax.f32 v9, v34  }
0x513: {  	v40 =	vld [tilespmem:s21+$0x16170];
	v9 =	vmax.f32 v9, v35  }
0x514: {  	v41 =	vld [tilespmem:s21+$0x16180];
	v9 =	vmax.f32 v9, v36  }
0x515: {  	v16 =	vld [tilespmem:s21+$0x16190];
	v9 =	vmax.f32 v9, v37  }
0x516: {  	v15 =	vld [tilespmem:s21+$0x161A0];
	v9 =	vmax.f32 v9, v38  }
0x517: {  	v14 =	vld [tilespmem:s21+$0x161B0];
	v9 =	vmax.f32 v9, v39  }
0x518: {  	v13 =	vld [tilespmem:s21+$0x161C0];
	v9 =	vmax.f32 v9, v40  }
0x519: {  	v12 =	vld [tilespmem:s21+$0x161D0];
	v9 =	vmax.f32 v9, v41  }
0x51a: {  	v11 =	vld [tilespmem:s21+$0x161E0];
	v9 =	vmax.f32 v9, v16  }
0x51b: {  	v10 =	vld [tilespmem:s21+$0x161F0];
	v9 =	vmax.f32 v9, v15  }
0x51c: {  	v9 =	vmax.f32 v9, v14  }
0x51d: {  	v9 =	vmax.f32 v9, v13  }
0x51e: {  	v9 =	vmax.f32 v9, v12  }
0x51f: {  	v9 =	vmax.f32 v9, v11  }
0x520: {  	v9 =	vmax.f32 v9, v10  }
0x521: {  	(xrf0) =	vmax.scan.msk.f32 $0xffff, v9;
	_ =	sdelay $0x5  }
0x522: {  	v9, _, _ =	vpop (xrf0)  }
0x523: {  	v9 =	vbroadcast v9, $0xF;
	_ =	sdelay $0x1  }
0x524: {  	v17 =	vsub.f32 v17, v9;
	_ =	sdelay $0x1  }
0x525: {  	v18 =	vsub.f32 v18, v9;
	v17 =	vmul.f32 $1.442695020e+00, v17;
	_ =	sdelay $0x1  }
0x526: {  	v19 =	vsub.f32 v19, v9;
	v18 =	vmul.f32 $1.442695020e+00, v18;
	(erf) = vpow2.f32 v17;
	_ =	sdelay $0x1  }
0x527: {  	v46 =	vsub.f32 v20, v9;
	v45 =	vmul.f32 $1.442695020e+00, v19;
	(erf) = vpow2.f32 v18;
	_ =	sdelay $0x1  }
0x528: {  	v48 =	vsub.f32 v21, v9;
	v47 =	vmul.f32 $1.442695020e+00, v46;
	(erf) = vpow2.f32 v45;
	_ =	sdelay $0x1  }
0x529: {  	v50 =	vsub.f32 v22, v9;
	v49 =	vmul.f32 $1.442695020e+00, v48;
	(erf) = vpow2.f32 v47;
	_ =	sdelay $0x1  }
0x52a: {  	v52 =	vsub.f32 v23, v9;
	v51 =	vmul.f32 $1.442695020e+00, v50;
	(erf) = vpow2.f32 v49  }
0x52b: {  	v53 =	vsub.f32 v24, v9;
	v54 =	vpop (erf)  }
0x52c: {  	v19 =	vmul.f32 $1.442695020e+00, v52;
	(erf) = vpow2.f32 v51;
	v20 =	vadd.f32 $0.0e+00, v54  }
0x52d: {  	v55 =	vsub.f32 v25, v9;
	v56 =	vpop (erf)  }
0x52e: {  	v17 =	vmul.f32 $1.442695020e+00, v53;
	(erf) = vpow2.f32 v19;
	v20 =	vadd.f32 v56, v20  }
0x52f: {  	v57 =	vsub.f32 v26, v9;
	v58 =	vpop (erf)  }
0x530: {  	v18 =	vmul.f32 $1.442695020e+00, v55;
	(erf) = vpow2.f32 v17;
	v20 =	vadd.f32 v58, v20  }
0x531: {  	v59 =	vsub.f32 v27, v9;
	v60 =	vpop (erf)  }
0x532: {  	v19 =	vmul.f32 $1.442695020e+00, v57;
	(erf) = vpow2.f32 v18;
	v20 =	vadd.f32 v60, v20  }
0x533: {  	v61 =	vsub.f32 v28, v9;
	v62 =	vpop (erf)  }
0x534: {  	v17 =	vmul.f32 $1.442695020e+00, v59;
	(erf) = vpow2.f32 v19;
	v20 =	vadd.f32 v62, v20  }
0x535: {  	v63 =	vsub.f32 v29, v9;
	v24 =	vpop (erf)  }
0x536: {  	v18 =	vmul.f32 $1.442695020e+00, v61;
	(erf) = vpow2.f32 v17;
	v20 =	vadd.f32 v24, v20  }
0x537: {  	v25 =	vsub.f32 v30, v9;
	v26 =	vpop (erf)  }
0x538: {  	v19 =	vmul.f32 $1.442695020e+00, v63;
	(erf) = vpow2.f32 v18;
	v20 =	vadd.f32 v26, v20  }
0x539: {  	v27 =	vsub.f32 v31, v9;
	v28 =	vpop (erf)  }
0x53a: {  	v17 =	vmul.f32 $1.442695020e+00, v25;
	(erf) = vpow2.f32 v19;
	v20 =	vadd.f32 v28, v20  }
0x53b: {  	v29 =	vsub.f32 v32, v9;
	v30 =	vpop (erf)  }
0x53c: {  	v18 =	vmul.f32 $1.442695020e+00, v27;
	(erf) = vpow2.f32 v17;
	v20 =	vadd.f32 v30, v20  }
0x53d: {  	v31 =	vsub.f32 v33, v9;
	v32 =	vpop (erf)  }
0x53e: {  	v19 =	vmul.f32 $1.442695020e+00, v29;
	(erf) = vpow2.f32 v18;
	v20 =	vadd.f32 v32, v20  }
0x53f: {  	v33 =	vsub.f32 v34, v9;
	v34 =	vpop (erf)  }
0x540: {  	v17 =	vmul.f32 $1.442695020e+00, v31;
	(erf) = vpow2.f32 v19;
	v20 =	vadd.f32 v34, v20  }
0x541: {  	v35 =	vsub.f32 v35, v9;
	v42 =	vpop (erf)  }
0x542: {  	v18 =	vmul.f32 $1.442695020e+00, v33;
	(erf) = vpow2.f32 v17;
	v20 =	vadd.f32 v42, v20  }
0x543: {  	v43 =	vsub.f32 v36, v9;
	v44 =	vpop (erf)  }
0x544: {  	v19 =	vmul.f32 $1.442695020e+00, v35;
	(erf) = vpow2.f32 v18;
	v20 =	vadd.f32 v44, v20  }
0x545: {  	v45 =	vsub.f32 v37, v9;
	v46 =	vpop (erf)  }
0x546: {  	v17 =	vmul.f32 $1.442695020e+00, v43;
	(erf) = vpow2.f32 v19;
	v20 =	vadd.f32 v46, v20  }
0x547: {  	v47 =	vsub.f32 v38, v9;
	v48 =	vpop (erf)  }
0x548: {  	v18 =	vmul.f32 $1.442695020e+00, v45;
	(erf) = vpow2.f32 v17;
	v20 =	vadd.f32 v48, v20  }
0x549: {  	v49 =	vsub.f32 v39, v9;
	v50 =	vpop (erf)  }
0x54a: {  	v19 =	vmul.f32 $1.442695020e+00, v47;
	(erf) = vpow2.f32 v18;
	v20 =	vadd.f32 v50, v20  }
0x54b: {  	v51 =	vsub.f32 v40, v9;
	v52 =	vpop (erf)  }
0x54c: {  	v17 =	vmul.f32 $1.442695020e+00, v49;
	(erf) = vpow2.f32 v19;
	v20 =	vadd.f32 v52, v20  }
0x54d: {  	v53 =	vsub.f32 v41, v9;
	v54 =	vpop (erf)  }
0x54e: {  	v18 =	vmul.f32 $1.442695020e+00, v51;
	(erf) = vpow2.f32 v17;
	v20 =	vadd.f32 v54, v20  }
0x54f: {  	v16 =	vsub.f32 v16, v9;
	v55 =	vpop (erf)  }
0x550: {  	v19 =	vmul.f32 $1.442695020e+00, v53;
	(erf) = vpow2.f32 v18;
	v17 =	vadd.f32 v55, v20  }
0x551: {  	v15 =	vsub.f32 v15, v9;
	v56 =	vpop (erf)  }
0x552: {  	v16 =	vmul.f32 $1.442695020e+00, v16;
	(erf) = vpow2.f32 v19;
	v17 =	vadd.f32 v56, v17  }
0x553: {  	v57 =	vpop (erf)  }
0x554: {  	v15 =	vmul.f32 $1.442695020e+00, v15;
	(erf) = vpow2.f32 v16;
	v17 =	vadd.f32 v57, v17  }
0x555: {  	v14 =	vsub.f32 v14, v9;
	v58 =	vpop (erf)  }
0x556: {  	(erf) = vpow2.f32 v15;
	v16 =	vadd.f32 v58, v17  }
0x557: {  	v13 =	vsub.f32 v13, v9;
	v14 =	vmul.f32 $1.442695020e+00, v14;
	v59 =	vpop (erf)  }
0x558: {  	v12 =	vsub.f32 v12, v9;
	v15 =	vadd.f32 v59, v16  }
0x559: {  	v11 =	vsub.f32 v11, v9;
	v13 =	vmul.f32 $1.442695020e+00, v13;
	(erf) = vpow2.f32 v14;
	v60 =	vpop (erf)  }
0x55a: {  	v12 =	vmul.f32 $1.442695020e+00, v12;
	v14 =	vadd.f32 v60, v15  }
0x55b: {  	v11 =	vmul.f32 $1.442695020e+00, v11;
	(erf) = vpow2.f32 v13;
	v61 =	vpop (erf)  }
0x55c: {  	v10 =	vsub.f32 v10, v9;
	v13 =	vadd.f32 v61, v14  }
0x55d: {  	(erf) = vpow2.f32 v12;
	v62 =	vpop (erf)  }
0x55e: {  	v10 =	vmul.f32 $1.442695020e+00, v10;
	v12 =	vadd.f32 v62, v13  }
0x55f: {  	(erf) = vpow2.f32 v11;
	v11 =	vpop (erf)  }
0x560: {  	v11 =	vadd.f32 v11, v12  }
0x561: {  	(erf) = vpow2.f32 v10  }
0x562: {  	v10 =	vpop (erf)  }
0x563: {  	v10 =	vadd.f32 v10, v11  }
0x564: {  	v11 =	vpop (erf)  }
0x565: {  	v10 =	vadd.f32 v11, v10  }
0x566: {  	v11 =	vpop (erf)  }
0x567: {  	v10 =	vadd.f32 v11, v10  }
0x568: {  	v11 =	vpop (erf)  }
0x569: {  	v10 =	vadd.f32 v11, v10  }
0x56a: {  	v11 =	vpop (erf)  }
0x56b: {  	v10 =	vadd.f32 v11, v10;
	_ =	sdelay $0x1  }
0x56c: {  	(xrf2) =	vadd.scan.msk.f32 $0xffff, v10;
	_ =	sdelay $0x3  }
0x56d: {  	s21 =	sadd.s32 @p1 $0x1, s22  }
0x56e: {  	s20 =	smov.u32 @p1 s21  }
0x56f: {  	v10 =	vmov s20  }
0x570: {  	v11 =	vor.u32 $0x30, v10  }
0x571: {  	v10 =	vor.u32 $0x70, v10;
	_ =	sdelay $0x1  }
0x572: {  	v63, _, _ =	vpop (xrf2)  }
0x573: {  	v12 =	vbroadcast v63, $0xF  }
0x574: {  	[tilespmem:v11+s15+$0x0] =	vst.idx.msk $0x1, v9  }
0x575: {  	s20 =	simm.s32 $0x10080;
	[tilespmem:v10+s15+$0x0] =	vst.idx.msk $0x1, v12  }
0x576: {  	[tilespmem:s20+$0xFFFFFF80] =	vst v7  }
0x577: {  	[tilespmem:s20+$0x70] =	vst v7  }
0x578: {  	[tilespmem:s20+$0x60] =	vst v7  }
0x579: {  	[tilespmem:s20+$0x50] =	vst v7  }
0x57a: {  	[tilespmem:s20+$0x40] =	vst v7  }
0x57b: {  	[tilespmem:s20+$0x30] =	vst v7  }
0x57c: {  	[tilespmem:s20+$0x20] =	vst v7  }
0x57d: {  	[tilespmem:s20+$0x10] =	vst v7  }
0x57e: {  	[tilespmem:s20+$0x0] =	vst v7  }
0x57f: {  	[tilespmem:s20+$0xFFFFFFF0] =	vst v7  }
0x580: {  	[tilespmem:s20+$0xFFFFFFE0] =	vst v7  }
0x581: {  	[tilespmem:s20+$0xFFFFFFD0] =	vst v7  }
0x582: {  	[tilespmem:s20+$0xFFFFFFC0] =	vst v7  }
0x583: {  	[tilespmem:s20+$0xFFFFFFB0] =	vst v7  }
0x584: {  	s21 =	simm.s32 $0x0;
	[tilespmem:s20+$0xFFFFFFA0] =	vst v7  }
.LBB2_20:
0x585: {  	s21 =	sadd.s32 $0x2, s21;
	[tilespmem:s20+$0xFFFFFF90] =	vst v7;
	s20 =	sadd.s32 $0x100, s20  }
0x586: {  	[tilespmem:s20+$0xFFFFFF80] =	vst v7;
	p1 =	slt.u32 s21, $0xFE  }
0x587: {  	[tilespmem:s20+$0x70] =	vst v7  }
0x588: {  	[tilespmem:s20+$0x60] =	vst v7  }
0x589: {  	[tilespmem:s20+$0x50] =	vst v7  }
0x58a: {  	[tilespmem:s20+$0x40] =	vst v7  }
0x58b: {  	[tilespmem:s20+$0x30] =	vst v7  }
0x58c: {  	[tilespmem:s20+$0x20] =	vst v7  }
0x58d: {  	[tilespmem:s20+$0x10] =	vst v7  }
0x58e: {  	[tilespmem:s20+$0x0] =	vst v7  }
0x58f: {  	[tilespmem:s20+$0xFFFFFFF0] =	vst v7  }
.Ltmp12:
0x590: {  	[tilespmem:s20+$0xFFFFFFE0] =	vst v7;
	(pc) =	sbr.rel @p1 .LBB2_20-.Ltmp12, $4  }
0x591: {  	[tilespmem:s20+$0xFFFFFFD0] =	vst v7  }
0x592: {  	[tilespmem:s20+$0xFFFFFFC0] =	vst v7  }
0x593: {  	[tilespmem:s20+$0xFFFFFFB0] =	vst v7  }
0x594: {  	[tilespmem:s20+$0xFFFFFFA0] =	vst v7  }
.Ltmp13:
0x595: {  	(pc) =	sbr.rel @p0 .LBB2_25-.Ltmp13, $2  }
0x596: {  	_ =	sdelay $0x2  }
0x597: {  	[tilespmem:s20+$0xFFFFFF90] =	vst v7  }
0x598: {  	s20 =	simm.s32 $0xC000  }
0x599: {  	v9 =	vld [tilespmem:s20+$0x0];
	_ =	sdelay $0x1  }
0x59a: {  	s21 =	simm.s32 $0x0  }
0x59b: {  	v10 =	vor.u32 s21, v4  }
0x59c: {  	vm1 =	vlt.s32 v10, v8  }
0x59d: {  	v9 =	vnsel vm1, $0x0, v9;
	_ =	sdelay $0x4  }
0x59e: {  	v12 =	vld.idx.msk [tilespmem:v9+s3+$0x0], $0xffff;
	_ =	sdelay $0x4  }
0x59f: {  	v13 =	vsub.s32 v12, v0  }
0x5a0: {  	vm2 =	vgt.s32 v13, $0x0  }
0x5a1: {  	v10 =	vshll.u32 v9, $0x2;
	v11 =	vnsel vm2, $0x0, v13  }
0x5a2: {  	v11 =	vmin.u32 v11, $0xF;
	_ =	sdelay $0x2  }
0x5a3: {  	v14 =	vld.idx.msk [tilespmem:v9+s9+$0x0], $0xffff;
	v15 =	vor.u32 $0x40, v11  }
0x5a4: {  	v16 =	vld.idx.msk [tilespmem:v10+s10+$0x0], $0xffff  }
0x5a5: {  	v17 =	vld.idx.msk [tilespmem:v11+s15+$0x0], $0xffff;
	_ =	sdelay $0x1  }
0x5a6: {  	v13 =	vshll.u32 v13, $0x9  }
0x5a7: {  	v13 =	vadd.s32 v14, v13;
	v15 =	vld.idx.msk [tilespmem:v15+s15+$0x0], $0xffff  }
0x5a8: {  	vm2 =	vgt.s32 v13, $0x0  }
0x5a9: {  	v13 =	vnsel vm2, $0x0, v13;
	v16 =	vsub.f32 v16, v17  }
0x5aa: {  	v13 =	vmin.u32 v13, $0x1FFF  }
0x5ab: {  	v16 =	vmul.f32 $1.442695020e+00, v16  }
0x5ac: {  	(erf) = vrcp.f32 v15  }
0x5ad: {  	(erf) = vpow2.f32 v16;
	_ =	sdelay $0x1  }
0x5ae: {  	v13 =	vld.idx.msk [tilespmem:v13+s13+$0x0], $0xffff;
	_ =	sdelay $0x4  }
0x5af: {  	vm2 =	veq.s32 v13, v9  }
0x5b0: {  	vm1 =	vmand vm1, vm2;
	v13 =	vpop (erf)  }
0x5b1: {  	v15 =	vpop (erf)  }
0x5b2: {  	vm2 =	veq.s32 v12, v14;
	v14 =	vor.u32 $0x1, v10;
	v13 =	vmul.f32 v15, v13  }
0x5b3: {  	v12 =	vsel vm2, $0x3F800000, v7;
	v15 =	vor.u32 $0x10, v11  }
0x5b4: {  	v13 =	vsub.f32 v12, v13;
	_ =	sdelay $0x1  }
0x5b5: {  	v16 =	vor.u32 $0x50, v11;
	[tilespmem:v9+s14+$0x0] =	vst.idx.msk vm1, v13  }
0x5b6: {  	v13 =	vld.idx.msk [tilespmem:v14+s10+$0x0], $0xffff  }
0x5b7: {  	v14 =	vld.idx.msk [tilespmem:v15+s15+$0x0], $0xffff;
	_ =	sdelay $0x2  }
0x5b8: {  	v15 =	vld.idx.msk [tilespmem:v16+s15+$0x0], $0xffff;
	_ =	sdelay $0x1  }
0x5b9: {  	v13 =	vsub.f32 v13, v14;
	_ =	sdelay $0x1  }
0x5ba: {  	v13 =	vmul.f32 $1.442695020e+00, v13  }
0x5bb: {  	(erf) = vrcp.f32 v15  }
0x5bc: {  	(erf) = vpow2.f32 v13;
	_ =	sdelay $0x7  }
0x5bd: {  	v13 =	vpop (erf)  }
0x5be: {  	v14 =	vadd.s32 $0x2000, v9;
	v15 =	vpop (erf)  }
0x5bf: {  	v13 =	vmul.f32 v15, v13;
	v15 =	vor.u32 $0x20, v11  }
0x5c0: {  	v16 =	vor.u32 $0x2, v10  }
0x5c1: {  	v13 =	vsub.f32 v12, v13;
	_ =	sdelay $0x1  }
0x5c2: {  	v17 =	vor.u32 $0x60, v11;
	[tilespmem:v14+s14+$0x0] =	vst.idx.msk vm1, v13  }
0x5c3: {  	p0 =	sne.s32 s19, $0x1;
	v13 =	vld.idx.msk [tilespmem:v15+s15+$0x0], $0xffff  }
.Ltmp14:
0x5c4: {  	v15 =	vld.idx.msk [tilespmem:v16+s10+$0x0], $0xffff;
	(pc) =	sbr.rel @!p0 .LBB2_24-.Ltmp14, $3  }
0x5c5: {  	_ =	sdelay $0x1  }
0x5c6: {  	v14 =	vld.idx.msk [tilespmem:v17+s15+$0x0], $0xffff  }
0x5c7: {  	s19 =	sadd.s32 $0xFFFFFFFF, s19  }
.LBB2_23:
0x5c8: {  	p0 =	sne.s32 s19, $0x1;
	s20 =	sadd.s32 $0x10, s20;
	s21 =	sadd.s32 $0x10, s21  }
0x5c9: {  	s19 =	sadd.s32 $0xFFFFFFFF, s19  }
0x5ca: {  	v13 =	vsub.f32 v15, v13;
	_ =	sdelay $0x1  }
0x5cb: {  	v13 =	vmul.f32 $1.442695020e+00, v13  }
0x5cc: {  	(erf) = vrcp.f32 v14  }
0x5cd: {  	(erf) = vpow2.f32 v13;
	_ =	sdelay $0x7  }
0x5ce: {  	v13 =	vpop (erf)  }
0x5cf: {  	v14 =	vadd.s32 $0x4000, v9;
	v15 =	vpop (erf)  }
0x5d0: {  	v13 =	vmul.f32 v15, v13;
	v15 =	vor.u32 $0x30, v11  }
0x5d1: {  	v10 =	vor.u32 $0x3, v10  }
0x5d2: {  	v11 =	vor.u32 $0x70, v11;
	v13 =	vsub.f32 v12, v13;
	_ =	sdelay $0x1  }
0x5d3: {  	[tilespmem:v14+s14+$0x0] =	vst.idx.msk vm1, v13  }
0x5d4: {  	v13 =	vld.idx.msk [tilespmem:v15+s15+$0x0], $0xffff  }
0x5d5: {  	v10 =	vld.idx.msk [tilespmem:v10+s10+$0x0], $0xffff  }
0x5d6: {  	v11 =	vld.idx.msk [tilespmem:v11+s15+$0x0], $0xffff;
	_ =	sdelay $0x4  }
0x5d7: {  	v10 =	vsub.f32 v10, v13;
	_ =	sdelay $0x1  }
0x5d8: {  	v10 =	vmul.f32 $1.442695020e+00, v10  }
0x5d9: {  	(erf) = vrcp.f32 v11  }
0x5da: {  	(erf) = vpow2.f32 v10;
	_ =	sdelay $0x7  }
0x5db: {  	v9 =	vadd.s32 $0x6000, v9;
	v10 =	vpop (erf)  }
0x5dc: {  	v11 =	vpop (erf)  }
0x5dd: {  	v10 =	vmul.f32 v11, v10;
	_ =	sdelay $0x1  }
0x5de: {  	v10 =	vsub.f32 v12, v10;
	_ =	sdelay $0x1  }
0x5df: {  	[tilespmem:v9+s14+$0x0] =	vst.idx.msk vm1, v10  }
0x5e0: {  	v9 =	vld [tilespmem:s20+$0x0];
	_ =	sdelay $0x2  }
0x5e1: {  	v10 =	vor.u32 s21, v4  }
0x5e2: {  	vm1 =	vlt.s32 v10, v8  }
0x5e3: {  	v9 =	vnsel vm1, $0x0, v9  }
0x5e4: {  	v10 =	vshll.u32 v9, $0x2;
	_ =	sdelay $0x3  }
0x5e5: {  	v11 =	vld.idx.msk [tilespmem:v9+s3+$0x0], $0xffff;
	_ =	sdelay $0x1  }
0x5e6: {  	v12 =	vld.idx.msk [tilespmem:v9+s9+$0x0], $0xffff;
	_ =	sdelay $0x3  }
0x5e7: {  	v13 =	vsub.s32 v11, v0  }
0x5e8: {  	v14 =	vshll.u32 v13, $0x9;
	vm2 =	vgt.s32 v13, $0x0  }
0x5e9: {  	v14 =	vadd.s32 v12, v14;
	v13 =	vnsel vm2, $0x0, v13;
	vm2 =	veq.s32 v11, v12  }
0x5ea: {  	vm3 =	vgt.s32 v14, $0x0;
	v11 =	vmin.u32 v13, $0xF  }
0x5eb: {  	v12 =	vnsel vm3, $0x0, v14;
	v13 =	vor.u32 $0x40, v11  }
0x5ec: {  	v12 =	vmin.u32 v12, $0x1FFF;
	_ =	sdelay $0x1  }
0x5ed: {  	v14 =	vld.idx.msk [tilespmem:v10+s10+$0x0], $0xffff  }
0x5ee: {  	v15 =	vld.idx.msk [tilespmem:v11+s15+$0x0], $0xffff  }
0x5ef: {  	v13 =	vld.idx.msk [tilespmem:v13+s15+$0x0], $0xffff;
	_ =	sdelay $0x4  }
0x5f0: {  	v14 =	vsub.f32 v14, v15  }
0x5f1: {  	(erf) = vrcp.f32 v13  }
0x5f2: {  	v13 =	vmul.f32 $1.442695020e+00, v14;
	_ =	sdelay $0x1  }
0x5f3: {  	(erf) = vpow2.f32 v13  }
0x5f4: {  	v12 =	vld.idx.msk [tilespmem:v12+s13+$0x0], $0xffff;
	_ =	sdelay $0x4  }
0x5f5: {  	v13 =	vpop (erf)  }
0x5f6: {  	vm3 =	veq.s32 v12, v9  }
0x5f7: {  	vm1 =	vmand vm1, vm3  }
0x5f8: {  	v12 =	vpop (erf)  }
0x5f9: {  	v14 =	vor.u32 $0x1, v10;
	v13 =	vmul.f32 v12, v13  }
0x5fa: {  	v15 =	vor.u32 $0x10, v11;
	v12 =	vsel vm2, $0x3F800000, v7  }
0x5fb: {  	v13 =	vsub.f32 v12, v13  }
0x5fc: {  	v16 =	vor.u32 $0x50, v11  }
0x5fd: {  	[tilespmem:v9+s14+$0x0] =	vst.idx.msk vm1, v13  }
0x5fe: {  	v13 =	vld.idx.msk [tilespmem:v14+s10+$0x0], $0xffff  }
0x5ff: {  	v14 =	vld.idx.msk [tilespmem:v15+s15+$0x0], $0xffff;
	_ =	sdelay $0x1  }
0x600: {  	v15 =	vld.idx.msk [tilespmem:v16+s15+$0x0], $0xffff;
	_ =	sdelay $0x3  }
0x601: {  	v13 =	vsub.f32 v13, v14;
	_ =	sdelay $0x1  }
0x602: {  	v13 =	vmul.f32 $1.442695020e+00, v13  }
0x603: {  	(erf) = vrcp.f32 v15  }
0x604: {  	(erf) = vpow2.f32 v13;
	_ =	sdelay $0x7  }
0x605: {  	v13 =	vpop (erf)  }
0x606: {  	v14 =	vadd.s32 $0x2000, v9;
	v15 =	vpop (erf)  }
0x607: {  	v13 =	vmul.f32 v15, v13;
	v15 =	vor.u32 $0x20, v11  }
0x608: {  	v16 =	vor.u32 $0x2, v10  }
0x609: {  	v17 =	vor.u32 $0x60, v11;
	v13 =	vsub.f32 v12, v13  }
.Ltmp15:
0x60a: {  	(pc) =	sbr.rel @p0 .LBB2_23-.Ltmp15, $4  }
0x60b: {  	[tilespmem:v14+s14+$0x0] =	vst.idx.msk vm1, v13  }
0x60c: {  	v13 =	vld.idx.msk [tilespmem:v15+s15+$0x0], $0xffff  }
0x60d: {  	v15 =	vld.idx.msk [tilespmem:v16+s10+$0x0], $0xffff  }
0x60e: {  	v14 =	vld.idx.msk [tilespmem:v17+s15+$0x0], $0xffff  }
.Ltmp16:
0x60f: {  	_ = 	snop;
	(pc) =	sbr.rel .LBB2_24-.Ltmp16, $1  }
0x610: {  	_ =	sdelay $0x3  }
.LBB2_15:
.Ltmp17:
0x611: {  	(pc) =	sbr.rel .LBB2_19-.Ltmp17, $2  }
0x612: {  	_ =	sdelay $0x2  }
0x613: {  	s22 =	simm.s32 $0x0  }
.LBB2_17:
.Ltmp18:
0x614: {  	(pc) =	sbr.rel .LBB2_19-.Ltmp18, $2  }
0x615: {  	_ =	sdelay $0x2  }
0x616: {  	s22 =	simm.s32 $0x0  }
.LBB2_26:
0x617: {  	_ =	sfence.sel $0x180000  }
0x618: {  	[bflag:$0x0] =	sbarrier.arrive $0xFFFF  }
0x619: {  	p0 =	sne.s32 s2, $0x0;
	_ =	strace $0x90000047  }
0x61a: {  	s0 =	sadd.s32 @!p0 $0x100000, s0;
	[bflag:$0x2] =	sbarrier.arrive $0xFFFF  }
0x61b: {  	[sflag:s0] =	ssyncadd.tile.s32 @!p0 $0x1;
	_ =	shalt  }
.Lfunc_end2:
_tile_overlayer_lowered:
.L_overlay_start_2:
0x61c: {  	(tag) =	ssettag $0x2  }
0x61d: {  	s0 =	rddreg [dreg:$0x0];
	s2 =	stileid.u32  }
0x61e: {  	s1 =	rddreg [dreg:$0x1];
	p0 =	sne.s32 s2, $0x0  }
0x61f: {  	s3 =	rddreg [dreg:$0x2];
	[bflag:$0x3] =	sbarrier.arrive $0xFFFF;
	s2 =	simm.s32 @!p0 $0x1C01  }
0x620: {  	[timem:s3], [sflag:s2] =	dma.local @!p0 [hbm:s0], s1  }
0x621: {  	s0 =	simm.s32 @!p0 $0x1  }
0x622: {  	_ =	swait.ge @!p0 [sflag:s0], s1  }
0x623: {  	s1 =	ssub.s32 @!p0 $0x0, s1;
	[sflag:s0] =	ssyncset.done @!p0 $0x0  }
0x624: {  	[sflag:s0] =	ssyncadd.s32 @!p0 s1  }
0x625: {  	[bflag:$0x3] =	sbarrier.arrive $0xFFFF  }
0x626: {  	_ =	shalt  }

</sc_bundles>
